<compile_context>
chip_gen: v7x
topology: tpu7x:2x2x1
jax: 0.10.2.dev20260603
libtpu: 0.0.44.dev20260713+nightly
codegen_flags: <defaults>
</compile_context>

<pallas_src>
import functools

import jax
import jax.numpy as jnp
import numpy as np
from jax import lax
from jax.experimental import pallas as pl
from jax.experimental.pallas import tpu as pltpu
from jax.experimental.pallas import tpu_sc as plsc

_N_BINS = 15
_DELTA = float(np.float32(1.0) / np.float32(_N_BINS))


def _bounds(i):
    lo = -1.0 if i == 0 else float(np.float32(i) * np.float32(_DELTA))
    up = float(np.float32(i + 1) * np.float32(_DELTA))
    return lo, up


def _stats_tc_kernel(labels_ref, logits_ref, conf_ref, corr_ref):
    x = logits_ref[0]
    c_dim, r_dim = x.shape
    m = jnp.max(x, axis=0, keepdims=True)
    e = jnp.exp(x - m)
    s = jnp.sum(e, axis=0, keepdims=True)
    conf = 1.0 / s

    iota = lax.broadcasted_iota(jnp.int32, (c_dim, r_dim), 0)
    big = jnp.int32(2**30)
    fidx = jnp.min(jnp.where(x == m, iota, big), axis=0, keepdims=True)
    labels = labels_ref[0]
    correct = (fidx == labels).astype(jnp.float32)

    conf_ref[...] = conf.reshape(r_dim)
    corr_ref[...] = correct.reshape(r_dim)


def _hist_sc_kernel(conf_hbm, corr_hbm, out_hbm, cbuf, rbuf, pbuf,
                    allp, ebuf, *, per_w, n_samples, temps_per_core):
    c = lax.axis_index("c")
    s = lax.axis_index("s")
    w = c * 16 + s
    base = w * per_w

    pltpu.sync_copy(conf_hbm.at[pl.ds(base, per_w)], cbuf)
    pltpu.sync_copy(corr_hbm.at[pl.ds(base, per_w)], rbuf)

    zeros16 = jnp.zeros((16,), jnp.float32)
    lane = lax.iota(jnp.int32, 16)
    ones16 = jnp.ones((16,), jnp.float32)

    def body(i, carry):
        cv = cbuf[pl.ds(i * 16, 16)]
        rv = rbuf[pl.ds(i * 16, 16)]
        accs = []
        for j in range(_N_BINS):
            lo, up = _bounds(j)
            m = (cv > lo) & (cv <= up)
            accs.append(carry[3 * j] + jnp.where(m, cv, zeros16))
            accs.append(carry[3 * j + 1] + jnp.where(m, rv, zeros16))
            accs.append(carry[3 * j + 2] + jnp.where(m, ones16, zeros16))
        return tuple(accs)

    init = tuple(jnp.zeros((16,), jnp.float32) for _ in range(3 * _N_BINS))
    fin = lax.fori_loop(0, per_w // 16, body, init)

    for ty in range(3):
        acc = zeros16
        for j in range(_N_BINS):
            v = fin[3 * j + ty]
            sb = v[0]
            for k in range(1, 16):
                sb = sb + v[k]
            acc = acc + jnp.where(lane == j, jnp.full((16,), sb, jnp.float32),
                                  zeros16)
        pbuf[pl.ds(ty * 16, 16)] = acc

    pltpu.sync_copy(pbuf, allp.at[pl.ds(s * 48, 48)])
    plsc.subcore_barrier()

    @pl.when(s == 0)
    def _finish():
        pltpu.sync_copy(allp, ebuf)
        inv_n = float(1.0 / n_samples)
        w_per_t = 16 // temps_per_core
        z16 = jnp.zeros((16,), jnp.float32)
        evec = z16
        for ti in range(temps_per_core):
            cv = z16
            rv = z16
            nv = z16
            for q in range(w_per_t):
                wi = ti * w_per_t + q
                cv = cv + ebuf[pl.ds(wi * 48, 16)]
                rv = rv + ebuf[pl.ds(wi * 48 + 16, 16)]
                nv = nv + ebuf[pl.ds(wi * 48 + 32, 16)]
            contrib = jnp.where(nv > z16, jnp.abs((cv - rv) * inv_n), z16)
            ece_t = contrib[0]
            for k in range(1, 16):
                ece_t = ece_t + contrib[k]
            ece_v = jnp.full((16,), ece_t, jnp.float32)
            evec = evec + jnp.where(lane == ti, ece_v, z16)
        pbuf[pl.ds(0, 16)] = evec
        pltpu.sync_copy(pbuf.at[pl.ds(0, 16)], out_hbm.at[pl.ds(c * 16, 16)])


def kernel(logits, labels):
    T, N, C = logits.shape
    R = 2048
    while N % R != 0:
        R //= 2
    NB = N // R

    logits_t = jnp.transpose(logits, (0, 2, 1))

    conf_flat, corr_flat = pl.pallas_call(
        _stats_tc_kernel,
        grid=(T, NB),
        in_specs=[
            pl.BlockSpec((1, 1, R), lambda t, nb: (nb, 0, 0)),
            pl.BlockSpec((1, C, R), lambda t, nb: (t, 0, nb)),
        ],
        out_specs=[
            pl.BlockSpec((R,), lambda t, nb: (t * NB + nb,)),
            pl.BlockSpec((R,), lambda t, nb: (t * NB + nb,)),
        ],
        out_shape=[jax.ShapeDtypeStruct((T * N,), jnp.float32),
                   jax.ShapeDtypeStruct((T * N,), jnp.float32)],
    )(labels.reshape(NB, 1, R), logits_t)

    per_w = (T * N) // 32
    temps_per_core = T // 2
    mesh = plsc.VectorSubcoreMesh(core_axis_name="c", subcore_axis_name="s")
    hist_call = pl.kernel(
        functools.partial(_hist_sc_kernel, per_w=per_w, n_samples=N,
                          temps_per_core=temps_per_core),
        mesh=mesh,
        out_type=jax.ShapeDtypeStruct((32,), jnp.float32),
        scratch_types=[
            pltpu.VMEM((per_w,), jnp.float32),
            pltpu.VMEM((per_w,), jnp.float32),
            pltpu.VMEM((48,), jnp.float32),
            pltpu.VMEM_SHARED((768,), jnp.float32),
            pltpu.VMEM((768,), jnp.float32),
        ],
    )
    out2 = hist_call(conf_flat, corr_flat)
    return jnp.concatenate(
        [out2[:temps_per_core], out2[16:16 + temps_per_core]])

# --- scband reference (transcript-rebuilt; emitter-appended) ---
"""Pipeline reference for scband-eceloss-7980049236434 (READ-ONLY COPY).

The authoritative reference and input builder live on the scoring server;
editing this copy changes nothing except your own understanding.
"""

import jax, jax.numpy as jnp
import numpy as np

N_BINS = 15

def setup_inputs(seed: int = 0) -> dict:
    key = jax.random.key(seed)
    k1, k2 = jax.random.split(key)
    logits = jax.random.normal(k1, (8, 8192, 1000), dtype=jnp.float32)
    labels = jax.random.randint(k2, (8192,), 0, 1000, dtype=jnp.int32)
    return {"logits": logits, "labels": labels}

def reference(logits, labels):
    bin_boundaries = jnp.linspace(0.0, 1.0, N_BINS + 1)
    bin_lowers = bin_boundaries[:-1]
    bin_lowers = bin_lowers.at[0].set(-1.0)
    bin_uppers = bin_boundaries[1:]

    softmaxes = jax.nn.softmax(logits, axis=-1)
    confidences = jnp.max(softmaxes, axis=-1)
    predictions = jnp.argmax(softmaxes, axis=-1)
    corrects = (predictions == labels).astype(jnp.float32)

    n_samples = logits.shape[-2]
    temperature_dims = logits.shape[:-2]
    ece = jnp.zeros(temperature_dims, dtype=jnp.float32)
    for i in range(N_BINS):
        bin_lower = bin_lowers[i]
        bin_upper = bin_uppers[i]
        in_bin = (confidences > bin_lower) & (confidences <= bin_upper)
        confidence_in_bin = jnp.where(in_bin, confidences, 0.0).sum(axis=-1)
        correct_in_bin = jnp.where(in_bin, corrects, 0.0).sum(axis=-1)
        count_in_bin = in_bin.sum(axis=-1)
        ece_in_bin = jnp.abs((confidence_in_bin - correct_in_bin) / n_samples)
        ece = ece + jnp.where(count_in_bin > 0, ece_in_bin, 0.0)
    return ece

if __name__ == "__main__":
    import jax
    _d = setup_inputs()
    print(jax.jit(kernel)(*tuple(_d.values())))

</pallas_src>

<mosaic_0001>
#map = affine_map<(d0, d1) -> (0)>
module attributes {stable_mosaic.version = 14 : i64} {
  func.func @_hist_sc_kernel(%arg0: i32, %arg1: i32, %arg2: memref<65536xf32, #tpu.memory_space<hbm>>, %arg3: memref<65536xf32, #tpu.memory_space<hbm>>, %arg4: memref<32xf32, #tpu.memory_space<hbm>>, %arg5: memref<2048xf32, #tpu.memory_space<vmem>>, %arg6: memref<2048xf32, #tpu.memory_space<vmem>>, %arg7: memref<48xf32, #tpu.memory_space<vmem>>, %arg8: memref<768xf32, #tpu.memory_space<vmem_shared>>, %arg9: memref<768xf32, #tpu.memory_space<vmem>>) attributes {dimension_semantics = [#tpu.dimension_semantics<core_parallel>, #tpu.dimension_semantics<subcore_parallel>], iteration_bounds = array<i64: 2, 16>, scalar_prefetch = 0 : i64, scratch_operands = 5 : i64, tpu.core_type = #tpu.core_type<sc_vector_subcore>, window_params = [{transform_indices = #map}, {transform_indices = #map}, {transform_indices = #map}]} {
    %mul3A = arith.constant 16 : i32
    %mul3A_0 = arith.muli %arg0, %mul3A : i32
    %add3A = arith.addi %mul3A_0, %arg1 : i32
    %mul3A_1 = arith.constant 2048 : i32
    %mul3A_2 = arith.muli %add3A, %mul3A_1 : i32
    "tpu.region"() ({
      %run_scoped3A = tpu.sem_alloc : memref<!tpu.dma_semaphore, #tpu.memory_space<semaphore_mem>>
      %dma_start3A = tpu.memref_slice %arg2[%mul3A_2] : memref<65536xf32, #tpu.memory_space<hbm>> -> memref<2048xf32, #tpu.memory_space<hbm>>
      %dma_start3A_2498 = tpu.memref_slice %arg2[%mul3A_2] : memref<65536xf32, #tpu.memory_space<hbm>> -> memref<2048xf32, #tpu.memory_space<hbm>>
      tpu.enqueue_dma source(%dma_start3A_2498 : memref<2048xf32, #tpu.memory_space<hbm>>) target(%arg5 : memref<2048xf32, #tpu.memory_space<vmem>>) target_semaphore(%run_scoped3A : memref<!tpu.dma_semaphore, #tpu.memory_space<semaphore_mem>>)
      %dma_wait3A = tpu.memref_slice %arg2[%mul3A_2] : memref<65536xf32, #tpu.memory_space<hbm>> -> memref<2048xf32, #tpu.memory_space<hbm>>
      %dma_wait3A_2499 = tpu.memref_slice %arg2[%mul3A_2] : memref<65536xf32, #tpu.memory_space<hbm>> -> memref<2048xf32, #tpu.memory_space<hbm>>
      tpu.wait_dma2 semaphore(%run_scoped3A : memref<!tpu.dma_semaphore, #tpu.memory_space<semaphore_mem>>) src(%dma_wait3A_2499 : memref<2048xf32, #tpu.memory_space<hbm>>) dst(%arg5 : memref<2048xf32, #tpu.memory_space<vmem>>)
      tpu.yield
    }) : () -> ()
    "tpu.region"() ({
      %run_scoped3A = tpu.sem_alloc : memref<!tpu.dma_semaphore, #tpu.memory_space<semaphore_mem>>
      %dma_start3A = tpu.memref_slice %arg3[%mul3A_2] : memref<65536xf32, #tpu.memory_space<hbm>> -> memref<2048xf32, #tpu.memory_space<hbm>>
      %dma_start3A_2498 = tpu.memref_slice %arg3[%mul3A_2] : memref<65536xf32, #tpu.memory_space<hbm>> -> memref<2048xf32, #tpu.memory_space<hbm>>
      tpu.enqueue_dma source(%dma_start3A_2498 : memref<2048xf32, #tpu.memory_space<hbm>>) target(%arg6 : memref<2048xf32, #tpu.memory_space<vmem>>) target_semaphore(%run_scoped3A : memref<!tpu.dma_semaphore, #tpu.memory_space<semaphore_mem>>)
      %dma_wait3A = tpu.memref_slice %arg3[%mul3A_2] : memref<65536xf32, #tpu.memory_space<hbm>> -> memref<2048xf32, #tpu.memory_space<hbm>>
      %dma_wait3A_2499 = tpu.memref_slice %arg3[%mul3A_2] : memref<65536xf32, #tpu.memory_space<hbm>> -> memref<2048xf32, #tpu.memory_space<hbm>>
      tpu.wait_dma2 semaphore(%run_scoped3A : memref<!tpu.dma_semaphore, #tpu.memory_space<semaphore_mem>>) src(%dma_wait3A_2499 : memref<2048xf32, #tpu.memory_space<hbm>>) dst(%arg6 : memref<2048xf32, #tpu.memory_space<vmem>>)
      tpu.yield
    }) : () -> ()
    %broadcast_in_dim3A = arith.constant 0.000000e+00 : f32
    %broadcast_in_dim3A_3 = vector.broadcast %broadcast_in_dim3A : f32 to vector<16xf32>
    %iota3A = tpu.iota {dimensions = array<i32: 0>} : vector<16xi32>
    %broadcast_in_dim3A_4 = arith.constant 1.000000e+00 : f32
    %broadcast_in_dim3A_5 = vector.broadcast %broadcast_in_dim3A_4 : f32 to vector<16xf32>
    %broadcast_in_dim3A_6 = arith.constant 0.000000e+00 : f32
    %broadcast_in_dim3A_7 = vector.broadcast %broadcast_in_dim3A_6 : f32 to vector<16xf32>
    %broadcast_in_dim3A_8 = arith.constant 0.000000e+00 : f32
    %broadcast_in_dim3A_9 = vector.broadcast %broadcast_in_dim3A_8 : f32 to vector<16xf32>
    %broadcast_in_dim3A_10 = arith.constant 0.000000e+00 : f32
    %broadcast_in_dim3A_11 = vector.broadcast %broadcast_in_dim3A_10 : f32 to vector<16xf32>
    %broadcast_in_dim3A_12 = arith.constant 0.000000e+00 : f32
    %broadcast_in_dim3A_13 = vector.broadcast %broadcast_in_dim3A_12 : f32 to vector<16xf32>
    %broadcast_in_dim3A_14 = arith.constant 0.000000e+00 : f32
    %broadcast_in_dim3A_15 = vector.broadcast %broadcast_in_dim3A_14 : f32 to vector<16xf32>
    %broadcast_in_dim3A_16 = arith.constant 0.000000e+00 : f32
    %broadcast_in_dim3A_17 = vector.broadcast %broadcast_in_dim3A_16 : f32 to vector<16xf32>
    %broadcast_in_dim3A_18 = arith.constant 0.000000e+00 : f32
    %broadcast_in_dim3A_19 = vector.broadcast %broadcast_in_dim3A_18 : f32 to vector<16xf32>
    %broadcast_in_dim3A_20 = arith.constant 0.000000e+00 : f32
    %broadcast_in_dim3A_21 = vector.broadcast %broadcast_in_dim3A_20 : f32 to vector<16xf32>
    %broadcast_in_dim3A_22 = arith.constant 0.000000e+00 : f32
    %broadcast_in_dim3A_23 = vector.broadcast %broadcast_in_dim3A_22 : f32 to vector<16xf32>
    %broadcast_in_dim3A_24 = arith.constant 0.000000e+00 : f32
    %broadcast_in_dim3A_25 = vector.broadcast %broadcast_in_dim3A_24 : f32 to vector<16xf32>
    %broadcast_in_dim3A_26 = arith.constant 0.000000e+00 : f32
    %broadcast_in_dim3A_27 = vector.broadcast %broadcast_in_dim3A_26 : f32 to vector<16xf32>
    %broadcast_in_dim3A_28 = arith.constant 0.000000e+00 : f32
    %broadcast_in_dim3A_29 = vector.broadcast %broadcast_in_dim3A_28 : f32 to vector<16xf32>
    %broadcast_in_dim3A_30 = arith.constant 0.000000e+00 : f32
    %broadcast_in_dim3A_31 = vector.broadcast %broadcast_in_dim3A_30 : f32 to vector<16xf32>
    %broadcast_in_dim3A_32 = arith.constant 0.000000e+00 : f32
    %broadcast_in_dim3A_33 = vector.broadcast %broadcast_in_dim3A_32 : f32 to vector<16xf32>
    %broadcast_in_dim3A_34 = arith.constant 0.000000e+00 : f32
    %broadcast_in_dim3A_35 = vector.broadcast %broadcast_in_dim3A_34 : f32 to vector<16xf32>
    %broadcast_in_dim3A_36 = arith.constant 0.000000e+00 : f32
    %broadcast_in_dim3A_37 = vector.broadcast %broadcast_in_dim3A_36 : f32 to vector<16xf32>
    %broadcast_in_dim3A_38 = arith.constant 0.000000e+00 : f32
    %broadcast_in_dim3A_39 = vector.broadcast %broadcast_in_dim3A_38 : f32 to vector<16xf32>
    %broadcast_in_dim3A_40 = arith.constant 0.000000e+00 : f32
    %broadcast_in_dim3A_41 = vector.broadcast %broadcast_in_dim3A_40 : f32 to vector<16xf32>
    %broadcast_in_dim3A_42 = arith.constant 0.000000e+00 : f32
    %broadcast_in_dim3A_43 = vector.broadcast %broadcast_in_dim3A_42 : f32 to vector<16xf32>
    %broadcast_in_dim3A_44 = arith.constant 0.000000e+00 : f32
    %broadcast_in_dim3A_45 = vector.broadcast %broadcast_in_dim3A_44 : f32 to vector<16xf32>
    %broadcast_in_dim3A_46 = arith.constant 0.000000e+00 : f32
    %broadcast_in_dim3A_47 = vector.broadcast %broadcast_in_dim3A_46 : f32 to vector<16xf32>
    %broadcast_in_dim3A_48 = arith.constant 0.000000e+00 : f32
    %broadcast_in_dim3A_49 = vector.broadcast %broadcast_in_dim3A_48 : f32 to vector<16xf32>
    %broadcast_in_dim3A_50 = arith.constant 0.000000e+00 : f32
    %broadcast_in_dim3A_51 = vector.broadcast %broadcast_in_dim3A_50 : f32 to vector<16xf32>
    %broadcast_in_dim3A_52 = arith.constant 0.000000e+00 : f32
    %broadcast_in_dim3A_53 = vector.broadcast %broadcast_in_dim3A_52 : f32 to vector<16xf32>
    %broadcast_in_dim3A_54 = arith.constant 0.000000e+00 : f32
    %broadcast_in_dim3A_55 = vector.broadcast %broadcast_in_dim3A_54 : f32 to vector<16xf32>
    %broadcast_in_dim3A_56 = arith.constant 0.000000e+00 : f32
    %broadcast_in_dim3A_57 = vector.broadcast %broadcast_in_dim3A_56 : f32 to vector<16xf32>
    %broadcast_in_dim3A_58 = arith.constant 0.000000e+00 : f32
    %broadcast_in_dim3A_59 = vector.broadcast %broadcast_in_dim3A_58 : f32 to vector<16xf32>
    %broadcast_in_dim3A_60 = arith.constant 0.000000e+00 : f32
    %broadcast_in_dim3A_61 = vector.broadcast %broadcast_in_dim3A_60 : f32 to vector<16xf32>
    %broadcast_in_dim3A_62 = arith.constant 0.000000e+00 : f32
    %broadcast_in_dim3A_63 = vector.broadcast %broadcast_in_dim3A_62 : f32 to vector<16xf32>
    %broadcast_in_dim3A_64 = arith.constant 0.000000e+00 : f32
    %broadcast_in_dim3A_65 = vector.broadcast %broadcast_in_dim3A_64 : f32 to vector<16xf32>
    %broadcast_in_dim3A_66 = arith.constant 0.000000e+00 : f32
    %broadcast_in_dim3A_67 = vector.broadcast %broadcast_in_dim3A_66 : f32 to vector<16xf32>
    %broadcast_in_dim3A_68 = arith.constant 0.000000e+00 : f32
    %broadcast_in_dim3A_69 = vector.broadcast %broadcast_in_dim3A_68 : f32 to vector<16xf32>
    %broadcast_in_dim3A_70 = arith.constant 0.000000e+00 : f32
    %broadcast_in_dim3A_71 = vector.broadcast %broadcast_in_dim3A_70 : f32 to vector<16xf32>
    %broadcast_in_dim3A_72 = arith.constant 0.000000e+00 : f32
    %broadcast_in_dim3A_73 = vector.broadcast %broadcast_in_dim3A_72 : f32 to vector<16xf32>
    %broadcast_in_dim3A_74 = arith.constant 0.000000e+00 : f32
    %broadcast_in_dim3A_75 = vector.broadcast %broadcast_in_dim3A_74 : f32 to vector<16xf32>
    %broadcast_in_dim3A_76 = arith.constant 0.000000e+00 : f32
    %broadcast_in_dim3A_77 = vector.broadcast %broadcast_in_dim3A_76 : f32 to vector<16xf32>
    %broadcast_in_dim3A_78 = arith.constant 0.000000e+00 : f32
    %broadcast_in_dim3A_79 = vector.broadcast %broadcast_in_dim3A_78 : f32 to vector<16xf32>
    %broadcast_in_dim3A_80 = arith.constant 0.000000e+00 : f32
    %broadcast_in_dim3A_81 = vector.broadcast %broadcast_in_dim3A_80 : f32 to vector<16xf32>
    %broadcast_in_dim3A_82 = arith.constant 0.000000e+00 : f32
    %broadcast_in_dim3A_83 = vector.broadcast %broadcast_in_dim3A_82 : f32 to vector<16xf32>
    %broadcast_in_dim3A_84 = arith.constant 0.000000e+00 : f32
    %broadcast_in_dim3A_85 = vector.broadcast %broadcast_in_dim3A_84 : f32 to vector<16xf32>
    %broadcast_in_dim3A_86 = arith.constant 0.000000e+00 : f32
    %broadcast_in_dim3A_87 = vector.broadcast %broadcast_in_dim3A_86 : f32 to vector<16xf32>
    %broadcast_in_dim3A_88 = arith.constant 0.000000e+00 : f32
    %broadcast_in_dim3A_89 = vector.broadcast %broadcast_in_dim3A_88 : f32 to vector<16xf32>
    %broadcast_in_dim3A_90 = arith.constant 0.000000e+00 : f32
    %broadcast_in_dim3A_91 = vector.broadcast %broadcast_in_dim3A_90 : f32 to vector<16xf32>
    %broadcast_in_dim3A_92 = arith.constant 0.000000e+00 : f32
    %broadcast_in_dim3A_93 = vector.broadcast %broadcast_in_dim3A_92 : f32 to vector<16xf32>
    %broadcast_in_dim3A_94 = arith.constant 0.000000e+00 : f32
    %broadcast_in_dim3A_95 = vector.broadcast %broadcast_in_dim3A_94 : f32 to vector<16xf32>
    %scan3A = arith.constant 0 : i32
    %scan3A_96 = arith.constant 128 : i32
    %scan3A_97 = arith.addi %scan3A, %scan3A_96 : i32
    %scan3A_98 = arith.constant 1 : i32
    %scan3A_99:45 = scf.for %scan3A_2498 = %scan3A to %scan3A_97 step %scan3A_98 iter_args(%scan3A_2499 = %broadcast_in_dim3A_7, %scan3A_2500 = %broadcast_in_dim3A_9, %scan3A_2501 = %broadcast_in_dim3A_11, %scan3A_2502 = %broadcast_in_dim3A_13, %scan3A_2503 = %broadcast_in_dim3A_15, %scan3A_2504 = %broadcast_in_dim3A_17, %scan3A_2505 = %broadcast_in_dim3A_19, %scan3A_2506 = %broadcast_in_dim3A_21, %scan3A_2507 = %broadcast_in_dim3A_23, %scan3A_2508 = %broadcast_in_dim3A_25, %scan3A_2509 = %broadcast_in_dim3A_27, %scan3A_2510 = %broadcast_in_dim3A_29, %scan3A_2511 = %broadcast_in_dim3A_31, %scan3A_2512 = %broadcast_in_dim3A_33, %scan3A_2513 = %broadcast_in_dim3A_35, %scan3A_2514 = %broadcast_in_dim3A_37, %scan3A_2515 = %broadcast_in_dim3A_39, %scan3A_2516 = %broadcast_in_dim3A_41, %scan3A_2517 = %broadcast_in_dim3A_43, %scan3A_2518 = %broadcast_in_dim3A_45, %scan3A_2519 = %broadcast_in_dim3A_47, %scan3A_2520 = %broadcast_in_dim3A_49, %scan3A_2521 = %broadcast_in_dim3A_51, %scan3A_2522 = %broadcast_in_dim3A_53, %scan3A_2523 = %broadcast_in_dim3A_55, %scan3A_2524 = %broadcast_in_dim3A_57, %scan3A_2525 = %broadcast_in_dim3A_59, %scan3A_2526 = %broadcast_in_dim3A_61, %scan3A_2527 = %broadcast_in_dim3A_63, %scan3A_2528 = %broadcast_in_dim3A_65, %scan3A_2529 = %broadcast_in_dim3A_67, %scan3A_2530 = %broadcast_in_dim3A_69, %scan3A_2531 = %broadcast_in_dim3A_71, %scan3A_2532 = %broadcast_in_dim3A_73, %scan3A_2533 = %broadcast_in_dim3A_75, %scan3A_2534 = %broadcast_in_dim3A_77, %scan3A_2535 = %broadcast_in_dim3A_79, %scan3A_2536 = %broadcast_in_dim3A_81, %scan3A_2537 = %broadcast_in_dim3A_83, %scan3A_2538 = %broadcast_in_dim3A_85, %scan3A_2539 = %broadcast_in_dim3A_87, %scan3A_2540 = %broadcast_in_dim3A_89, %scan3A_2541 = %broadcast_in_dim3A_91, %scan3A_2542 = %broadcast_in_dim3A_93, %scan3A_2543 = %broadcast_in_dim3A_95) -> (vector<16xf32>, vector<16xf32>, vector<16xf32>, vector<16xf32>, vector<16xf32>, vector<16xf32>, vector<16xf32>, vector<16xf32>, vector<16xf32>, vector<16xf32>, vector<16xf32>, vector<16xf32>, vector<16xf32>, vector<16xf32>, vector<16xf32>, vector<16xf32>, vector<16xf32>, vector<16xf32>, vector<16xf32>, vector<16xf32>, vector<16xf32>, vector<16xf32>, vector<16xf32>, vector<16xf32>, vector<16xf32>, vector<16xf32>, vector<16xf32>, vector<16xf32>, vector<16xf32>, vector<16xf32>, vector<16xf32>, vector<16xf32>, vector<16xf32>, vector<16xf32>, vector<16xf32>, vector<16xf32>, vector<16xf32>, vector<16xf32>, vector<16xf32>, vector<16xf32>, vector<16xf32>, vector<16xf32>, vector<16xf32>, vector<16xf32>, vector<16xf32>)  : i32 {
      %mul3A_2544 = arith.constant 16 : i32
      %mul3A_2545 = arith.muli %scan3A_2498, %mul3A_2544 : i32
      %get3A = arith.index_cast %mul3A_2545 : i32 to index
      %get3A_2546 = tpu.vector_load %arg5[%get3A] {strides = array<i32>} : memref<2048xf32, #tpu.memory_space<vmem>>, vector<16xf32>,
      %get3A_2547 = vector.shape_cast %get3A_2546 : vector<16xf32> to vector<16xf32>
      %mul3A_2548 = arith.constant 16 : i32
      %mul3A_2549 = arith.muli %scan3A_2498, %mul3A_2548 : i32
      %get3A_2550 = arith.index_cast %mul3A_2549 : i32 to index
      %get3A_2551 = tpu.vector_load %arg6[%get3A_2550] {strides = array<i32>} : memref<2048xf32, #tpu.memory_space<vmem>>, vector<16xf32>,
      %get3A_2552 = vector.shape_cast %get3A_2551 : vector<16xf32> to vector<16xf32>
      %gt3A = arith.constant -1.000000e+00 : f32
      %gt3A_2553 = vector.broadcast %gt3A : f32 to vector<16xf32>
      %gt3A_2554 = arith.cmpf ogt, %get3A_2547, %gt3A_2553 : vector<16xf32>
      %le3A = arith.constant 0.0666666701 : f32
      %le3A_2555 = vector.broadcast %le3A : f32 to vector<16xf32>
      %le3A_2556 = arith.cmpf ole, %get3A_2547, %le3A_2555 : vector<16xf32>
      %and3A = arith.andi %gt3A_2554, %le3A_2556 : vector<16xi1>
      %select_n3A_2557 = arith.select %and3A, %get3A_2547, %broadcast_in_dim3A_3 : vector<16xi1>, vector<16xf32>
      %add3A_2558 = arith.addf %scan3A_2499, %select_n3A_2557 : vector<16xf32>
      %select_n3A_2559 = arith.select %and3A, %get3A_2552, %broadcast_in_dim3A_3 : vector<16xi1>, vector<16xf32>
      %add3A_2560 = arith.addf %scan3A_2500, %select_n3A_2559 : vector<16xf32>
      %select_n3A_2561 = arith.select %and3A, %broadcast_in_dim3A_5, %broadcast_in_dim3A_3 : vector<16xi1>, vector<16xf32>
      %add3A_2562 = arith.addf %scan3A_2501, %select_n3A_2561 : vector<16xf32>
      %gt3A_2563 = arith.constant 0.0666666701 : f32
      %gt3A_2564 = vector.broadcast %gt3A_2563 : f32 to vector<16xf32>
      %gt3A_2565 = arith.cmpf ogt, %get3A_2547, %gt3A_2564 : vector<16xf32>
      %le3A_2566 = arith.constant 0.13333334 : f32
      %le3A_2567 = vector.broadcast %le3A_2566 : f32 to vector<16xf32>
      %le3A_2568 = arith.cmpf ole, %get3A_2547, %le3A_2567 : vector<16xf32>
      %and3A_2569 = arith.andi %gt3A_2565, %le3A_2568 : vector<16xi1>
      %select_n3A_2570 = arith.select %and3A_2569, %get3A_2547, %broadcast_in_dim3A_3 : vector<16xi1>, vector<16xf32>
      %add3A_2571 = arith.addf %scan3A_2502, %select_n3A_2570 : vector<16xf32>
      %select_n3A_2572 = arith.select %and3A_2569, %get3A_2552, %broadcast_in_dim3A_3 : vector<16xi1>, vector<16xf32>
      %add3A_2573 = arith.addf %scan3A_2503, %select_n3A_2572 : vector<16xf32>
      %select_n3A_2574 = arith.select %and3A_2569, %broadcast_in_dim3A_5, %broadcast_in_dim3A_3 : vector<16xi1>, vector<16xf32>
      %add3A_2575 = arith.addf %scan3A_2504, %select_n3A_2574 : vector<16xf32>
      %gt3A_2576 = arith.constant 0.13333334 : f32
      %gt3A_2577 = vector.broadcast %gt3A_2576 : f32 to vector<16xf32>
      %gt3A_2578 = arith.cmpf ogt, %get3A_2547, %gt3A_2577 : vector<16xf32>
      %le3A_2579 = arith.constant 0.200000018 : f32
      %le3A_2580 = vector.broadcast %le3A_2579 : f32 to vector<16xf32>
      %le3A_2581 = arith.cmpf ole, %get3A_2547, %le3A_2580 : vector<16xf32>
      %and3A_2582 = arith.andi %gt3A_2578, %le3A_2581 : vector<16xi1>
      %select_n3A_2583 = arith.select %and3A_2582, %get3A_2547, %broadcast_in_dim3A_3 : vector<16xi1>, vector<16xf32>
      %add3A_2584 = arith.addf %scan3A_2505, %select_n3A_2583 : vector<16xf32>
      %select_n3A_2585 = arith.select %and3A_2582, %get3A_2552, %broadcast_in_dim3A_3 : vector<16xi1>, vector<16xf32>
      %add3A_2586 = arith.addf %scan3A_2506, %select_n3A_2585 : vector<16xf32>
      %select_n3A_2587 = arith.select %and3A_2582, %broadcast_in_dim3A_5, %broadcast_in_dim3A_3 : vector<16xi1>, vector<16xf32>
      %add3A_2588 = arith.addf %scan3A_2507, %select_n3A_2587 : vector<16xf32>
      %gt3A_2589 = arith.constant 0.200000018 : f32
      %gt3A_2590 = vector.broadcast %gt3A_2589 : f32 to vector<16xf32>
      %gt3A_2591 = arith.cmpf ogt, %get3A_2547, %gt3A_2590 : vector<16xf32>
      %le3A_2592 = arith.constant 0.266666681 : f32
      %le3A_2593 = vector.broadcast %le3A_2592 : f32 to vector<16xf32>
      %le3A_2594 = arith.cmpf ole, %get3A_2547, %le3A_2593 : vector<16xf32>
      %and3A_2595 = arith.andi %gt3A_2591, %le3A_2594 : vector<16xi1>
      %select_n3A_2596 = arith.select %and3A_2595, %get3A_2547, %broadcast_in_dim3A_3 : vector<16xi1>, vector<16xf32>
      %add3A_2597 = arith.addf %scan3A_2508, %select_n3A_2596 : vector<16xf32>
      %select_n3A_2598 = arith.select %and3A_2595, %get3A_2552, %broadcast_in_dim3A_3 : vector<16xi1>, vector<16xf32>
      %add3A_2599 = arith.addf %scan3A_2509, %select_n3A_2598 : vector<16xf32>
      %select_n3A_2600 = arith.select %and3A_2595, %broadcast_in_dim3A_5, %broadcast_in_dim3A_3 : vector<16xi1>, vector<16xf32>
      %add3A_2601 = arith.addf %scan3A_2510, %select_n3A_2600 : vector<16xf32>
      %gt3A_2602 = arith.constant 0.266666681 : f32
      %gt3A_2603 = vector.broadcast %gt3A_2602 : f32 to vector<16xf32>
      %gt3A_2604 = arith.cmpf ogt, %get3A_2547, %gt3A_2603 : vector<16xf32>
      %le3A_2605 = arith.constant 0.333333343 : f32
      %le3A_2606 = vector.broadcast %le3A_2605 : f32 to vector<16xf32>
      %le3A_2607 = arith.cmpf ole, %get3A_2547, %le3A_2606 : vector<16xf32>
      %and3A_2608 = arith.andi %gt3A_2604, %le3A_2607 : vector<16xi1>
      %select_n3A_2609 = arith.select %and3A_2608, %get3A_2547, %broadcast_in_dim3A_3 : vector<16xi1>, vector<16xf32>
      %add3A_2610 = arith.addf %scan3A_2511, %select_n3A_2609 : vector<16xf32>
      %select_n3A_2611 = arith.select %and3A_2608, %get3A_2552, %broadcast_in_dim3A_3 : vector<16xi1>, vector<16xf32>
      %add3A_2612 = arith.addf %scan3A_2512, %select_n3A_2611 : vector<16xf32>
      %select_n3A_2613 = arith.select %and3A_2608, %broadcast_in_dim3A_5, %broadcast_in_dim3A_3 : vector<16xi1>, vector<16xf32>
      %add3A_2614 = arith.addf %scan3A_2513, %select_n3A_2613 : vector<16xf32>
      %gt3A_2615 = arith.constant 0.333333343 : f32
      %gt3A_2616 = vector.broadcast %gt3A_2615 : f32 to vector<16xf32>
      %gt3A_2617 = arith.cmpf ogt, %get3A_2547, %gt3A_2616 : vector<16xf32>
      %le3A_2618 = arith.constant 0.400000036 : f32
      %le3A_2619 = vector.broadcast %le3A_2618 : f32 to vector<16xf32>
      %le3A_2620 = arith.cmpf ole, %get3A_2547, %le3A_2619 : vector<16xf32>
      %and3A_2621 = arith.andi %gt3A_2617, %le3A_2620 : vector<16xi1>
      %select_n3A_2622 = arith.select %and3A_2621, %get3A_2547, %broadcast_in_dim3A_3 : vector<16xi1>, vector<16xf32>
      %add3A_2623 = arith.addf %scan3A_2514, %select_n3A_2622 : vector<16xf32>
      %select_n3A_2624 = arith.select %and3A_2621, %get3A_2552, %broadcast_in_dim3A_3 : vector<16xi1>, vector<16xf32>
      %add3A_2625 = arith.addf %scan3A_2515, %select_n3A_2624 : vector<16xf32>
      %select_n3A_2626 = arith.select %and3A_2621, %broadcast_in_dim3A_5, %broadcast_in_dim3A_3 : vector<16xi1>, vector<16xf32>
      %add3A_2627 = arith.addf %scan3A_2516, %select_n3A_2626 : vector<16xf32>
      %gt3A_2628 = arith.constant 0.400000036 : f32
      %gt3A_2629 = vector.broadcast %gt3A_2628 : f32 to vector<16xf32>
      %gt3A_2630 = arith.cmpf ogt, %get3A_2547, %gt3A_2629 : vector<16xf32>
      %le3A_2631 = arith.constant 0.466666698 : f32
      %le3A_2632 = vector.broadcast %le3A_2631 : f32 to vector<16xf32>
      %le3A_2633 = arith.cmpf ole, %get3A_2547, %le3A_2632 : vector<16xf32>
      %and3A_2634 = arith.andi %gt3A_2630, %le3A_2633 : vector<16xi1>
      %select_n3A_2635 = arith.select %and3A_2634, %get3A_2547, %broadcast_in_dim3A_3 : vector<16xi1>, vector<16xf32>
      %add3A_2636 = arith.addf %scan3A_2517, %select_n3A_2635 : vector<16xf32>
      %select_n3A_2637 = arith.select %and3A_2634, %get3A_2552, %broadcast_in_dim3A_3 : vector<16xi1>, vector<16xf32>
      %add3A_2638 = arith.addf %scan3A_2518, %select_n3A_2637 : vector<16xf32>
      %select_n3A_2639 = arith.select %and3A_2634, %broadcast_in_dim3A_5, %broadcast_in_dim3A_3 : vector<16xi1>, vector<16xf32>
      %add3A_2640 = arith.addf %scan3A_2519, %select_n3A_2639 : vector<16xf32>
      %gt3A_2641 = arith.constant 0.466666698 : f32
      %gt3A_2642 = vector.broadcast %gt3A_2641 : f32 to vector<16xf32>
      %gt3A_2643 = arith.cmpf ogt, %get3A_2547, %gt3A_2642 : vector<16xf32>
      %le3A_2644 = arith.constant 0.533333361 : f32
      %le3A_2645 = vector.broadcast %le3A_2644 : f32 to vector<16xf32>
      %le3A_2646 = arith.cmpf ole, %get3A_2547, %le3A_2645 : vector<16xf32>
      %and3A_2647 = arith.andi %gt3A_2643, %le3A_2646 : vector<16xi1>
      %select_n3A_2648 = arith.select %and3A_2647, %get3A_2547, %broadcast_in_dim3A_3 : vector<16xi1>, vector<16xf32>
      %add3A_2649 = arith.addf %scan3A_2520, %select_n3A_2648 : vector<16xf32>
      %select_n3A_2650 = arith.select %and3A_2647, %get3A_2552, %broadcast_in_dim3A_3 : vector<16xi1>, vector<16xf32>
      %add3A_2651 = arith.addf %scan3A_2521, %select_n3A_2650 : vector<16xf32>
      %select_n3A_2652 = arith.select %and3A_2647, %broadcast_in_dim3A_5, %broadcast_in_dim3A_3 : vector<16xi1>, vector<16xf32>
      %add3A_2653 = arith.addf %scan3A_2522, %select_n3A_2652 : vector<16xf32>
      %gt3A_2654 = arith.constant 0.533333361 : f32
      %gt3A_2655 = vector.broadcast %gt3A_2654 : f32 to vector<16xf32>
      %gt3A_2656 = arith.cmpf ogt, %get3A_2547, %gt3A_2655 : vector<16xf32>
      %le3A_2657 = arith.constant 6.000000e-01 : f32
      %le3A_2658 = vector.broadcast %le3A_2657 : f32 to vector<16xf32>
      %le3A_2659 = arith.cmpf ole, %get3A_2547, %le3A_2658 : vector<16xf32>
      %and3A_2660 = arith.andi %gt3A_2656, %le3A_2659 : vector<16xi1>
      %select_n3A_2661 = arith.select %and3A_2660, %get3A_2547, %broadcast_in_dim3A_3 : vector<16xi1>, vector<16xf32>
      %add3A_2662 = arith.addf %scan3A_2523, %select_n3A_2661 : vector<16xf32>
      %select_n3A_2663 = arith.select %and3A_2660, %get3A_2552, %broadcast_in_dim3A_3 : vector<16xi1>, vector<16xf32>
      %add3A_2664 = arith.addf %scan3A_2524, %select_n3A_2663 : vector<16xf32>
      %select_n3A_2665 = arith.select %and3A_2660, %broadcast_in_dim3A_5, %broadcast_in_dim3A_3 : vector<16xi1>, vector<16xf32>
      %add3A_2666 = arith.addf %scan3A_2525, %select_n3A_2665 : vector<16xf32>
      %gt3A_2667 = arith.constant 6.000000e-01 : f32
      %gt3A_2668 = vector.broadcast %gt3A_2667 : f32 to vector<16xf32>
      %gt3A_2669 = arith.cmpf ogt, %get3A_2547, %gt3A_2668 : vector<16xf32>
      %le3A_2670 = arith.constant 0.666666686 : f32
      %le3A_2671 = vector.broadcast %le3A_2670 : f32 to vector<16xf32>
      %le3A_2672 = arith.cmpf ole, %get3A_2547, %le3A_2671 : vector<16xf32>
      %and3A_2673 = arith.andi %gt3A_2669, %le3A_2672 : vector<16xi1>
      %select_n3A_2674 = arith.select %and3A_2673, %get3A_2547, %broadcast_in_dim3A_3 : vector<16xi1>, vector<16xf32>
      %add3A_2675 = arith.addf %scan3A_2526, %select_n3A_2674 : vector<16xf32>
      %select_n3A_2676 = arith.select %and3A_2673, %get3A_2552, %broadcast_in_dim3A_3 : vector<16xi1>, vector<16xf32>
      %add3A_2677 = arith.addf %scan3A_2527, %select_n3A_2676 : vector<16xf32>
      %select_n3A_2678 = arith.select %and3A_2673, %broadcast_in_dim3A_5, %broadcast_in_dim3A_3 : vector<16xi1>, vector<16xf32>
      %add3A_2679 = arith.addf %scan3A_2528, %select_n3A_2678 : vector<16xf32>
      %gt3A_2680 = arith.constant 0.666666686 : f32
      %gt3A_2681 = vector.broadcast %gt3A_2680 : f32 to vector<16xf32>
      %gt3A_2682 = arith.cmpf ogt, %get3A_2547, %gt3A_2681 : vector<16xf32>
      %le3A_2683 = arith.constant 0.733333349 : f32
      %le3A_2684 = vector.broadcast %le3A_2683 : f32 to vector<16xf32>
      %le3A_2685 = arith.cmpf ole, %get3A_2547, %le3A_2684 : vector<16xf32>
      %and3A_2686 = arith.andi %gt3A_2682, %le3A_2685 : vector<16xi1>
      %select_n3A_2687 = arith.select %and3A_2686, %get3A_2547, %broadcast_in_dim3A_3 : vector<16xi1>, vector<16xf32>
      %add3A_2688 = arith.addf %scan3A_2529, %select_n3A_2687 : vector<16xf32>
      %select_n3A_2689 = arith.select %and3A_2686, %get3A_2552, %broadcast_in_dim3A_3 : vector<16xi1>, vector<16xf32>
      %add3A_2690 = arith.addf %scan3A_2530, %select_n3A_2689 : vector<16xf32>
      %select_n3A_2691 = arith.select %and3A_2686, %broadcast_in_dim3A_5, %broadcast_in_dim3A_3 : vector<16xi1>, vector<16xf32>
      %add3A_2692 = arith.addf %scan3A_2531, %select_n3A_2691 : vector<16xf32>
      %gt3A_2693 = arith.constant 0.733333349 : f32
      %gt3A_2694 = vector.broadcast %gt3A_2693 : f32 to vector<16xf32>
      %gt3A_2695 = arith.cmpf ogt, %get3A_2547, %gt3A_2694 : vector<16xf32>
      %le3A_2696 = arith.constant 0.800000071 : f32
      %le3A_2697 = vector.broadcast %le3A_2696 : f32 to vector<16xf32>
      %le3A_2698 = arith.cmpf ole, %get3A_2547, %le3A_2697 : vector<16xf32>
      %and3A_2699 = arith.andi %gt3A_2695, %le3A_2698 : vector<16xi1>
      %select_n3A_2700 = arith.select %and3A_2699, %get3A_2547, %broadcast_in_dim3A_3 : vector<16xi1>, vector<16xf32>
      %add3A_2701 = arith.addf %scan3A_2532, %select_n3A_2700 : vector<16xf32>
      %select_n3A_2702 = arith.select %and3A_2699, %get3A_2552, %broadcast_in_dim3A_3 : vector<16xi1>, vector<16xf32>
      %add3A_2703 = arith.addf %scan3A_2533, %select_n3A_2702 : vector<16xf32>
      %select_n3A_2704 = arith.select %and3A_2699, %broadcast_in_dim3A_5, %broadcast_in_dim3A_3 : vector<16xi1>, vector<16xf32>
      %add3A_2705 = arith.addf %scan3A_2534, %select_n3A_2704 : vector<16xf32>
      %gt3A_2706 = arith.constant 0.800000071 : f32
      %gt3A_2707 = vector.broadcast %gt3A_2706 : f32 to vector<16xf32>
      %gt3A_2708 = arith.cmpf ogt, %get3A_2547, %gt3A_2707 : vector<16xf32>
      %le3A_2709 = arith.constant 0.866666734 : f32
      %le3A_2710 = vector.broadcast %le3A_2709 : f32 to vector<16xf32>
      %le3A_2711 = arith.cmpf ole, %get3A_2547, %le3A_2710 : vector<16xf32>
      %and3A_2712 = arith.andi %gt3A_2708, %le3A_2711 : vector<16xi1>
      %select_n3A_2713 = arith.select %and3A_2712, %get3A_2547, %broadcast_in_dim3A_3 : vector<16xi1>, vector<16xf32>
      %add3A_2714 = arith.addf %scan3A_2535, %select_n3A_2713 : vector<16xf32>
      %select_n3A_2715 = arith.select %and3A_2712, %get3A_2552, %broadcast_in_dim3A_3 : vector<16xi1>, vector<16xf32>
      %add3A_2716 = arith.addf %scan3A_2536, %select_n3A_2715 : vector<16xf32>
      %select_n3A_2717 = arith.select %and3A_2712, %broadcast_in_dim3A_5, %broadcast_in_dim3A_3 : vector<16xi1>, vector<16xf32>
      %add3A_2718 = arith.addf %scan3A_2537, %select_n3A_2717 : vector<16xf32>
      %gt3A_2719 = arith.constant 0.866666734 : f32
      %gt3A_2720 = vector.broadcast %gt3A_2719 : f32 to vector<16xf32>
      %gt3A_2721 = arith.cmpf ogt, %get3A_2547, %gt3A_2720 : vector<16xf32>
      %le3A_2722 = arith.constant 0.933333396 : f32
      %le3A_2723 = vector.broadcast %le3A_2722 : f32 to vector<16xf32>
      %le3A_2724 = arith.cmpf ole, %get3A_2547, %le3A_2723 : vector<16xf32>
      %and3A_2725 = arith.andi %gt3A_2721, %le3A_2724 : vector<16xi1>
      %select_n3A_2726 = arith.select %and3A_2725, %get3A_2547, %broadcast_in_dim3A_3 : vector<16xi1>, vector<16xf32>
      %add3A_2727 = arith.addf %scan3A_2538, %select_n3A_2726 : vector<16xf32>
      %select_n3A_2728 = arith.select %and3A_2725, %get3A_2552, %broadcast_in_dim3A_3 : vector<16xi1>, vector<16xf32>
      %add3A_2729 = arith.addf %scan3A_2539, %select_n3A_2728 : vector<16xf32>
      %select_n3A_2730 = arith.select %and3A_2725, %broadcast_in_dim3A_5, %broadcast_in_dim3A_3 : vector<16xi1>, vector<16xf32>
      %add3A_2731 = arith.addf %scan3A_2540, %select_n3A_2730 : vector<16xf32>
      %gt3A_2732 = arith.constant 0.933333396 : f32
      %gt3A_2733 = vector.broadcast %gt3A_2732 : f32 to vector<16xf32>
      %gt3A_2734 = arith.cmpf ogt, %get3A_2547, %gt3A_2733 : vector<16xf32>
      %le3A_2735 = arith.constant 1.000000e+00 : f32
      %le3A_2736 = vector.broadcast %le3A_2735 : f32 to vector<16xf32>
      %le3A_2737 = arith.cmpf ole, %get3A_2547, %le3A_2736 : vector<16xf32>
      %and3A_2738 = arith.andi %gt3A_2734, %le3A_2737 : vector<16xi1>
      %select_n3A_2739 = arith.select %and3A_2738, %get3A_2547, %broadcast_in_dim3A_3 : vector<16xi1>, vector<16xf32>
      %add3A_2740 = arith.addf %scan3A_2541, %select_n3A_2739 : vector<16xf32>
      %select_n3A_2741 = arith.select %and3A_2738, %get3A_2552, %broadcast_in_dim3A_3 : vector<16xi1>, vector<16xf32>
      %add3A_2742 = arith.addf %scan3A_2542, %select_n3A_2741 : vector<16xf32>
      %select_n3A_2743 = arith.select %and3A_2738, %broadcast_in_dim3A_5, %broadcast_in_dim3A_3 : vector<16xi1>, vector<16xf32>
      %add3A_2744 = arith.addf %scan3A_2543, %select_n3A_2743 : vector<16xf32>
      scf.yield %add3A_2558, %add3A_2560, %add3A_2562, %add3A_2571, %add3A_2573, %add3A_2575, %add3A_2584, %add3A_2586, %add3A_2588, %add3A_2597, %add3A_2599, %add3A_2601, %add3A_2610, %add3A_2612, %add3A_2614, %add3A_2623, %add3A_2625, %add3A_2627, %add3A_2636, %add3A_2638, %add3A_2640, %add3A_2649, %add3A_2651, %add3A_2653, %add3A_2662, %add3A_2664, %add3A_2666, %add3A_2675, %add3A_2677, %add3A_2679, %add3A_2688, %add3A_2690, %add3A_2692, %add3A_2701, %add3A_2703, %add3A_2705, %add3A_2714, %add3A_2716, %add3A_2718, %add3A_2727, %add3A_2729, %add3A_2731, %add3A_2740, %add3A_2742, %add3A_2744 : vector<16xf32>, vector<16xf32>, vector<16xf32>, vector<16xf32>, vector<16xf32>, vector<16xf32>, vector<16xf32>, vector<16xf32>, vector<16xf32>, vector<16xf32>, vector<16xf32>, vector<16xf32>, vector<16xf32>, vector<16xf32>, vector<16xf32>, vector<16xf32>, vector<16xf32>, vector<16xf32>, vector<16xf32>, vector<16xf32>, vector<16xf32>, vector<16xf32>, vector<16xf32>, vector<16xf32>, vector<16xf32>, vector<16xf32>, vector<16xf32>, vector<16xf32>, vector<16xf32>, vector<16xf32>, vector<16xf32>, vector<16xf32>, vector<16xf32>, vector<16xf32>, vector<16xf32>, vector<16xf32>, vector<16xf32>, vector<16xf32>, vector<16xf32>, vector<16xf32>, vector<16xf32>, vector<16xf32>, vector<16xf32>, vector<16xf32>, vector<16xf32>
    }
    %scan3A_100 = arith.constant 128 : i32
    %slice3A = vector.extract_strided_slice %scan3A_99#0 {offsets = [0], sizes = [1], strides = [1]} : vector<16xf32> to vector<1xf32>
    %squeeze3A = vector.extract %slice3A[0] : f32 from vector<1xf32>
    %slice3A_101 = vector.extract_strided_slice %scan3A_99#0 {offsets = [1], sizes = [1], strides = [1]} : vector<16xf32> to vector<1xf32>
    %squeeze3A_102 = vector.extract %slice3A_101[0] : f32 from vector<1xf32>
    %add3A_103 = arith.addf %squeeze3A, %squeeze3A_102 : f32
    %slice3A_104 = vector.extract_strided_slice %scan3A_99#0 {offsets = [2], sizes = [1], strides = [1]} : vector<16xf32> to vector<1xf32>
    %squeeze3A_105 = vector.extract %slice3A_104[0] : f32 from vector<1xf32>
    %add3A_106 = arith.addf %add3A_103, %squeeze3A_105 : f32
    %slice3A_107 = vector.extract_strided_slice %scan3A_99#0 {offsets = [3], sizes = [1], strides = [1]} : vector<16xf32> to vector<1xf32>
    %squeeze3A_108 = vector.extract %slice3A_107[0] : f32 from vector<1xf32>
    %add3A_109 = arith.addf %add3A_106, %squeeze3A_108 : f32
    %slice3A_110 = vector.extract_strided_slice %scan3A_99#0 {offsets = [4], sizes = [1], strides = [1]} : vector<16xf32> to vector<1xf32>
    %squeeze3A_111 = vector.extract %slice3A_110[0] : f32 from vector<1xf32>
    %add3A_112 = arith.addf %add3A_109, %squeeze3A_111 : f32
    %slice3A_113 = vector.extract_strided_slice %scan3A_99#0 {offsets = [5], sizes = [1], strides = [1]} : vector<16xf32> to vector<1xf32>
    %squeeze3A_114 = vector.extract %slice3A_113[0] : f32 from vector<1xf32>
    %add3A_115 = arith.addf %add3A_112, %squeeze3A_114 : f32
    %slice3A_116 = vector.extract_strided_slice %scan3A_99#0 {offsets = [6], sizes = [1], strides = [1]} : vector<16xf32> to vector<1xf32>
    %squeeze3A_117 = vector.extract %slice3A_116[0] : f32 from vector<1xf32>
    %add3A_118 = arith.addf %add3A_115, %squeeze3A_117 : f32
    %slice3A_119 = vector.extract_strided_slice %scan3A_99#0 {offsets = [7], sizes = [1], strides = [1]} : vector<16xf32> to vector<1xf32>
    %squeeze3A_120 = vector.extract %slice3A_119[0] : f32 from vector<1xf32>
    %add3A_121 = arith.addf %add3A_118, %squeeze3A_120 : f32
    %slice3A_122 = vector.extract_strided_slice %scan3A_99#0 {offsets = [8], sizes = [1], strides = [1]} : vector<16xf32> to vector<1xf32>
    %squeeze3A_123 = vector.extract %slice3A_122[0] : f32 from vector<1xf32>
    %add3A_124 = arith.addf %add3A_121, %squeeze3A_123 : f32
    %slice3A_125 = vector.extract_strided_slice %scan3A_99#0 {offsets = [9], sizes = [1], strides = [1]} : vector<16xf32> to vector<1xf32>
    %squeeze3A_126 = vector.extract %slice3A_125[0] : f32 from vector<1xf32>
    %add3A_127 = arith.addf %add3A_124, %squeeze3A_126 : f32
    %slice3A_128 = vector.extract_strided_slice %scan3A_99#0 {offsets = [10], sizes = [1], strides = [1]} : vector<16xf32> to vector<1xf32>
    %squeeze3A_129 = vector.extract %slice3A_128[0] : f32 from vector<1xf32>
    %add3A_130 = arith.addf %add3A_127, %squeeze3A_129 : f32
    %slice3A_131 = vector.extract_strided_slice %scan3A_99#0 {offsets = [11], sizes = [1], strides = [1]} : vector<16xf32> to vector<1xf32>
    %squeeze3A_132 = vector.extract %slice3A_131[0] : f32 from vector<1xf32>
    %add3A_133 = arith.addf %add3A_130, %squeeze3A_132 : f32
    %slice3A_134 = vector.extract_strided_slice %scan3A_99#0 {offsets = [12], sizes = [1], strides = [1]} : vector<16xf32> to vector<1xf32>
    %squeeze3A_135 = vector.extract %slice3A_134[0] : f32 from vector<1xf32>
    %add3A_136 = arith.addf %add3A_133, %squeeze3A_135 : f32
    %slice3A_137 = vector.extract_strided_slice %scan3A_99#0 {offsets = [13], sizes = [1], strides = [1]} : vector<16xf32> to vector<1xf32>
    %squeeze3A_138 = vector.extract %slice3A_137[0] : f32 from vector<1xf32>
    %add3A_139 = arith.addf %add3A_136, %squeeze3A_138 : f32
    %slice3A_140 = vector.extract_strided_slice %scan3A_99#0 {offsets = [14], sizes = [1], strides = [1]} : vector<16xf32> to vector<1xf32>
    %squeeze3A_141 = vector.extract %slice3A_140[0] : f32 from vector<1xf32>
    %add3A_142 = arith.addf %add3A_139, %squeeze3A_141 : f32
    %slice3A_143 = vector.extract_strided_slice %scan3A_99#0 {offsets = [15], sizes = [1], strides = [1]} : vector<16xf32> to vector<1xf32>
    %squeeze3A_144 = vector.extract %slice3A_143[0] : f32 from vector<1xf32>
    %add3A_145 = arith.addf %add3A_142, %squeeze3A_144 : f32
    %eq3A = arith.constant 0 : i32
    %eq3A_146 = vector.broadcast %eq3A : i32 to vector<16xi32>
    %eq3A_147 = arith.cmpi eq, %iota3A, %eq3A_146 : vector<16xi32>
    %broadcast_in_dim3A_148 = vector.broadcast %add3A_145 : f32 to vector<16xf32>
    %select_n3A = arith.select %eq3A_147, %broadcast_in_dim3A_148, %broadcast_in_dim3A_3 : vector<16xi1>, vector<16xf32>
    %add3A_149 = arith.addf %broadcast_in_dim3A_3, %select_n3A : vector<16xf32>
    %slice3A_150 = vector.extract_strided_slice %scan3A_99#3 {offsets = [0], sizes = [1], strides = [1]} : vector<16xf32> to vector<1xf32>
    %squeeze3A_151 = vector.extract %slice3A_150[0] : f32 from vector<1xf32>
    %slice3A_152 = vector.extract_strided_slice %scan3A_99#3 {offsets = [1], sizes = [1], strides = [1]} : vector<16xf32> to vector<1xf32>
    %squeeze3A_153 = vector.extract %slice3A_152[0] : f32 from vector<1xf32>
    %add3A_154 = arith.addf %squeeze3A_151, %squeeze3A_153 : f32
    %slice3A_155 = vector.extract_strided_slice %scan3A_99#3 {offsets = [2], sizes = [1], strides = [1]} : vector<16xf32> to vector<1xf32>
    %squeeze3A_156 = vector.extract %slice3A_155[0] : f32 from vector<1xf32>
    %add3A_157 = arith.addf %add3A_154, %squeeze3A_156 : f32
    %slice3A_158 = vector.extract_strided_slice %scan3A_99#3 {offsets = [3], sizes = [1], strides = [1]} : vector<16xf32> to vector<1xf32>
    %squeeze3A_159 = vector.extract %slice3A_158[0] : f32 from vector<1xf32>
    %add3A_160 = arith.addf %add3A_157, %squeeze3A_159 : f32
    %slice3A_161 = vector.extract_strided_slice %scan3A_99#3 {offsets = [4], sizes = [1], strides = [1]} : vector<16xf32> to vector<1xf32>
    %squeeze3A_162 = vector.extract %slice3A_161[0] : f32 from vector<1xf32>
    %add3A_163 = arith.addf %add3A_160, %squeeze3A_162 : f32
    %slice3A_164 = vector.extract_strided_slice %scan3A_99#3 {offsets = [5], sizes = [1], strides = [1]} : vector<16xf32> to vector<1xf32>
    %squeeze3A_165 = vector.extract %slice3A_164[0] : f32 from vector<1xf32>
    %add3A_166 = arith.addf %add3A_163, %squeeze3A_165 : f32
    %slice3A_167 = vector.extract_strided_slice %scan3A_99#3 {offsets = [6], sizes = [1], strides = [1]} : vector<16xf32> to vector<1xf32>
    %squeeze3A_168 = vector.extract %slice3A_167[0] : f32 from vector<1xf32>
    %add3A_169 = arith.addf %add3A_166, %squeeze3A_168 : f32
    %slice3A_170 = vector.extract_strided_slice %scan3A_99#3 {offsets = [7], sizes = [1], strides = [1]} : vector<16xf32> to vector<1xf32>
    %squeeze3A_171 = vector.extract %slice3A_170[0] : f32 from vector<1xf32>
    %add3A_172 = arith.addf %add3A_169, %squeeze3A_171 : f32
    %slice3A_173 = vector.extract_strided_slice %scan3A_99#3 {offsets = [8], sizes = [1], strides = [1]} : vector<16xf32> to vector<1xf32>
    %squeeze3A_174 = vector.extract %slice3A_173[0] : f32 from vector<1xf32>
    %add3A_175 = arith.addf %add3A_172, %squeeze3A_174 : f32
    %slice3A_176 = vector.extract_strided_slice %scan3A_99#3 {offsets = [9], sizes = [1], strides = [1]} : vector<16xf32> to vector<1xf32>
    %squeeze3A_177 = vector.extract %slice3A_176[0] : f32 from vector<1xf32>
    %add3A_178 = arith.addf %add3A_175, %squeeze3A_177 : f32
    %slice3A_179 = vector.extract_strided_slice %scan3A_99#3 {offsets = [10], sizes = [1], strides = [1]} : vector<16xf32> to vector<1xf32>
    %squeeze3A_180 = vector.extract %slice3A_179[0] : f32 from vector<1xf32>
    %add3A_181 = arith.addf %add3A_178, %squeeze3A_180 : f32
    %slice3A_182 = vector.extract_strided_slice %scan3A_99#3 {offsets = [11], sizes = [1], strides = [1]} : vector<16xf32> to vector<1xf32>
    %squeeze3A_183 = vector.extract %slice3A_182[0] : f32 from vector<1xf32>
    %add3A_184 = arith.addf %add3A_181, %squeeze3A_183 : f32
    %slice3A_185 = vector.extract_strided_slice %scan3A_99#3 {offsets = [12], sizes = [1], strides = [1]} : vector<16xf32> to vector<1xf32>
    %squeeze3A_186 = vector.extract %slice3A_185[0] : f32 from vector<1xf32>
    %add3A_187 = arith.addf %add3A_184, %squeeze3A_186 : f32
    %slice3A_188 = vector.extract_strided_slice %scan3A_99#3 {offsets = [13], sizes = [1], strides = [1]} : vector<16xf32> to vector<1xf32>
    %squeeze3A_189 = vector.extract %slice3A_188[0] : f32 from vector<1xf32>
    %add3A_190 = arith.addf %add3A_187, %squeeze3A_189 : f32
    %slice3A_191 = vector.extract_strided_slice %scan3A_99#3 {offsets = [14], sizes = [1], strides = [1]} : vector<16xf32> to vector<1xf32>
    %squeeze3A_192 = vector.extract %slice3A_191[0] : f32 from vector<1xf32>
    %add3A_193 = arith.addf %add3A_190, %squeeze3A_192 : f32
    %slice3A_194 = vector.extract_strided_slice %scan3A_99#3 {offsets = [15], sizes = [1], strides = [1]} : vector<16xf32> to vector<1xf32>
    %squeeze3A_195 = vector.extract %slice3A_194[0] : f32 from vector<1xf32>
    %add3A_196 = arith.addf %add3A_193, %squeeze3A_195 : f32
    %eq3A_197 = arith.constant 1 : i32
    %eq3A_198 = vector.broadcast %eq3A_197 : i32 to vector<16xi32>
    %eq3A_199 = arith.cmpi eq, %iota3A, %eq3A_198 : vector<16xi32>
    %broadcast_in_dim3A_200 = vector.broadcast %add3A_196 : f32 to vector<16xf32>
    %select_n3A_201 = arith.select %eq3A_199, %broadcast_in_dim3A_200, %broadcast_in_dim3A_3 : vector<16xi1>, vector<16xf32>
    %add3A_202 = arith.addf %add3A_149, %select_n3A_201 : vector<16xf32>
    %slice3A_203 = vector.extract_strided_slice %scan3A_99#6 {offsets = [0], sizes = [1], strides = [1]} : vector<16xf32> to vector<1xf32>
    %squeeze3A_204 = vector.extract %slice3A_203[0] : f32 from vector<1xf32>
    %slice3A_205 = vector.extract_strided_slice %scan3A_99#6 {offsets = [1], sizes = [1], strides = [1]} : vector<16xf32> to vector<1xf32>
    %squeeze3A_206 = vector.extract %slice3A_205[0] : f32 from vector<1xf32>
    %add3A_207 = arith.addf %squeeze3A_204, %squeeze3A_206 : f32
    %slice3A_208 = vector.extract_strided_slice %scan3A_99#6 {offsets = [2], sizes = [1], strides = [1]} : vector<16xf32> to vector<1xf32>
    %squeeze3A_209 = vector.extract %slice3A_208[0] : f32 from vector<1xf32>
    %add3A_210 = arith.addf %add3A_207, %squeeze3A_209 : f32
    %slice3A_211 = vector.extract_strided_slice %scan3A_99#6 {offsets = [3], sizes = [1], strides = [1]} : vector<16xf32> to vector<1xf32>
    %squeeze3A_212 = vector.extract %slice3A_211[0] : f32 from vector<1xf32>
    %add3A_213 = arith.addf %add3A_210, %squeeze3A_212 : f32
    %slice3A_214 = vector.extract_strided_slice %scan3A_99#6 {offsets = [4], sizes = [1], strides = [1]} : vector<16xf32> to vector<1xf32>
    %squeeze3A_215 = vector.extract %slice3A_214[0] : f32 from vector<1xf32>
    %add3A_216 = arith.addf %add3A_213, %squeeze3A_215 : f32
    %slice3A_217 = vector.extract_strided_slice %scan3A_99#6 {offsets = [5], sizes = [1], strides = [1]} : vector<16xf32> to vector<1xf32>
    %squeeze3A_218 = vector.extract %slice3A_217[0] : f32 from vector<1xf32>
    %add3A_219 = arith.addf %add3A_216, %squeeze3A_218 : f32
    %slice3A_220 = vector.extract_strided_slice %scan3A_99#6 {offsets = [6], sizes = [1], strides = [1]} : vector<16xf32> to vector<1xf32>
    %squeeze3A_221 = vector.extract %slice3A_220[0] : f32 from vector<1xf32>
    %add3A_222 = arith.addf %add3A_219, %squeeze3A_221 : f32
    %slice3A_223 = vector.extract_strided_slice %scan3A_99#6 {offsets = [7], sizes = [1], strides = [1]} : vector<16xf32> to vector<1xf32>
    %squeeze3A_224 = vector.extract %slice3A_223[0] : f32 from vector<1xf32>
    %add3A_225 = arith.addf %add3A_222, %squeeze3A_224 : f32
    %slice3A_226 = vector.extract_strided_slice %scan3A_99#6 {offsets = [8], sizes = [1], strides = [1]} : vector<16xf32> to vector<1xf32>
    %squeeze3A_227 = vector.extract %slice3A_226[0] : f32 from vector<1xf32>
    %add3A_228 = arith.addf %add3A_225, %squeeze3A_227 : f32
    %slice3A_229 = vector.extract_strided_slice %scan3A_99#6 {offsets = [9], sizes = [1], strides = [1]} : vector<16xf32> to vector<1xf32>
    %squeeze3A_230 = vector.extract %slice3A_229[0] : f32 from vector<1xf32>
    %add3A_231 = arith.addf %add3A_228, %squeeze3A_230 : f32
    %slice3A_232 = vector.extract_strided_slice %scan3A_99#6 {offsets = [10], sizes = [1], strides = [1]} : vector<16xf32> to vector<1xf32>
    %squeeze3A_233 = vector.extract %slice3A_232[0] : f32 from vector<1xf32>
    %add3A_234 = arith.addf %add3A_231, %squeeze3A_233 : f32
    %slice3A_235 = vector.extract_strided_slice %scan3A_99#6 {offsets = [11], sizes = [1], strides = [1]} : vector<16xf32> to vector<1xf32>
    %squeeze3A_236 = vector.extract %slice3A_235[0] : f32 from vector<1xf32>
    %add3A_237 = arith.addf %add3A_234, %squeeze3A_236 : f32
    %slice3A_238 = vector.extract_strided_slice %scan3A_99#6 {offsets = [12], sizes = [1], strides = [1]} : vector<16xf32> to vector<1xf32>
    %squeeze3A_239 = vector.extract %slice3A_238[0] : f32 from vector<1xf32>
    %add3A_240 = arith.addf %add3A_237, %squeeze3A_239 : f32
    %slice3A_241 = vector.extract_strided_slice %scan3A_99#6 {offsets = [13], sizes = [1], strides = [1]} : vector<16xf32> to vector<1xf32>
    %squeeze3A_242 = vector.extract %slice3A_241[0] : f32 from vector<1xf32>
    %add3A_243 = arith.addf %add3A_240, %squeeze3A_242 : f32
    %slice3A_244 = vector.extract_strided_slice %scan3A_99#6 {offsets = [14], sizes = [1], strides = [1]} : vector<16xf32> to vector<1xf32>
    %squeeze3A_245 = vector.extract %slice3A_244[0] : f32 from vector<1xf32>
    %add3A_246 = arith.addf %add3A_243, %squeeze3A_245 : f32
    %slice3A_247 = vector.extract_strided_slice %scan3A_99#6 {offsets = [15], sizes = [1], strides = [1]} : vector<16xf32> to vector<1xf32>
    %squeeze3A_248 = vector.extract %slice3A_247[0] : f32 from vector<1xf32>
    %add3A_249 = arith.addf %add3A_246, %squeeze3A_248 : f32
    %eq3A_250 = arith.constant 2 : i32
    %eq3A_251 = vector.broadcast %eq3A_250 : i32 to vector<16xi32>
    %eq3A_252 = arith.cmpi eq, %iota3A, %eq3A_251 : vector<16xi32>
    %broadcast_in_dim3A_253 = vector.broadcast %add3A_249 : f32 to vector<16xf32>
    %select_n3A_254 = arith.select %eq3A_252, %broadcast_in_dim3A_253, %broadcast_in_dim3A_3 : vector<16xi1>, vector<16xf32>
    %add3A_255 = arith.addf %add3A_202, %select_n3A_254 : vector<16xf32>
    %slice3A_256 = vector.extract_strided_slice %scan3A_99#9 {offsets = [0], sizes = [1], strides = [1]} : vector<16xf32> to vector<1xf32>
    %squeeze3A_257 = vector.extract %slice3A_256[0] : f32 from vector<1xf32>
    %slice3A_258 = vector.extract_strided_slice %scan3A_99#9 {offsets = [1], sizes = [1], strides = [1]} : vector<16xf32> to vector<1xf32>
    %squeeze3A_259 = vector.extract %slice3A_258[0] : f32 from vector<1xf32>
    %add3A_260 = arith.addf %squeeze3A_257, %squeeze3A_259 : f32
    %slice3A_261 = vector.extract_strided_slice %scan3A_99#9 {offsets = [2], sizes = [1], strides = [1]} : vector<16xf32> to vector<1xf32>
    %squeeze3A_262 = vector.extract %slice3A_261[0] : f32 from vector<1xf32>
    %add3A_263 = arith.addf %add3A_260, %squeeze3A_262 : f32
    %slice3A_264 = vector.extract_strided_slice %scan3A_99#9 {offsets = [3], sizes = [1], strides = [1]} : vector<16xf32> to vector<1xf32>
    %squeeze3A_265 = vector.extract %slice3A_264[0] : f32 from vector<1xf32>
    %add3A_266 = arith.addf %add3A_263, %squeeze3A_265 : f32
    %slice3A_267 = vector.extract_strided_slice %scan3A_99#9 {offsets = [4], sizes = [1], strides = [1]} : vector<16xf32> to vector<1xf32>
    %squeeze3A_268 = vector.extract %slice3A_267[0] : f32 from vector<1xf32>
    %add3A_269 = arith.addf %add3A_266, %squeeze3A_268 : f32
    %slice3A_270 = vector.extract_strided_slice %scan3A_99#9 {offsets = [5], sizes = [1], strides = [1]} : vector<16xf32> to vector<1xf32>
    %squeeze3A_271 = vector.extract %slice3A_270[0] : f32 from vector<1xf32>
    %add3A_272 = arith.addf %add3A_269, %squeeze3A_271 : f32
    %slice3A_273 = vector.extract_strided_slice %scan3A_99#9 {offsets = [6], sizes = [1], strides = [1]} : vector<16xf32> to vector<1xf32>
    %squeeze3A_274 = vector.extract %slice3A_273[0] : f32 from vector<1xf32>
    %add3A_275 = arith.addf %add3A_272, %squeeze3A_274 : f32
    %slice3A_276 = vector.extract_strided_slice %scan3A_99#9 {offsets = [7], sizes = [1], strides = [1]} : vector<16xf32> to vector<1xf32>
    %squeeze3A_277 = vector.extract %slice3A_276[0] : f32 from vector<1xf32>
    %add3A_278 = arith.addf %add3A_275, %squeeze3A_277 : f32
    %slice3A_279 = vector.extract_strided_slice %scan3A_99#9 {offsets = [8], sizes = [1], strides = [1]} : vector<16xf32> to vector<1xf32>
    %squeeze3A_280 = vector.extract %slice3A_279[0] : f32 from vector<1xf32>
    %add3A_281 = arith.addf %add3A_278, %squeeze3A_280 : f32
    %slice3A_282 = vector.extract_strided_slice %scan3A_99#9 {offsets = [9], sizes = [1], strides = [1]} : vector<16xf32> to vector<1xf32>
    %squeeze3A_283 = vector.extract %slice3A_282[0] : f32 from vector<1xf32>
    %add3A_284 = arith.addf %add3A_281, %squeeze3A_283 : f32
    %slice3A_285 = vector.extract_strided_slice %scan3A_99#9 {offsets = [10], sizes = [1], strides = [1]} : vector<16xf32> to vector<1xf32>
    %squeeze3A_286 = vector.extract %slice3A_285[0] : f32 from vector<1xf32>
    %add3A_287 = arith.addf %add3A_284, %squeeze3A_286 : f32
    %slice3A_288 = vector.extract_strided_slice %scan3A_99#9 {offsets = [11], sizes = [1], strides = [1]} : vector<16xf32> to vector<1xf32>
    %squeeze3A_289 = vector.extract %slice3A_288[0] : f32 from vector<1xf32>
    %add3A_290 = arith.addf %add3A_287, %squeeze3A_289 : f32
    %slice3A_291 = vector.extract_strided_slice %scan3A_99#9 {offsets = [12], sizes = [1], strides = [1]} : vector<16xf32> to vector<1xf32>
    %squeeze3A_292 = vector.extract %slice3A_291[0] : f32 from vector<1xf32>
    %add3A_293 = arith.addf %add3A_290, %squeeze3A_292 : f32
    %slice3A_294 = vector.extract_strided_slice %scan3A_99#9 {offsets = [13], sizes = [1], strides = [1]} : vector<16xf32> to vector<1xf32>
    %squeeze3A_295 = vector.extract %slice3A_294[0] : f32 from vector<1xf32>
    %add3A_296 = arith.addf %add3A_293, %squeeze3A_295 : f32
    %slice3A_297 = vector.extract_strided_slice %scan3A_99#9 {offsets = [14], sizes = [1], strides = [1]} : vector<16xf32> to vector<1xf32>
    %squeeze3A_298 = vector.extract %slice3A_297[0] : f32 from vector<1xf32>
    %add3A_299 = arith.addf %add3A_296, %squeeze3A_298 : f32
    %slice3A_300 = vector.extract_strided_slice %scan3A_99#9 {offsets = [15], sizes = [1], strides = [1]} : vector<16xf32> to vector<1xf32>
    %squeeze3A_301 = vector.extract %slice3A_300[0] : f32 from vector<1xf32>
    %add3A_302 = arith.addf %add3A_299, %squeeze3A_301 : f32
    %eq3A_303 = arith.constant 3 : i32
    %eq3A_304 = vector.broadcast %eq3A_303 : i32 to vector<16xi32>
    %eq3A_305 = arith.cmpi eq, %iota3A, %eq3A_304 : vector<16xi32>
    %broadcast_in_dim3A_306 = vector.broadcast %add3A_302 : f32 to vector<16xf32>
    %select_n3A_307 = arith.select %eq3A_305, %broadcast_in_dim3A_306, %broadcast_in_dim3A_3 : vector<16xi1>, vector<16xf32>
    %add3A_308 = arith.addf %add3A_255, %select_n3A_307 : vector<16xf32>
    %slice3A_309 = vector.extract_strided_slice %scan3A_99#12 {offsets = [0], sizes = [1], strides = [1]} : vector<16xf32> to vector<1xf32>
    %squeeze3A_310 = vector.extract %slice3A_309[0] : f32 from vector<1xf32>
    %slice3A_311 = vector.extract_strided_slice %scan3A_99#12 {offsets = [1], sizes = [1], strides = [1]} : vector<16xf32> to vector<1xf32>
    %squeeze3A_312 = vector.extract %slice3A_311[0] : f32 from vector<1xf32>
    %add3A_313 = arith.addf %squeeze3A_310, %squeeze3A_312 : f32
    %slice3A_314 = vector.extract_strided_slice %scan3A_99#12 {offsets = [2], sizes = [1], strides = [1]} : vector<16xf32> to vector<1xf32>
    %squeeze3A_315 = vector.extract %slice3A_314[0] : f32 from vector<1xf32>
    %add3A_316 = arith.addf %add3A_313, %squeeze3A_315 : f32
    %slice3A_317 = vector.extract_strided_slice %scan3A_99#12 {offsets = [3], sizes = [1], strides = [1]} : vector<16xf32> to vector<1xf32>
    %squeeze3A_318 = vector.extract %slice3A_317[0] : f32 from vector<1xf32>
    %add3A_319 = arith.addf %add3A_316, %squeeze3A_318 : f32
    %slice3A_320 = vector.extract_strided_slice %scan3A_99#12 {offsets = [4], sizes = [1], strides = [1]} : vector<16xf32> to vector<1xf32>
    %squeeze3A_321 = vector.extract %slice3A_320[0] : f32 from vector<1xf32>
    %add3A_322 = arith.addf %add3A_319, %squeeze3A_321 : f32
    %slice3A_323 = vector.extract_strided_slice %scan3A_99#12 {offsets = [5], sizes = [1], strides = [1]} : vector<16xf32> to vector<1xf32>
    %squeeze3A_324 = vector.extract %slice3A_323[0] : f32 from vector<1xf32>
    %add3A_325 = arith.addf %add3A_322, %squeeze3A_324 : f32
    %slice3A_326 = vector.extract_strided_slice %scan3A_99#12 {offsets = [6], sizes = [1], strides = [1]} : vector<16xf32> to vector<1xf32>
    %squeeze3A_327 = vector.extract %slice3A_326[0] : f32 from vector<1xf32>
    %add3A_328 = arith.addf %add3A_325, %squeeze3A_327 : f32
    %slice3A_329 = vector.extract_strided_slice %scan3A_99#12 {offsets = [7], sizes = [1], strides = [1]} : vector<16xf32> to vector<1xf32>
    %squeeze3A_330 = vector.extract %slice3A_329[0] : f32 from vector<1xf32>
    %add3A_331 = arith.addf %add3A_328, %squeeze3A_330 : f32
    %slice3A_332 = vector.extract_strided_slice %scan3A_99#12 {offsets = [8], sizes = [1], strides = [1]} : vector<16xf32> to vector<1xf32>
    %squeeze3A_333 = vector.extract %slice3A_332[0] : f32 from vector<1xf32>
    %add3A_334 = arith.addf %add3A_331, %squeeze3A_333 : f32
    %slice3A_335 = vector.extract_strided_slice %scan3A_99#12 {offsets = [9], sizes = [1], strides = [1]} : vector<16xf32> to vector<1xf32>
    %squeeze3A_336 = vector.extract %slice3A_335[0] : f32 from vector<1xf32>
    %add3A_337 = arith.addf %add3A_334, %squeeze3A_336 : f32
    %slice3A_338 = vector.extract_strided_slice %scan3A_99#12 {offsets = [10], sizes = [1], strides = [1]} : vector<16xf32> to vector<1xf32>
    %squeeze3A_339 = vector.extract %slice3A_338[0] : f32 from vector<1xf32>
    %add3A_340 = arith.addf %add3A_337, %squeeze3A_339 : f32
    %slice3A_341 = vector.extract_strided_slice %scan3A_99#12 {offsets = [11], sizes = [1], strides = [1]} : vector<16xf32> to vector<1xf32>
    %squeeze3A_342 = vector.extract %slice3A_341[0] : f32 from vector<1xf32>
    %add3A_343 = arith.addf %add3A_340, %squeeze3A_342 : f32
    %slice3A_344 = vector.extract_strided_slice %scan3A_99#12 {offsets = [12], sizes = [1], strides = [1]} : vector<16xf32> to vector<1xf32>
    %squeeze3A_345 = vector.extract %slice3A_344[0] : f32 from vector<1xf32>
    %add3A_346 = arith.addf %add3A_343, %squeeze3A_345 : f32
    %slice3A_347 = vector.extract_strided_slice %scan3A_99#12 {offsets = [13], sizes = [1], strides = [1]} : vector<16xf32> to vector<1xf32>
    %squeeze3A_348 = vector.extract %slice3A_347[0] : f32 from vector<1xf32>
    %add3A_349 = arith.addf %add3A_346, %squeeze3A_348 : f32
    %slice3A_350 = vector.extract_strided_slice %scan3A_99#12 {offsets = [14], sizes = [1], strides = [1]} : vector<16xf32> to vector<1xf32>
    %squeeze3A_351 = vector.extract %slice3A_350[0] : f32 from vector<1xf32>
    %add3A_352 = arith.addf %add3A_349, %squeeze3A_351 : f32
    %slice3A_353 = vector.extract_strided_slice %scan3A_99#12 {offsets = [15], sizes = [1], strides = [1]} : vector<16xf32> to vector<1xf32>
    %squeeze3A_354 = vector.extract %slice3A_353[0] : f32 from vector<1xf32>
    %add3A_355 = arith.addf %add3A_352, %squeeze3A_354 : f32
    %eq3A_356 = arith.constant 4 : i32
    %eq3A_357 = vector.broadcast %eq3A_356 : i32 to vector<16xi32>
    %eq3A_358 = arith.cmpi eq, %iota3A, %eq3A_357 : vector<16xi32>
    %broadcast_in_dim3A_359 = vector.broadcast %add3A_355 : f32 to vector<16xf32>
    %select_n3A_360 = arith.select %eq3A_358, %broadcast_in_dim3A_359, %broadcast_in_dim3A_3 : vector<16xi1>, vector<16xf32>
    %add3A_361 = arith.addf %add3A_308, %select_n3A_360 : vector<16xf32>
    %slice3A_362 = vector.extract_strided_slice %scan3A_99#15 {offsets = [0], sizes = [1], strides = [1]} : vector<16xf32> to vector<1xf32>
    %squeeze3A_363 = vector.extract %slice3A_362[0] : f32 from vector<1xf32>
    %slice3A_364 = vector.extract_strided_slice %scan3A_99#15 {offsets = [1], sizes = [1], strides = [1]} : vector<16xf32> to vector<1xf32>
    %squeeze3A_365 = vector.extract %slice3A_364[0] : f32 from vector<1xf32>
    %add3A_366 = arith.addf %squeeze3A_363, %squeeze3A_365 : f32
    %slice3A_367 = vector.extract_strided_slice %scan3A_99#15 {offsets = [2], sizes = [1], strides = [1]} : vector<16xf32> to vector<1xf32>
    %squeeze3A_368 = vector.extract %slice3A_367[0] : f32 from vector<1xf32>
    %add3A_369 = arith.addf %add3A_366, %squeeze3A_368 : f32
    %slice3A_370 = vector.extract_strided_slice %scan3A_99#15 {offsets = [3], sizes = [1], strides = [1]} : vector<16xf32> to vector<1xf32>
    %squeeze3A_371 = vector.extract %slice3A_370[0] : f32 from vector<1xf32>
    %add3A_372 = arith.addf %add3A_369, %squeeze3A_371 : f32
    %slice3A_373 = vector.extract_strided_slice %scan3A_99#15 {offsets = [4], sizes = [1], strides = [1]} : vector<16xf32> to vector<1xf32>
    %squeeze3A_374 = vector.extract %slice3A_373[0] : f32 from vector<1xf32>
    %add3A_375 = arith.addf %add3A_372, %squeeze3A_374 : f32
    %slice3A_376 = vector.extract_strided_slice %scan3A_99#15 {offsets = [5], sizes = [1], strides = [1]} : vector<16xf32> to vector<1xf32>
    %squeeze3A_377 = vector.extract %slice3A_376[0] : f32 from vector<1xf32>
    %add3A_378 = arith.addf %add3A_375, %squeeze3A_377 : f32
    %slice3A_379 = vector.extract_strided_slice %scan3A_99#15 {offsets = [6], sizes = [1], strides = [1]} : vector<16xf32> to vector<1xf32>
    %squeeze3A_380 = vector.extract %slice3A_379[0] : f32 from vector<1xf32>
    %add3A_381 = arith.addf %add3A_378, %squeeze3A_380 : f32
    %slice3A_382 = vector.extract_strided_slice %scan3A_99#15 {offsets = [7], sizes = [1], strides = [1]} : vector<16xf32> to vector<1xf32>
    %squeeze3A_383 = vector.extract %slice3A_382[0] : f32 from vector<1xf32>
    %add3A_384 = arith.addf %add3A_381, %squeeze3A_383 : f32
    %slice3A_385 = vector.extract_strided_slice %scan3A_99#15 {offsets = [8], sizes = [1], strides = [1]} : vector<16xf32> to vector<1xf32>
    %squeeze3A_386 = vector.extract %slice3A_385[0] : f32 from vector<1xf32>
    %add3A_387 = arith.addf %add3A_384, %squeeze3A_386 : f32
    %slice3A_388 = vector.extract_strided_slice %scan3A_99#15 {offsets = [9], sizes = [1], strides = [1]} : vector<16xf32> to vector<1xf32>
    %squeeze3A_389 = vector.extract %slice3A_388[0] : f32 from vector<1xf32>
    %add3A_390 = arith.addf %add3A_387, %squeeze3A_389 : f32
    %slice3A_391 = vector.extract_strided_slice %scan3A_99#15 {offsets = [10], sizes = [1], strides = [1]} : vector<16xf32> to vector<1xf32>
    %squeeze3A_392 = vector.extract %slice3A_391[0] : f32 from vector<1xf32>
    %add3A_393 = arith.addf %add3A_390, %squeeze3A_392 : f32
    %slice3A_394 = vector.extract_strided_slice %scan3A_99#15 {offsets = [11], sizes = [1], strides = [1]} : vector<16xf32> to vector<1xf32>
    %squeeze3A_395 = vector.extract %slice3A_394[0] : f32 from vector<1xf32>
    %add3A_396 = arith.addf %add3A_393, %squeeze3A_395 : f32
    %slice3A_397 = vector.extract_strided_slice %scan3A_99#15 {offsets = [12], sizes = [1], strides = [1]} : vector<16xf32> to vector<1xf32>
    %squeeze3A_398 = vector.extract %slice3A_397[0] : f32 from vector<1xf32>
    %add3A_399 = arith.addf %add3A_396, %squeeze3A_398 : f32
    %slice3A_400 = vector.extract_strided_slice %scan3A_99#15 {offsets = [13], sizes = [1], strides = [1]} : vector<16xf32> to vector<1xf32>
    %squeeze3A_401 = vector.extract %slice3A_400[0] : f32 from vector<1xf32>
    %add3A_402 = arith.addf %add3A_399, %squeeze3A_401 : f32
    %slice3A_403 = vector.extract_strided_slice %scan3A_99#15 {offsets = [14], sizes = [1], strides = [1]} : vector<16xf32> to vector<1xf32>
    %squeeze3A_404 = vector.extract %slice3A_403[0] : f32 from vector<1xf32>
    %add3A_405 = arith.addf %add3A_402, %squeeze3A_404 : f32
    %slice3A_406 = vector.extract_strided_slice %scan3A_99#15 {offsets = [15], sizes = [1], strides = [1]} : vector<16xf32> to vector<1xf32>
    %squeeze3A_407 = vector.extract %slice3A_406[0] : f32 from vector<1xf32>
    %add3A_408 = arith.addf %add3A_405, %squeeze3A_407 : f32
    %eq3A_409 = arith.constant 5 : i32
    %eq3A_410 = vector.broadcast %eq3A_409 : i32 to vector<16xi32>
    %eq3A_411 = arith.cmpi eq, %iota3A, %eq3A_410 : vector<16xi32>
    %broadcast_in_dim3A_412 = vector.broadcast %add3A_408 : f32 to vector<16xf32>
    %select_n3A_413 = arith.select %eq3A_411, %broadcast_in_dim3A_412, %broadcast_in_dim3A_3 : vector<16xi1>, vector<16xf32>
    %add3A_414 = arith.addf %add3A_361, %select_n3A_413 : vector<16xf32>
    %slice3A_415 = vector.extract_strided_slice %scan3A_99#18 {offsets = [0], sizes = [1], strides = [1]} : vector<16xf32> to vector<1xf32>
    %squeeze3A_416 = vector.extract %slice3A_415[0] : f32 from vector<1xf32>
    %slice3A_417 = vector.extract_strided_slice %scan3A_99#18 {offsets = [1], sizes = [1], strides = [1]} : vector<16xf32> to vector<1xf32>
    %squeeze3A_418 = vector.extract %slice3A_417[0] : f32 from vector<1xf32>
    %add3A_419 = arith.addf %squeeze3A_416, %squeeze3A_418 : f32
    %slice3A_420 = vector.extract_strided_slice %scan3A_99#18 {offsets = [2], sizes = [1], strides = [1]} : vector<16xf32> to vector<1xf32>
    %squeeze3A_421 = vector.extract %slice3A_420[0] : f32 from vector<1xf32>
    %add3A_422 = arith.addf %add3A_419, %squeeze3A_421 : f32
    %slice3A_423 = vector.extract_strided_slice %scan3A_99#18 {offsets = [3], sizes = [1], strides = [1]} : vector<16xf32> to vector<1xf32>
    %squeeze3A_424 = vector.extract %slice3A_423[0] : f32 from vector<1xf32>
    %add3A_425 = arith.addf %add3A_422, %squeeze3A_424 : f32
    %slice3A_426 = vector.extract_strided_slice %scan3A_99#18 {offsets = [4], sizes = [1], strides = [1]} : vector<16xf32> to vector<1xf32>
    %squeeze3A_427 = vector.extract %slice3A_426[0] : f32 from vector<1xf32>
    %add3A_428 = arith.addf %add3A_425, %squeeze3A_427 : f32
    %slice3A_429 = vector.extract_strided_slice %scan3A_99#18 {offsets = [5], sizes = [1], strides = [1]} : vector<16xf32> to vector<1xf32>
    %squeeze3A_430 = vector.extract %slice3A_429[0] : f32 from vector<1xf32>
    %add3A_431 = arith.addf %add3A_428, %squeeze3A_430 : f32
    %slice3A_432 = vector.extract_strided_slice %scan3A_99#18 {offsets = [6], sizes = [1], strides = [1]} : vector<16xf32> to vector<1xf32>
    %squeeze3A_433 = vector.extract %slice3A_432[0] : f32 from vector<1xf32>
    %add3A_434 = arith.addf %add3A_431, %squeeze3A_433 : f32
    %slice3A_435 = vector.extract_strided_slice %scan3A_99#18 {offsets = [7], sizes = [1], strides = [1]} : vector<16xf32> to vector<1xf32>
    %squeeze3A_436 = vector.extract %slice3A_435[0] : f32 from vector<1xf32>
    %add3A_437 = arith.addf %add3A_434, %squeeze3A_436 : f32
    %slice3A_438 = vector.extract_strided_slice %scan3A_99#18 {offsets = [8], sizes = [1], strides = [1]} : vector<16xf32> to vector<1xf32>
    %squeeze3A_439 = vector.extract %slice3A_438[0] : f32 from vector<1xf32>
    %add3A_440 = arith.addf %add3A_437, %squeeze3A_439 : f32
    %slice3A_441 = vector.extract_strided_slice %scan3A_99#18 {offsets = [9], sizes = [1], strides = [1]} : vector<16xf32> to vector<1xf32>
    %squeeze3A_442 = vector.extract %slice3A_441[0] : f32 from vector<1xf32>
    %add3A_443 = arith.addf %add3A_440, %squeeze3A_442 : f32
    %slice3A_444 = vector.extract_strided_slice %scan3A_99#18 {offsets = [10], sizes = [1], strides = [1]} : vector<16xf32> to vector<1xf32>
    %squeeze3A_445 = vector.extract %slice3A_444[0] : f32 from vector<1xf32>
    %add3A_446 = arith.addf %add3A_443, %squeeze3A_445 : f32
    %slice3A_447 = vector.extract_strided_slice %scan3A_99#18 {offsets = [11], sizes = [1], strides = [1]} : vector<16xf32> to vector<1xf32>
    %squeeze3A_448 = vector.extract %slice3A_447[0] : f32 from vector<1xf32>
    %add3A_449 = arith.addf %add3A_446, %squeeze3A_448 : f32
    %slice3A_450 = vector.extract_strided_slice %scan3A_99#18 {offsets = [12], sizes = [1], strides = [1]} : vector<16xf32> to vector<1xf32>
    %squeeze3A_451 = vector.extract %slice3A_450[0] : f32 from vector<1xf32>
    %add3A_452 = arith.addf %add3A_449, %squeeze3A_451 : f32
    %slice3A_453 = vector.extract_strided_slice %scan3A_99#18 {offsets = [13], sizes = [1], strides = [1]} : vector<16xf32> to vector<1xf32>
    %squeeze3A_454 = vector.extract %slice3A_453[0] : f32 from vector<1xf32>
    %add3A_455 = arith.addf %add3A_452, %squeeze3A_454 : f32
    %slice3A_456 = vector.extract_strided_slice %scan3A_99#18 {offsets = [14], sizes = [1], strides = [1]} : vector<16xf32> to vector<1xf32>
    %squeeze3A_457 = vector.extract %slice3A_456[0] : f32 from vector<1xf32>
    %add3A_458 = arith.addf %add3A_455, %squeeze3A_457 : f32
    %slice3A_459 = vector.extract_strided_slice %scan3A_99#18 {offsets = [15], sizes = [1], strides = [1]} : vector<16xf32> to vector<1xf32>
    %squeeze3A_460 = vector.extract %slice3A_459[0] : f32 from vector<1xf32>
    %add3A_461 = arith.addf %add3A_458, %squeeze3A_460 : f32
    %eq3A_462 = arith.constant 6 : i32
    %eq3A_463 = vector.broadcast %eq3A_462 : i32 to vector<16xi32>
    %eq3A_464 = arith.cmpi eq, %iota3A, %eq3A_463 : vector<16xi32>
    %broadcast_in_dim3A_465 = vector.broadcast %add3A_461 : f32 to vector<16xf32>
    %select_n3A_466 = arith.select %eq3A_464, %broadcast_in_dim3A_465, %broadcast_in_dim3A_3 : vector<16xi1>, vector<16xf32>
    %add3A_467 = arith.addf %add3A_414, %select_n3A_466 : vector<16xf32>
    %slice3A_468 = vector.extract_strided_slice %scan3A_99#21 {offsets = [0], sizes = [1], strides = [1]} : vector<16xf32> to vector<1xf32>
    %squeeze3A_469 = vector.extract %slice3A_468[0] : f32 from vector<1xf32>
    %slice3A_470 = vector.extract_strided_slice %scan3A_99#21 {offsets = [1], sizes = [1], strides = [1]} : vector<16xf32> to vector<1xf32>
    %squeeze3A_471 = vector.extract %slice3A_470[0] : f32 from vector<1xf32>
    %add3A_472 = arith.addf %squeeze3A_469, %squeeze3A_471 : f32
    %slice3A_473 = vector.extract_strided_slice %scan3A_99#21 {offsets = [2], sizes = [1], strides = [1]} : vector<16xf32> to vector<1xf32>
    %squeeze3A_474 = vector.extract %slice3A_473[0] : f32 from vector<1xf32>
    %add3A_475 = arith.addf %add3A_472, %squeeze3A_474 : f32
    %slice3A_476 = vector.extract_strided_slice %scan3A_99#21 {offsets = [3], sizes = [1], strides = [1]} : vector<16xf32> to vector<1xf32>
    %squeeze3A_477 = vector.extract %slice3A_476[0] : f32 from vector<1xf32>
    %add3A_478 = arith.addf %add3A_475, %squeeze3A_477 : f32
    %slice3A_479 = vector.extract_strided_slice %scan3A_99#21 {offsets = [4], sizes = [1], strides = [1]} : vector<16xf32> to vector<1xf32>
    %squeeze3A_480 = vector.extract %slice3A_479[0] : f32 from vector<1xf32>
    %add3A_481 = arith.addf %add3A_478, %squeeze3A_480 : f32
    %slice3A_482 = vector.extract_strided_slice %scan3A_99#21 {offsets = [5], sizes = [1], strides = [1]} : vector<16xf32> to vector<1xf32>
    %squeeze3A_483 = vector.extract %slice3A_482[0] : f32 from vector<1xf32>
    %add3A_484 = arith.addf %add3A_481, %squeeze3A_483 : f32
    %slice3A_485 = vector.extract_strided_slice %scan3A_99#21 {offsets = [6], sizes = [1], strides = [1]} : vector<16xf32> to vector<1xf32>
    %squeeze3A_486 = vector.extract %slice3A_485[0] : f32 from vector<1xf32>
    %add3A_487 = arith.addf %add3A_484, %squeeze3A_486 : f32
    %slice3A_488 = vector.extract_strided_slice %scan3A_99#21 {offsets = [7], sizes = [1], strides = [1]} : vector<16xf32> to vector<1xf32>
    %squeeze3A_489 = vector.extract %slice3A_488[0] : f32 from vector<1xf32>
    %add3A_490 = arith.addf %add3A_487, %squeeze3A_489 : f32
    %slice3A_491 = vector.extract_strided_slice %scan3A_99#21 {offsets = [8], sizes = [1], strides = [1]} : vector<16xf32> to vector<1xf32>
    %squeeze3A_492 = vector.extract %slice3A_491[0] : f32 from vector<1xf32>
    %add3A_493 = arith.addf %add3A_490, %squeeze3A_492 : f32
    %slice3A_494 = vector.extract_strided_slice %scan3A_99#21 {offsets = [9], sizes = [1], strides = [1]} : vector<16xf32> to vector<1xf32>
    %squeeze3A_495 = vector.extract %slice3A_494[0] : f32 from vector<1xf32>
    %add3A_496 = arith.addf %add3A_493, %squeeze3A_495 : f32
    %slice3A_497 = vector.extract_strided_slice %scan3A_99#21 {offsets = [10], sizes = [1], strides = [1]} : vector<16xf32> to vector<1xf32>
    %squeeze3A_498 = vector.extract %slice3A_497[0] : f32 from vector<1xf32>
    %add3A_499 = arith.addf %add3A_496, %squeeze3A_498 : f32
    %slice3A_500 = vector.extract_strided_slice %scan3A_99#21 {offsets = [11], sizes = [1], strides = [1]} : vector<16xf32> to vector<1xf32>
    %squeeze3A_501 = vector.extract %slice3A_500[0] : f32 from vector<1xf32>
    %add3A_502 = arith.addf %add3A_499, %squeeze3A_501 : f32
    %slice3A_503 = vector.extract_strided_slice %scan3A_99#21 {offsets = [12], sizes = [1], strides = [1]} : vector<16xf32> to vector<1xf32>
    %squeeze3A_504 = vector.extract %slice3A_503[0] : f32 from vector<1xf32>
    %add3A_505 = arith.addf %add3A_502, %squeeze3A_504 : f32
    %slice3A_506 = vector.extract_strided_slice %scan3A_99#21 {offsets = [13], sizes = [1], strides = [1]} : vector<16xf32> to vector<1xf32>
    %squeeze3A_507 = vector.extract %slice3A_506[0] : f32 from vector<1xf32>
    %add3A_508 = arith.addf %add3A_505, %squeeze3A_507 : f32
    %slice3A_509 = vector.extract_strided_slice %scan3A_99#21 {offsets = [14], sizes = [1], strides = [1]} : vector<16xf32> to vector<1xf32>
    %squeeze3A_510 = vector.extract %slice3A_509[0] : f32 from vector<1xf32>
    %add3A_511 = arith.addf %add3A_508, %squeeze3A_510 : f32
    %slice3A_512 = vector.extract_strided_slice %scan3A_99#21 {offsets = [15], sizes = [1], strides = [1]} : vector<16xf32> to vector<1xf32>
    %squeeze3A_513 = vector.extract %slice3A_512[0] : f32 from vector<1xf32>
    %add3A_514 = arith.addf %add3A_511, %squeeze3A_513 : f32
    %eq3A_515 = arith.constant 7 : i32
    %eq3A_516 = vector.broadcast %eq3A_515 : i32 to vector<16xi32>
    %eq3A_517 = arith.cmpi eq, %iota3A, %eq3A_516 : vector<16xi32>
    %broadcast_in_dim3A_518 = vector.broadcast %add3A_514 : f32 to vector<16xf32>
    %select_n3A_519 = arith.select %eq3A_517, %broadcast_in_dim3A_518, %broadcast_in_dim3A_3 : vector<16xi1>, vector<16xf32>
    %add3A_520 = arith.addf %add3A_467, %select_n3A_519 : vector<16xf32>
    %slice3A_521 = vector.extract_strided_slice %scan3A_99#24 {offsets = [0], sizes = [1], strides = [1]} : vector<16xf32> to vector<1xf32>
    %squeeze3A_522 = vector.extract %slice3A_521[0] : f32 from vector<1xf32>
    %slice3A_523 = vector.extract_strided_slice %scan3A_99#24 {offsets = [1], sizes = [1], strides = [1]} : vector<16xf32> to vector<1xf32>
    %squeeze3A_524 = vector.extract %slice3A_523[0] : f32 from vector<1xf32>
    %add3A_525 = arith.addf %squeeze3A_522, %squeeze3A_524 : f32
    %slice3A_526 = vector.extract_strided_slice %scan3A_99#24 {offsets = [2], sizes = [1], strides = [1]} : vector<16xf32> to vector<1xf32>
    %squeeze3A_527 = vector.extract %slice3A_526[0] : f32 from vector<1xf32>
    %add3A_528 = arith.addf %add3A_525, %squeeze3A_527 : f32
    %slice3A_529 = vector.extract_strided_slice %scan3A_99#24 {offsets = [3], sizes = [1], strides = [1]} : vector<16xf32> to vector<1xf32>
    %squeeze3A_530 = vector.extract %slice3A_529[0] : f32 from vector<1xf32>
    %add3A_531 = arith.addf %add3A_528, %squeeze3A_530 : f32
    %slice3A_532 = vector.extract_strided_slice %scan3A_99#24 {offsets = [4], sizes = [1], strides = [1]} : vector<16xf32> to vector<1xf32>
    %squeeze3A_533 = vector.extract %slice3A_532[0] : f32 from vector<1xf32>
    %add3A_534 = arith.addf %add3A_531, %squeeze3A_533 : f32
    %slice3A_535 = vector.extract_strided_slice %scan3A_99#24 {offsets = [5], sizes = [1], strides = [1]} : vector<16xf32> to vector<1xf32>
    %squeeze3A_536 = vector.extract %slice3A_535[0] : f32 from vector<1xf32>
    %add3A_537 = arith.addf %add3A_534, %squeeze3A_536 : f32
    %slice3A_538 = vector.extract_strided_slice %scan3A_99#24 {offsets = [6], sizes = [1], strides = [1]} : vector<16xf32> to vector<1xf32>
    %squeeze3A_539 = vector.extract %slice3A_538[0] : f32 from vector<1xf32>
    %add3A_540 = arith.addf %add3A_537, %squeeze3A_539 : f32
    %slice3A_541 = vector.extract_strided_slice %scan3A_99#24 {offsets = [7], sizes = [1], strides = [1]} : vector<16xf32> to vector<1xf32>
    %squeeze3A_542 = vector.extract %slice3A_541[0] : f32 from vector<1xf32>
    %add3A_543 = arith.addf %add3A_540, %squeeze3A_542 : f32
    %slice3A_544 = vector.extract_strided_slice %scan3A_99#24 {offsets = [8], sizes = [1], strides = [1]} : vector<16xf32> to vector<1xf32>
    %squeeze3A_545 = vector.extract %slice3A_544[0] : f32 from vector<1xf32>
    %add3A_546 = arith.addf %add3A_543, %squeeze3A_545 : f32
    %slice3A_547 = vector.extract_strided_slice %scan3A_99#24 {offsets = [9], sizes = [1], strides = [1]} : vector<16xf32> to vector<1xf32>
    %squeeze3A_548 = vector.extract %slice3A_547[0] : f32 from vector<1xf32>
    %add3A_549 = arith.addf %add3A_546, %squeeze3A_548 : f32
    %slice3A_550 = vector.extract_strided_slice %scan3A_99#24 {offsets = [10], sizes = [1], strides = [1]} : vector<16xf32> to vector<1xf32>
    %squeeze3A_551 = vector.extract %slice3A_550[0] : f32 from vector<1xf32>
    %add3A_552 = arith.addf %add3A_549, %squeeze3A_551 : f32
    %slice3A_553 = vector.extract_strided_slice %scan3A_99#24 {offsets = [11], sizes = [1], strides = [1]} : vector<16xf32> to vector<1xf32>
    %squeeze3A_554 = vector.extract %slice3A_553[0] : f32 from vector<1xf32>
    %add3A_555 = arith.addf %add3A_552, %squeeze3A_554 : f32
    %slice3A_556 = vector.extract_strided_slice %scan3A_99#24 {offsets = [12], sizes = [1], strides = [1]} : vector<16xf32> to vector<1xf32>
    %squeeze3A_557 = vector.extract %slice3A_556[0] : f32 from vector<1xf32>
    %add3A_558 = arith.addf %add3A_555, %squeeze3A_557 : f32
    %slice3A_559 = vector.extract_strided_slice %scan3A_99#24 {offsets = [13], sizes = [1], strides = [1]} : vector<16xf32> to vector<1xf32>
    %squeeze3A_560 = vector.extract %slice3A_559[0] : f32 from vector<1xf32>
    %add3A_561 = arith.addf %add3A_558, %squeeze3A_560 : f32
    %slice3A_562 = vector.extract_strided_slice %scan3A_99#24 {offsets = [14], sizes = [1], strides = [1]} : vector<16xf32> to vector<1xf32>
    %squeeze3A_563 = vector.extract %slice3A_562[0] : f32 from vector<1xf32>
    %add3A_564 = arith.addf %add3A_561, %squeeze3A_563 : f32
    %slice3A_565 = vector.extract_strided_slice %scan3A_99#24 {offsets = [15], sizes = [1], strides = [1]} : vector<16xf32> to vector<1xf32>
    %squeeze3A_566 = vector.extract %slice3A_565[0] : f32 from vector<1xf32>
    %add3A_567 = arith.addf %add3A_564, %squeeze3A_566 : f32
    %eq3A_568 = arith.constant 8 : i32
    %eq3A_569 = vector.broadcast %eq3A_568 : i32 to vector<16xi32>
    %eq3A_570 = arith.cmpi eq, %iota3A, %eq3A_569 : vector<16xi32>
    %broadcast_in_dim3A_571 = vector.broadcast %add3A_567 : f32 to vector<16xf32>
    %select_n3A_572 = arith.select %eq3A_570, %broadcast_in_dim3A_571, %broadcast_in_dim3A_3 : vector<16xi1>, vector<16xf32>
    %add3A_573 = arith.addf %add3A_520, %select_n3A_572 : vector<16xf32>
    %slice3A_574 = vector.extract_strided_slice %scan3A_99#27 {offsets = [0], sizes = [1], strides = [1]} : vector<16xf32> to vector<1xf32>
    %squeeze3A_575 = vector.extract %slice3A_574[0] : f32 from vector<1xf32>
    %slice3A_576 = vector.extract_strided_slice %scan3A_99#27 {offsets = [1], sizes = [1], strides = [1]} : vector<16xf32> to vector<1xf32>
    %squeeze3A_577 = vector.extract %slice3A_576[0] : f32 from vector<1xf32>
    %add3A_578 = arith.addf %squeeze3A_575, %squeeze3A_577 : f32
    %slice3A_579 = vector.extract_strided_slice %scan3A_99#27 {offsets = [2], sizes = [1], strides = [1]} : vector<16xf32> to vector<1xf32>
    %squeeze3A_580 = vector.extract %slice3A_579[0] : f32 from vector<1xf32>
    %add3A_581 = arith.addf %add3A_578, %squeeze3A_580 : f32
    %slice3A_582 = vector.extract_strided_slice %scan3A_99#27 {offsets = [3], sizes = [1], strides = [1]} : vector<16xf32> to vector<1xf32>
    %squeeze3A_583 = vector.extract %slice3A_582[0] : f32 from vector<1xf32>
    %add3A_584 = arith.addf %add3A_581, %squeeze3A_583 : f32
    %slice3A_585 = vector.extract_strided_slice %scan3A_99#27 {offsets = [4], sizes = [1], strides = [1]} : vector<16xf32> to vector<1xf32>
    %squeeze3A_586 = vector.extract %slice3A_585[0] : f32 from vector<1xf32>
    %add3A_587 = arith.addf %add3A_584, %squeeze3A_586 : f32
    %slice3A_588 = vector.extract_strided_slice %scan3A_99#27 {offsets = [5], sizes = [1], strides = [1]} : vector<16xf32> to vector<1xf32>
    %squeeze3A_589 = vector.extract %slice3A_588[0] : f32 from vector<1xf32>
    %add3A_590 = arith.addf %add3A_587, %squeeze3A_589 : f32
    %slice3A_591 = vector.extract_strided_slice %scan3A_99#27 {offsets = [6], sizes = [1], strides = [1]} : vector<16xf32> to vector<1xf32>
    %squeeze3A_592 = vector.extract %slice3A_591[0] : f32 from vector<1xf32>
    %add3A_593 = arith.addf %add3A_590, %squeeze3A_592 : f32
    %slice3A_594 = vector.extract_strided_slice %scan3A_99#27 {offsets = [7], sizes = [1], strides = [1]} : vector<16xf32> to vector<1xf32>
    %squeeze3A_595 = vector.extract %slice3A_594[0] : f32 from vector<1xf32>
    %add3A_596 = arith.addf %add3A_593, %squeeze3A_595 : f32
    %slice3A_597 = vector.extract_strided_slice %scan3A_99#27 {offsets = [8], sizes = [1], strides = [1]} : vector<16xf32> to vector<1xf32>
    %squeeze3A_598 = vector.extract %slice3A_597[0] : f32 from vector<1xf32>
    %add3A_599 = arith.addf %add3A_596, %squeeze3A_598 : f32
    %slice3A_600 = vector.extract_strided_slice %scan3A_99#27 {offsets = [9], sizes = [1], strides = [1]} : vector<16xf32> to vector<1xf32>
    %squeeze3A_601 = vector.extract %slice3A_600[0] : f32 from vector<1xf32>
    %add3A_602 = arith.addf %add3A_599, %squeeze3A_601 : f32
    %slice3A_603 = vector.extract_strided_slice %scan3A_99#27 {offsets = [10], sizes = [1], strides = [1]} : vector<16xf32> to vector<1xf32>
    %squeeze3A_604 = vector.extract %slice3A_603[0] : f32 from vector<1xf32>
    %add3A_605 = arith.addf %add3A_602, %squeeze3A_604 : f32
    %slice3A_606 = vector.extract_strided_slice %scan3A_99#27 {offsets = [11], sizes = [1], strides = [1]} : vector<16xf32> to vector<1xf32>
    %squeeze3A_607 = vector.extract %slice3A_606[0] : f32 from vector<1xf32>
    %add3A_608 = arith.addf %add3A_605, %squeeze3A_607 : f32
    %slice3A_609 = vector.extract_strided_slice %scan3A_99#27 {offsets = [12], sizes = [1], strides = [1]} : vector<16xf32> to vector<1xf32>
    %squeeze3A_610 = vector.extract %slice3A_609[0] : f32 from vector<1xf32>
    %add3A_611 = arith.addf %add3A_608, %squeeze3A_610 : f32
    %slice3A_612 = vector.extract_strided_slice %scan3A_99#27 {offsets = [13], sizes = [1], strides = [1]} : vector<16xf32> to vector<1xf32>
    %squeeze3A_613 = vector.extract %slice3A_612[0] : f32 from vector<1xf32>
    %add3A_614 = arith.addf %add3A_611, %squeeze3A_613 : f32
    %slice3A_615 = vector.extract_strided_slice %scan3A_99#27 {offsets = [14], sizes = [1], strides = [1]} : vector<16xf32> to vector<1xf32>
    %squeeze3A_616 = vector.extract %slice3A_615[0] : f32 from vector<1xf32>
    %add3A_617 = arith.addf %add3A_614, %squeeze3A_616 : f32
    %slice3A_618 = vector.extract_strided_slice %scan3A_99#27 {offsets = [15], sizes = [1], strides = [1]} : vector<16xf32> to vector<1xf32>
    %squeeze3A_619 = vector.extract %slice3A_618[0] : f32 from vector<1xf32>
    %add3A_620 = arith.addf %add3A_617, %squeeze3A_619 : f32
    %eq3A_621 = arith.constant 9 : i32
    %eq3A_622 = vector.broadcast %eq3A_621 : i32 to vector<16xi32>
    %eq3A_623 = arith.cmpi eq, %iota3A, %eq3A_622 : vector<16xi32>
    %broadcast_in_dim3A_624 = vector.broadcast %add3A_620 : f32 to vector<16xf32>
    %select_n3A_625 = arith.select %eq3A_623, %broadcast_in_dim3A_624, %broadcast_in_dim3A_3 : vector<16xi1>, vector<16xf32>
    %add3A_626 = arith.addf %add3A_573, %select_n3A_625 : vector<16xf32>
    %slice3A_627 = vector.extract_strided_slice %scan3A_99#30 {offsets = [0], sizes = [1], strides = [1]} : vector<16xf32> to vector<1xf32>
    %squeeze3A_628 = vector.extract %slice3A_627[0] : f32 from vector<1xf32>
    %slice3A_629 = vector.extract_strided_slice %scan3A_99#30 {offsets = [1], sizes = [1], strides = [1]} : vector<16xf32> to vector<1xf32>
    %squeeze3A_630 = vector.extract %slice3A_629[0] : f32 from vector<1xf32>
    %add3A_631 = arith.addf %squeeze3A_628, %squeeze3A_630 : f32
    %slice3A_632 = vector.extract_strided_slice %scan3A_99#30 {offsets = [2], sizes = [1], strides = [1]} : vector<16xf32> to vector<1xf32>
    %squeeze3A_633 = vector.extract %slice3A_632[0] : f32 from vector<1xf32>
    %add3A_634 = arith.addf %add3A_631, %squeeze3A_633 : f32
    %slice3A_635 = vector.extract_strided_slice %scan3A_99#30 {offsets = [3], sizes = [1], strides = [1]} : vector<16xf32> to vector<1xf32>
    %squeeze3A_636 = vector.extract %slice3A_635[0] : f32 from vector<1xf32>
    %add3A_637 = arith.addf %add3A_634, %squeeze3A_636 : f32
    %slice3A_638 = vector.extract_strided_slice %scan3A_99#30 {offsets = [4], sizes = [1], strides = [1]} : vector<16xf32> to vector<1xf32>
    %squeeze3A_639 = vector.extract %slice3A_638[0] : f32 from vector<1xf32>
    %add3A_640 = arith.addf %add3A_637, %squeeze3A_639 : f32
    %slice3A_641 = vector.extract_strided_slice %scan3A_99#30 {offsets = [5], sizes = [1], strides = [1]} : vector<16xf32> to vector<1xf32>
    %squeeze3A_642 = vector.extract %slice3A_641[0] : f32 from vector<1xf32>
    %add3A_643 = arith.addf %add3A_640, %squeeze3A_642 : f32
    %slice3A_644 = vector.extract_strided_slice %scan3A_99#30 {offsets = [6], sizes = [1], strides = [1]} : vector<16xf32> to vector<1xf32>
    %squeeze3A_645 = vector.extract %slice3A_644[0] : f32 from vector<1xf32>
    %add3A_646 = arith.addf %add3A_643, %squeeze3A_645 : f32
    %slice3A_647 = vector.extract_strided_slice %scan3A_99#30 {offsets = [7], sizes = [1], strides = [1]} : vector<16xf32> to vector<1xf32>
    %squeeze3A_648 = vector.extract %slice3A_647[0] : f32 from vector<1xf32>
    %add3A_649 = arith.addf %add3A_646, %squeeze3A_648 : f32
    %slice3A_650 = vector.extract_strided_slice %scan3A_99#30 {offsets = [8], sizes = [1], strides = [1]} : vector<16xf32> to vector<1xf32>
    %squeeze3A_651 = vector.extract %slice3A_650[0] : f32 from vector<1xf32>
    %add3A_652 = arith.addf %add3A_649, %squeeze3A_651 : f32
    %slice3A_653 = vector.extract_strided_slice %scan3A_99#30 {offsets = [9], sizes = [1], strides = [1]} : vector<16xf32> to vector<1xf32>
    %squeeze3A_654 = vector.extract %slice3A_653[0] : f32 from vector<1xf32>
    %add3A_655 = arith.addf %add3A_652, %squeeze3A_654 : f32
    %slice3A_656 = vector.extract_strided_slice %scan3A_99#30 {offsets = [10], sizes = [1], strides = [1]} : vector<16xf32> to vector<1xf32>
    %squeeze3A_657 = vector.extract %slice3A_656[0] : f32 from vector<1xf32>
    %add3A_658 = arith.addf %add3A_655, %squeeze3A_657 : f32
    %slice3A_659 = vector.extract_strided_slice %scan3A_99#30 {offsets = [11], sizes = [1], strides = [1]} : vector<16xf32> to vector<1xf32>
    %squeeze3A_660 = vector.extract %slice3A_659[0] : f32 from vector<1xf32>
    %add3A_661 = arith.addf %add3A_658, %squeeze3A_660 : f32
    %slice3A_662 = vector.extract_strided_slice %scan3A_99#30 {offsets = [12], sizes = [1], strides = [1]} : vector<16xf32> to vector<1xf32>
    %squeeze3A_663 = vector.extract %slice3A_662[0] : f32 from vector<1xf32>
    %add3A_664 = arith.addf %add3A_661, %squeeze3A_663 : f32
    %slice3A_665 = vector.extract_strided_slice %scan3A_99#30 {offsets = [13], sizes = [1], strides = [1]} : vector<16xf32> to vector<1xf32>
    %squeeze3A_666 = vector.extract %slice3A_665[0] : f32 from vector<1xf32>
    %add3A_667 = arith.addf %add3A_664, %squeeze3A_666 : f32
    %slice3A_668 = vector.extract_strided_slice %scan3A_99#30 {offsets = [14], sizes = [1], strides = [1]} : vector<16xf32> to vector<1xf32>
    %squeeze3A_669 = vector.extract %slice3A_668[0] : f32 from vector<1xf32>
    %add3A_670 = arith.addf %add3A_667, %squeeze3A_669 : f32
    %slice3A_671 = vector.extract_strided_slice %scan3A_99#30 {offsets = [15], sizes = [1], strides = [1]} : vector<16xf32> to vector<1xf32>
    %squeeze3A_672 = vector.extract %slice3A_671[0] : f32 from vector<1xf32>
    %add3A_673 = arith.addf %add3A_670, %squeeze3A_672 : f32
    %eq3A_674 = arith.constant 10 : i32
    %eq3A_675 = vector.broadcast %eq3A_674 : i32 to vector<16xi32>
    %eq3A_676 = arith.cmpi eq, %iota3A, %eq3A_675 : vector<16xi32>
    %broadcast_in_dim3A_677 = vector.broadcast %add3A_673 : f32 to vector<16xf32>
    %select_n3A_678 = arith.select %eq3A_676, %broadcast_in_dim3A_677, %broadcast_in_dim3A_3 : vector<16xi1>, vector<16xf32>
    %add3A_679 = arith.addf %add3A_626, %select_n3A_678 : vector<16xf32>
    %slice3A_680 = vector.extract_strided_slice %scan3A_99#33 {offsets = [0], sizes = [1], strides = [1]} : vector<16xf32> to vector<1xf32>
    %squeeze3A_681 = vector.extract %slice3A_680[0] : f32 from vector<1xf32>
    %slice3A_682 = vector.extract_strided_slice %scan3A_99#33 {offsets = [1], sizes = [1], strides = [1]} : vector<16xf32> to vector<1xf32>
    %squeeze3A_683 = vector.extract %slice3A_682[0] : f32 from vector<1xf32>
    %add3A_684 = arith.addf %squeeze3A_681, %squeeze3A_683 : f32
    %slice3A_685 = vector.extract_strided_slice %scan3A_99#33 {offsets = [2], sizes = [1], strides = [1]} : vector<16xf32> to vector<1xf32>
    %squeeze3A_686 = vector.extract %slice3A_685[0] : f32 from vector<1xf32>
    %add3A_687 = arith.addf %add3A_684, %squeeze3A_686 : f32
    %slice3A_688 = vector.extract_strided_slice %scan3A_99#33 {offsets = [3], sizes = [1], strides = [1]} : vector<16xf32> to vector<1xf32>
    %squeeze3A_689 = vector.extract %slice3A_688[0] : f32 from vector<1xf32>
    %add3A_690 = arith.addf %add3A_687, %squeeze3A_689 : f32
    %slice3A_691 = vector.extract_strided_slice %scan3A_99#33 {offsets = [4], sizes = [1], strides = [1]} : vector<16xf32> to vector<1xf32>
    %squeeze3A_692 = vector.extract %slice3A_691[0] : f32 from vector<1xf32>
    %add3A_693 = arith.addf %add3A_690, %squeeze3A_692 : f32
    %slice3A_694 = vector.extract_strided_slice %scan3A_99#33 {offsets = [5], sizes = [1], strides = [1]} : vector<16xf32> to vector<1xf32>
    %squeeze3A_695 = vector.extract %slice3A_694[0] : f32 from vector<1xf32>
    %add3A_696 = arith.addf %add3A_693, %squeeze3A_695 : f32
    %slice3A_697 = vector.extract_strided_slice %scan3A_99#33 {offsets = [6], sizes = [1], strides = [1]} : vector<16xf32> to vector<1xf32>
    %squeeze3A_698 = vector.extract %slice3A_697[0] : f32 from vector<1xf32>
    %add3A_699 = arith.addf %add3A_696, %squeeze3A_698 : f32
    %slice3A_700 = vector.extract_strided_slice %scan3A_99#33 {offsets = [7], sizes = [1], strides = [1]} : vector<16xf32> to vector<1xf32>
    %squeeze3A_701 = vector.extract %slice3A_700[0] : f32 from vector<1xf32>
    %add3A_702 = arith.addf %add3A_699, %squeeze3A_701 : f32
    %slice3A_703 = vector.extract_strided_slice %scan3A_99#33 {offsets = [8], sizes = [1], strides = [1]} : vector<16xf32> to vector<1xf32>
    %squeeze3A_704 = vector.extract %slice3A_703[0] : f32 from vector<1xf32>
    %add3A_705 = arith.addf %add3A_702, %squeeze3A_704 : f32
    %slice3A_706 = vector.extract_strided_slice %scan3A_99#33 {offsets = [9], sizes = [1], strides = [1]} : vector<16xf32> to vector<1xf32>
    %squeeze3A_707 = vector.extract %slice3A_706[0] : f32 from vector<1xf32>
    %add3A_708 = arith.addf %add3A_705, %squeeze3A_707 : f32
    %slice3A_709 = vector.extract_strided_slice %scan3A_99#33 {offsets = [10], sizes = [1], strides = [1]} : vector<16xf32> to vector<1xf32>
    %squeeze3A_710 = vector.extract %slice3A_709[0] : f32 from vector<1xf32>
    %add3A_711 = arith.addf %add3A_708, %squeeze3A_710 : f32
    %slice3A_712 = vector.extract_strided_slice %scan3A_99#33 {offsets = [11], sizes = [1], strides = [1]} : vector<16xf32> to vector<1xf32>
    %squeeze3A_713 = vector.extract %slice3A_712[0] : f32 from vector<1xf32>
    %add3A_714 = arith.addf %add3A_711, %squeeze3A_713 : f32
    %slice3A_715 = vector.extract_strided_slice %scan3A_99#33 {offsets = [12], sizes = [1], strides = [1]} : vector<16xf32> to vector<1xf32>
    %squeeze3A_716 = vector.extract %slice3A_715[0] : f32 from vector<1xf32>
    %add3A_717 = arith.addf %add3A_714, %squeeze3A_716 : f32
    %slice3A_718 = vector.extract_strided_slice %scan3A_99#33 {offsets = [13], sizes = [1], strides = [1]} : vector<16xf32> to vector<1xf32>
    %squeeze3A_719 = vector.extract %slice3A_718[0] : f32 from vector<1xf32>
    %add3A_720 = arith.addf %add3A_717, %squeeze3A_719 : f32
    %slice3A_721 = vector.extract_strided_slice %scan3A_99#33 {offsets = [14], sizes = [1], strides = [1]} : vector<16xf32> to vector<1xf32>
    %squeeze3A_722 = vector.extract %slice3A_721[0] : f32 from vector<1xf32>
    %add3A_723 = arith.addf %add3A_720, %squeeze3A_722 : f32
    %slice3A_724 = vector.extract_strided_slice %scan3A_99#33 {offsets = [15], sizes = [1], strides = [1]} : vector<16xf32> to vector<1xf32>
    %squeeze3A_725 = vector.extract %slice3A_724[0] : f32 from vector<1xf32>
    %add3A_726 = arith.addf %add3A_723, %squeeze3A_725 : f32
    %eq3A_727 = arith.constant 11 : i32
    %eq3A_728 = vector.broadcast %eq3A_727 : i32 to vector<16xi32>
    %eq3A_729 = arith.cmpi eq, %iota3A, %eq3A_728 : vector<16xi32>
    %broadcast_in_dim3A_730 = vector.broadcast %add3A_726 : f32 to vector<16xf32>
    %select_n3A_731 = arith.select %eq3A_729, %broadcast_in_dim3A_730, %broadcast_in_dim3A_3 : vector<16xi1>, vector<16xf32>
    %add3A_732 = arith.addf %add3A_679, %select_n3A_731 : vector<16xf32>
    %slice3A_733 = vector.extract_strided_slice %scan3A_99#36 {offsets = [0], sizes = [1], strides = [1]} : vector<16xf32> to vector<1xf32>
    %squeeze3A_734 = vector.extract %slice3A_733[0] : f32 from vector<1xf32>
    %slice3A_735 = vector.extract_strided_slice %scan3A_99#36 {offsets = [1], sizes = [1], strides = [1]} : vector<16xf32> to vector<1xf32>
    %squeeze3A_736 = vector.extract %slice3A_735[0] : f32 from vector<1xf32>
    %add3A_737 = arith.addf %squeeze3A_734, %squeeze3A_736 : f32
    %slice3A_738 = vector.extract_strided_slice %scan3A_99#36 {offsets = [2], sizes = [1], strides = [1]} : vector<16xf32> to vector<1xf32>
    %squeeze3A_739 = vector.extract %slice3A_738[0] : f32 from vector<1xf32>
    %add3A_740 = arith.addf %add3A_737, %squeeze3A_739 : f32
    %slice3A_741 = vector.extract_strided_slice %scan3A_99#36 {offsets = [3], sizes = [1], strides = [1]} : vector<16xf32> to vector<1xf32>
    %squeeze3A_742 = vector.extract %slice3A_741[0] : f32 from vector<1xf32>
    %add3A_743 = arith.addf %add3A_740, %squeeze3A_742 : f32
    %slice3A_744 = vector.extract_strided_slice %scan3A_99#36 {offsets = [4], sizes = [1], strides = [1]} : vector<16xf32> to vector<1xf32>
    %squeeze3A_745 = vector.extract %slice3A_744[0] : f32 from vector<1xf32>
    %add3A_746 = arith.addf %add3A_743, %squeeze3A_745 : f32
    %slice3A_747 = vector.extract_strided_slice %scan3A_99#36 {offsets = [5], sizes = [1], strides = [1]} : vector<16xf32> to vector<1xf32>
    %squeeze3A_748 = vector.extract %slice3A_747[0] : f32 from vector<1xf32>
    %add3A_749 = arith.addf %add3A_746, %squeeze3A_748 : f32
    %slice3A_750 = vector.extract_strided_slice %scan3A_99#36 {offsets = [6], sizes = [1], strides = [1]} : vector<16xf32> to vector<1xf32>
    %squeeze3A_751 = vector.extract %slice3A_750[0] : f32 from vector<1xf32>
    %add3A_752 = arith.addf %add3A_749, %squeeze3A_751 : f32
    %slice3A_753 = vector.extract_strided_slice %scan3A_99#36 {offsets = [7], sizes = [1], strides = [1]} : vector<16xf32> to vector<1xf32>
    %squeeze3A_754 = vector.extract %slice3A_753[0] : f32 from vector<1xf32>
    %add3A_755 = arith.addf %add3A_752, %squeeze3A_754 : f32
    %slice3A_756 = vector.extract_strided_slice %scan3A_99#36 {offsets = [8], sizes = [1], strides = [1]} : vector<16xf32> to vector<1xf32>
    %squeeze3A_757 = vector.extract %slice3A_756[0] : f32 from vector<1xf32>
    %add3A_758 = arith.addf %add3A_755, %squeeze3A_757 : f32
    %slice3A_759 = vector.extract_strided_slice %scan3A_99#36 {offsets = [9], sizes = [1], strides = [1]} : vector<16xf32> to vector<1xf32>
    %squeeze3A_760 = vector.extract %slice3A_759[0] : f32 from vector<1xf32>
    %add3A_761 = arith.addf %add3A_758, %squeeze3A_760 : f32
    %slice3A_762 = vector.extract_strided_slice %scan3A_99#36 {offsets = [10], sizes = [1], strides = [1]} : vector<16xf32> to vector<1xf32>
    %squeeze3A_763 = vector.extract %slice3A_762[0] : f32 from vector<1xf32>
    %add3A_764 = arith.addf %add3A_761, %squeeze3A_763 : f32
    %slice3A_765 = vector.extract_strided_slice %scan3A_99#36 {offsets = [11], sizes = [1], strides = [1]} : vector<16xf32> to vector<1xf32>
    %squeeze3A_766 = vector.extract %slice3A_765[0] : f32 from vector<1xf32>
    %add3A_767 = arith.addf %add3A_764, %squeeze3A_766 : f32
    %slice3A_768 = vector.extract_strided_slice %scan3A_99#36 {offsets = [12], sizes = [1], strides = [1]} : vector<16xf32> to vector<1xf32>
    %squeeze3A_769 = vector.extract %slice3A_768[0] : f32 from vector<1xf32>
    %add3A_770 = arith.addf %add3A_767, %squeeze3A_769 : f32
    %slice3A_771 = vector.extract_strided_slice %scan3A_99#36 {offsets = [13], sizes = [1], strides = [1]} : vector<16xf32> to vector<1xf32>
    %squeeze3A_772 = vector.extract %slice3A_771[0] : f32 from vector<1xf32>
    %add3A_773 = arith.addf %add3A_770, %squeeze3A_772 : f32
    %slice3A_774 = vector.extract_strided_slice %scan3A_99#36 {offsets = [14], sizes = [1], strides = [1]} : vector<16xf32> to vector<1xf32>
    %squeeze3A_775 = vector.extract %slice3A_774[0] : f32 from vector<1xf32>
    %add3A_776 = arith.addf %add3A_773, %squeeze3A_775 : f32
    %slice3A_777 = vector.extract_strided_slice %scan3A_99#36 {offsets = [15], sizes = [1], strides = [1]} : vector<16xf32> to vector<1xf32>
    %squeeze3A_778 = vector.extract %slice3A_777[0] : f32 from vector<1xf32>
    %add3A_779 = arith.addf %add3A_776, %squeeze3A_778 : f32
    %eq3A_780 = arith.constant 12 : i32
    %eq3A_781 = vector.broadcast %eq3A_780 : i32 to vector<16xi32>
    %eq3A_782 = arith.cmpi eq, %iota3A, %eq3A_781 : vector<16xi32>
    %broadcast_in_dim3A_783 = vector.broadcast %add3A_779 : f32 to vector<16xf32>
    %select_n3A_784 = arith.select %eq3A_782, %broadcast_in_dim3A_783, %broadcast_in_dim3A_3 : vector<16xi1>, vector<16xf32>
    %add3A_785 = arith.addf %add3A_732, %select_n3A_784 : vector<16xf32>
    %slice3A_786 = vector.extract_strided_slice %scan3A_99#39 {offsets = [0], sizes = [1], strides = [1]} : vector<16xf32> to vector<1xf32>
    %squeeze3A_787 = vector.extract %slice3A_786[0] : f32 from vector<1xf32>
    %slice3A_788 = vector.extract_strided_slice %scan3A_99#39 {offsets = [1], sizes = [1], strides = [1]} : vector<16xf32> to vector<1xf32>
    %squeeze3A_789 = vector.extract %slice3A_788[0] : f32 from vector<1xf32>
    %add3A_790 = arith.addf %squeeze3A_787, %squeeze3A_789 : f32
    %slice3A_791 = vector.extract_strided_slice %scan3A_99#39 {offsets = [2], sizes = [1], strides = [1]} : vector<16xf32> to vector<1xf32>
    %squeeze3A_792 = vector.extract %slice3A_791[0] : f32 from vector<1xf32>
    %add3A_793 = arith.addf %add3A_790, %squeeze3A_792 : f32
    %slice3A_794 = vector.extract_strided_slice %scan3A_99#39 {offsets = [3], sizes = [1], strides = [1]} : vector<16xf32> to vector<1xf32>
    %squeeze3A_795 = vector.extract %slice3A_794[0] : f32 from vector<1xf32>
    %add3A_796 = arith.addf %add3A_793, %squeeze3A_795 : f32
    %slice3A_797 = vector.extract_strided_slice %scan3A_99#39 {offsets = [4], sizes = [1], strides = [1]} : vector<16xf32> to vector<1xf32>
    %squeeze3A_798 = vector.extract %slice3A_797[0] : f32 from vector<1xf32>
    %add3A_799 = arith.addf %add3A_796, %squeeze3A_798 : f32
    %slice3A_800 = vector.extract_strided_slice %scan3A_99#39 {offsets = [5], sizes = [1], strides = [1]} : vector<16xf32> to vector<1xf32>
    %squeeze3A_801 = vector.extract %slice3A_800[0] : f32 from vector<1xf32>
    %add3A_802 = arith.addf %add3A_799, %squeeze3A_801 : f32
    %slice3A_803 = vector.extract_strided_slice %scan3A_99#39 {offsets = [6], sizes = [1], strides = [1]} : vector<16xf32> to vector<1xf32>
    %squeeze3A_804 = vector.extract %slice3A_803[0] : f32 from vector<1xf32>
    %add3A_805 = arith.addf %add3A_802, %squeeze3A_804 : f32
    %slice3A_806 = vector.extract_strided_slice %scan3A_99#39 {offsets = [7], sizes = [1], strides = [1]} : vector<16xf32> to vector<1xf32>
    %squeeze3A_807 = vector.extract %slice3A_806[0] : f32 from vector<1xf32>
    %add3A_808 = arith.addf %add3A_805, %squeeze3A_807 : f32
    %slice3A_809 = vector.extract_strided_slice %scan3A_99#39 {offsets = [8], sizes = [1], strides = [1]} : vector<16xf32> to vector<1xf32>
    %squeeze3A_810 = vector.extract %slice3A_809[0] : f32 from vector<1xf32>
    %add3A_811 = arith.addf %add3A_808, %squeeze3A_810 : f32
    %slice3A_812 = vector.extract_strided_slice %scan3A_99#39 {offsets = [9], sizes = [1], strides = [1]} : vector<16xf32> to vector<1xf32>
    %squeeze3A_813 = vector.extract %slice3A_812[0] : f32 from vector<1xf32>
    %add3A_814 = arith.addf %add3A_811, %squeeze3A_813 : f32
    %slice3A_815 = vector.extract_strided_slice %scan3A_99#39 {offsets = [10], sizes = [1], strides = [1]} : vector<16xf32> to vector<1xf32>
    %squeeze3A_816 = vector.extract %slice3A_815[0] : f32 from vector<1xf32>
    %add3A_817 = arith.addf %add3A_814, %squeeze3A_816 : f32
    %slice3A_818 = vector.extract_strided_slice %scan3A_99#39 {offsets = [11], sizes = [1], strides = [1]} : vector<16xf32> to vector<1xf32>
    %squeeze3A_819 = vector.extract %slice3A_818[0] : f32 from vector<1xf32>
    %add3A_820 = arith.addf %add3A_817, %squeeze3A_819 : f32
    %slice3A_821 = vector.extract_strided_slice %scan3A_99#39 {offsets = [12], sizes = [1], strides = [1]} : vector<16xf32> to vector<1xf32>
    %squeeze3A_822 = vector.extract %slice3A_821[0] : f32 from vector<1xf32>
    %add3A_823 = arith.addf %add3A_820, %squeeze3A_822 : f32
    %slice3A_824 = vector.extract_strided_slice %scan3A_99#39 {offsets = [13], sizes = [1], strides = [1]} : vector<16xf32> to vector<1xf32>
    %squeeze3A_825 = vector.extract %slice3A_824[0] : f32 from vector<1xf32>
    %add3A_826 = arith.addf %add3A_823, %squeeze3A_825 : f32
    %slice3A_827 = vector.extract_strided_slice %scan3A_99#39 {offsets = [14], sizes = [1], strides = [1]} : vector<16xf32> to vector<1xf32>
    %squeeze3A_828 = vector.extract %slice3A_827[0] : f32 from vector<1xf32>
    %add3A_829 = arith.addf %add3A_826, %squeeze3A_828 : f32
    %slice3A_830 = vector.extract_strided_slice %scan3A_99#39 {offsets = [15], sizes = [1], strides = [1]} : vector<16xf32> to vector<1xf32>
    %squeeze3A_831 = vector.extract %slice3A_830[0] : f32 from vector<1xf32>
    %add3A_832 = arith.addf %add3A_829, %squeeze3A_831 : f32
    %eq3A_833 = arith.constant 13 : i32
    %eq3A_834 = vector.broadcast %eq3A_833 : i32 to vector<16xi32>
    %eq3A_835 = arith.cmpi eq, %iota3A, %eq3A_834 : vector<16xi32>
    %broadcast_in_dim3A_836 = vector.broadcast %add3A_832 : f32 to vector<16xf32>
    %select_n3A_837 = arith.select %eq3A_835, %broadcast_in_dim3A_836, %broadcast_in_dim3A_3 : vector<16xi1>, vector<16xf32>
    %add3A_838 = arith.addf %add3A_785, %select_n3A_837 : vector<16xf32>
    %slice3A_839 = vector.extract_strided_slice %scan3A_99#42 {offsets = [0], sizes = [1], strides = [1]} : vector<16xf32> to vector<1xf32>
    %squeeze3A_840 = vector.extract %slice3A_839[0] : f32 from vector<1xf32>
    %slice3A_841 = vector.extract_strided_slice %scan3A_99#42 {offsets = [1], sizes = [1], strides = [1]} : vector<16xf32> to vector<1xf32>
    %squeeze3A_842 = vector.extract %slice3A_841[0] : f32 from vector<1xf32>
    %add3A_843 = arith.addf %squeeze3A_840, %squeeze3A_842 : f32
    %slice3A_844 = vector.extract_strided_slice %scan3A_99#42 {offsets = [2], sizes = [1], strides = [1]} : vector<16xf32> to vector<1xf32>
    %squeeze3A_845 = vector.extract %slice3A_844[0] : f32 from vector<1xf32>
    %add3A_846 = arith.addf %add3A_843, %squeeze3A_845 : f32
    %slice3A_847 = vector.extract_strided_slice %scan3A_99#42 {offsets = [3], sizes = [1], strides = [1]} : vector<16xf32> to vector<1xf32>
    %squeeze3A_848 = vector.extract %slice3A_847[0] : f32 from vector<1xf32>
    %add3A_849 = arith.addf %add3A_846, %squeeze3A_848 : f32
    %slice3A_850 = vector.extract_strided_slice %scan3A_99#42 {offsets = [4], sizes = [1], strides = [1]} : vector<16xf32> to vector<1xf32>
    %squeeze3A_851 = vector.extract %slice3A_850[0] : f32 from vector<1xf32>
    %add3A_852 = arith.addf %add3A_849, %squeeze3A_851 : f32
    %slice3A_853 = vector.extract_strided_slice %scan3A_99#42 {offsets = [5], sizes = [1], strides = [1]} : vector<16xf32> to vector<1xf32>
    %squeeze3A_854 = vector.extract %slice3A_853[0] : f32 from vector<1xf32>
    %add3A_855 = arith.addf %add3A_852, %squeeze3A_854 : f32
    %slice3A_856 = vector.extract_strided_slice %scan3A_99#42 {offsets = [6], sizes = [1], strides = [1]} : vector<16xf32> to vector<1xf32>
    %squeeze3A_857 = vector.extract %slice3A_856[0] : f32 from vector<1xf32>
    %add3A_858 = arith.addf %add3A_855, %squeeze3A_857 : f32
    %slice3A_859 = vector.extract_strided_slice %scan3A_99#42 {offsets = [7], sizes = [1], strides = [1]} : vector<16xf32> to vector<1xf32>
    %squeeze3A_860 = vector.extract %slice3A_859[0] : f32 from vector<1xf32>
    %add3A_861 = arith.addf %add3A_858, %squeeze3A_860 : f32
    %slice3A_862 = vector.extract_strided_slice %scan3A_99#42 {offsets = [8], sizes = [1], strides = [1]} : vector<16xf32> to vector<1xf32>
    %squeeze3A_863 = vector.extract %slice3A_862[0] : f32 from vector<1xf32>
    %add3A_864 = arith.addf %add3A_861, %squeeze3A_863 : f32
    %slice3A_865 = vector.extract_strided_slice %scan3A_99#42 {offsets = [9], sizes = [1], strides = [1]} : vector<16xf32> to vector<1xf32>
    %squeeze3A_866 = vector.extract %slice3A_865[0] : f32 from vector<1xf32>
    %add3A_867 = arith.addf %add3A_864, %squeeze3A_866 : f32
    %slice3A_868 = vector.extract_strided_slice %scan3A_99#42 {offsets = [10], sizes = [1], strides = [1]} : vector<16xf32> to vector<1xf32>
    %squeeze3A_869 = vector.extract %slice3A_868[0] : f32 from vector<1xf32>
    %add3A_870 = arith.addf %add3A_867, %squeeze3A_869 : f32
    %slice3A_871 = vector.extract_strided_slice %scan3A_99#42 {offsets = [11], sizes = [1], strides = [1]} : vector<16xf32> to vector<1xf32>
    %squeeze3A_872 = vector.extract %slice3A_871[0] : f32 from vector<1xf32>
    %add3A_873 = arith.addf %add3A_870, %squeeze3A_872 : f32
    %slice3A_874 = vector.extract_strided_slice %scan3A_99#42 {offsets = [12], sizes = [1], strides = [1]} : vector<16xf32> to vector<1xf32>
    %squeeze3A_875 = vector.extract %slice3A_874[0] : f32 from vector<1xf32>
    %add3A_876 = arith.addf %add3A_873, %squeeze3A_875 : f32
    %slice3A_877 = vector.extract_strided_slice %scan3A_99#42 {offsets = [13], sizes = [1], strides = [1]} : vector<16xf32> to vector<1xf32>
    %squeeze3A_878 = vector.extract %slice3A_877[0] : f32 from vector<1xf32>
    %add3A_879 = arith.addf %add3A_876, %squeeze3A_878 : f32
    %slice3A_880 = vector.extract_strided_slice %scan3A_99#42 {offsets = [14], sizes = [1], strides = [1]} : vector<16xf32> to vector<1xf32>
    %squeeze3A_881 = vector.extract %slice3A_880[0] : f32 from vector<1xf32>
    %add3A_882 = arith.addf %add3A_879, %squeeze3A_881 : f32
    %slice3A_883 = vector.extract_strided_slice %scan3A_99#42 {offsets = [15], sizes = [1], strides = [1]} : vector<16xf32> to vector<1xf32>
    %squeeze3A_884 = vector.extract %slice3A_883[0] : f32 from vector<1xf32>
    %add3A_885 = arith.addf %add3A_882, %squeeze3A_884 : f32
    %eq3A_886 = arith.constant 14 : i32
    %eq3A_887 = vector.broadcast %eq3A_886 : i32 to vector<16xi32>
    %eq3A_888 = arith.cmpi eq, %iota3A, %eq3A_887 : vector<16xi32>
    %broadcast_in_dim3A_889 = vector.broadcast %add3A_885 : f32 to vector<16xf32>
    %select_n3A_890 = arith.select %eq3A_888, %broadcast_in_dim3A_889, %broadcast_in_dim3A_3 : vector<16xi1>, vector<16xf32>
    %add3A_891 = arith.addf %add3A_838, %select_n3A_890 : vector<16xf32>
    %swap3A = arith.constant 0 : index
    %swap3A_892 = tpu.vector_load %arg7[%swap3A] {strides = array<i32>} : memref<48xf32, #tpu.memory_space<vmem>>, vector<16xf32>,
    %swap3A_893 = vector.shape_cast %swap3A_892 : vector<16xf32> to vector<16xf32>
    %swap3A_894 = vector.shape_cast %add3A_891 : vector<16xf32> to vector<16xf32>
    tpu.vector_store %arg7[%swap3A], %swap3A_894 {strides = array<i32>} : memref<48xf32, #tpu.memory_space<vmem>>, vector<16xf32>,
    %slice3A_895 = vector.extract_strided_slice %scan3A_99#1 {offsets = [0], sizes = [1], strides = [1]} : vector<16xf32> to vector<1xf32>
    %squeeze3A_896 = vector.extract %slice3A_895[0] : f32 from vector<1xf32>
    %slice3A_897 = vector.extract_strided_slice %scan3A_99#1 {offsets = [1], sizes = [1], strides = [1]} : vector<16xf32> to vector<1xf32>
    %squeeze3A_898 = vector.extract %slice3A_897[0] : f32 from vector<1xf32>
    %add3A_899 = arith.addf %squeeze3A_896, %squeeze3A_898 : f32
    %slice3A_900 = vector.extract_strided_slice %scan3A_99#1 {offsets = [2], sizes = [1], strides = [1]} : vector<16xf32> to vector<1xf32>
    %squeeze3A_901 = vector.extract %slice3A_900[0] : f32 from vector<1xf32>
    %add3A_902 = arith.addf %add3A_899, %squeeze3A_901 : f32
    %slice3A_903 = vector.extract_strided_slice %scan3A_99#1 {offsets = [3], sizes = [1], strides = [1]} : vector<16xf32> to vector<1xf32>
    %squeeze3A_904 = vector.extract %slice3A_903[0] : f32 from vector<1xf32>
    %add3A_905 = arith.addf %add3A_902, %squeeze3A_904 : f32
    %slice3A_906 = vector.extract_strided_slice %scan3A_99#1 {offsets = [4], sizes = [1], strides = [1]} : vector<16xf32> to vector<1xf32>
    %squeeze3A_907 = vector.extract %slice3A_906[0] : f32 from vector<1xf32>
    %add3A_908 = arith.addf %add3A_905, %squeeze3A_907 : f32
    %slice3A_909 = vector.extract_strided_slice %scan3A_99#1 {offsets = [5], sizes = [1], strides = [1]} : vector<16xf32> to vector<1xf32>
    %squeeze3A_910 = vector.extract %slice3A_909[0] : f32 from vector<1xf32>
    %add3A_911 = arith.addf %add3A_908, %squeeze3A_910 : f32
    %slice3A_912 = vector.extract_strided_slice %scan3A_99#1 {offsets = [6], sizes = [1], strides = [1]} : vector<16xf32> to vector<1xf32>
    %squeeze3A_913 = vector.extract %slice3A_912[0] : f32 from vector<1xf32>
    %add3A_914 = arith.addf %add3A_911, %squeeze3A_913 : f32
    %slice3A_915 = vector.extract_strided_slice %scan3A_99#1 {offsets = [7], sizes = [1], strides = [1]} : vector<16xf32> to vector<1xf32>
    %squeeze3A_916 = vector.extract %slice3A_915[0] : f32 from vector<1xf32>
    %add3A_917 = arith.addf %add3A_914, %squeeze3A_916 : f32
    %slice3A_918 = vector.extract_strided_slice %scan3A_99#1 {offsets = [8], sizes = [1], strides = [1]} : vector<16xf32> to vector<1xf32>
    %squeeze3A_919 = vector.extract %slice3A_918[0] : f32 from vector<1xf32>
    %add3A_920 = arith.addf %add3A_917, %squeeze3A_919 : f32
    %slice3A_921 = vector.extract_strided_slice %scan3A_99#1 {offsets = [9], sizes = [1], strides = [1]} : vector<16xf32> to vector<1xf32>
    %squeeze3A_922 = vector.extract %slice3A_921[0] : f32 from vector<1xf32>
    %add3A_923 = arith.addf %add3A_920, %squeeze3A_922 : f32
    %slice3A_924 = vector.extract_strided_slice %scan3A_99#1 {offsets = [10], sizes = [1], strides = [1]} : vector<16xf32> to vector<1xf32>
    %squeeze3A_925 = vector.extract %slice3A_924[0] : f32 from vector<1xf32>
    %add3A_926 = arith.addf %add3A_923, %squeeze3A_925 : f32
    %slice3A_927 = vector.extract_strided_slice %scan3A_99#1 {offsets = [11], sizes = [1], strides = [1]} : vector<16xf32> to vector<1xf32>
    %squeeze3A_928 = vector.extract %slice3A_927[0] : f32 from vector<1xf32>
    %add3A_929 = arith.addf %add3A_926, %squeeze3A_928 : f32
    %slice3A_930 = vector.extract_strided_slice %scan3A_99#1 {offsets = [12], sizes = [1], strides = [1]} : vector<16xf32> to vector<1xf32>
    %squeeze3A_931 = vector.extract %slice3A_930[0] : f32 from vector<1xf32>
    %add3A_932 = arith.addf %add3A_929, %squeeze3A_931 : f32
    %slice3A_933 = vector.extract_strided_slice %scan3A_99#1 {offsets = [13], sizes = [1], strides = [1]} : vector<16xf32> to vector<1xf32>
    %squeeze3A_934 = vector.extract %slice3A_933[0] : f32 from vector<1xf32>
    %add3A_935 = arith.addf %add3A_932, %squeeze3A_934 : f32
    %slice3A_936 = vector.extract_strided_slice %scan3A_99#1 {offsets = [14], sizes = [1], strides = [1]} : vector<16xf32> to vector<1xf32>
    %squeeze3A_937 = vector.extract %slice3A_936[0] : f32 from vector<1xf32>
    %add3A_938 = arith.addf %add3A_935, %squeeze3A_937 : f32
    %slice3A_939 = vector.extract_strided_slice %scan3A_99#1 {offsets = [15], sizes = [1], strides = [1]} : vector<16xf32> to vector<1xf32>
    %squeeze3A_940 = vector.extract %slice3A_939[0] : f32 from vector<1xf32>
    %add3A_941 = arith.addf %add3A_938, %squeeze3A_940 : f32
    %eq3A_942 = arith.constant 0 : i32
    %eq3A_943 = vector.broadcast %eq3A_942 : i32 to vector<16xi32>
    %eq3A_944 = arith.cmpi eq, %iota3A, %eq3A_943 : vector<16xi32>
    %broadcast_in_dim3A_945 = vector.broadcast %add3A_941 : f32 to vector<16xf32>
    %select_n3A_946 = arith.select %eq3A_944, %broadcast_in_dim3A_945, %broadcast_in_dim3A_3 : vector<16xi1>, vector<16xf32>
    %add3A_947 = arith.addf %broadcast_in_dim3A_3, %select_n3A_946 : vector<16xf32>
    %slice3A_948 = vector.extract_strided_slice %scan3A_99#4 {offsets = [0], sizes = [1], strides = [1]} : vector<16xf32> to vector<1xf32>
    %squeeze3A_949 = vector.extract %slice3A_948[0] : f32 from vector<1xf32>
    %slice3A_950 = vector.extract_strided_slice %scan3A_99#4 {offsets = [1], sizes = [1], strides = [1]} : vector<16xf32> to vector<1xf32>
    %squeeze3A_951 = vector.extract %slice3A_950[0] : f32 from vector<1xf32>
    %add3A_952 = arith.addf %squeeze3A_949, %squeeze3A_951 : f32
    %slice3A_953 = vector.extract_strided_slice %scan3A_99#4 {offsets = [2], sizes = [1], strides = [1]} : vector<16xf32> to vector<1xf32>
    %squeeze3A_954 = vector.extract %slice3A_953[0] : f32 from vector<1xf32>
    %add3A_955 = arith.addf %add3A_952, %squeeze3A_954 : f32
    %slice3A_956 = vector.extract_strided_slice %scan3A_99#4 {offsets = [3], sizes = [1], strides = [1]} : vector<16xf32> to vector<1xf32>
    %squeeze3A_957 = vector.extract %slice3A_956[0] : f32 from vector<1xf32>
    %add3A_958 = arith.addf %add3A_955, %squeeze3A_957 : f32
    %slice3A_959 = vector.extract_strided_slice %scan3A_99#4 {offsets = [4], sizes = [1], strides = [1]} : vector<16xf32> to vector<1xf32>
    %squeeze3A_960 = vector.extract %slice3A_959[0] : f32 from vector<1xf32>
    %add3A_961 = arith.addf %add3A_958, %squeeze3A_960 : f32
    %slice3A_962 = vector.extract_strided_slice %scan3A_99#4 {offsets = [5], sizes = [1], strides = [1]} : vector<16xf32> to vector<1xf32>
    %squeeze3A_963 = vector.extract %slice3A_962[0] : f32 from vector<1xf32>
    %add3A_964 = arith.addf %add3A_961, %squeeze3A_963 : f32
    %slice3A_965 = vector.extract_strided_slice %scan3A_99#4 {offsets = [6], sizes = [1], strides = [1]} : vector<16xf32> to vector<1xf32>
    %squeeze3A_966 = vector.extract %slice3A_965[0] : f32 from vector<1xf32>
    %add3A_967 = arith.addf %add3A_964, %squeeze3A_966 : f32
    %slice3A_968 = vector.extract_strided_slice %scan3A_99#4 {offsets = [7], sizes = [1], strides = [1]} : vector<16xf32> to vector<1xf32>
    %squeeze3A_969 = vector.extract %slice3A_968[0] : f32 from vector<1xf32>
    %add3A_970 = arith.addf %add3A_967, %squeeze3A_969 : f32
    %slice3A_971 = vector.extract_strided_slice %scan3A_99#4 {offsets = [8], sizes = [1], strides = [1]} : vector<16xf32> to vector<1xf32>
    %squeeze3A_972 = vector.extract %slice3A_971[0] : f32 from vector<1xf32>
    %add3A_973 = arith.addf %add3A_970, %squeeze3A_972 : f32
    %slice3A_974 = vector.extract_strided_slice %scan3A_99#4 {offsets = [9], sizes = [1], strides = [1]} : vector<16xf32> to vector<1xf32>
    %squeeze3A_975 = vector.extract %slice3A_974[0] : f32 from vector<1xf32>
    %add3A_976 = arith.addf %add3A_973, %squeeze3A_975 : f32
    %slice3A_977 = vector.extract_strided_slice %scan3A_99#4 {offsets = [10], sizes = [1], strides = [1]} : vector<16xf32> to vector<1xf32>
    %squeeze3A_978 = vector.extract %slice3A_977[0] : f32 from vector<1xf32>
    %add3A_979 = arith.addf %add3A_976, %squeeze3A_978 : f32
    %slice3A_980 = vector.extract_strided_slice %scan3A_99#4 {offsets = [11], sizes = [1], strides = [1]} : vector<16xf32> to vector<1xf32>
    %squeeze3A_981 = vector.extract %slice3A_980[0] : f32 from vector<1xf32>
    %add3A_982 = arith.addf %add3A_979, %squeeze3A_981 : f32
    %slice3A_983 = vector.extract_strided_slice %scan3A_99#4 {offsets = [12], sizes = [1], strides = [1]} : vector<16xf32> to vector<1xf32>
    %squeeze3A_984 = vector.extract %slice3A_983[0] : f32 from vector<1xf32>
    %add3A_985 = arith.addf %add3A_982, %squeeze3A_984 : f32
    %slice3A_986 = vector.extract_strided_slice %scan3A_99#4 {offsets = [13], sizes = [1], strides = [1]} : vector<16xf32> to vector<1xf32>
    %squeeze3A_987 = vector.extract %slice3A_986[0] : f32 from vector<1xf32>
    %add3A_988 = arith.addf %add3A_985, %squeeze3A_987 : f32
    %slice3A_989 = vector.extract_strided_slice %scan3A_99#4 {offsets = [14], sizes = [1], strides = [1]} : vector<16xf32> to vector<1xf32>
    %squeeze3A_990 = vector.extract %slice3A_989[0] : f32 from vector<1xf32>
    %add3A_991 = arith.addf %add3A_988, %squeeze3A_990 : f32
    %slice3A_992 = vector.extract_strided_slice %scan3A_99#4 {offsets = [15], sizes = [1], strides = [1]} : vector<16xf32> to vector<1xf32>
    %squeeze3A_993 = vector.extract %slice3A_992[0] : f32 from vector<1xf32>
    %add3A_994 = arith.addf %add3A_991, %squeeze3A_993 : f32
    %eq3A_995 = arith.constant 1 : i32
    %eq3A_996 = vector.broadcast %eq3A_995 : i32 to vector<16xi32>
    %eq3A_997 = arith.cmpi eq, %iota3A, %eq3A_996 : vector<16xi32>
    %broadcast_in_dim3A_998 = vector.broadcast %add3A_994 : f32 to vector<16xf32>
    %select_n3A_999 = arith.select %eq3A_997, %broadcast_in_dim3A_998, %broadcast_in_dim3A_3 : vector<16xi1>, vector<16xf32>
    %add3A_1000 = arith.addf %add3A_947, %select_n3A_999 : vector<16xf32>
    %slice3A_1001 = vector.extract_strided_slice %scan3A_99#7 {offsets = [0], sizes = [1], strides = [1]} : vector<16xf32> to vector<1xf32>
    %squeeze3A_1002 = vector.extract %slice3A_1001[0] : f32 from vector<1xf32>
    %slice3A_1003 = vector.extract_strided_slice %scan3A_99#7 {offsets = [1], sizes = [1], strides = [1]} : vector<16xf32> to vector<1xf32>
    %squeeze3A_1004 = vector.extract %slice3A_1003[0] : f32 from vector<1xf32>
    %add3A_1005 = arith.addf %squeeze3A_1002, %squeeze3A_1004 : f32
    %slice3A_1006 = vector.extract_strided_slice %scan3A_99#7 {offsets = [2], sizes = [1], strides = [1]} : vector<16xf32> to vector<1xf32>
    %squeeze3A_1007 = vector.extract %slice3A_1006[0] : f32 from vector<1xf32>
    %add3A_1008 = arith.addf %add3A_1005, %squeeze3A_1007 : f32
    %slice3A_1009 = vector.extract_strided_slice %scan3A_99#7 {offsets = [3], sizes = [1], strides = [1]} : vector<16xf32> to vector<1xf32>
    %squeeze3A_1010 = vector.extract %slice3A_1009[0] : f32 from vector<1xf32>
    %add3A_1011 = arith.addf %add3A_1008, %squeeze3A_1010 : f32
    %slice3A_1012 = vector.extract_strided_slice %scan3A_99#7 {offsets = [4], sizes = [1], strides = [1]} : vector<16xf32> to vector<1xf32>
    %squeeze3A_1013 = vector.extract %slice3A_1012[0] : f32 from vector<1xf32>
    %add3A_1014 = arith.addf %add3A_1011, %squeeze3A_1013 : f32
    %slice3A_1015 = vector.extract_strided_slice %scan3A_99#7 {offsets = [5], sizes = [1], strides = [1]} : vector<16xf32> to vector<1xf32>
    %squeeze3A_1016 = vector.extract %slice3A_1015[0] : f32 from vector<1xf32>
    %add3A_1017 = arith.addf %add3A_1014, %squeeze3A_1016 : f32
    %slice3A_1018 = vector.extract_strided_slice %scan3A_99#7 {offsets = [6], sizes = [1], strides = [1]} : vector<16xf32> to vector<1xf32>
    %squeeze3A_1019 = vector.extract %slice3A_1018[0] : f32 from vector<1xf32>
    %add3A_1020 = arith.addf %add3A_1017, %squeeze3A_1019 : f32
    %slice3A_1021 = vector.extract_strided_slice %scan3A_99#7 {offsets = [7], sizes = [1], strides = [1]} : vector<16xf32> to vector<1xf32>
    %squeeze3A_1022 = vector.extract %slice3A_1021[0] : f32 from vector<1xf32>
    %add3A_1023 = arith.addf %add3A_1020, %squeeze3A_1022 : f32
    %slice3A_1024 = vector.extract_strided_slice %scan3A_99#7 {offsets = [8], sizes = [1], strides = [1]} : vector<16xf32> to vector<1xf32>
    %squeeze3A_1025 = vector.extract %slice3A_1024[0] : f32 from vector<1xf32>
    %add3A_1026 = arith.addf %add3A_1023, %squeeze3A_1025 : f32
    %slice3A_1027 = vector.extract_strided_slice %scan3A_99#7 {offsets = [9], sizes = [1], strides = [1]} : vector<16xf32> to vector<1xf32>
    %squeeze3A_1028 = vector.extract %slice3A_1027[0] : f32 from vector<1xf32>
    %add3A_1029 = arith.addf %add3A_1026, %squeeze3A_1028 : f32
    %slice3A_1030 = vector.extract_strided_slice %scan3A_99#7 {offsets = [10], sizes = [1], strides = [1]} : vector<16xf32> to vector<1xf32>
    %squeeze3A_1031 = vector.extract %slice3A_1030[0] : f32 from vector<1xf32>
    %add3A_1032 = arith.addf %add3A_1029, %squeeze3A_1031 : f32
    %slice3A_1033 = vector.extract_strided_slice %scan3A_99#7 {offsets = [11], sizes = [1], strides = [1]} : vector<16xf32> to vector<1xf32>
    %squeeze3A_1034 = vector.extract %slice3A_1033[0] : f32 from vector<1xf32>
    %add3A_1035 = arith.addf %add3A_1032, %squeeze3A_1034 : f32
    %slice3A_1036 = vector.extract_strided_slice %scan3A_99#7 {offsets = [12], sizes = [1], strides = [1]} : vector<16xf32> to vector<1xf32>
    %squeeze3A_1037 = vector.extract %slice3A_1036[0] : f32 from vector<1xf32>
    %add3A_1038 = arith.addf %add3A_1035, %squeeze3A_1037 : f32
    %slice3A_1039 = vector.extract_strided_slice %scan3A_99#7 {offsets = [13], sizes = [1], strides = [1]} : vector<16xf32> to vector<1xf32>
    %squeeze3A_1040 = vector.extract %slice3A_1039[0] : f32 from vector<1xf32>
    %add3A_1041 = arith.addf %add3A_1038, %squeeze3A_1040 : f32
    %slice3A_1042 = vector.extract_strided_slice %scan3A_99#7 {offsets = [14], sizes = [1], strides = [1]} : vector<16xf32> to vector<1xf32>
    %squeeze3A_1043 = vector.extract %slice3A_1042[0] : f32 from vector<1xf32>
    %add3A_1044 = arith.addf %add3A_1041, %squeeze3A_1043 : f32
    %slice3A_1045 = vector.extract_strided_slice %scan3A_99#7 {offsets = [15], sizes = [1], strides = [1]} : vector<16xf32> to vector<1xf32>
    %squeeze3A_1046 = vector.extract %slice3A_1045[0] : f32 from vector<1xf32>
    %add3A_1047 = arith.addf %add3A_1044, %squeeze3A_1046 : f32
    %eq3A_1048 = arith.constant 2 : i32
    %eq3A_1049 = vector.broadcast %eq3A_1048 : i32 to vector<16xi32>
    %eq3A_1050 = arith.cmpi eq, %iota3A, %eq3A_1049 : vector<16xi32>
    %broadcast_in_dim3A_1051 = vector.broadcast %add3A_1047 : f32 to vector<16xf32>
    %select_n3A_1052 = arith.select %eq3A_1050, %broadcast_in_dim3A_1051, %broadcast_in_dim3A_3 : vector<16xi1>, vector<16xf32>
    %add3A_1053 = arith.addf %add3A_1000, %select_n3A_1052 : vector<16xf32>
    %slice3A_1054 = vector.extract_strided_slice %scan3A_99#10 {offsets = [0], sizes = [1], strides = [1]} : vector<16xf32> to vector<1xf32>
    %squeeze3A_1055 = vector.extract %slice3A_1054[0] : f32 from vector<1xf32>
    %slice3A_1056 = vector.extract_strided_slice %scan3A_99#10 {offsets = [1], sizes = [1], strides = [1]} : vector<16xf32> to vector<1xf32>
    %squeeze3A_1057 = vector.extract %slice3A_1056[0] : f32 from vector<1xf32>
    %add3A_1058 = arith.addf %squeeze3A_1055, %squeeze3A_1057 : f32
    %slice3A_1059 = vector.extract_strided_slice %scan3A_99#10 {offsets = [2], sizes = [1], strides = [1]} : vector<16xf32> to vector<1xf32>
    %squeeze3A_1060 = vector.extract %slice3A_1059[0] : f32 from vector<1xf32>
    %add3A_1061 = arith.addf %add3A_1058, %squeeze3A_1060 : f32
    %slice3A_1062 = vector.extract_strided_slice %scan3A_99#10 {offsets = [3], sizes = [1], strides = [1]} : vector<16xf32> to vector<1xf32>
    %squeeze3A_1063 = vector.extract %slice3A_1062[0] : f32 from vector<1xf32>
    %add3A_1064 = arith.addf %add3A_1061, %squeeze3A_1063 : f32
    %slice3A_1065 = vector.extract_strided_slice %scan3A_99#10 {offsets = [4], sizes = [1], strides = [1]} : vector<16xf32> to vector<1xf32>
    %squeeze3A_1066 = vector.extract %slice3A_1065[0] : f32 from vector<1xf32>
    %add3A_1067 = arith.addf %add3A_1064, %squeeze3A_1066 : f32
    %slice3A_1068 = vector.extract_strided_slice %scan3A_99#10 {offsets = [5], sizes = [1], strides = [1]} : vector<16xf32> to vector<1xf32>
    %squeeze3A_1069 = vector.extract %slice3A_1068[0] : f32 from vector<1xf32>
    %add3A_1070 = arith.addf %add3A_1067, %squeeze3A_1069 : f32
    %slice3A_1071 = vector.extract_strided_slice %scan3A_99#10 {offsets = [6], sizes = [1], strides = [1]} : vector<16xf32> to vector<1xf32>
    %squeeze3A_1072 = vector.extract %slice3A_1071[0] : f32 from vector<1xf32>
    %add3A_1073 = arith.addf %add3A_1070, %squeeze3A_1072 : f32
    %slice3A_1074 = vector.extract_strided_slice %scan3A_99#10 {offsets = [7], sizes = [1], strides = [1]} : vector<16xf32> to vector<1xf32>
    %squeeze3A_1075 = vector.extract %slice3A_1074[0] : f32 from vector<1xf32>
    %add3A_1076 = arith.addf %add3A_1073, %squeeze3A_1075 : f32
    %slice3A_1077 = vector.extract_strided_slice %scan3A_99#10 {offsets = [8], sizes = [1], strides = [1]} : vector<16xf32> to vector<1xf32>
    %squeeze3A_1078 = vector.extract %slice3A_1077[0] : f32 from vector<1xf32>
    %add3A_1079 = arith.addf %add3A_1076, %squeeze3A_1078 : f32
    %slice3A_1080 = vector.extract_strided_slice %scan3A_99#10 {offsets = [9], sizes = [1], strides = [1]} : vector<16xf32> to vector<1xf32>
    %squeeze3A_1081 = vector.extract %slice3A_1080[0] : f32 from vector<1xf32>
    %add3A_1082 = arith.addf %add3A_1079, %squeeze3A_1081 : f32
    %slice3A_1083 = vector.extract_strided_slice %scan3A_99#10 {offsets = [10], sizes = [1], strides = [1]} : vector<16xf32> to vector<1xf32>
    %squeeze3A_1084 = vector.extract %slice3A_1083[0] : f32 from vector<1xf32>
    %add3A_1085 = arith.addf %add3A_1082, %squeeze3A_1084 : f32
    %slice3A_1086 = vector.extract_strided_slice %scan3A_99#10 {offsets = [11], sizes = [1], strides = [1]} : vector<16xf32> to vector<1xf32>
    %squeeze3A_1087 = vector.extract %slice3A_1086[0] : f32 from vector<1xf32>
    %add3A_1088 = arith.addf %add3A_1085, %squeeze3A_1087 : f32
    %slice3A_1089 = vector.extract_strided_slice %scan3A_99#10 {offsets = [12], sizes = [1], strides = [1]} : vector<16xf32> to vector<1xf32>
    %squeeze3A_1090 = vector.extract %slice3A_1089[0] : f32 from vector<1xf32>
    %add3A_1091 = arith.addf %add3A_1088, %squeeze3A_1090 : f32
    %slice3A_1092 = vector.extract_strided_slice %scan3A_99#10 {offsets = [13], sizes = [1], strides = [1]} : vector<16xf32> to vector<1xf32>
    %squeeze3A_1093 = vector.extract %slice3A_1092[0] : f32 from vector<1xf32>
    %add3A_1094 = arith.addf %add3A_1091, %squeeze3A_1093 : f32
    %slice3A_1095 = vector.extract_strided_slice %scan3A_99#10 {offsets = [14], sizes = [1], strides = [1]} : vector<16xf32> to vector<1xf32>
    %squeeze3A_1096 = vector.extract %slice3A_1095[0] : f32 from vector<1xf32>
    %add3A_1097 = arith.addf %add3A_1094, %squeeze3A_1096 : f32
    %slice3A_1098 = vector.extract_strided_slice %scan3A_99#10 {offsets = [15], sizes = [1], strides = [1]} : vector<16xf32> to vector<1xf32>
    %squeeze3A_1099 = vector.extract %slice3A_1098[0] : f32 from vector<1xf32>
    %add3A_1100 = arith.addf %add3A_1097, %squeeze3A_1099 : f32
    %eq3A_1101 = arith.constant 3 : i32
    %eq3A_1102 = vector.broadcast %eq3A_1101 : i32 to vector<16xi32>
    %eq3A_1103 = arith.cmpi eq, %iota3A, %eq3A_1102 : vector<16xi32>
    %broadcast_in_dim3A_1104 = vector.broadcast %add3A_1100 : f32 to vector<16xf32>
    %select_n3A_1105 = arith.select %eq3A_1103, %broadcast_in_dim3A_1104, %broadcast_in_dim3A_3 : vector<16xi1>, vector<16xf32>
    %add3A_1106 = arith.addf %add3A_1053, %select_n3A_1105 : vector<16xf32>
    %slice3A_1107 = vector.extract_strided_slice %scan3A_99#13 {offsets = [0], sizes = [1], strides = [1]} : vector<16xf32> to vector<1xf32>
    %squeeze3A_1108 = vector.extract %slice3A_1107[0] : f32 from vector<1xf32>
    %slice3A_1109 = vector.extract_strided_slice %scan3A_99#13 {offsets = [1], sizes = [1], strides = [1]} : vector<16xf32> to vector<1xf32>
    %squeeze3A_1110 = vector.extract %slice3A_1109[0] : f32 from vector<1xf32>
    %add3A_1111 = arith.addf %squeeze3A_1108, %squeeze3A_1110 : f32
    %slice3A_1112 = vector.extract_strided_slice %scan3A_99#13 {offsets = [2], sizes = [1], strides = [1]} : vector<16xf32> to vector<1xf32>
    %squeeze3A_1113 = vector.extract %slice3A_1112[0] : f32 from vector<1xf32>
    %add3A_1114 = arith.addf %add3A_1111, %squeeze3A_1113 : f32
    %slice3A_1115 = vector.extract_strided_slice %scan3A_99#13 {offsets = [3], sizes = [1], strides = [1]} : vector<16xf32> to vector<1xf32>
    %squeeze3A_1116 = vector.extract %slice3A_1115[0] : f32 from vector<1xf32>
    %add3A_1117 = arith.addf %add3A_1114, %squeeze3A_1116 : f32
    %slice3A_1118 = vector.extract_strided_slice %scan3A_99#13 {offsets = [4], sizes = [1], strides = [1]} : vector<16xf32> to vector<1xf32>
    %squeeze3A_1119 = vector.extract %slice3A_1118[0] : f32 from vector<1xf32>
    %add3A_1120 = arith.addf %add3A_1117, %squeeze3A_1119 : f32
    %slice3A_1121 = vector.extract_strided_slice %scan3A_99#13 {offsets = [5], sizes = [1], strides = [1]} : vector<16xf32> to vector<1xf32>
    %squeeze3A_1122 = vector.extract %slice3A_1121[0] : f32 from vector<1xf32>
    %add3A_1123 = arith.addf %add3A_1120, %squeeze3A_1122 : f32
    %slice3A_1124 = vector.extract_strided_slice %scan3A_99#13 {offsets = [6], sizes = [1], strides = [1]} : vector<16xf32> to vector<1xf32>
    %squeeze3A_1125 = vector.extract %slice3A_1124[0] : f32 from vector<1xf32>
    %add3A_1126 = arith.addf %add3A_1123, %squeeze3A_1125 : f32
    %slice3A_1127 = vector.extract_strided_slice %scan3A_99#13 {offsets = [7], sizes = [1], strides = [1]} : vector<16xf32> to vector<1xf32>
    %squeeze3A_1128 = vector.extract %slice3A_1127[0] : f32 from vector<1xf32>
    %add3A_1129 = arith.addf %add3A_1126, %squeeze3A_1128 : f32
    %slice3A_1130 = vector.extract_strided_slice %scan3A_99#13 {offsets = [8], sizes = [1], strides = [1]} : vector<16xf32> to vector<1xf32>
    %squeeze3A_1131 = vector.extract %slice3A_1130[0] : f32 from vector<1xf32>
    %add3A_1132 = arith.addf %add3A_1129, %squeeze3A_1131 : f32
    %slice3A_1133 = vector.extract_strided_slice %scan3A_99#13 {offsets = [9], sizes = [1], strides = [1]} : vector<16xf32> to vector<1xf32>
    %squeeze3A_1134 = vector.extract %slice3A_1133[0] : f32 from vector<1xf32>
    %add3A_1135 = arith.addf %add3A_1132, %squeeze3A_1134 : f32
    %slice3A_1136 = vector.extract_strided_slice %scan3A_99#13 {offsets = [10], sizes = [1], strides = [1]} : vector<16xf32> to vector<1xf32>
    %squeeze3A_1137 = vector.extract %slice3A_1136[0] : f32 from vector<1xf32>
    %add3A_1138 = arith.addf %add3A_1135, %squeeze3A_1137 : f32
    %slice3A_1139 = vector.extract_strided_slice %scan3A_99#13 {offsets = [11], sizes = [1], strides = [1]} : vector<16xf32> to vector<1xf32>
    %squeeze3A_1140 = vector.extract %slice3A_1139[0] : f32 from vector<1xf32>
    %add3A_1141 = arith.addf %add3A_1138, %squeeze3A_1140 : f32
    %slice3A_1142 = vector.extract_strided_slice %scan3A_99#13 {offsets = [12], sizes = [1], strides = [1]} : vector<16xf32> to vector<1xf32>
    %squeeze3A_1143 = vector.extract %slice3A_1142[0] : f32 from vector<1xf32>
    %add3A_1144 = arith.addf %add3A_1141, %squeeze3A_1143 : f32
    %slice3A_1145 = vector.extract_strided_slice %scan3A_99#13 {offsets = [13], sizes = [1], strides = [1]} : vector<16xf32> to vector<1xf32>
    %squeeze3A_1146 = vector.extract %slice3A_1145[0] : f32 from vector<1xf32>
    %add3A_1147 = arith.addf %add3A_1144, %squeeze3A_1146 : f32
    %slice3A_1148 = vector.extract_strided_slice %scan3A_99#13 {offsets = [14], sizes = [1], strides = [1]} : vector<16xf32> to vector<1xf32>
    %squeeze3A_1149 = vector.extract %slice3A_1148[0] : f32 from vector<1xf32>
    %add3A_1150 = arith.addf %add3A_1147, %squeeze3A_1149 : f32
    %slice3A_1151 = vector.extract_strided_slice %scan3A_99#13 {offsets = [15], sizes = [1], strides = [1]} : vector<16xf32> to vector<1xf32>
    %squeeze3A_1152 = vector.extract %slice3A_1151[0] : f32 from vector<1xf32>
    %add3A_1153 = arith.addf %add3A_1150, %squeeze3A_1152 : f32
    %eq3A_1154 = arith.constant 4 : i32
    %eq3A_1155 = vector.broadcast %eq3A_1154 : i32 to vector<16xi32>
    %eq3A_1156 = arith.cmpi eq, %iota3A, %eq3A_1155 : vector<16xi32>
    %broadcast_in_dim3A_1157 = vector.broadcast %add3A_1153 : f32 to vector<16xf32>
    %select_n3A_1158 = arith.select %eq3A_1156, %broadcast_in_dim3A_1157, %broadcast_in_dim3A_3 : vector<16xi1>, vector<16xf32>
    %add3A_1159 = arith.addf %add3A_1106, %select_n3A_1158 : vector<16xf32>
    %slice3A_1160 = vector.extract_strided_slice %scan3A_99#16 {offsets = [0], sizes = [1], strides = [1]} : vector<16xf32> to vector<1xf32>
    %squeeze3A_1161 = vector.extract %slice3A_1160[0] : f32 from vector<1xf32>
    %slice3A_1162 = vector.extract_strided_slice %scan3A_99#16 {offsets = [1], sizes = [1], strides = [1]} : vector<16xf32> to vector<1xf32>
    %squeeze3A_1163 = vector.extract %slice3A_1162[0] : f32 from vector<1xf32>
    %add3A_1164 = arith.addf %squeeze3A_1161, %squeeze3A_1163 : f32
    %slice3A_1165 = vector.extract_strided_slice %scan3A_99#16 {offsets = [2], sizes = [1], strides = [1]} : vector<16xf32> to vector<1xf32>
    %squeeze3A_1166 = vector.extract %slice3A_1165[0] : f32 from vector<1xf32>
    %add3A_1167 = arith.addf %add3A_1164, %squeeze3A_1166 : f32
    %slice3A_1168 = vector.extract_strided_slice %scan3A_99#16 {offsets = [3], sizes = [1], strides = [1]} : vector<16xf32> to vector<1xf32>
    %squeeze3A_1169 = vector.extract %slice3A_1168[0] : f32 from vector<1xf32>
    %add3A_1170 = arith.addf %add3A_1167, %squeeze3A_1169 : f32
    %slice3A_1171 = vector.extract_strided_slice %scan3A_99#16 {offsets = [4], sizes = [1], strides = [1]} : vector<16xf32> to vector<1xf32>
    %squeeze3A_1172 = vector.extract %slice3A_1171[0] : f32 from vector<1xf32>
    %add3A_1173 = arith.addf %add3A_1170, %squeeze3A_1172 : f32
    %slice3A_1174 = vector.extract_strided_slice %scan3A_99#16 {offsets = [5], sizes = [1], strides = [1]} : vector<16xf32> to vector<1xf32>
    %squeeze3A_1175 = vector.extract %slice3A_1174[0] : f32 from vector<1xf32>
    %add3A_1176 = arith.addf %add3A_1173, %squeeze3A_1175 : f32
    %slice3A_1177 = vector.extract_strided_slice %scan3A_99#16 {offsets = [6], sizes = [1], strides = [1]} : vector<16xf32> to vector<1xf32>
    %squeeze3A_1178 = vector.extract %slice3A_1177[0] : f32 from vector<1xf32>
    %add3A_1179 = arith.addf %add3A_1176, %squeeze3A_1178 : f32
    %slice3A_1180 = vector.extract_strided_slice %scan3A_99#16 {offsets = [7], sizes = [1], strides = [1]} : vector<16xf32> to vector<1xf32>
    %squeeze3A_1181 = vector.extract %slice3A_1180[0] : f32 from vector<1xf32>
    %add3A_1182 = arith.addf %add3A_1179, %squeeze3A_1181 : f32
    %slice3A_1183 = vector.extract_strided_slice %scan3A_99#16 {offsets = [8], sizes = [1], strides = [1]} : vector<16xf32> to vector<1xf32>
    %squeeze3A_1184 = vector.extract %slice3A_1183[0] : f32 from vector<1xf32>
    %add3A_1185 = arith.addf %add3A_1182, %squeeze3A_1184 : f32
    %slice3A_1186 = vector.extract_strided_slice %scan3A_99#16 {offsets = [9], sizes = [1], strides = [1]} : vector<16xf32> to vector<1xf32>
    %squeeze3A_1187 = vector.extract %slice3A_1186[0] : f32 from vector<1xf32>
    %add3A_1188 = arith.addf %add3A_1185, %squeeze3A_1187 : f32
    %slice3A_1189 = vector.extract_strided_slice %scan3A_99#16 {offsets = [10], sizes = [1], strides = [1]} : vector<16xf32> to vector<1xf32>
    %squeeze3A_1190 = vector.extract %slice3A_1189[0] : f32 from vector<1xf32>
    %add3A_1191 = arith.addf %add3A_1188, %squeeze3A_1190 : f32
    %slice3A_1192 = vector.extract_strided_slice %scan3A_99#16 {offsets = [11], sizes = [1], strides = [1]} : vector<16xf32> to vector<1xf32>
    %squeeze3A_1193 = vector.extract %slice3A_1192[0] : f32 from vector<1xf32>
    %add3A_1194 = arith.addf %add3A_1191, %squeeze3A_1193 : f32
    %slice3A_1195 = vector.extract_strided_slice %scan3A_99#16 {offsets = [12], sizes = [1], strides = [1]} : vector<16xf32> to vector<1xf32>
    %squeeze3A_1196 = vector.extract %slice3A_1195[0] : f32 from vector<1xf32>
    %add3A_1197 = arith.addf %add3A_1194, %squeeze3A_1196 : f32
    %slice3A_1198 = vector.extract_strided_slice %scan3A_99#16 {offsets = [13], sizes = [1], strides = [1]} : vector<16xf32> to vector<1xf32>
    %squeeze3A_1199 = vector.extract %slice3A_1198[0] : f32 from vector<1xf32>
    %add3A_1200 = arith.addf %add3A_1197, %squeeze3A_1199 : f32
    %slice3A_1201 = vector.extract_strided_slice %scan3A_99#16 {offsets = [14], sizes = [1], strides = [1]} : vector<16xf32> to vector<1xf32>
    %squeeze3A_1202 = vector.extract %slice3A_1201[0] : f32 from vector<1xf32>
    %add3A_1203 = arith.addf %add3A_1200, %squeeze3A_1202 : f32
    %slice3A_1204 = vector.extract_strided_slice %scan3A_99#16 {offsets = [15], sizes = [1], strides = [1]} : vector<16xf32> to vector<1xf32>
    %squeeze3A_1205 = vector.extract %slice3A_1204[0] : f32 from vector<1xf32>
    %add3A_1206 = arith.addf %add3A_1203, %squeeze3A_1205 : f32
    %eq3A_1207 = arith.constant 5 : i32
    %eq3A_1208 = vector.broadcast %eq3A_1207 : i32 to vector<16xi32>
    %eq3A_1209 = arith.cmpi eq, %iota3A, %eq3A_1208 : vector<16xi32>
    %broadcast_in_dim3A_1210 = vector.broadcast %add3A_1206 : f32 to vector<16xf32>
    %select_n3A_1211 = arith.select %eq3A_1209, %broadcast_in_dim3A_1210, %broadcast_in_dim3A_3 : vector<16xi1>, vector<16xf32>
    %add3A_1212 = arith.addf %add3A_1159, %select_n3A_1211 : vector<16xf32>
    %slice3A_1213 = vector.extract_strided_slice %scan3A_99#19 {offsets = [0], sizes = [1], strides = [1]} : vector<16xf32> to vector<1xf32>
    %squeeze3A_1214 = vector.extract %slice3A_1213[0] : f32 from vector<1xf32>
    %slice3A_1215 = vector.extract_strided_slice %scan3A_99#19 {offsets = [1], sizes = [1], strides = [1]} : vector<16xf32> to vector<1xf32>
    %squeeze3A_1216 = vector.extract %slice3A_1215[0] : f32 from vector<1xf32>
    %add3A_1217 = arith.addf %squeeze3A_1214, %squeeze3A_1216 : f32
    %slice3A_1218 = vector.extract_strided_slice %scan3A_99#19 {offsets = [2], sizes = [1], strides = [1]} : vector<16xf32> to vector<1xf32>
    %squeeze3A_1219 = vector.extract %slice3A_1218[0] : f32 from vector<1xf32>
    %add3A_1220 = arith.addf %add3A_1217, %squeeze3A_1219 : f32
    %slice3A_1221 = vector.extract_strided_slice %scan3A_99#19 {offsets = [3], sizes = [1], strides = [1]} : vector<16xf32> to vector<1xf32>
    %squeeze3A_1222 = vector.extract %slice3A_1221[0] : f32 from vector<1xf32>
    %add3A_1223 = arith.addf %add3A_1220, %squeeze3A_1222 : f32
    %slice3A_1224 = vector.extract_strided_slice %scan3A_99#19 {offsets = [4], sizes = [1], strides = [1]} : vector<16xf32> to vector<1xf32>
    %squeeze3A_1225 = vector.extract %slice3A_1224[0] : f32 from vector<1xf32>
    %add3A_1226 = arith.addf %add3A_1223, %squeeze3A_1225 : f32
    %slice3A_1227 = vector.extract_strided_slice %scan3A_99#19 {offsets = [5], sizes = [1], strides = [1]} : vector<16xf32> to vector<1xf32>
    %squeeze3A_1228 = vector.extract %slice3A_1227[0] : f32 from vector<1xf32>
    %add3A_1229 = arith.addf %add3A_1226, %squeeze3A_1228 : f32
    %slice3A_1230 = vector.extract_strided_slice %scan3A_99#19 {offsets = [6], sizes = [1], strides = [1]} : vector<16xf32> to vector<1xf32>
    %squeeze3A_1231 = vector.extract %slice3A_1230[0] : f32 from vector<1xf32>
    %add3A_1232 = arith.addf %add3A_1229, %squeeze3A_1231 : f32
    %slice3A_1233 = vector.extract_strided_slice %scan3A_99#19 {offsets = [7], sizes = [1], strides = [1]} : vector<16xf32> to vector<1xf32>
    %squeeze3A_1234 = vector.extract %slice3A_1233[0] : f32 from vector<1xf32>
    %add3A_1235 = arith.addf %add3A_1232, %squeeze3A_1234 : f32
    %slice3A_1236 = vector.extract_strided_slice %scan3A_99#19 {offsets = [8], sizes = [1], strides = [1]} : vector<16xf32> to vector<1xf32>
    %squeeze3A_1237 = vector.extract %slice3A_1236[0] : f32 from vector<1xf32>
    %add3A_1238 = arith.addf %add3A_1235, %squeeze3A_1237 : f32
    %slice3A_1239 = vector.extract_strided_slice %scan3A_99#19 {offsets = [9], sizes = [1], strides = [1]} : vector<16xf32> to vector<1xf32>
    %squeeze3A_1240 = vector.extract %slice3A_1239[0] : f32 from vector<1xf32>
    %add3A_1241 = arith.addf %add3A_1238, %squeeze3A_1240 : f32
    %slice3A_1242 = vector.extract_strided_slice %scan3A_99#19 {offsets = [10], sizes = [1], strides = [1]} : vector<16xf32> to vector<1xf32>
    %squeeze3A_1243 = vector.extract %slice3A_1242[0] : f32 from vector<1xf32>
    %add3A_1244 = arith.addf %add3A_1241, %squeeze3A_1243 : f32
    %slice3A_1245 = vector.extract_strided_slice %scan3A_99#19 {offsets = [11], sizes = [1], strides = [1]} : vector<16xf32> to vector<1xf32>
    %squeeze3A_1246 = vector.extract %slice3A_1245[0] : f32 from vector<1xf32>
    %add3A_1247 = arith.addf %add3A_1244, %squeeze3A_1246 : f32
    %slice3A_1248 = vector.extract_strided_slice %scan3A_99#19 {offsets = [12], sizes = [1], strides = [1]} : vector<16xf32> to vector<1xf32>
    %squeeze3A_1249 = vector.extract %slice3A_1248[0] : f32 from vector<1xf32>
    %add3A_1250 = arith.addf %add3A_1247, %squeeze3A_1249 : f32
    %slice3A_1251 = vector.extract_strided_slice %scan3A_99#19 {offsets = [13], sizes = [1], strides = [1]} : vector<16xf32> to vector<1xf32>
    %squeeze3A_1252 = vector.extract %slice3A_1251[0] : f32 from vector<1xf32>
    %add3A_1253 = arith.addf %add3A_1250, %squeeze3A_1252 : f32
    %slice3A_1254 = vector.extract_strided_slice %scan3A_99#19 {offsets = [14], sizes = [1], strides = [1]} : vector<16xf32> to vector<1xf32>
    %squeeze3A_1255 = vector.extract %slice3A_1254[0] : f32 from vector<1xf32>
    %add3A_1256 = arith.addf %add3A_1253, %squeeze3A_1255 : f32
    %slice3A_1257 = vector.extract_strided_slice %scan3A_99#19 {offsets = [15], sizes = [1], strides = [1]} : vector<16xf32> to vector<1xf32>
    %squeeze3A_1258 = vector.extract %slice3A_1257[0] : f32 from vector<1xf32>
    %add3A_1259 = arith.addf %add3A_1256, %squeeze3A_1258 : f32
    %eq3A_1260 = arith.constant 6 : i32
    %eq3A_1261 = vector.broadcast %eq3A_1260 : i32 to vector<16xi32>
    %eq3A_1262 = arith.cmpi eq, %iota3A, %eq3A_1261 : vector<16xi32>
    %broadcast_in_dim3A_1263 = vector.broadcast %add3A_1259 : f32 to vector<16xf32>
    %select_n3A_1264 = arith.select %eq3A_1262, %broadcast_in_dim3A_1263, %broadcast_in_dim3A_3 : vector<16xi1>, vector<16xf32>
    %add3A_1265 = arith.addf %add3A_1212, %select_n3A_1264 : vector<16xf32>
    %slice3A_1266 = vector.extract_strided_slice %scan3A_99#22 {offsets = [0], sizes = [1], strides = [1]} : vector<16xf32> to vector<1xf32>
    %squeeze3A_1267 = vector.extract %slice3A_1266[0] : f32 from vector<1xf32>
    %slice3A_1268 = vector.extract_strided_slice %scan3A_99#22 {offsets = [1], sizes = [1], strides = [1]} : vector<16xf32> to vector<1xf32>
    %squeeze3A_1269 = vector.extract %slice3A_1268[0] : f32 from vector<1xf32>
    %add3A_1270 = arith.addf %squeeze3A_1267, %squeeze3A_1269 : f32
    %slice3A_1271 = vector.extract_strided_slice %scan3A_99#22 {offsets = [2], sizes = [1], strides = [1]} : vector<16xf32> to vector<1xf32>
    %squeeze3A_1272 = vector.extract %slice3A_1271[0] : f32 from vector<1xf32>
    %add3A_1273 = arith.addf %add3A_1270, %squeeze3A_1272 : f32
    %slice3A_1274 = vector.extract_strided_slice %scan3A_99#22 {offsets = [3], sizes = [1], strides = [1]} : vector<16xf32> to vector<1xf32>
    %squeeze3A_1275 = vector.extract %slice3A_1274[0] : f32 from vector<1xf32>
    %add3A_1276 = arith.addf %add3A_1273, %squeeze3A_1275 : f32
    %slice3A_1277 = vector.extract_strided_slice %scan3A_99#22 {offsets = [4], sizes = [1], strides = [1]} : vector<16xf32> to vector<1xf32>
    %squeeze3A_1278 = vector.extract %slice3A_1277[0] : f32 from vector<1xf32>
    %add3A_1279 = arith.addf %add3A_1276, %squeeze3A_1278 : f32
    %slice3A_1280 = vector.extract_strided_slice %scan3A_99#22 {offsets = [5], sizes = [1], strides = [1]} : vector<16xf32> to vector<1xf32>
    %squeeze3A_1281 = vector.extract %slice3A_1280[0] : f32 from vector<1xf32>
    %add3A_1282 = arith.addf %add3A_1279, %squeeze3A_1281 : f32
    %slice3A_1283 = vector.extract_strided_slice %scan3A_99#22 {offsets = [6], sizes = [1], strides = [1]} : vector<16xf32> to vector<1xf32>
    %squeeze3A_1284 = vector.extract %slice3A_1283[0] : f32 from vector<1xf32>
    %add3A_1285 = arith.addf %add3A_1282, %squeeze3A_1284 : f32
    %slice3A_1286 = vector.extract_strided_slice %scan3A_99#22 {offsets = [7], sizes = [1], strides = [1]} : vector<16xf32> to vector<1xf32>
    %squeeze3A_1287 = vector.extract %slice3A_1286[0] : f32 from vector<1xf32>
    %add3A_1288 = arith.addf %add3A_1285, %squeeze3A_1287 : f32
    %slice3A_1289 = vector.extract_strided_slice %scan3A_99#22 {offsets = [8], sizes = [1], strides = [1]} : vector<16xf32> to vector<1xf32>
    %squeeze3A_1290 = vector.extract %slice3A_1289[0] : f32 from vector<1xf32>
    %add3A_1291 = arith.addf %add3A_1288, %squeeze3A_1290 : f32
    %slice3A_1292 = vector.extract_strided_slice %scan3A_99#22 {offsets = [9], sizes = [1], strides = [1]} : vector<16xf32> to vector<1xf32>
    %squeeze3A_1293 = vector.extract %slice3A_1292[0] : f32 from vector<1xf32>
    %add3A_1294 = arith.addf %add3A_1291, %squeeze3A_1293 : f32
    %slice3A_1295 = vector.extract_strided_slice %scan3A_99#22 {offsets = [10], sizes = [1], strides = [1]} : vector<16xf32> to vector<1xf32>
    %squeeze3A_1296 = vector.extract %slice3A_1295[0] : f32 from vector<1xf32>
    %add3A_1297 = arith.addf %add3A_1294, %squeeze3A_1296 : f32
    %slice3A_1298 = vector.extract_strided_slice %scan3A_99#22 {offsets = [11], sizes = [1], strides = [1]} : vector<16xf32> to vector<1xf32>
    %squeeze3A_1299 = vector.extract %slice3A_1298[0] : f32 from vector<1xf32>
    %add3A_1300 = arith.addf %add3A_1297, %squeeze3A_1299 : f32
    %slice3A_1301 = vector.extract_strided_slice %scan3A_99#22 {offsets = [12], sizes = [1], strides = [1]} : vector<16xf32> to vector<1xf32>
    %squeeze3A_1302 = vector.extract %slice3A_1301[0] : f32 from vector<1xf32>
    %add3A_1303 = arith.addf %add3A_1300, %squeeze3A_1302 : f32
    %slice3A_1304 = vector.extract_strided_slice %scan3A_99#22 {offsets = [13], sizes = [1], strides = [1]} : vector<16xf32> to vector<1xf32>
    %squeeze3A_1305 = vector.extract %slice3A_1304[0] : f32 from vector<1xf32>
    %add3A_1306 = arith.addf %add3A_1303, %squeeze3A_1305 : f32
    %slice3A_1307 = vector.extract_strided_slice %scan3A_99#22 {offsets = [14], sizes = [1], strides = [1]} : vector<16xf32> to vector<1xf32>
    %squeeze3A_1308 = vector.extract %slice3A_1307[0] : f32 from vector<1xf32>
    %add3A_1309 = arith.addf %add3A_1306, %squeeze3A_1308 : f32
    %slice3A_1310 = vector.extract_strided_slice %scan3A_99#22 {offsets = [15], sizes = [1], strides = [1]} : vector<16xf32> to vector<1xf32>
    %squeeze3A_1311 = vector.extract %slice3A_1310[0] : f32 from vector<1xf32>
    %add3A_1312 = arith.addf %add3A_1309, %squeeze3A_1311 : f32
    %eq3A_1313 = arith.constant 7 : i32
    %eq3A_1314 = vector.broadcast %eq3A_1313 : i32 to vector<16xi32>
    %eq3A_1315 = arith.cmpi eq, %iota3A, %eq3A_1314 : vector<16xi32>
    %broadcast_in_dim3A_1316 = vector.broadcast %add3A_1312 : f32 to vector<16xf32>
    %select_n3A_1317 = arith.select %eq3A_1315, %broadcast_in_dim3A_1316, %broadcast_in_dim3A_3 : vector<16xi1>, vector<16xf32>
    %add3A_1318 = arith.addf %add3A_1265, %select_n3A_1317 : vector<16xf32>
    %slice3A_1319 = vector.extract_strided_slice %scan3A_99#25 {offsets = [0], sizes = [1], strides = [1]} : vector<16xf32> to vector<1xf32>
    %squeeze3A_1320 = vector.extract %slice3A_1319[0] : f32 from vector<1xf32>
    %slice3A_1321 = vector.extract_strided_slice %scan3A_99#25 {offsets = [1], sizes = [1], strides = [1]} : vector<16xf32> to vector<1xf32>
    %squeeze3A_1322 = vector.extract %slice3A_1321[0] : f32 from vector<1xf32>
    %add3A_1323 = arith.addf %squeeze3A_1320, %squeeze3A_1322 : f32
    %slice3A_1324 = vector.extract_strided_slice %scan3A_99#25 {offsets = [2], sizes = [1], strides = [1]} : vector<16xf32> to vector<1xf32>
    %squeeze3A_1325 = vector.extract %slice3A_1324[0] : f32 from vector<1xf32>
    %add3A_1326 = arith.addf %add3A_1323, %squeeze3A_1325 : f32
    %slice3A_1327 = vector.extract_strided_slice %scan3A_99#25 {offsets = [3], sizes = [1], strides = [1]} : vector<16xf32> to vector<1xf32>
    %squeeze3A_1328 = vector.extract %slice3A_1327[0] : f32 from vector<1xf32>
    %add3A_1329 = arith.addf %add3A_1326, %squeeze3A_1328 : f32
    %slice3A_1330 = vector.extract_strided_slice %scan3A_99#25 {offsets = [4], sizes = [1], strides = [1]} : vector<16xf32> to vector<1xf32>
    %squeeze3A_1331 = vector.extract %slice3A_1330[0] : f32 from vector<1xf32>
    %add3A_1332 = arith.addf %add3A_1329, %squeeze3A_1331 : f32
    %slice3A_1333 = vector.extract_strided_slice %scan3A_99#25 {offsets = [5], sizes = [1], strides = [1]} : vector<16xf32> to vector<1xf32>
    %squeeze3A_1334 = vector.extract %slice3A_1333[0] : f32 from vector<1xf32>
    %add3A_1335 = arith.addf %add3A_1332, %squeeze3A_1334 : f32
    %slice3A_1336 = vector.extract_strided_slice %scan3A_99#25 {offsets = [6], sizes = [1], strides = [1]} : vector<16xf32> to vector<1xf32>
    %squeeze3A_1337 = vector.extract %slice3A_1336[0] : f32 from vector<1xf32>
    %add3A_1338 = arith.addf %add3A_1335, %squeeze3A_1337 : f32
    %slice3A_1339 = vector.extract_strided_slice %scan3A_99#25 {offsets = [7], sizes = [1], strides = [1]} : vector<16xf32> to vector<1xf32>
    %squeeze3A_1340 = vector.extract %slice3A_1339[0] : f32 from vector<1xf32>
    %add3A_1341 = arith.addf %add3A_1338, %squeeze3A_1340 : f32
    %slice3A_1342 = vector.extract_strided_slice %scan3A_99#25 {offsets = [8], sizes = [1], strides = [1]} : vector<16xf32> to vector<1xf32>
    %squeeze3A_1343 = vector.extract %slice3A_1342[0] : f32 from vector<1xf32>
    %add3A_1344 = arith.addf %add3A_1341, %squeeze3A_1343 : f32
    %slice3A_1345 = vector.extract_strided_slice %scan3A_99#25 {offsets = [9], sizes = [1], strides = [1]} : vector<16xf32> to vector<1xf32>
    %squeeze3A_1346 = vector.extract %slice3A_1345[0] : f32 from vector<1xf32>
    %add3A_1347 = arith.addf %add3A_1344, %squeeze3A_1346 : f32
    %slice3A_1348 = vector.extract_strided_slice %scan3A_99#25 {offsets = [10], sizes = [1], strides = [1]} : vector<16xf32> to vector<1xf32>
    %squeeze3A_1349 = vector.extract %slice3A_1348[0] : f32 from vector<1xf32>
    %add3A_1350 = arith.addf %add3A_1347, %squeeze3A_1349 : f32
    %slice3A_1351 = vector.extract_strided_slice %scan3A_99#25 {offsets = [11], sizes = [1], strides = [1]} : vector<16xf32> to vector<1xf32>
    %squeeze3A_1352 = vector.extract %slice3A_1351[0] : f32 from vector<1xf32>
    %add3A_1353 = arith.addf %add3A_1350, %squeeze3A_1352 : f32
    %slice3A_1354 = vector.extract_strided_slice %scan3A_99#25 {offsets = [12], sizes = [1], strides = [1]} : vector<16xf32> to vector<1xf32>
    %squeeze3A_1355 = vector.extract %slice3A_1354[0] : f32 from vector<1xf32>
    %add3A_1356 = arith.addf %add3A_1353, %squeeze3A_1355 : f32
    %slice3A_1357 = vector.extract_strided_slice %scan3A_99#25 {offsets = [13], sizes = [1], strides = [1]} : vector<16xf32> to vector<1xf32>
    %squeeze3A_1358 = vector.extract %slice3A_1357[0] : f32 from vector<1xf32>
    %add3A_1359 = arith.addf %add3A_1356, %squeeze3A_1358 : f32
    %slice3A_1360 = vector.extract_strided_slice %scan3A_99#25 {offsets = [14], sizes = [1], strides = [1]} : vector<16xf32> to vector<1xf32>
    %squeeze3A_1361 = vector.extract %slice3A_1360[0] : f32 from vector<1xf32>
    %add3A_1362 = arith.addf %add3A_1359, %squeeze3A_1361 : f32
    %slice3A_1363 = vector.extract_strided_slice %scan3A_99#25 {offsets = [15], sizes = [1], strides = [1]} : vector<16xf32> to vector<1xf32>
    %squeeze3A_1364 = vector.extract %slice3A_1363[0] : f32 from vector<1xf32>
    %add3A_1365 = arith.addf %add3A_1362, %squeeze3A_1364 : f32
    %eq3A_1366 = arith.constant 8 : i32
    %eq3A_1367 = vector.broadcast %eq3A_1366 : i32 to vector<16xi32>
    %eq3A_1368 = arith.cmpi eq, %iota3A, %eq3A_1367 : vector<16xi32>
    %broadcast_in_dim3A_1369 = vector.broadcast %add3A_1365 : f32 to vector<16xf32>
    %select_n3A_1370 = arith.select %eq3A_1368, %broadcast_in_dim3A_1369, %broadcast_in_dim3A_3 : vector<16xi1>, vector<16xf32>
    %add3A_1371 = arith.addf %add3A_1318, %select_n3A_1370 : vector<16xf32>
    %slice3A_1372 = vector.extract_strided_slice %scan3A_99#28 {offsets = [0], sizes = [1], strides = [1]} : vector<16xf32> to vector<1xf32>
    %squeeze3A_1373 = vector.extract %slice3A_1372[0] : f32 from vector<1xf32>
    %slice3A_1374 = vector.extract_strided_slice %scan3A_99#28 {offsets = [1], sizes = [1], strides = [1]} : vector<16xf32> to vector<1xf32>
    %squeeze3A_1375 = vector.extract %slice3A_1374[0] : f32 from vector<1xf32>
    %add3A_1376 = arith.addf %squeeze3A_1373, %squeeze3A_1375 : f32
    %slice3A_1377 = vector.extract_strided_slice %scan3A_99#28 {offsets = [2], sizes = [1], strides = [1]} : vector<16xf32> to vector<1xf32>
    %squeeze3A_1378 = vector.extract %slice3A_1377[0] : f32 from vector<1xf32>
    %add3A_1379 = arith.addf %add3A_1376, %squeeze3A_1378 : f32
    %slice3A_1380 = vector.extract_strided_slice %scan3A_99#28 {offsets = [3], sizes = [1], strides = [1]} : vector<16xf32> to vector<1xf32>
    %squeeze3A_1381 = vector.extract %slice3A_1380[0] : f32 from vector<1xf32>
    %add3A_1382 = arith.addf %add3A_1379, %squeeze3A_1381 : f32
    %slice3A_1383 = vector.extract_strided_slice %scan3A_99#28 {offsets = [4], sizes = [1], strides = [1]} : vector<16xf32> to vector<1xf32>
    %squeeze3A_1384 = vector.extract %slice3A_1383[0] : f32 from vector<1xf32>
    %add3A_1385 = arith.addf %add3A_1382, %squeeze3A_1384 : f32
    %slice3A_1386 = vector.extract_strided_slice %scan3A_99#28 {offsets = [5], sizes = [1], strides = [1]} : vector<16xf32> to vector<1xf32>
    %squeeze3A_1387 = vector.extract %slice3A_1386[0] : f32 from vector<1xf32>
    %add3A_1388 = arith.addf %add3A_1385, %squeeze3A_1387 : f32
    %slice3A_1389 = vector.extract_strided_slice %scan3A_99#28 {offsets = [6], sizes = [1], strides = [1]} : vector<16xf32> to vector<1xf32>
    %squeeze3A_1390 = vector.extract %slice3A_1389[0] : f32 from vector<1xf32>
    %add3A_1391 = arith.addf %add3A_1388, %squeeze3A_1390 : f32
    %slice3A_1392 = vector.extract_strided_slice %scan3A_99#28 {offsets = [7], sizes = [1], strides = [1]} : vector<16xf32> to vector<1xf32>
    %squeeze3A_1393 = vector.extract %slice3A_1392[0] : f32 from vector<1xf32>
    %add3A_1394 = arith.addf %add3A_1391, %squeeze3A_1393 : f32
    %slice3A_1395 = vector.extract_strided_slice %scan3A_99#28 {offsets = [8], sizes = [1], strides = [1]} : vector<16xf32> to vector<1xf32>
    %squeeze3A_1396 = vector.extract %slice3A_1395[0] : f32 from vector<1xf32>
    %add3A_1397 = arith.addf %add3A_1394, %squeeze3A_1396 : f32
    %slice3A_1398 = vector.extract_strided_slice %scan3A_99#28 {offsets = [9], sizes = [1], strides = [1]} : vector<16xf32> to vector<1xf32>
    %squeeze3A_1399 = vector.extract %slice3A_1398[0] : f32 from vector<1xf32>
    %add3A_1400 = arith.addf %add3A_1397, %squeeze3A_1399 : f32
    %slice3A_1401 = vector.extract_strided_slice %scan3A_99#28 {offsets = [10], sizes = [1], strides = [1]} : vector<16xf32> to vector<1xf32>
    %squeeze3A_1402 = vector.extract %slice3A_1401[0] : f32 from vector<1xf32>
    %add3A_1403 = arith.addf %add3A_1400, %squeeze3A_1402 : f32
    %slice3A_1404 = vector.extract_strided_slice %scan3A_99#28 {offsets = [11], sizes = [1], strides = [1]} : vector<16xf32> to vector<1xf32>
    %squeeze3A_1405 = vector.extract %slice3A_1404[0] : f32 from vector<1xf32>
    %add3A_1406 = arith.addf %add3A_1403, %squeeze3A_1405 : f32
    %slice3A_1407 = vector.extract_strided_slice %scan3A_99#28 {offsets = [12], sizes = [1], strides = [1]} : vector<16xf32> to vector<1xf32>
    %squeeze3A_1408 = vector.extract %slice3A_1407[0] : f32 from vector<1xf32>
    %add3A_1409 = arith.addf %add3A_1406, %squeeze3A_1408 : f32
    %slice3A_1410 = vector.extract_strided_slice %scan3A_99#28 {offsets = [13], sizes = [1], strides = [1]} : vector<16xf32> to vector<1xf32>
    %squeeze3A_1411 = vector.extract %slice3A_1410[0] : f32 from vector<1xf32>
    %add3A_1412 = arith.addf %add3A_1409, %squeeze3A_1411 : f32
    %slice3A_1413 = vector.extract_strided_slice %scan3A_99#28 {offsets = [14], sizes = [1], strides = [1]} : vector<16xf32> to vector<1xf32>
    %squeeze3A_1414 = vector.extract %slice3A_1413[0] : f32 from vector<1xf32>
    %add3A_1415 = arith.addf %add3A_1412, %squeeze3A_1414 : f32
    %slice3A_1416 = vector.extract_strided_slice %scan3A_99#28 {offsets = [15], sizes = [1], strides = [1]} : vector<16xf32> to vector<1xf32>
    %squeeze3A_1417 = vector.extract %slice3A_1416[0] : f32 from vector<1xf32>
    %add3A_1418 = arith.addf %add3A_1415, %squeeze3A_1417 : f32
    %eq3A_1419 = arith.constant 9 : i32
    %eq3A_1420 = vector.broadcast %eq3A_1419 : i32 to vector<16xi32>
    %eq3A_1421 = arith.cmpi eq, %iota3A, %eq3A_1420 : vector<16xi32>
    %broadcast_in_dim3A_1422 = vector.broadcast %add3A_1418 : f32 to vector<16xf32>
    %select_n3A_1423 = arith.select %eq3A_1421, %broadcast_in_dim3A_1422, %broadcast_in_dim3A_3 : vector<16xi1>, vector<16xf32>
    %add3A_1424 = arith.addf %add3A_1371, %select_n3A_1423 : vector<16xf32>
    %slice3A_1425 = vector.extract_strided_slice %scan3A_99#31 {offsets = [0], sizes = [1], strides = [1]} : vector<16xf32> to vector<1xf32>
    %squeeze3A_1426 = vector.extract %slice3A_1425[0] : f32 from vector<1xf32>
    %slice3A_1427 = vector.extract_strided_slice %scan3A_99#31 {offsets = [1], sizes = [1], strides = [1]} : vector<16xf32> to vector<1xf32>
    %squeeze3A_1428 = vector.extract %slice3A_1427[0] : f32 from vector<1xf32>
    %add3A_1429 = arith.addf %squeeze3A_1426, %squeeze3A_1428 : f32
    %slice3A_1430 = vector.extract_strided_slice %scan3A_99#31 {offsets = [2], sizes = [1], strides = [1]} : vector<16xf32> to vector<1xf32>
    %squeeze3A_1431 = vector.extract %slice3A_1430[0] : f32 from vector<1xf32>
    %add3A_1432 = arith.addf %add3A_1429, %squeeze3A_1431 : f32
    %slice3A_1433 = vector.extract_strided_slice %scan3A_99#31 {offsets = [3], sizes = [1], strides = [1]} : vector<16xf32> to vector<1xf32>
    %squeeze3A_1434 = vector.extract %slice3A_1433[0] : f32 from vector<1xf32>
    %add3A_1435 = arith.addf %add3A_1432, %squeeze3A_1434 : f32
    %slice3A_1436 = vector.extract_strided_slice %scan3A_99#31 {offsets = [4], sizes = [1], strides = [1]} : vector<16xf32> to vector<1xf32>
    %squeeze3A_1437 = vector.extract %slice3A_1436[0] : f32 from vector<1xf32>
    %add3A_1438 = arith.addf %add3A_1435, %squeeze3A_1437 : f32
    %slice3A_1439 = vector.extract_strided_slice %scan3A_99#31 {offsets = [5], sizes = [1], strides = [1]} : vector<16xf32> to vector<1xf32>
    %squeeze3A_1440 = vector.extract %slice3A_1439[0] : f32 from vector<1xf32>
    %add3A_1441 = arith.addf %add3A_1438, %squeeze3A_1440 : f32
    %slice3A_1442 = vector.extract_strided_slice %scan3A_99#31 {offsets = [6], sizes = [1], strides = [1]} : vector<16xf32> to vector<1xf32>
    %squeeze3A_1443 = vector.extract %slice3A_1442[0] : f32 from vector<1xf32>
    %add3A_1444 = arith.addf %add3A_1441, %squeeze3A_1443 : f32
    %slice3A_1445 = vector.extract_strided_slice %scan3A_99#31 {offsets = [7], sizes = [1], strides = [1]} : vector<16xf32> to vector<1xf32>
    %squeeze3A_1446 = vector.extract %slice3A_1445[0] : f32 from vector<1xf32>
    %add3A_1447 = arith.addf %add3A_1444, %squeeze3A_1446 : f32
    %slice3A_1448 = vector.extract_strided_slice %scan3A_99#31 {offsets = [8], sizes = [1], strides = [1]} : vector<16xf32> to vector<1xf32>
    %squeeze3A_1449 = vector.extract %slice3A_1448[0] : f32 from vector<1xf32>
    %add3A_1450 = arith.addf %add3A_1447, %squeeze3A_1449 : f32
    %slice3A_1451 = vector.extract_strided_slice %scan3A_99#31 {offsets = [9], sizes = [1], strides = [1]} : vector<16xf32> to vector<1xf32>
    %squeeze3A_1452 = vector.extract %slice3A_1451[0] : f32 from vector<1xf32>
    %add3A_1453 = arith.addf %add3A_1450, %squeeze3A_1452 : f32
    %slice3A_1454 = vector.extract_strided_slice %scan3A_99#31 {offsets = [10], sizes = [1], strides = [1]} : vector<16xf32> to vector<1xf32>
    %squeeze3A_1455 = vector.extract %slice3A_1454[0] : f32 from vector<1xf32>
    %add3A_1456 = arith.addf %add3A_1453, %squeeze3A_1455 : f32
    %slice3A_1457 = vector.extract_strided_slice %scan3A_99#31 {offsets = [11], sizes = [1], strides = [1]} : vector<16xf32> to vector<1xf32>
    %squeeze3A_1458 = vector.extract %slice3A_1457[0] : f32 from vector<1xf32>
    %add3A_1459 = arith.addf %add3A_1456, %squeeze3A_1458 : f32
    %slice3A_1460 = vector.extract_strided_slice %scan3A_99#31 {offsets = [12], sizes = [1], strides = [1]} : vector<16xf32> to vector<1xf32>
    %squeeze3A_1461 = vector.extract %slice3A_1460[0] : f32 from vector<1xf32>
    %add3A_1462 = arith.addf %add3A_1459, %squeeze3A_1461 : f32
    %slice3A_1463 = vector.extract_strided_slice %scan3A_99#31 {offsets = [13], sizes = [1], strides = [1]} : vector<16xf32> to vector<1xf32>
    %squeeze3A_1464 = vector.extract %slice3A_1463[0] : f32 from vector<1xf32>
    %add3A_1465 = arith.addf %add3A_1462, %squeeze3A_1464 : f32
    %slice3A_1466 = vector.extract_strided_slice %scan3A_99#31 {offsets = [14], sizes = [1], strides = [1]} : vector<16xf32> to vector<1xf32>
    %squeeze3A_1467 = vector.extract %slice3A_1466[0] : f32 from vector<1xf32>
    %add3A_1468 = arith.addf %add3A_1465, %squeeze3A_1467 : f32
    %slice3A_1469 = vector.extract_strided_slice %scan3A_99#31 {offsets = [15], sizes = [1], strides = [1]} : vector<16xf32> to vector<1xf32>
    %squeeze3A_1470 = vector.extract %slice3A_1469[0] : f32 from vector<1xf32>
    %add3A_1471 = arith.addf %add3A_1468, %squeeze3A_1470 : f32
    %eq3A_1472 = arith.constant 10 : i32
    %eq3A_1473 = vector.broadcast %eq3A_1472 : i32 to vector<16xi32>
    %eq3A_1474 = arith.cmpi eq, %iota3A, %eq3A_1473 : vector<16xi32>
    %broadcast_in_dim3A_1475 = vector.broadcast %add3A_1471 : f32 to vector<16xf32>
    %select_n3A_1476 = arith.select %eq3A_1474, %broadcast_in_dim3A_1475, %broadcast_in_dim3A_3 : vector<16xi1>, vector<16xf32>
    %add3A_1477 = arith.addf %add3A_1424, %select_n3A_1476 : vector<16xf32>
    %slice3A_1478 = vector.extract_strided_slice %scan3A_99#34 {offsets = [0], sizes = [1], strides = [1]} : vector<16xf32> to vector<1xf32>
    %squeeze3A_1479 = vector.extract %slice3A_1478[0] : f32 from vector<1xf32>
    %slice3A_1480 = vector.extract_strided_slice %scan3A_99#34 {offsets = [1], sizes = [1], strides = [1]} : vector<16xf32> to vector<1xf32>
    %squeeze3A_1481 = vector.extract %slice3A_1480[0] : f32 from vector<1xf32>
    %add3A_1482 = arith.addf %squeeze3A_1479, %squeeze3A_1481 : f32
    %slice3A_1483 = vector.extract_strided_slice %scan3A_99#34 {offsets = [2], sizes = [1], strides = [1]} : vector<16xf32> to vector<1xf32>
    %squeeze3A_1484 = vector.extract %slice3A_1483[0] : f32 from vector<1xf32>
    %add3A_1485 = arith.addf %add3A_1482, %squeeze3A_1484 : f32
    %slice3A_1486 = vector.extract_strided_slice %scan3A_99#34 {offsets = [3], sizes = [1], strides = [1]} : vector<16xf32> to vector<1xf32>
    %squeeze3A_1487 = vector.extract %slice3A_1486[0] : f32 from vector<1xf32>
    %add3A_1488 = arith.addf %add3A_1485, %squeeze3A_1487 : f32
    %slice3A_1489 = vector.extract_strided_slice %scan3A_99#34 {offsets = [4], sizes = [1], strides = [1]} : vector<16xf32> to vector<1xf32>
    %squeeze3A_1490 = vector.extract %slice3A_1489[0] : f32 from vector<1xf32>
    %add3A_1491 = arith.addf %add3A_1488, %squeeze3A_1490 : f32
    %slice3A_1492 = vector.extract_strided_slice %scan3A_99#34 {offsets = [5], sizes = [1], strides = [1]} : vector<16xf32> to vector<1xf32>
    %squeeze3A_1493 = vector.extract %slice3A_1492[0] : f32 from vector<1xf32>
    %add3A_1494 = arith.addf %add3A_1491, %squeeze3A_1493 : f32
    %slice3A_1495 = vector.extract_strided_slice %scan3A_99#34 {offsets = [6], sizes = [1], strides = [1]} : vector<16xf32> to vector<1xf32>
    %squeeze3A_1496 = vector.extract %slice3A_1495[0] : f32 from vector<1xf32>
    %add3A_1497 = arith.addf %add3A_1494, %squeeze3A_1496 : f32
    %slice3A_1498 = vector.extract_strided_slice %scan3A_99#34 {offsets = [7], sizes = [1], strides = [1]} : vector<16xf32> to vector<1xf32>
    %squeeze3A_1499 = vector.extract %slice3A_1498[0] : f32 from vector<1xf32>
    %add3A_1500 = arith.addf %add3A_1497, %squeeze3A_1499 : f32
    %slice3A_1501 = vector.extract_strided_slice %scan3A_99#34 {offsets = [8], sizes = [1], strides = [1]} : vector<16xf32> to vector<1xf32>
    %squeeze3A_1502 = vector.extract %slice3A_1501[0] : f32 from vector<1xf32>
    %add3A_1503 = arith.addf %add3A_1500, %squeeze3A_1502 : f32
    %slice3A_1504 = vector.extract_strided_slice %scan3A_99#34 {offsets = [9], sizes = [1], strides = [1]} : vector<16xf32> to vector<1xf32>
    %squeeze3A_1505 = vector.extract %slice3A_1504[0] : f32 from vector<1xf32>
    %add3A_1506 = arith.addf %add3A_1503, %squeeze3A_1505 : f32
    %slice3A_1507 = vector.extract_strided_slice %scan3A_99#34 {offsets = [10], sizes = [1], strides = [1]} : vector<16xf32> to vector<1xf32>
    %squeeze3A_1508 = vector.extract %slice3A_1507[0] : f32 from vector<1xf32>
    %add3A_1509 = arith.addf %add3A_1506, %squeeze3A_1508 : f32
    %slice3A_1510 = vector.extract_strided_slice %scan3A_99#34 {offsets = [11], sizes = [1], strides = [1]} : vector<16xf32> to vector<1xf32>
    %squeeze3A_1511 = vector.extract %slice3A_1510[0] : f32 from vector<1xf32>
    %add3A_1512 = arith.addf %add3A_1509, %squeeze3A_1511 : f32
    %slice3A_1513 = vector.extract_strided_slice %scan3A_99#34 {offsets = [12], sizes = [1], strides = [1]} : vector<16xf32> to vector<1xf32>
    %squeeze3A_1514 = vector.extract %slice3A_1513[0] : f32 from vector<1xf32>
    %add3A_1515 = arith.addf %add3A_1512, %squeeze3A_1514 : f32
    %slice3A_1516 = vector.extract_strided_slice %scan3A_99#34 {offsets = [13], sizes = [1], strides = [1]} : vector<16xf32> to vector<1xf32>
    %squeeze3A_1517 = vector.extract %slice3A_1516[0] : f32 from vector<1xf32>
    %add3A_1518 = arith.addf %add3A_1515, %squeeze3A_1517 : f32
    %slice3A_1519 = vector.extract_strided_slice %scan3A_99#34 {offsets = [14], sizes = [1], strides = [1]} : vector<16xf32> to vector<1xf32>
    %squeeze3A_1520 = vector.extract %slice3A_1519[0] : f32 from vector<1xf32>
    %add3A_1521 = arith.addf %add3A_1518, %squeeze3A_1520 : f32
    %slice3A_1522 = vector.extract_strided_slice %scan3A_99#34 {offsets = [15], sizes = [1], strides = [1]} : vector<16xf32> to vector<1xf32>
    %squeeze3A_1523 = vector.extract %slice3A_1522[0] : f32 from vector<1xf32>
    %add3A_1524 = arith.addf %add3A_1521, %squeeze3A_1523 : f32
    %eq3A_1525 = arith.constant 11 : i32
    %eq3A_1526 = vector.broadcast %eq3A_1525 : i32 to vector<16xi32>
    %eq3A_1527 = arith.cmpi eq, %iota3A, %eq3A_1526 : vector<16xi32>
    %broadcast_in_dim3A_1528 = vector.broadcast %add3A_1524 : f32 to vector<16xf32>
    %select_n3A_1529 = arith.select %eq3A_1527, %broadcast_in_dim3A_1528, %broadcast_in_dim3A_3 : vector<16xi1>, vector<16xf32>
    %add3A_1530 = arith.addf %add3A_1477, %select_n3A_1529 : vector<16xf32>
    %slice3A_1531 = vector.extract_strided_slice %scan3A_99#37 {offsets = [0], sizes = [1], strides = [1]} : vector<16xf32> to vector<1xf32>
    %squeeze3A_1532 = vector.extract %slice3A_1531[0] : f32 from vector<1xf32>
    %slice3A_1533 = vector.extract_strided_slice %scan3A_99#37 {offsets = [1], sizes = [1], strides = [1]} : vector<16xf32> to vector<1xf32>
    %squeeze3A_1534 = vector.extract %slice3A_1533[0] : f32 from vector<1xf32>
    %add3A_1535 = arith.addf %squeeze3A_1532, %squeeze3A_1534 : f32
    %slice3A_1536 = vector.extract_strided_slice %scan3A_99#37 {offsets = [2], sizes = [1], strides = [1]} : vector<16xf32> to vector<1xf32>
    %squeeze3A_1537 = vector.extract %slice3A_1536[0] : f32 from vector<1xf32>
    %add3A_1538 = arith.addf %add3A_1535, %squeeze3A_1537 : f32
    %slice3A_1539 = vector.extract_strided_slice %scan3A_99#37 {offsets = [3], sizes = [1], strides = [1]} : vector<16xf32> to vector<1xf32>
    %squeeze3A_1540 = vector.extract %slice3A_1539[0] : f32 from vector<1xf32>
    %add3A_1541 = arith.addf %add3A_1538, %squeeze3A_1540 : f32
    %slice3A_1542 = vector.extract_strided_slice %scan3A_99#37 {offsets = [4], sizes = [1], strides = [1]} : vector<16xf32> to vector<1xf32>
    %squeeze3A_1543 = vector.extract %slice3A_1542[0] : f32 from vector<1xf32>
    %add3A_1544 = arith.addf %add3A_1541, %squeeze3A_1543 : f32
    %slice3A_1545 = vector.extract_strided_slice %scan3A_99#37 {offsets = [5], sizes = [1], strides = [1]} : vector<16xf32> to vector<1xf32>
    %squeeze3A_1546 = vector.extract %slice3A_1545[0] : f32 from vector<1xf32>
    %add3A_1547 = arith.addf %add3A_1544, %squeeze3A_1546 : f32
    %slice3A_1548 = vector.extract_strided_slice %scan3A_99#37 {offsets = [6], sizes = [1], strides = [1]} : vector<16xf32> to vector<1xf32>
    %squeeze3A_1549 = vector.extract %slice3A_1548[0] : f32 from vector<1xf32>
    %add3A_1550 = arith.addf %add3A_1547, %squeeze3A_1549 : f32
    %slice3A_1551 = vector.extract_strided_slice %scan3A_99#37 {offsets = [7], sizes = [1], strides = [1]} : vector<16xf32> to vector<1xf32>
    %squeeze3A_1552 = vector.extract %slice3A_1551[0] : f32 from vector<1xf32>
    %add3A_1553 = arith.addf %add3A_1550, %squeeze3A_1552 : f32
    %slice3A_1554 = vector.extract_strided_slice %scan3A_99#37 {offsets = [8], sizes = [1], strides = [1]} : vector<16xf32> to vector<1xf32>
    %squeeze3A_1555 = vector.extract %slice3A_1554[0] : f32 from vector<1xf32>
    %add3A_1556 = arith.addf %add3A_1553, %squeeze3A_1555 : f32
    %slice3A_1557 = vector.extract_strided_slice %scan3A_99#37 {offsets = [9], sizes = [1], strides = [1]} : vector<16xf32> to vector<1xf32>
    %squeeze3A_1558 = vector.extract %slice3A_1557[0] : f32 from vector<1xf32>
    %add3A_1559 = arith.addf %add3A_1556, %squeeze3A_1558 : f32
    %slice3A_1560 = vector.extract_strided_slice %scan3A_99#37 {offsets = [10], sizes = [1], strides = [1]} : vector<16xf32> to vector<1xf32>
    %squeeze3A_1561 = vector.extract %slice3A_1560[0] : f32 from vector<1xf32>
    %add3A_1562 = arith.addf %add3A_1559, %squeeze3A_1561 : f32
    %slice3A_1563 = vector.extract_strided_slice %scan3A_99#37 {offsets = [11], sizes = [1], strides = [1]} : vector<16xf32> to vector<1xf32>
    %squeeze3A_1564 = vector.extract %slice3A_1563[0] : f32 from vector<1xf32>
    %add3A_1565 = arith.addf %add3A_1562, %squeeze3A_1564 : f32
    %slice3A_1566 = vector.extract_strided_slice %scan3A_99#37 {offsets = [12], sizes = [1], strides = [1]} : vector<16xf32> to vector<1xf32>
    %squeeze3A_1567 = vector.extract %slice3A_1566[0] : f32 from vector<1xf32>
    %add3A_1568 = arith.addf %add3A_1565, %squeeze3A_1567 : f32
    %slice3A_1569 = vector.extract_strided_slice %scan3A_99#37 {offsets = [13], sizes = [1], strides = [1]} : vector<16xf32> to vector<1xf32>
    %squeeze3A_1570 = vector.extract %slice3A_1569[0] : f32 from vector<1xf32>
    %add3A_1571 = arith.addf %add3A_1568, %squeeze3A_1570 : f32
    %slice3A_1572 = vector.extract_strided_slice %scan3A_99#37 {offsets = [14], sizes = [1], strides = [1]} : vector<16xf32> to vector<1xf32>
    %squeeze3A_1573 = vector.extract %slice3A_1572[0] : f32 from vector<1xf32>
    %add3A_1574 = arith.addf %add3A_1571, %squeeze3A_1573 : f32
    %slice3A_1575 = vector.extract_strided_slice %scan3A_99#37 {offsets = [15], sizes = [1], strides = [1]} : vector<16xf32> to vector<1xf32>
    %squeeze3A_1576 = vector.extract %slice3A_1575[0] : f32 from vector<1xf32>
    %add3A_1577 = arith.addf %add3A_1574, %squeeze3A_1576 : f32
    %eq3A_1578 = arith.constant 12 : i32
    %eq3A_1579 = vector.broadcast %eq3A_1578 : i32 to vector<16xi32>
    %eq3A_1580 = arith.cmpi eq, %iota3A, %eq3A_1579 : vector<16xi32>
    %broadcast_in_dim3A_1581 = vector.broadcast %add3A_1577 : f32 to vector<16xf32>
    %select_n3A_1582 = arith.select %eq3A_1580, %broadcast_in_dim3A_1581, %broadcast_in_dim3A_3 : vector<16xi1>, vector<16xf32>
    %add3A_1583 = arith.addf %add3A_1530, %select_n3A_1582 : vector<16xf32>
    %slice3A_1584 = vector.extract_strided_slice %scan3A_99#40 {offsets = [0], sizes = [1], strides = [1]} : vector<16xf32> to vector<1xf32>
    %squeeze3A_1585 = vector.extract %slice3A_1584[0] : f32 from vector<1xf32>
    %slice3A_1586 = vector.extract_strided_slice %scan3A_99#40 {offsets = [1], sizes = [1], strides = [1]} : vector<16xf32> to vector<1xf32>
    %squeeze3A_1587 = vector.extract %slice3A_1586[0] : f32 from vector<1xf32>
    %add3A_1588 = arith.addf %squeeze3A_1585, %squeeze3A_1587 : f32
    %slice3A_1589 = vector.extract_strided_slice %scan3A_99#40 {offsets = [2], sizes = [1], strides = [1]} : vector<16xf32> to vector<1xf32>
    %squeeze3A_1590 = vector.extract %slice3A_1589[0] : f32 from vector<1xf32>
    %add3A_1591 = arith.addf %add3A_1588, %squeeze3A_1590 : f32
    %slice3A_1592 = vector.extract_strided_slice %scan3A_99#40 {offsets = [3], sizes = [1], strides = [1]} : vector<16xf32> to vector<1xf32>
    %squeeze3A_1593 = vector.extract %slice3A_1592[0] : f32 from vector<1xf32>
    %add3A_1594 = arith.addf %add3A_1591, %squeeze3A_1593 : f32
    %slice3A_1595 = vector.extract_strided_slice %scan3A_99#40 {offsets = [4], sizes = [1], strides = [1]} : vector<16xf32> to vector<1xf32>
    %squeeze3A_1596 = vector.extract %slice3A_1595[0] : f32 from vector<1xf32>
    %add3A_1597 = arith.addf %add3A_1594, %squeeze3A_1596 : f32
    %slice3A_1598 = vector.extract_strided_slice %scan3A_99#40 {offsets = [5], sizes = [1], strides = [1]} : vector<16xf32> to vector<1xf32>
    %squeeze3A_1599 = vector.extract %slice3A_1598[0] : f32 from vector<1xf32>
    %add3A_1600 = arith.addf %add3A_1597, %squeeze3A_1599 : f32
    %slice3A_1601 = vector.extract_strided_slice %scan3A_99#40 {offsets = [6], sizes = [1], strides = [1]} : vector<16xf32> to vector<1xf32>
    %squeeze3A_1602 = vector.extract %slice3A_1601[0] : f32 from vector<1xf32>
    %add3A_1603 = arith.addf %add3A_1600, %squeeze3A_1602 : f32
    %slice3A_1604 = vector.extract_strided_slice %scan3A_99#40 {offsets = [7], sizes = [1], strides = [1]} : vector<16xf32> to vector<1xf32>
    %squeeze3A_1605 = vector.extract %slice3A_1604[0] : f32 from vector<1xf32>
    %add3A_1606 = arith.addf %add3A_1603, %squeeze3A_1605 : f32
    %slice3A_1607 = vector.extract_strided_slice %scan3A_99#40 {offsets = [8], sizes = [1], strides = [1]} : vector<16xf32> to vector<1xf32>
    %squeeze3A_1608 = vector.extract %slice3A_1607[0] : f32 from vector<1xf32>
    %add3A_1609 = arith.addf %add3A_1606, %squeeze3A_1608 : f32
    %slice3A_1610 = vector.extract_strided_slice %scan3A_99#40 {offsets = [9], sizes = [1], strides = [1]} : vector<16xf32> to vector<1xf32>
    %squeeze3A_1611 = vector.extract %slice3A_1610[0] : f32 from vector<1xf32>
    %add3A_1612 = arith.addf %add3A_1609, %squeeze3A_1611 : f32
    %slice3A_1613 = vector.extract_strided_slice %scan3A_99#40 {offsets = [10], sizes = [1], strides = [1]} : vector<16xf32> to vector<1xf32>
    %squeeze3A_1614 = vector.extract %slice3A_1613[0] : f32 from vector<1xf32>
    %add3A_1615 = arith.addf %add3A_1612, %squeeze3A_1614 : f32
    %slice3A_1616 = vector.extract_strided_slice %scan3A_99#40 {offsets = [11], sizes = [1], strides = [1]} : vector<16xf32> to vector<1xf32>
    %squeeze3A_1617 = vector.extract %slice3A_1616[0] : f32 from vector<1xf32>
    %add3A_1618 = arith.addf %add3A_1615, %squeeze3A_1617 : f32
    %slice3A_1619 = vector.extract_strided_slice %scan3A_99#40 {offsets = [12], sizes = [1], strides = [1]} : vector<16xf32> to vector<1xf32>
    %squeeze3A_1620 = vector.extract %slice3A_1619[0] : f32 from vector<1xf32>
    %add3A_1621 = arith.addf %add3A_1618, %squeeze3A_1620 : f32
    %slice3A_1622 = vector.extract_strided_slice %scan3A_99#40 {offsets = [13], sizes = [1], strides = [1]} : vector<16xf32> to vector<1xf32>
    %squeeze3A_1623 = vector.extract %slice3A_1622[0] : f32 from vector<1xf32>
    %add3A_1624 = arith.addf %add3A_1621, %squeeze3A_1623 : f32
    %slice3A_1625 = vector.extract_strided_slice %scan3A_99#40 {offsets = [14], sizes = [1], strides = [1]} : vector<16xf32> to vector<1xf32>
    %squeeze3A_1626 = vector.extract %slice3A_1625[0] : f32 from vector<1xf32>
    %add3A_1627 = arith.addf %add3A_1624, %squeeze3A_1626 : f32
    %slice3A_1628 = vector.extract_strided_slice %scan3A_99#40 {offsets = [15], sizes = [1], strides = [1]} : vector<16xf32> to vector<1xf32>
    %squeeze3A_1629 = vector.extract %slice3A_1628[0] : f32 from vector<1xf32>
    %add3A_1630 = arith.addf %add3A_1627, %squeeze3A_1629 : f32
    %eq3A_1631 = arith.constant 13 : i32
    %eq3A_1632 = vector.broadcast %eq3A_1631 : i32 to vector<16xi32>
    %eq3A_1633 = arith.cmpi eq, %iota3A, %eq3A_1632 : vector<16xi32>
    %broadcast_in_dim3A_1634 = vector.broadcast %add3A_1630 : f32 to vector<16xf32>
    %select_n3A_1635 = arith.select %eq3A_1633, %broadcast_in_dim3A_1634, %broadcast_in_dim3A_3 : vector<16xi1>, vector<16xf32>
    %add3A_1636 = arith.addf %add3A_1583, %select_n3A_1635 : vector<16xf32>
    %slice3A_1637 = vector.extract_strided_slice %scan3A_99#43 {offsets = [0], sizes = [1], strides = [1]} : vector<16xf32> to vector<1xf32>
    %squeeze3A_1638 = vector.extract %slice3A_1637[0] : f32 from vector<1xf32>
    %slice3A_1639 = vector.extract_strided_slice %scan3A_99#43 {offsets = [1], sizes = [1], strides = [1]} : vector<16xf32> to vector<1xf32>
    %squeeze3A_1640 = vector.extract %slice3A_1639[0] : f32 from vector<1xf32>
    %add3A_1641 = arith.addf %squeeze3A_1638, %squeeze3A_1640 : f32
    %slice3A_1642 = vector.extract_strided_slice %scan3A_99#43 {offsets = [2], sizes = [1], strides = [1]} : vector<16xf32> to vector<1xf32>
    %squeeze3A_1643 = vector.extract %slice3A_1642[0] : f32 from vector<1xf32>
    %add3A_1644 = arith.addf %add3A_1641, %squeeze3A_1643 : f32
    %slice3A_1645 = vector.extract_strided_slice %scan3A_99#43 {offsets = [3], sizes = [1], strides = [1]} : vector<16xf32> to vector<1xf32>
    %squeeze3A_1646 = vector.extract %slice3A_1645[0] : f32 from vector<1xf32>
    %add3A_1647 = arith.addf %add3A_1644, %squeeze3A_1646 : f32
    %slice3A_1648 = vector.extract_strided_slice %scan3A_99#43 {offsets = [4], sizes = [1], strides = [1]} : vector<16xf32> to vector<1xf32>
    %squeeze3A_1649 = vector.extract %slice3A_1648[0] : f32 from vector<1xf32>
    %add3A_1650 = arith.addf %add3A_1647, %squeeze3A_1649 : f32
    %slice3A_1651 = vector.extract_strided_slice %scan3A_99#43 {offsets = [5], sizes = [1], strides = [1]} : vector<16xf32> to vector<1xf32>
    %squeeze3A_1652 = vector.extract %slice3A_1651[0] : f32 from vector<1xf32>
    %add3A_1653 = arith.addf %add3A_1650, %squeeze3A_1652 : f32
    %slice3A_1654 = vector.extract_strided_slice %scan3A_99#43 {offsets = [6], sizes = [1], strides = [1]} : vector<16xf32> to vector<1xf32>
    %squeeze3A_1655 = vector.extract %slice3A_1654[0] : f32 from vector<1xf32>
    %add3A_1656 = arith.addf %add3A_1653, %squeeze3A_1655 : f32
    %slice3A_1657 = vector.extract_strided_slice %scan3A_99#43 {offsets = [7], sizes = [1], strides = [1]} : vector<16xf32> to vector<1xf32>
    %squeeze3A_1658 = vector.extract %slice3A_1657[0] : f32 from vector<1xf32>
    %add3A_1659 = arith.addf %add3A_1656, %squeeze3A_1658 : f32
    %slice3A_1660 = vector.extract_strided_slice %scan3A_99#43 {offsets = [8], sizes = [1], strides = [1]} : vector<16xf32> to vector<1xf32>
    %squeeze3A_1661 = vector.extract %slice3A_1660[0] : f32 from vector<1xf32>
    %add3A_1662 = arith.addf %add3A_1659, %squeeze3A_1661 : f32
    %slice3A_1663 = vector.extract_strided_slice %scan3A_99#43 {offsets = [9], sizes = [1], strides = [1]} : vector<16xf32> to vector<1xf32>
    %squeeze3A_1664 = vector.extract %slice3A_1663[0] : f32 from vector<1xf32>
    %add3A_1665 = arith.addf %add3A_1662, %squeeze3A_1664 : f32
    %slice3A_1666 = vector.extract_strided_slice %scan3A_99#43 {offsets = [10], sizes = [1], strides = [1]} : vector<16xf32> to vector<1xf32>
    %squeeze3A_1667 = vector.extract %slice3A_1666[0] : f32 from vector<1xf32>
    %add3A_1668 = arith.addf %add3A_1665, %squeeze3A_1667 : f32
    %slice3A_1669 = vector.extract_strided_slice %scan3A_99#43 {offsets = [11], sizes = [1], strides = [1]} : vector<16xf32> to vector<1xf32>
    %squeeze3A_1670 = vector.extract %slice3A_1669[0] : f32 from vector<1xf32>
    %add3A_1671 = arith.addf %add3A_1668, %squeeze3A_1670 : f32
    %slice3A_1672 = vector.extract_strided_slice %scan3A_99#43 {offsets = [12], sizes = [1], strides = [1]} : vector<16xf32> to vector<1xf32>
    %squeeze3A_1673 = vector.extract %slice3A_1672[0] : f32 from vector<1xf32>
    %add3A_1674 = arith.addf %add3A_1671, %squeeze3A_1673 : f32
    %slice3A_1675 = vector.extract_strided_slice %scan3A_99#43 {offsets = [13], sizes = [1], strides = [1]} : vector<16xf32> to vector<1xf32>
    %squeeze3A_1676 = vector.extract %slice3A_1675[0] : f32 from vector<1xf32>
    %add3A_1677 = arith.addf %add3A_1674, %squeeze3A_1676 : f32
    %slice3A_1678 = vector.extract_strided_slice %scan3A_99#43 {offsets = [14], sizes = [1], strides = [1]} : vector<16xf32> to vector<1xf32>
    %squeeze3A_1679 = vector.extract %slice3A_1678[0] : f32 from vector<1xf32>
    %add3A_1680 = arith.addf %add3A_1677, %squeeze3A_1679 : f32
    %slice3A_1681 = vector.extract_strided_slice %scan3A_99#43 {offsets = [15], sizes = [1], strides = [1]} : vector<16xf32> to vector<1xf32>
    %squeeze3A_1682 = vector.extract %slice3A_1681[0] : f32 from vector<1xf32>
    %add3A_1683 = arith.addf %add3A_1680, %squeeze3A_1682 : f32
    %eq3A_1684 = arith.constant 14 : i32
    %eq3A_1685 = vector.broadcast %eq3A_1684 : i32 to vector<16xi32>
    %eq3A_1686 = arith.cmpi eq, %iota3A, %eq3A_1685 : vector<16xi32>
    %broadcast_in_dim3A_1687 = vector.broadcast %add3A_1683 : f32 to vector<16xf32>
    %select_n3A_1688 = arith.select %eq3A_1686, %broadcast_in_dim3A_1687, %broadcast_in_dim3A_3 : vector<16xi1>, vector<16xf32>
    %add3A_1689 = arith.addf %add3A_1636, %select_n3A_1688 : vector<16xf32>
    %swap3A_1690 = arith.constant 16 : index
    %swap3A_1691 = tpu.vector_load %arg7[%swap3A_1690] {strides = array<i32>} : memref<48xf32, #tpu.memory_space<vmem>>, vector<16xf32>,
    %swap3A_1692 = vector.shape_cast %swap3A_1691 : vector<16xf32> to vector<16xf32>
    %swap3A_1693 = vector.shape_cast %add3A_1689 : vector<16xf32> to vector<16xf32>
    tpu.vector_store %arg7[%swap3A_1690], %swap3A_1693 {strides = array<i32>} : memref<48xf32, #tpu.memory_space<vmem>>, vector<16xf32>,
    %slice3A_1694 = vector.extract_strided_slice %scan3A_99#2 {offsets = [0], sizes = [1], strides = [1]} : vector<16xf32> to vector<1xf32>
    %squeeze3A_1695 = vector.extract %slice3A_1694[0] : f32 from vector<1xf32>
    %slice3A_1696 = vector.extract_strided_slice %scan3A_99#2 {offsets = [1], sizes = [1], strides = [1]} : vector<16xf32> to vector<1xf32>
    %squeeze3A_1697 = vector.extract %slice3A_1696[0] : f32 from vector<1xf32>
    %add3A_1698 = arith.addf %squeeze3A_1695, %squeeze3A_1697 : f32
    %slice3A_1699 = vector.extract_strided_slice %scan3A_99#2 {offsets = [2], sizes = [1], strides = [1]} : vector<16xf32> to vector<1xf32>
    %squeeze3A_1700 = vector.extract %slice3A_1699[0] : f32 from vector<1xf32>
    %add3A_1701 = arith.addf %add3A_1698, %squeeze3A_1700 : f32
    %slice3A_1702 = vector.extract_strided_slice %scan3A_99#2 {offsets = [3], sizes = [1], strides = [1]} : vector<16xf32> to vector<1xf32>
    %squeeze3A_1703 = vector.extract %slice3A_1702[0] : f32 from vector<1xf32>
    %add3A_1704 = arith.addf %add3A_1701, %squeeze3A_1703 : f32
    %slice3A_1705 = vector.extract_strided_slice %scan3A_99#2 {offsets = [4], sizes = [1], strides = [1]} : vector<16xf32> to vector<1xf32>
    %squeeze3A_1706 = vector.extract %slice3A_1705[0] : f32 from vector<1xf32>
    %add3A_1707 = arith.addf %add3A_1704, %squeeze3A_1706 : f32
    %slice3A_1708 = vector.extract_strided_slice %scan3A_99#2 {offsets = [5], sizes = [1], strides = [1]} : vector<16xf32> to vector<1xf32>
    %squeeze3A_1709 = vector.extract %slice3A_1708[0] : f32 from vector<1xf32>
    %add3A_1710 = arith.addf %add3A_1707, %squeeze3A_1709 : f32
    %slice3A_1711 = vector.extract_strided_slice %scan3A_99#2 {offsets = [6], sizes = [1], strides = [1]} : vector<16xf32> to vector<1xf32>
    %squeeze3A_1712 = vector.extract %slice3A_1711[0] : f32 from vector<1xf32>
    %add3A_1713 = arith.addf %add3A_1710, %squeeze3A_1712 : f32
    %slice3A_1714 = vector.extract_strided_slice %scan3A_99#2 {offsets = [7], sizes = [1], strides = [1]} : vector<16xf32> to vector<1xf32>
    %squeeze3A_1715 = vector.extract %slice3A_1714[0] : f32 from vector<1xf32>
    %add3A_1716 = arith.addf %add3A_1713, %squeeze3A_1715 : f32
    %slice3A_1717 = vector.extract_strided_slice %scan3A_99#2 {offsets = [8], sizes = [1], strides = [1]} : vector<16xf32> to vector<1xf32>
    %squeeze3A_1718 = vector.extract %slice3A_1717[0] : f32 from vector<1xf32>
    %add3A_1719 = arith.addf %add3A_1716, %squeeze3A_1718 : f32
    %slice3A_1720 = vector.extract_strided_slice %scan3A_99#2 {offsets = [9], sizes = [1], strides = [1]} : vector<16xf32> to vector<1xf32>
    %squeeze3A_1721 = vector.extract %slice3A_1720[0] : f32 from vector<1xf32>
    %add3A_1722 = arith.addf %add3A_1719, %squeeze3A_1721 : f32
    %slice3A_1723 = vector.extract_strided_slice %scan3A_99#2 {offsets = [10], sizes = [1], strides = [1]} : vector<16xf32> to vector<1xf32>
    %squeeze3A_1724 = vector.extract %slice3A_1723[0] : f32 from vector<1xf32>
    %add3A_1725 = arith.addf %add3A_1722, %squeeze3A_1724 : f32
    %slice3A_1726 = vector.extract_strided_slice %scan3A_99#2 {offsets = [11], sizes = [1], strides = [1]} : vector<16xf32> to vector<1xf32>
    %squeeze3A_1727 = vector.extract %slice3A_1726[0] : f32 from vector<1xf32>
    %add3A_1728 = arith.addf %add3A_1725, %squeeze3A_1727 : f32
    %slice3A_1729 = vector.extract_strided_slice %scan3A_99#2 {offsets = [12], sizes = [1], strides = [1]} : vector<16xf32> to vector<1xf32>
    %squeeze3A_1730 = vector.extract %slice3A_1729[0] : f32 from vector<1xf32>
    %add3A_1731 = arith.addf %add3A_1728, %squeeze3A_1730 : f32
    %slice3A_1732 = vector.extract_strided_slice %scan3A_99#2 {offsets = [13], sizes = [1], strides = [1]} : vector<16xf32> to vector<1xf32>
    %squeeze3A_1733 = vector.extract %slice3A_1732[0] : f32 from vector<1xf32>
    %add3A_1734 = arith.addf %add3A_1731, %squeeze3A_1733 : f32
    %slice3A_1735 = vector.extract_strided_slice %scan3A_99#2 {offsets = [14], sizes = [1], strides = [1]} : vector<16xf32> to vector<1xf32>
    %squeeze3A_1736 = vector.extract %slice3A_1735[0] : f32 from vector<1xf32>
    %add3A_1737 = arith.addf %add3A_1734, %squeeze3A_1736 : f32
    %slice3A_1738 = vector.extract_strided_slice %scan3A_99#2 {offsets = [15], sizes = [1], strides = [1]} : vector<16xf32> to vector<1xf32>
    %squeeze3A_1739 = vector.extract %slice3A_1738[0] : f32 from vector<1xf32>
    %add3A_1740 = arith.addf %add3A_1737, %squeeze3A_1739 : f32
    %eq3A_1741 = arith.constant 0 : i32
    %eq3A_1742 = vector.broadcast %eq3A_1741 : i32 to vector<16xi32>
    %eq3A_1743 = arith.cmpi eq, %iota3A, %eq3A_1742 : vector<16xi32>
    %broadcast_in_dim3A_1744 = vector.broadcast %add3A_1740 : f32 to vector<16xf32>
    %select_n3A_1745 = arith.select %eq3A_1743, %broadcast_in_dim3A_1744, %broadcast_in_dim3A_3 : vector<16xi1>, vector<16xf32>
    %add3A_1746 = arith.addf %broadcast_in_dim3A_3, %select_n3A_1745 : vector<16xf32>
    %slice3A_1747 = vector.extract_strided_slice %scan3A_99#5 {offsets = [0], sizes = [1], strides = [1]} : vector<16xf32> to vector<1xf32>
    %squeeze3A_1748 = vector.extract %slice3A_1747[0] : f32 from vector<1xf32>
    %slice3A_1749 = vector.extract_strided_slice %scan3A_99#5 {offsets = [1], sizes = [1], strides = [1]} : vector<16xf32> to vector<1xf32>
    %squeeze3A_1750 = vector.extract %slice3A_1749[0] : f32 from vector<1xf32>
    %add3A_1751 = arith.addf %squeeze3A_1748, %squeeze3A_1750 : f32
    %slice3A_1752 = vector.extract_strided_slice %scan3A_99#5 {offsets = [2], sizes = [1], strides = [1]} : vector<16xf32> to vector<1xf32>
    %squeeze3A_1753 = vector.extract %slice3A_1752[0] : f32 from vector<1xf32>
    %add3A_1754 = arith.addf %add3A_1751, %squeeze3A_1753 : f32
    %slice3A_1755 = vector.extract_strided_slice %scan3A_99#5 {offsets = [3], sizes = [1], strides = [1]} : vector<16xf32> to vector<1xf32>
    %squeeze3A_1756 = vector.extract %slice3A_1755[0] : f32 from vector<1xf32>
    %add3A_1757 = arith.addf %add3A_1754, %squeeze3A_1756 : f32
    %slice3A_1758 = vector.extract_strided_slice %scan3A_99#5 {offsets = [4], sizes = [1], strides = [1]} : vector<16xf32> to vector<1xf32>
    %squeeze3A_1759 = vector.extract %slice3A_1758[0] : f32 from vector<1xf32>
    %add3A_1760 = arith.addf %add3A_1757, %squeeze3A_1759 : f32
    %slice3A_1761 = vector.extract_strided_slice %scan3A_99#5 {offsets = [5], sizes = [1], strides = [1]} : vector<16xf32> to vector<1xf32>
    %squeeze3A_1762 = vector.extract %slice3A_1761[0] : f32 from vector<1xf32>
    %add3A_1763 = arith.addf %add3A_1760, %squeeze3A_1762 : f32
    %slice3A_1764 = vector.extract_strided_slice %scan3A_99#5 {offsets = [6], sizes = [1], strides = [1]} : vector<16xf32> to vector<1xf32>
    %squeeze3A_1765 = vector.extract %slice3A_1764[0] : f32 from vector<1xf32>
    %add3A_1766 = arith.addf %add3A_1763, %squeeze3A_1765 : f32
    %slice3A_1767 = vector.extract_strided_slice %scan3A_99#5 {offsets = [7], sizes = [1], strides = [1]} : vector<16xf32> to vector<1xf32>
    %squeeze3A_1768 = vector.extract %slice3A_1767[0] : f32 from vector<1xf32>
    %add3A_1769 = arith.addf %add3A_1766, %squeeze3A_1768 : f32
    %slice3A_1770 = vector.extract_strided_slice %scan3A_99#5 {offsets = [8], sizes = [1], strides = [1]} : vector<16xf32> to vector<1xf32>
    %squeeze3A_1771 = vector.extract %slice3A_1770[0] : f32 from vector<1xf32>
    %add3A_1772 = arith.addf %add3A_1769, %squeeze3A_1771 : f32
    %slice3A_1773 = vector.extract_strided_slice %scan3A_99#5 {offsets = [9], sizes = [1], strides = [1]} : vector<16xf32> to vector<1xf32>
    %squeeze3A_1774 = vector.extract %slice3A_1773[0] : f32 from vector<1xf32>
    %add3A_1775 = arith.addf %add3A_1772, %squeeze3A_1774 : f32
    %slice3A_1776 = vector.extract_strided_slice %scan3A_99#5 {offsets = [10], sizes = [1], strides = [1]} : vector<16xf32> to vector<1xf32>
    %squeeze3A_1777 = vector.extract %slice3A_1776[0] : f32 from vector<1xf32>
    %add3A_1778 = arith.addf %add3A_1775, %squeeze3A_1777 : f32
    %slice3A_1779 = vector.extract_strided_slice %scan3A_99#5 {offsets = [11], sizes = [1], strides = [1]} : vector<16xf32> to vector<1xf32>
    %squeeze3A_1780 = vector.extract %slice3A_1779[0] : f32 from vector<1xf32>
    %add3A_1781 = arith.addf %add3A_1778, %squeeze3A_1780 : f32
    %slice3A_1782 = vector.extract_strided_slice %scan3A_99#5 {offsets = [12], sizes = [1], strides = [1]} : vector<16xf32> to vector<1xf32>
    %squeeze3A_1783 = vector.extract %slice3A_1782[0] : f32 from vector<1xf32>
    %add3A_1784 = arith.addf %add3A_1781, %squeeze3A_1783 : f32
    %slice3A_1785 = vector.extract_strided_slice %scan3A_99#5 {offsets = [13], sizes = [1], strides = [1]} : vector<16xf32> to vector<1xf32>
    %squeeze3A_1786 = vector.extract %slice3A_1785[0] : f32 from vector<1xf32>
    %add3A_1787 = arith.addf %add3A_1784, %squeeze3A_1786 : f32
    %slice3A_1788 = vector.extract_strided_slice %scan3A_99#5 {offsets = [14], sizes = [1], strides = [1]} : vector<16xf32> to vector<1xf32>
    %squeeze3A_1789 = vector.extract %slice3A_1788[0] : f32 from vector<1xf32>
    %add3A_1790 = arith.addf %add3A_1787, %squeeze3A_1789 : f32
    %slice3A_1791 = vector.extract_strided_slice %scan3A_99#5 {offsets = [15], sizes = [1], strides = [1]} : vector<16xf32> to vector<1xf32>
    %squeeze3A_1792 = vector.extract %slice3A_1791[0] : f32 from vector<1xf32>
    %add3A_1793 = arith.addf %add3A_1790, %squeeze3A_1792 : f32
    %eq3A_1794 = arith.constant 1 : i32
    %eq3A_1795 = vector.broadcast %eq3A_1794 : i32 to vector<16xi32>
    %eq3A_1796 = arith.cmpi eq, %iota3A, %eq3A_1795 : vector<16xi32>
    %broadcast_in_dim3A_1797 = vector.broadcast %add3A_1793 : f32 to vector<16xf32>
    %select_n3A_1798 = arith.select %eq3A_1796, %broadcast_in_dim3A_1797, %broadcast_in_dim3A_3 : vector<16xi1>, vector<16xf32>
    %add3A_1799 = arith.addf %add3A_1746, %select_n3A_1798 : vector<16xf32>
    %slice3A_1800 = vector.extract_strided_slice %scan3A_99#8 {offsets = [0], sizes = [1], strides = [1]} : vector<16xf32> to vector<1xf32>
    %squeeze3A_1801 = vector.extract %slice3A_1800[0] : f32 from vector<1xf32>
    %slice3A_1802 = vector.extract_strided_slice %scan3A_99#8 {offsets = [1], sizes = [1], strides = [1]} : vector<16xf32> to vector<1xf32>
    %squeeze3A_1803 = vector.extract %slice3A_1802[0] : f32 from vector<1xf32>
    %add3A_1804 = arith.addf %squeeze3A_1801, %squeeze3A_1803 : f32
    %slice3A_1805 = vector.extract_strided_slice %scan3A_99#8 {offsets = [2], sizes = [1], strides = [1]} : vector<16xf32> to vector<1xf32>
    %squeeze3A_1806 = vector.extract %slice3A_1805[0] : f32 from vector<1xf32>
    %add3A_1807 = arith.addf %add3A_1804, %squeeze3A_1806 : f32
    %slice3A_1808 = vector.extract_strided_slice %scan3A_99#8 {offsets = [3], sizes = [1], strides = [1]} : vector<16xf32> to vector<1xf32>
    %squeeze3A_1809 = vector.extract %slice3A_1808[0] : f32 from vector<1xf32>
    %add3A_1810 = arith.addf %add3A_1807, %squeeze3A_1809 : f32
    %slice3A_1811 = vector.extract_strided_slice %scan3A_99#8 {offsets = [4], sizes = [1], strides = [1]} : vector<16xf32> to vector<1xf32>
    %squeeze3A_1812 = vector.extract %slice3A_1811[0] : f32 from vector<1xf32>
    %add3A_1813 = arith.addf %add3A_1810, %squeeze3A_1812 : f32
    %slice3A_1814 = vector.extract_strided_slice %scan3A_99#8 {offsets = [5], sizes = [1], strides = [1]} : vector<16xf32> to vector<1xf32>
    %squeeze3A_1815 = vector.extract %slice3A_1814[0] : f32 from vector<1xf32>
    %add3A_1816 = arith.addf %add3A_1813, %squeeze3A_1815 : f32
    %slice3A_1817 = vector.extract_strided_slice %scan3A_99#8 {offsets = [6], sizes = [1], strides = [1]} : vector<16xf32> to vector<1xf32>
    %squeeze3A_1818 = vector.extract %slice3A_1817[0] : f32 from vector<1xf32>
    %add3A_1819 = arith.addf %add3A_1816, %squeeze3A_1818 : f32
    %slice3A_1820 = vector.extract_strided_slice %scan3A_99#8 {offsets = [7], sizes = [1], strides = [1]} : vector<16xf32> to vector<1xf32>
    %squeeze3A_1821 = vector.extract %slice3A_1820[0] : f32 from vector<1xf32>
    %add3A_1822 = arith.addf %add3A_1819, %squeeze3A_1821 : f32
    %slice3A_1823 = vector.extract_strided_slice %scan3A_99#8 {offsets = [8], sizes = [1], strides = [1]} : vector<16xf32> to vector<1xf32>
    %squeeze3A_1824 = vector.extract %slice3A_1823[0] : f32 from vector<1xf32>
    %add3A_1825 = arith.addf %add3A_1822, %squeeze3A_1824 : f32
    %slice3A_1826 = vector.extract_strided_slice %scan3A_99#8 {offsets = [9], sizes = [1], strides = [1]} : vector<16xf32> to vector<1xf32>
    %squeeze3A_1827 = vector.extract %slice3A_1826[0] : f32 from vector<1xf32>
    %add3A_1828 = arith.addf %add3A_1825, %squeeze3A_1827 : f32
    %slice3A_1829 = vector.extract_strided_slice %scan3A_99#8 {offsets = [10], sizes = [1], strides = [1]} : vector<16xf32> to vector<1xf32>
    %squeeze3A_1830 = vector.extract %slice3A_1829[0] : f32 from vector<1xf32>
    %add3A_1831 = arith.addf %add3A_1828, %squeeze3A_1830 : f32
    %slice3A_1832 = vector.extract_strided_slice %scan3A_99#8 {offsets = [11], sizes = [1], strides = [1]} : vector<16xf32> to vector<1xf32>
    %squeeze3A_1833 = vector.extract %slice3A_1832[0] : f32 from vector<1xf32>
    %add3A_1834 = arith.addf %add3A_1831, %squeeze3A_1833 : f32
    %slice3A_1835 = vector.extract_strided_slice %scan3A_99#8 {offsets = [12], sizes = [1], strides = [1]} : vector<16xf32> to vector<1xf32>
    %squeeze3A_1836 = vector.extract %slice3A_1835[0] : f32 from vector<1xf32>
    %add3A_1837 = arith.addf %add3A_1834, %squeeze3A_1836 : f32
    %slice3A_1838 = vector.extract_strided_slice %scan3A_99#8 {offsets = [13], sizes = [1], strides = [1]} : vector<16xf32> to vector<1xf32>
    %squeeze3A_1839 = vector.extract %slice3A_1838[0] : f32 from vector<1xf32>
    %add3A_1840 = arith.addf %add3A_1837, %squeeze3A_1839 : f32
    %slice3A_1841 = vector.extract_strided_slice %scan3A_99#8 {offsets = [14], sizes = [1], strides = [1]} : vector<16xf32> to vector<1xf32>
    %squeeze3A_1842 = vector.extract %slice3A_1841[0] : f32 from vector<1xf32>
    %add3A_1843 = arith.addf %add3A_1840, %squeeze3A_1842 : f32
    %slice3A_1844 = vector.extract_strided_slice %scan3A_99#8 {offsets = [15], sizes = [1], strides = [1]} : vector<16xf32> to vector<1xf32>
    %squeeze3A_1845 = vector.extract %slice3A_1844[0] : f32 from vector<1xf32>
    %add3A_1846 = arith.addf %add3A_1843, %squeeze3A_1845 : f32
    %eq3A_1847 = arith.constant 2 : i32
    %eq3A_1848 = vector.broadcast %eq3A_1847 : i32 to vector<16xi32>
    %eq3A_1849 = arith.cmpi eq, %iota3A, %eq3A_1848 : vector<16xi32>
    %broadcast_in_dim3A_1850 = vector.broadcast %add3A_1846 : f32 to vector<16xf32>
    %select_n3A_1851 = arith.select %eq3A_1849, %broadcast_in_dim3A_1850, %broadcast_in_dim3A_3 : vector<16xi1>, vector<16xf32>
    %add3A_1852 = arith.addf %add3A_1799, %select_n3A_1851 : vector<16xf32>
    %slice3A_1853 = vector.extract_strided_slice %scan3A_99#11 {offsets = [0], sizes = [1], strides = [1]} : vector<16xf32> to vector<1xf32>
    %squeeze3A_1854 = vector.extract %slice3A_1853[0] : f32 from vector<1xf32>
    %slice3A_1855 = vector.extract_strided_slice %scan3A_99#11 {offsets = [1], sizes = [1], strides = [1]} : vector<16xf32> to vector<1xf32>
    %squeeze3A_1856 = vector.extract %slice3A_1855[0] : f32 from vector<1xf32>
    %add3A_1857 = arith.addf %squeeze3A_1854, %squeeze3A_1856 : f32
    %slice3A_1858 = vector.extract_strided_slice %scan3A_99#11 {offsets = [2], sizes = [1], strides = [1]} : vector<16xf32> to vector<1xf32>
    %squeeze3A_1859 = vector.extract %slice3A_1858[0] : f32 from vector<1xf32>
    %add3A_1860 = arith.addf %add3A_1857, %squeeze3A_1859 : f32
    %slice3A_1861 = vector.extract_strided_slice %scan3A_99#11 {offsets = [3], sizes = [1], strides = [1]} : vector<16xf32> to vector<1xf32>
    %squeeze3A_1862 = vector.extract %slice3A_1861[0] : f32 from vector<1xf32>
    %add3A_1863 = arith.addf %add3A_1860, %squeeze3A_1862 : f32
    %slice3A_1864 = vector.extract_strided_slice %scan3A_99#11 {offsets = [4], sizes = [1], strides = [1]} : vector<16xf32> to vector<1xf32>
    %squeeze3A_1865 = vector.extract %slice3A_1864[0] : f32 from vector<1xf32>
    %add3A_1866 = arith.addf %add3A_1863, %squeeze3A_1865 : f32
    %slice3A_1867 = vector.extract_strided_slice %scan3A_99#11 {offsets = [5], sizes = [1], strides = [1]} : vector<16xf32> to vector<1xf32>
    %squeeze3A_1868 = vector.extract %slice3A_1867[0] : f32 from vector<1xf32>
    %add3A_1869 = arith.addf %add3A_1866, %squeeze3A_1868 : f32
    %slice3A_1870 = vector.extract_strided_slice %scan3A_99#11 {offsets = [6], sizes = [1], strides = [1]} : vector<16xf32> to vector<1xf32>
    %squeeze3A_1871 = vector.extract %slice3A_1870[0] : f32 from vector<1xf32>
    %add3A_1872 = arith.addf %add3A_1869, %squeeze3A_1871 : f32
    %slice3A_1873 = vector.extract_strided_slice %scan3A_99#11 {offsets = [7], sizes = [1], strides = [1]} : vector<16xf32> to vector<1xf32>
    %squeeze3A_1874 = vector.extract %slice3A_1873[0] : f32 from vector<1xf32>
    %add3A_1875 = arith.addf %add3A_1872, %squeeze3A_1874 : f32
    %slice3A_1876 = vector.extract_strided_slice %scan3A_99#11 {offsets = [8], sizes = [1], strides = [1]} : vector<16xf32> to vector<1xf32>
    %squeeze3A_1877 = vector.extract %slice3A_1876[0] : f32 from vector<1xf32>
    %add3A_1878 = arith.addf %add3A_1875, %squeeze3A_1877 : f32
    %slice3A_1879 = vector.extract_strided_slice %scan3A_99#11 {offsets = [9], sizes = [1], strides = [1]} : vector<16xf32> to vector<1xf32>
    %squeeze3A_1880 = vector.extract %slice3A_1879[0] : f32 from vector<1xf32>
    %add3A_1881 = arith.addf %add3A_1878, %squeeze3A_1880 : f32
    %slice3A_1882 = vector.extract_strided_slice %scan3A_99#11 {offsets = [10], sizes = [1], strides = [1]} : vector<16xf32> to vector<1xf32>
    %squeeze3A_1883 = vector.extract %slice3A_1882[0] : f32 from vector<1xf32>
    %add3A_1884 = arith.addf %add3A_1881, %squeeze3A_1883 : f32
    %slice3A_1885 = vector.extract_strided_slice %scan3A_99#11 {offsets = [11], sizes = [1], strides = [1]} : vector<16xf32> to vector<1xf32>
    %squeeze3A_1886 = vector.extract %slice3A_1885[0] : f32 from vector<1xf32>
    %add3A_1887 = arith.addf %add3A_1884, %squeeze3A_1886 : f32
    %slice3A_1888 = vector.extract_strided_slice %scan3A_99#11 {offsets = [12], sizes = [1], strides = [1]} : vector<16xf32> to vector<1xf32>
    %squeeze3A_1889 = vector.extract %slice3A_1888[0] : f32 from vector<1xf32>
    %add3A_1890 = arith.addf %add3A_1887, %squeeze3A_1889 : f32
    %slice3A_1891 = vector.extract_strided_slice %scan3A_99#11 {offsets = [13], sizes = [1], strides = [1]} : vector<16xf32> to vector<1xf32>
    %squeeze3A_1892 = vector.extract %slice3A_1891[0] : f32 from vector<1xf32>
    %add3A_1893 = arith.addf %add3A_1890, %squeeze3A_1892 : f32
    %slice3A_1894 = vector.extract_strided_slice %scan3A_99#11 {offsets = [14], sizes = [1], strides = [1]} : vector<16xf32> to vector<1xf32>
    %squeeze3A_1895 = vector.extract %slice3A_1894[0] : f32 from vector<1xf32>
    %add3A_1896 = arith.addf %add3A_1893, %squeeze3A_1895 : f32
    %slice3A_1897 = vector.extract_strided_slice %scan3A_99#11 {offsets = [15], sizes = [1], strides = [1]} : vector<16xf32> to vector<1xf32>
    %squeeze3A_1898 = vector.extract %slice3A_1897[0] : f32 from vector<1xf32>
    %add3A_1899 = arith.addf %add3A_1896, %squeeze3A_1898 : f32
    %eq3A_1900 = arith.constant 3 : i32
    %eq3A_1901 = vector.broadcast %eq3A_1900 : i32 to vector<16xi32>
    %eq3A_1902 = arith.cmpi eq, %iota3A, %eq3A_1901 : vector<16xi32>
    %broadcast_in_dim3A_1903 = vector.broadcast %add3A_1899 : f32 to vector<16xf32>
    %select_n3A_1904 = arith.select %eq3A_1902, %broadcast_in_dim3A_1903, %broadcast_in_dim3A_3 : vector<16xi1>, vector<16xf32>
    %add3A_1905 = arith.addf %add3A_1852, %select_n3A_1904 : vector<16xf32>
    %slice3A_1906 = vector.extract_strided_slice %scan3A_99#14 {offsets = [0], sizes = [1], strides = [1]} : vector<16xf32> to vector<1xf32>
    %squeeze3A_1907 = vector.extract %slice3A_1906[0] : f32 from vector<1xf32>
    %slice3A_1908 = vector.extract_strided_slice %scan3A_99#14 {offsets = [1], sizes = [1], strides = [1]} : vector<16xf32> to vector<1xf32>
    %squeeze3A_1909 = vector.extract %slice3A_1908[0] : f32 from vector<1xf32>
    %add3A_1910 = arith.addf %squeeze3A_1907, %squeeze3A_1909 : f32
    %slice3A_1911 = vector.extract_strided_slice %scan3A_99#14 {offsets = [2], sizes = [1], strides = [1]} : vector<16xf32> to vector<1xf32>
    %squeeze3A_1912 = vector.extract %slice3A_1911[0] : f32 from vector<1xf32>
    %add3A_1913 = arith.addf %add3A_1910, %squeeze3A_1912 : f32
    %slice3A_1914 = vector.extract_strided_slice %scan3A_99#14 {offsets = [3], sizes = [1], strides = [1]} : vector<16xf32> to vector<1xf32>
    %squeeze3A_1915 = vector.extract %slice3A_1914[0] : f32 from vector<1xf32>
    %add3A_1916 = arith.addf %add3A_1913, %squeeze3A_1915 : f32
    %slice3A_1917 = vector.extract_strided_slice %scan3A_99#14 {offsets = [4], sizes = [1], strides = [1]} : vector<16xf32> to vector<1xf32>
    %squeeze3A_1918 = vector.extract %slice3A_1917[0] : f32 from vector<1xf32>
    %add3A_1919 = arith.addf %add3A_1916, %squeeze3A_1918 : f32
    %slice3A_1920 = vector.extract_strided_slice %scan3A_99#14 {offsets = [5], sizes = [1], strides = [1]} : vector<16xf32> to vector<1xf32>
    %squeeze3A_1921 = vector.extract %slice3A_1920[0] : f32 from vector<1xf32>
    %add3A_1922 = arith.addf %add3A_1919, %squeeze3A_1921 : f32
    %slice3A_1923 = vector.extract_strided_slice %scan3A_99#14 {offsets = [6], sizes = [1], strides = [1]} : vector<16xf32> to vector<1xf32>
    %squeeze3A_1924 = vector.extract %slice3A_1923[0] : f32 from vector<1xf32>
    %add3A_1925 = arith.addf %add3A_1922, %squeeze3A_1924 : f32
    %slice3A_1926 = vector.extract_strided_slice %scan3A_99#14 {offsets = [7], sizes = [1], strides = [1]} : vector<16xf32> to vector<1xf32>
    %squeeze3A_1927 = vector.extract %slice3A_1926[0] : f32 from vector<1xf32>
    %add3A_1928 = arith.addf %add3A_1925, %squeeze3A_1927 : f32
    %slice3A_1929 = vector.extract_strided_slice %scan3A_99#14 {offsets = [8], sizes = [1], strides = [1]} : vector<16xf32> to vector<1xf32>
    %squeeze3A_1930 = vector.extract %slice3A_1929[0] : f32 from vector<1xf32>
    %add3A_1931 = arith.addf %add3A_1928, %squeeze3A_1930 : f32
    %slice3A_1932 = vector.extract_strided_slice %scan3A_99#14 {offsets = [9], sizes = [1], strides = [1]} : vector<16xf32> to vector<1xf32>
    %squeeze3A_1933 = vector.extract %slice3A_1932[0] : f32 from vector<1xf32>
    %add3A_1934 = arith.addf %add3A_1931, %squeeze3A_1933 : f32
    %slice3A_1935 = vector.extract_strided_slice %scan3A_99#14 {offsets = [10], sizes = [1], strides = [1]} : vector<16xf32> to vector<1xf32>
    %squeeze3A_1936 = vector.extract %slice3A_1935[0] : f32 from vector<1xf32>
    %add3A_1937 = arith.addf %add3A_1934, %squeeze3A_1936 : f32
    %slice3A_1938 = vector.extract_strided_slice %scan3A_99#14 {offsets = [11], sizes = [1], strides = [1]} : vector<16xf32> to vector<1xf32>
    %squeeze3A_1939 = vector.extract %slice3A_1938[0] : f32 from vector<1xf32>
    %add3A_1940 = arith.addf %add3A_1937, %squeeze3A_1939 : f32
    %slice3A_1941 = vector.extract_strided_slice %scan3A_99#14 {offsets = [12], sizes = [1], strides = [1]} : vector<16xf32> to vector<1xf32>
    %squeeze3A_1942 = vector.extract %slice3A_1941[0] : f32 from vector<1xf32>
    %add3A_1943 = arith.addf %add3A_1940, %squeeze3A_1942 : f32
    %slice3A_1944 = vector.extract_strided_slice %scan3A_99#14 {offsets = [13], sizes = [1], strides = [1]} : vector<16xf32> to vector<1xf32>
    %squeeze3A_1945 = vector.extract %slice3A_1944[0] : f32 from vector<1xf32>
    %add3A_1946 = arith.addf %add3A_1943, %squeeze3A_1945 : f32
    %slice3A_1947 = vector.extract_strided_slice %scan3A_99#14 {offsets = [14], sizes = [1], strides = [1]} : vector<16xf32> to vector<1xf32>
    %squeeze3A_1948 = vector.extract %slice3A_1947[0] : f32 from vector<1xf32>
    %add3A_1949 = arith.addf %add3A_1946, %squeeze3A_1948 : f32
    %slice3A_1950 = vector.extract_strided_slice %scan3A_99#14 {offsets = [15], sizes = [1], strides = [1]} : vector<16xf32> to vector<1xf32>
    %squeeze3A_1951 = vector.extract %slice3A_1950[0] : f32 from vector<1xf32>
    %add3A_1952 = arith.addf %add3A_1949, %squeeze3A_1951 : f32
    %eq3A_1953 = arith.constant 4 : i32
    %eq3A_1954 = vector.broadcast %eq3A_1953 : i32 to vector<16xi32>
    %eq3A_1955 = arith.cmpi eq, %iota3A, %eq3A_1954 : vector<16xi32>
    %broadcast_in_dim3A_1956 = vector.broadcast %add3A_1952 : f32 to vector<16xf32>
    %select_n3A_1957 = arith.select %eq3A_1955, %broadcast_in_dim3A_1956, %broadcast_in_dim3A_3 : vector<16xi1>, vector<16xf32>
    %add3A_1958 = arith.addf %add3A_1905, %select_n3A_1957 : vector<16xf32>
    %slice3A_1959 = vector.extract_strided_slice %scan3A_99#17 {offsets = [0], sizes = [1], strides = [1]} : vector<16xf32> to vector<1xf32>
    %squeeze3A_1960 = vector.extract %slice3A_1959[0] : f32 from vector<1xf32>
    %slice3A_1961 = vector.extract_strided_slice %scan3A_99#17 {offsets = [1], sizes = [1], strides = [1]} : vector<16xf32> to vector<1xf32>
    %squeeze3A_1962 = vector.extract %slice3A_1961[0] : f32 from vector<1xf32>
    %add3A_1963 = arith.addf %squeeze3A_1960, %squeeze3A_1962 : f32
    %slice3A_1964 = vector.extract_strided_slice %scan3A_99#17 {offsets = [2], sizes = [1], strides = [1]} : vector<16xf32> to vector<1xf32>
    %squeeze3A_1965 = vector.extract %slice3A_1964[0] : f32 from vector<1xf32>
    %add3A_1966 = arith.addf %add3A_1963, %squeeze3A_1965 : f32
    %slice3A_1967 = vector.extract_strided_slice %scan3A_99#17 {offsets = [3], sizes = [1], strides = [1]} : vector<16xf32> to vector<1xf32>
    %squeeze3A_1968 = vector.extract %slice3A_1967[0] : f32 from vector<1xf32>
    %add3A_1969 = arith.addf %add3A_1966, %squeeze3A_1968 : f32
    %slice3A_1970 = vector.extract_strided_slice %scan3A_99#17 {offsets = [4], sizes = [1], strides = [1]} : vector<16xf32> to vector<1xf32>
    %squeeze3A_1971 = vector.extract %slice3A_1970[0] : f32 from vector<1xf32>
    %add3A_1972 = arith.addf %add3A_1969, %squeeze3A_1971 : f32
    %slice3A_1973 = vector.extract_strided_slice %scan3A_99#17 {offsets = [5], sizes = [1], strides = [1]} : vector<16xf32> to vector<1xf32>
    %squeeze3A_1974 = vector.extract %slice3A_1973[0] : f32 from vector<1xf32>
    %add3A_1975 = arith.addf %add3A_1972, %squeeze3A_1974 : f32
    %slice3A_1976 = vector.extract_strided_slice %scan3A_99#17 {offsets = [6], sizes = [1], strides = [1]} : vector<16xf32> to vector<1xf32>
    %squeeze3A_1977 = vector.extract %slice3A_1976[0] : f32 from vector<1xf32>
    %add3A_1978 = arith.addf %add3A_1975, %squeeze3A_1977 : f32
    %slice3A_1979 = vector.extract_strided_slice %scan3A_99#17 {offsets = [7], sizes = [1], strides = [1]} : vector<16xf32> to vector<1xf32>
    %squeeze3A_1980 = vector.extract %slice3A_1979[0] : f32 from vector<1xf32>
    %add3A_1981 = arith.addf %add3A_1978, %squeeze3A_1980 : f32
    %slice3A_1982 = vector.extract_strided_slice %scan3A_99#17 {offsets = [8], sizes = [1], strides = [1]} : vector<16xf32> to vector<1xf32>
    %squeeze3A_1983 = vector.extract %slice3A_1982[0] : f32 from vector<1xf32>
    %add3A_1984 = arith.addf %add3A_1981, %squeeze3A_1983 : f32
    %slice3A_1985 = vector.extract_strided_slice %scan3A_99#17 {offsets = [9], sizes = [1], strides = [1]} : vector<16xf32> to vector<1xf32>
    %squeeze3A_1986 = vector.extract %slice3A_1985[0] : f32 from vector<1xf32>
    %add3A_1987 = arith.addf %add3A_1984, %squeeze3A_1986 : f32
    %slice3A_1988 = vector.extract_strided_slice %scan3A_99#17 {offsets = [10], sizes = [1], strides = [1]} : vector<16xf32> to vector<1xf32>
    %squeeze3A_1989 = vector.extract %slice3A_1988[0] : f32 from vector<1xf32>
    %add3A_1990 = arith.addf %add3A_1987, %squeeze3A_1989 : f32
    %slice3A_1991 = vector.extract_strided_slice %scan3A_99#17 {offsets = [11], sizes = [1], strides = [1]} : vector<16xf32> to vector<1xf32>
    %squeeze3A_1992 = vector.extract %slice3A_1991[0] : f32 from vector<1xf32>
    %add3A_1993 = arith.addf %add3A_1990, %squeeze3A_1992 : f32
    %slice3A_1994 = vector.extract_strided_slice %scan3A_99#17 {offsets = [12], sizes = [1], strides = [1]} : vector<16xf32> to vector<1xf32>
    %squeeze3A_1995 = vector.extract %slice3A_1994[0] : f32 from vector<1xf32>
    %add3A_1996 = arith.addf %add3A_1993, %squeeze3A_1995 : f32
    %slice3A_1997 = vector.extract_strided_slice %scan3A_99#17 {offsets = [13], sizes = [1], strides = [1]} : vector<16xf32> to vector<1xf32>
    %squeeze3A_1998 = vector.extract %slice3A_1997[0] : f32 from vector<1xf32>
    %add3A_1999 = arith.addf %add3A_1996, %squeeze3A_1998 : f32
    %slice3A_2000 = vector.extract_strided_slice %scan3A_99#17 {offsets = [14], sizes = [1], strides = [1]} : vector<16xf32> to vector<1xf32>
    %squeeze3A_2001 = vector.extract %slice3A_2000[0] : f32 from vector<1xf32>
    %add3A_2002 = arith.addf %add3A_1999, %squeeze3A_2001 : f32
    %slice3A_2003 = vector.extract_strided_slice %scan3A_99#17 {offsets = [15], sizes = [1], strides = [1]} : vector<16xf32> to vector<1xf32>
    %squeeze3A_2004 = vector.extract %slice3A_2003[0] : f32 from vector<1xf32>
    %add3A_2005 = arith.addf %add3A_2002, %squeeze3A_2004 : f32
    %eq3A_2006 = arith.constant 5 : i32
    %eq3A_2007 = vector.broadcast %eq3A_2006 : i32 to vector<16xi32>
    %eq3A_2008 = arith.cmpi eq, %iota3A, %eq3A_2007 : vector<16xi32>
    %broadcast_in_dim3A_2009 = vector.broadcast %add3A_2005 : f32 to vector<16xf32>
    %select_n3A_2010 = arith.select %eq3A_2008, %broadcast_in_dim3A_2009, %broadcast_in_dim3A_3 : vector<16xi1>, vector<16xf32>
    %add3A_2011 = arith.addf %add3A_1958, %select_n3A_2010 : vector<16xf32>
    %slice3A_2012 = vector.extract_strided_slice %scan3A_99#20 {offsets = [0], sizes = [1], strides = [1]} : vector<16xf32> to vector<1xf32>
    %squeeze3A_2013 = vector.extract %slice3A_2012[0] : f32 from vector<1xf32>
    %slice3A_2014 = vector.extract_strided_slice %scan3A_99#20 {offsets = [1], sizes = [1], strides = [1]} : vector<16xf32> to vector<1xf32>
    %squeeze3A_2015 = vector.extract %slice3A_2014[0] : f32 from vector<1xf32>
    %add3A_2016 = arith.addf %squeeze3A_2013, %squeeze3A_2015 : f32
    %slice3A_2017 = vector.extract_strided_slice %scan3A_99#20 {offsets = [2], sizes = [1], strides = [1]} : vector<16xf32> to vector<1xf32>
    %squeeze3A_2018 = vector.extract %slice3A_2017[0] : f32 from vector<1xf32>
    %add3A_2019 = arith.addf %add3A_2016, %squeeze3A_2018 : f32
    %slice3A_2020 = vector.extract_strided_slice %scan3A_99#20 {offsets = [3], sizes = [1], strides = [1]} : vector<16xf32> to vector<1xf32>
    %squeeze3A_2021 = vector.extract %slice3A_2020[0] : f32 from vector<1xf32>
    %add3A_2022 = arith.addf %add3A_2019, %squeeze3A_2021 : f32
    %slice3A_2023 = vector.extract_strided_slice %scan3A_99#20 {offsets = [4], sizes = [1], strides = [1]} : vector<16xf32> to vector<1xf32>
    %squeeze3A_2024 = vector.extract %slice3A_2023[0] : f32 from vector<1xf32>
    %add3A_2025 = arith.addf %add3A_2022, %squeeze3A_2024 : f32
    %slice3A_2026 = vector.extract_strided_slice %scan3A_99#20 {offsets = [5], sizes = [1], strides = [1]} : vector<16xf32> to vector<1xf32>
    %squeeze3A_2027 = vector.extract %slice3A_2026[0] : f32 from vector<1xf32>
    %add3A_2028 = arith.addf %add3A_2025, %squeeze3A_2027 : f32
    %slice3A_2029 = vector.extract_strided_slice %scan3A_99#20 {offsets = [6], sizes = [1], strides = [1]} : vector<16xf32> to vector<1xf32>
    %squeeze3A_2030 = vector.extract %slice3A_2029[0] : f32 from vector<1xf32>
    %add3A_2031 = arith.addf %add3A_2028, %squeeze3A_2030 : f32
    %slice3A_2032 = vector.extract_strided_slice %scan3A_99#20 {offsets = [7], sizes = [1], strides = [1]} : vector<16xf32> to vector<1xf32>
    %squeeze3A_2033 = vector.extract %slice3A_2032[0] : f32 from vector<1xf32>
    %add3A_2034 = arith.addf %add3A_2031, %squeeze3A_2033 : f32
    %slice3A_2035 = vector.extract_strided_slice %scan3A_99#20 {offsets = [8], sizes = [1], strides = [1]} : vector<16xf32> to vector<1xf32>
    %squeeze3A_2036 = vector.extract %slice3A_2035[0] : f32 from vector<1xf32>
    %add3A_2037 = arith.addf %add3A_2034, %squeeze3A_2036 : f32
    %slice3A_2038 = vector.extract_strided_slice %scan3A_99#20 {offsets = [9], sizes = [1], strides = [1]} : vector<16xf32> to vector<1xf32>
    %squeeze3A_2039 = vector.extract %slice3A_2038[0] : f32 from vector<1xf32>
    %add3A_2040 = arith.addf %add3A_2037, %squeeze3A_2039 : f32
    %slice3A_2041 = vector.extract_strided_slice %scan3A_99#20 {offsets = [10], sizes = [1], strides = [1]} : vector<16xf32> to vector<1xf32>
    %squeeze3A_2042 = vector.extract %slice3A_2041[0] : f32 from vector<1xf32>
    %add3A_2043 = arith.addf %add3A_2040, %squeeze3A_2042 : f32
    %slice3A_2044 = vector.extract_strided_slice %scan3A_99#20 {offsets = [11], sizes = [1], strides = [1]} : vector<16xf32> to vector<1xf32>
    %squeeze3A_2045 = vector.extract %slice3A_2044[0] : f32 from vector<1xf32>
    %add3A_2046 = arith.addf %add3A_2043, %squeeze3A_2045 : f32
    %slice3A_2047 = vector.extract_strided_slice %scan3A_99#20 {offsets = [12], sizes = [1], strides = [1]} : vector<16xf32> to vector<1xf32>
    %squeeze3A_2048 = vector.extract %slice3A_2047[0] : f32 from vector<1xf32>
    %add3A_2049 = arith.addf %add3A_2046, %squeeze3A_2048 : f32
    %slice3A_2050 = vector.extract_strided_slice %scan3A_99#20 {offsets = [13], sizes = [1], strides = [1]} : vector<16xf32> to vector<1xf32>
    %squeeze3A_2051 = vector.extract %slice3A_2050[0] : f32 from vector<1xf32>
    %add3A_2052 = arith.addf %add3A_2049, %squeeze3A_2051 : f32
    %slice3A_2053 = vector.extract_strided_slice %scan3A_99#20 {offsets = [14], sizes = [1], strides = [1]} : vector<16xf32> to vector<1xf32>
    %squeeze3A_2054 = vector.extract %slice3A_2053[0] : f32 from vector<1xf32>
    %add3A_2055 = arith.addf %add3A_2052, %squeeze3A_2054 : f32
    %slice3A_2056 = vector.extract_strided_slice %scan3A_99#20 {offsets = [15], sizes = [1], strides = [1]} : vector<16xf32> to vector<1xf32>
    %squeeze3A_2057 = vector.extract %slice3A_2056[0] : f32 from vector<1xf32>
    %add3A_2058 = arith.addf %add3A_2055, %squeeze3A_2057 : f32
    %eq3A_2059 = arith.constant 6 : i32
    %eq3A_2060 = vector.broadcast %eq3A_2059 : i32 to vector<16xi32>
    %eq3A_2061 = arith.cmpi eq, %iota3A, %eq3A_2060 : vector<16xi32>
    %broadcast_in_dim3A_2062 = vector.broadcast %add3A_2058 : f32 to vector<16xf32>
    %select_n3A_2063 = arith.select %eq3A_2061, %broadcast_in_dim3A_2062, %broadcast_in_dim3A_3 : vector<16xi1>, vector<16xf32>
    %add3A_2064 = arith.addf %add3A_2011, %select_n3A_2063 : vector<16xf32>
    %slice3A_2065 = vector.extract_strided_slice %scan3A_99#23 {offsets = [0], sizes = [1], strides = [1]} : vector<16xf32> to vector<1xf32>
    %squeeze3A_2066 = vector.extract %slice3A_2065[0] : f32 from vector<1xf32>
    %slice3A_2067 = vector.extract_strided_slice %scan3A_99#23 {offsets = [1], sizes = [1], strides = [1]} : vector<16xf32> to vector<1xf32>
    %squeeze3A_2068 = vector.extract %slice3A_2067[0] : f32 from vector<1xf32>
    %add3A_2069 = arith.addf %squeeze3A_2066, %squeeze3A_2068 : f32
    %slice3A_2070 = vector.extract_strided_slice %scan3A_99#23 {offsets = [2], sizes = [1], strides = [1]} : vector<16xf32> to vector<1xf32>
    %squeeze3A_2071 = vector.extract %slice3A_2070[0] : f32 from vector<1xf32>
    %add3A_2072 = arith.addf %add3A_2069, %squeeze3A_2071 : f32
    %slice3A_2073 = vector.extract_strided_slice %scan3A_99#23 {offsets = [3], sizes = [1], strides = [1]} : vector<16xf32> to vector<1xf32>
    %squeeze3A_2074 = vector.extract %slice3A_2073[0] : f32 from vector<1xf32>
    %add3A_2075 = arith.addf %add3A_2072, %squeeze3A_2074 : f32
    %slice3A_2076 = vector.extract_strided_slice %scan3A_99#23 {offsets = [4], sizes = [1], strides = [1]} : vector<16xf32> to vector<1xf32>
    %squeeze3A_2077 = vector.extract %slice3A_2076[0] : f32 from vector<1xf32>
    %add3A_2078 = arith.addf %add3A_2075, %squeeze3A_2077 : f32
    %slice3A_2079 = vector.extract_strided_slice %scan3A_99#23 {offsets = [5], sizes = [1], strides = [1]} : vector<16xf32> to vector<1xf32>
    %squeeze3A_2080 = vector.extract %slice3A_2079[0] : f32 from vector<1xf32>
    %add3A_2081 = arith.addf %add3A_2078, %squeeze3A_2080 : f32
    %slice3A_2082 = vector.extract_strided_slice %scan3A_99#23 {offsets = [6], sizes = [1], strides = [1]} : vector<16xf32> to vector<1xf32>
    %squeeze3A_2083 = vector.extract %slice3A_2082[0] : f32 from vector<1xf32>
    %add3A_2084 = arith.addf %add3A_2081, %squeeze3A_2083 : f32
    %slice3A_2085 = vector.extract_strided_slice %scan3A_99#23 {offsets = [7], sizes = [1], strides = [1]} : vector<16xf32> to vector<1xf32>
    %squeeze3A_2086 = vector.extract %slice3A_2085[0] : f32 from vector<1xf32>
    %add3A_2087 = arith.addf %add3A_2084, %squeeze3A_2086 : f32
    %slice3A_2088 = vector.extract_strided_slice %scan3A_99#23 {offsets = [8], sizes = [1], strides = [1]} : vector<16xf32> to vector<1xf32>
    %squeeze3A_2089 = vector.extract %slice3A_2088[0] : f32 from vector<1xf32>
    %add3A_2090 = arith.addf %add3A_2087, %squeeze3A_2089 : f32
    %slice3A_2091 = vector.extract_strided_slice %scan3A_99#23 {offsets = [9], sizes = [1], strides = [1]} : vector<16xf32> to vector<1xf32>
    %squeeze3A_2092 = vector.extract %slice3A_2091[0] : f32 from vector<1xf32>
    %add3A_2093 = arith.addf %add3A_2090, %squeeze3A_2092 : f32
    %slice3A_2094 = vector.extract_strided_slice %scan3A_99#23 {offsets = [10], sizes = [1], strides = [1]} : vector<16xf32> to vector<1xf32>
    %squeeze3A_2095 = vector.extract %slice3A_2094[0] : f32 from vector<1xf32>
    %add3A_2096 = arith.addf %add3A_2093, %squeeze3A_2095 : f32
    %slice3A_2097 = vector.extract_strided_slice %scan3A_99#23 {offsets = [11], sizes = [1], strides = [1]} : vector<16xf32> to vector<1xf32>
    %squeeze3A_2098 = vector.extract %slice3A_2097[0] : f32 from vector<1xf32>
    %add3A_2099 = arith.addf %add3A_2096, %squeeze3A_2098 : f32
    %slice3A_2100 = vector.extract_strided_slice %scan3A_99#23 {offsets = [12], sizes = [1], strides = [1]} : vector<16xf32> to vector<1xf32>
    %squeeze3A_2101 = vector.extract %slice3A_2100[0] : f32 from vector<1xf32>
    %add3A_2102 = arith.addf %add3A_2099, %squeeze3A_2101 : f32
    %slice3A_2103 = vector.extract_strided_slice %scan3A_99#23 {offsets = [13], sizes = [1], strides = [1]} : vector<16xf32> to vector<1xf32>
    %squeeze3A_2104 = vector.extract %slice3A_2103[0] : f32 from vector<1xf32>
    %add3A_2105 = arith.addf %add3A_2102, %squeeze3A_2104 : f32
    %slice3A_2106 = vector.extract_strided_slice %scan3A_99#23 {offsets = [14], sizes = [1], strides = [1]} : vector<16xf32> to vector<1xf32>
    %squeeze3A_2107 = vector.extract %slice3A_2106[0] : f32 from vector<1xf32>
    %add3A_2108 = arith.addf %add3A_2105, %squeeze3A_2107 : f32
    %slice3A_2109 = vector.extract_strided_slice %scan3A_99#23 {offsets = [15], sizes = [1], strides = [1]} : vector<16xf32> to vector<1xf32>
    %squeeze3A_2110 = vector.extract %slice3A_2109[0] : f32 from vector<1xf32>
    %add3A_2111 = arith.addf %add3A_2108, %squeeze3A_2110 : f32
    %eq3A_2112 = arith.constant 7 : i32
    %eq3A_2113 = vector.broadcast %eq3A_2112 : i32 to vector<16xi32>
    %eq3A_2114 = arith.cmpi eq, %iota3A, %eq3A_2113 : vector<16xi32>
    %broadcast_in_dim3A_2115 = vector.broadcast %add3A_2111 : f32 to vector<16xf32>
    %select_n3A_2116 = arith.select %eq3A_2114, %broadcast_in_dim3A_2115, %broadcast_in_dim3A_3 : vector<16xi1>, vector<16xf32>
    %add3A_2117 = arith.addf %add3A_2064, %select_n3A_2116 : vector<16xf32>
    %slice3A_2118 = vector.extract_strided_slice %scan3A_99#26 {offsets = [0], sizes = [1], strides = [1]} : vector<16xf32> to vector<1xf32>
    %squeeze3A_2119 = vector.extract %slice3A_2118[0] : f32 from vector<1xf32>
    %slice3A_2120 = vector.extract_strided_slice %scan3A_99#26 {offsets = [1], sizes = [1], strides = [1]} : vector<16xf32> to vector<1xf32>
    %squeeze3A_2121 = vector.extract %slice3A_2120[0] : f32 from vector<1xf32>
    %add3A_2122 = arith.addf %squeeze3A_2119, %squeeze3A_2121 : f32
    %slice3A_2123 = vector.extract_strided_slice %scan3A_99#26 {offsets = [2], sizes = [1], strides = [1]} : vector<16xf32> to vector<1xf32>
    %squeeze3A_2124 = vector.extract %slice3A_2123[0] : f32 from vector<1xf32>
    %add3A_2125 = arith.addf %add3A_2122, %squeeze3A_2124 : f32
    %slice3A_2126 = vector.extract_strided_slice %scan3A_99#26 {offsets = [3], sizes = [1], strides = [1]} : vector<16xf32> to vector<1xf32>
    %squeeze3A_2127 = vector.extract %slice3A_2126[0] : f32 from vector<1xf32>
    %add3A_2128 = arith.addf %add3A_2125, %squeeze3A_2127 : f32
    %slice3A_2129 = vector.extract_strided_slice %scan3A_99#26 {offsets = [4], sizes = [1], strides = [1]} : vector<16xf32> to vector<1xf32>
    %squeeze3A_2130 = vector.extract %slice3A_2129[0] : f32 from vector<1xf32>
    %add3A_2131 = arith.addf %add3A_2128, %squeeze3A_2130 : f32
    %slice3A_2132 = vector.extract_strided_slice %scan3A_99#26 {offsets = [5], sizes = [1], strides = [1]} : vector<16xf32> to vector<1xf32>
    %squeeze3A_2133 = vector.extract %slice3A_2132[0] : f32 from vector<1xf32>
    %add3A_2134 = arith.addf %add3A_2131, %squeeze3A_2133 : f32
    %slice3A_2135 = vector.extract_strided_slice %scan3A_99#26 {offsets = [6], sizes = [1], strides = [1]} : vector<16xf32> to vector<1xf32>
    %squeeze3A_2136 = vector.extract %slice3A_2135[0] : f32 from vector<1xf32>
    %add3A_2137 = arith.addf %add3A_2134, %squeeze3A_2136 : f32
    %slice3A_2138 = vector.extract_strided_slice %scan3A_99#26 {offsets = [7], sizes = [1], strides = [1]} : vector<16xf32> to vector<1xf32>
    %squeeze3A_2139 = vector.extract %slice3A_2138[0] : f32 from vector<1xf32>
    %add3A_2140 = arith.addf %add3A_2137, %squeeze3A_2139 : f32
    %slice3A_2141 = vector.extract_strided_slice %scan3A_99#26 {offsets = [8], sizes = [1], strides = [1]} : vector<16xf32> to vector<1xf32>
    %squeeze3A_2142 = vector.extract %slice3A_2141[0] : f32 from vector<1xf32>
    %add3A_2143 = arith.addf %add3A_2140, %squeeze3A_2142 : f32
    %slice3A_2144 = vector.extract_strided_slice %scan3A_99#26 {offsets = [9], sizes = [1], strides = [1]} : vector<16xf32> to vector<1xf32>
    %squeeze3A_2145 = vector.extract %slice3A_2144[0] : f32 from vector<1xf32>
    %add3A_2146 = arith.addf %add3A_2143, %squeeze3A_2145 : f32
    %slice3A_2147 = vector.extract_strided_slice %scan3A_99#26 {offsets = [10], sizes = [1], strides = [1]} : vector<16xf32> to vector<1xf32>
    %squeeze3A_2148 = vector.extract %slice3A_2147[0] : f32 from vector<1xf32>
    %add3A_2149 = arith.addf %add3A_2146, %squeeze3A_2148 : f32
    %slice3A_2150 = vector.extract_strided_slice %scan3A_99#26 {offsets = [11], sizes = [1], strides = [1]} : vector<16xf32> to vector<1xf32>
    %squeeze3A_2151 = vector.extract %slice3A_2150[0] : f32 from vector<1xf32>
    %add3A_2152 = arith.addf %add3A_2149, %squeeze3A_2151 : f32
    %slice3A_2153 = vector.extract_strided_slice %scan3A_99#26 {offsets = [12], sizes = [1], strides = [1]} : vector<16xf32> to vector<1xf32>
    %squeeze3A_2154 = vector.extract %slice3A_2153[0] : f32 from vector<1xf32>
    %add3A_2155 = arith.addf %add3A_2152, %squeeze3A_2154 : f32
    %slice3A_2156 = vector.extract_strided_slice %scan3A_99#26 {offsets = [13], sizes = [1], strides = [1]} : vector<16xf32> to vector<1xf32>
    %squeeze3A_2157 = vector.extract %slice3A_2156[0] : f32 from vector<1xf32>
    %add3A_2158 = arith.addf %add3A_2155, %squeeze3A_2157 : f32
    %slice3A_2159 = vector.extract_strided_slice %scan3A_99#26 {offsets = [14], sizes = [1], strides = [1]} : vector<16xf32> to vector<1xf32>
    %squeeze3A_2160 = vector.extract %slice3A_2159[0] : f32 from vector<1xf32>
    %add3A_2161 = arith.addf %add3A_2158, %squeeze3A_2160 : f32
    %slice3A_2162 = vector.extract_strided_slice %scan3A_99#26 {offsets = [15], sizes = [1], strides = [1]} : vector<16xf32> to vector<1xf32>
    %squeeze3A_2163 = vector.extract %slice3A_2162[0] : f32 from vector<1xf32>
    %add3A_2164 = arith.addf %add3A_2161, %squeeze3A_2163 : f32
    %eq3A_2165 = arith.constant 8 : i32
    %eq3A_2166 = vector.broadcast %eq3A_2165 : i32 to vector<16xi32>
    %eq3A_2167 = arith.cmpi eq, %iota3A, %eq3A_2166 : vector<16xi32>
    %broadcast_in_dim3A_2168 = vector.broadcast %add3A_2164 : f32 to vector<16xf32>
    %select_n3A_2169 = arith.select %eq3A_2167, %broadcast_in_dim3A_2168, %broadcast_in_dim3A_3 : vector<16xi1>, vector<16xf32>
    %add3A_2170 = arith.addf %add3A_2117, %select_n3A_2169 : vector<16xf32>
    %slice3A_2171 = vector.extract_strided_slice %scan3A_99#29 {offsets = [0], sizes = [1], strides = [1]} : vector<16xf32> to vector<1xf32>
    %squeeze3A_2172 = vector.extract %slice3A_2171[0] : f32 from vector<1xf32>
    %slice3A_2173 = vector.extract_strided_slice %scan3A_99#29 {offsets = [1], sizes = [1], strides = [1]} : vector<16xf32> to vector<1xf32>
    %squeeze3A_2174 = vector.extract %slice3A_2173[0] : f32 from vector<1xf32>
    %add3A_2175 = arith.addf %squeeze3A_2172, %squeeze3A_2174 : f32
    %slice3A_2176 = vector.extract_strided_slice %scan3A_99#29 {offsets = [2], sizes = [1], strides = [1]} : vector<16xf32> to vector<1xf32>
    %squeeze3A_2177 = vector.extract %slice3A_2176[0] : f32 from vector<1xf32>
    %add3A_2178 = arith.addf %add3A_2175, %squeeze3A_2177 : f32
    %slice3A_2179 = vector.extract_strided_slice %scan3A_99#29 {offsets = [3], sizes = [1], strides = [1]} : vector<16xf32> to vector<1xf32>
    %squeeze3A_2180 = vector.extract %slice3A_2179[0] : f32 from vector<1xf32>
    %add3A_2181 = arith.addf %add3A_2178, %squeeze3A_2180 : f32
    %slice3A_2182 = vector.extract_strided_slice %scan3A_99#29 {offsets = [4], sizes = [1], strides = [1]} : vector<16xf32> to vector<1xf32>
    %squeeze3A_2183 = vector.extract %slice3A_2182[0] : f32 from vector<1xf32>
    %add3A_2184 = arith.addf %add3A_2181, %squeeze3A_2183 : f32
    %slice3A_2185 = vector.extract_strided_slice %scan3A_99#29 {offsets = [5], sizes = [1], strides = [1]} : vector<16xf32> to vector<1xf32>
    %squeeze3A_2186 = vector.extract %slice3A_2185[0] : f32 from vector<1xf32>
    %add3A_2187 = arith.addf %add3A_2184, %squeeze3A_2186 : f32
    %slice3A_2188 = vector.extract_strided_slice %scan3A_99#29 {offsets = [6], sizes = [1], strides = [1]} : vector<16xf32> to vector<1xf32>
    %squeeze3A_2189 = vector.extract %slice3A_2188[0] : f32 from vector<1xf32>
    %add3A_2190 = arith.addf %add3A_2187, %squeeze3A_2189 : f32
    %slice3A_2191 = vector.extract_strided_slice %scan3A_99#29 {offsets = [7], sizes = [1], strides = [1]} : vector<16xf32> to vector<1xf32>
    %squeeze3A_2192 = vector.extract %slice3A_2191[0] : f32 from vector<1xf32>
    %add3A_2193 = arith.addf %add3A_2190, %squeeze3A_2192 : f32
    %slice3A_2194 = vector.extract_strided_slice %scan3A_99#29 {offsets = [8], sizes = [1], strides = [1]} : vector<16xf32> to vector<1xf32>
    %squeeze3A_2195 = vector.extract %slice3A_2194[0] : f32 from vector<1xf32>
    %add3A_2196 = arith.addf %add3A_2193, %squeeze3A_2195 : f32
    %slice3A_2197 = vector.extract_strided_slice %scan3A_99#29 {offsets = [9], sizes = [1], strides = [1]} : vector<16xf32> to vector<1xf32>
    %squeeze3A_2198 = vector.extract %slice3A_2197[0] : f32 from vector<1xf32>
    %add3A_2199 = arith.addf %add3A_2196, %squeeze3A_2198 : f32
    %slice3A_2200 = vector.extract_strided_slice %scan3A_99#29 {offsets = [10], sizes = [1], strides = [1]} : vector<16xf32> to vector<1xf32>
    %squeeze3A_2201 = vector.extract %slice3A_2200[0] : f32 from vector<1xf32>
    %add3A_2202 = arith.addf %add3A_2199, %squeeze3A_2201 : f32
    %slice3A_2203 = vector.extract_strided_slice %scan3A_99#29 {offsets = [11], sizes = [1], strides = [1]} : vector<16xf32> to vector<1xf32>
    %squeeze3A_2204 = vector.extract %slice3A_2203[0] : f32 from vector<1xf32>
    %add3A_2205 = arith.addf %add3A_2202, %squeeze3A_2204 : f32
    %slice3A_2206 = vector.extract_strided_slice %scan3A_99#29 {offsets = [12], sizes = [1], strides = [1]} : vector<16xf32> to vector<1xf32>
    %squeeze3A_2207 = vector.extract %slice3A_2206[0] : f32 from vector<1xf32>
    %add3A_2208 = arith.addf %add3A_2205, %squeeze3A_2207 : f32
    %slice3A_2209 = vector.extract_strided_slice %scan3A_99#29 {offsets = [13], sizes = [1], strides = [1]} : vector<16xf32> to vector<1xf32>
    %squeeze3A_2210 = vector.extract %slice3A_2209[0] : f32 from vector<1xf32>
    %add3A_2211 = arith.addf %add3A_2208, %squeeze3A_2210 : f32
    %slice3A_2212 = vector.extract_strided_slice %scan3A_99#29 {offsets = [14], sizes = [1], strides = [1]} : vector<16xf32> to vector<1xf32>
    %squeeze3A_2213 = vector.extract %slice3A_2212[0] : f32 from vector<1xf32>
    %add3A_2214 = arith.addf %add3A_2211, %squeeze3A_2213 : f32
    %slice3A_2215 = vector.extract_strided_slice %scan3A_99#29 {offsets = [15], sizes = [1], strides = [1]} : vector<16xf32> to vector<1xf32>
    %squeeze3A_2216 = vector.extract %slice3A_2215[0] : f32 from vector<1xf32>
    %add3A_2217 = arith.addf %add3A_2214, %squeeze3A_2216 : f32
    %eq3A_2218 = arith.constant 9 : i32
    %eq3A_2219 = vector.broadcast %eq3A_2218 : i32 to vector<16xi32>
    %eq3A_2220 = arith.cmpi eq, %iota3A, %eq3A_2219 : vector<16xi32>
    %broadcast_in_dim3A_2221 = vector.broadcast %add3A_2217 : f32 to vector<16xf32>
    %select_n3A_2222 = arith.select %eq3A_2220, %broadcast_in_dim3A_2221, %broadcast_in_dim3A_3 : vector<16xi1>, vector<16xf32>
    %add3A_2223 = arith.addf %add3A_2170, %select_n3A_2222 : vector<16xf32>
    %slice3A_2224 = vector.extract_strided_slice %scan3A_99#32 {offsets = [0], sizes = [1], strides = [1]} : vector<16xf32> to vector<1xf32>
    %squeeze3A_2225 = vector.extract %slice3A_2224[0] : f32 from vector<1xf32>
    %slice3A_2226 = vector.extract_strided_slice %scan3A_99#32 {offsets = [1], sizes = [1], strides = [1]} : vector<16xf32> to vector<1xf32>
    %squeeze3A_2227 = vector.extract %slice3A_2226[0] : f32 from vector<1xf32>
    %add3A_2228 = arith.addf %squeeze3A_2225, %squeeze3A_2227 : f32
    %slice3A_2229 = vector.extract_strided_slice %scan3A_99#32 {offsets = [2], sizes = [1], strides = [1]} : vector<16xf32> to vector<1xf32>
    %squeeze3A_2230 = vector.extract %slice3A_2229[0] : f32 from vector<1xf32>
    %add3A_2231 = arith.addf %add3A_2228, %squeeze3A_2230 : f32
    %slice3A_2232 = vector.extract_strided_slice %scan3A_99#32 {offsets = [3], sizes = [1], strides = [1]} : vector<16xf32> to vector<1xf32>
    %squeeze3A_2233 = vector.extract %slice3A_2232[0] : f32 from vector<1xf32>
    %add3A_2234 = arith.addf %add3A_2231, %squeeze3A_2233 : f32
    %slice3A_2235 = vector.extract_strided_slice %scan3A_99#32 {offsets = [4], sizes = [1], strides = [1]} : vector<16xf32> to vector<1xf32>
    %squeeze3A_2236 = vector.extract %slice3A_2235[0] : f32 from vector<1xf32>
    %add3A_2237 = arith.addf %add3A_2234, %squeeze3A_2236 : f32
    %slice3A_2238 = vector.extract_strided_slice %scan3A_99#32 {offsets = [5], sizes = [1], strides = [1]} : vector<16xf32> to vector<1xf32>
    %squeeze3A_2239 = vector.extract %slice3A_2238[0] : f32 from vector<1xf32>
    %add3A_2240 = arith.addf %add3A_2237, %squeeze3A_2239 : f32
    %slice3A_2241 = vector.extract_strided_slice %scan3A_99#32 {offsets = [6], sizes = [1], strides = [1]} : vector<16xf32> to vector<1xf32>
    %squeeze3A_2242 = vector.extract %slice3A_2241[0] : f32 from vector<1xf32>
    %add3A_2243 = arith.addf %add3A_2240, %squeeze3A_2242 : f32
    %slice3A_2244 = vector.extract_strided_slice %scan3A_99#32 {offsets = [7], sizes = [1], strides = [1]} : vector<16xf32> to vector<1xf32>
    %squeeze3A_2245 = vector.extract %slice3A_2244[0] : f32 from vector<1xf32>
    %add3A_2246 = arith.addf %add3A_2243, %squeeze3A_2245 : f32
    %slice3A_2247 = vector.extract_strided_slice %scan3A_99#32 {offsets = [8], sizes = [1], strides = [1]} : vector<16xf32> to vector<1xf32>
    %squeeze3A_2248 = vector.extract %slice3A_2247[0] : f32 from vector<1xf32>
    %add3A_2249 = arith.addf %add3A_2246, %squeeze3A_2248 : f32
    %slice3A_2250 = vector.extract_strided_slice %scan3A_99#32 {offsets = [9], sizes = [1], strides = [1]} : vector<16xf32> to vector<1xf32>
    %squeeze3A_2251 = vector.extract %slice3A_2250[0] : f32 from vector<1xf32>
    %add3A_2252 = arith.addf %add3A_2249, %squeeze3A_2251 : f32
    %slice3A_2253 = vector.extract_strided_slice %scan3A_99#32 {offsets = [10], sizes = [1], strides = [1]} : vector<16xf32> to vector<1xf32>
    %squeeze3A_2254 = vector.extract %slice3A_2253[0] : f32 from vector<1xf32>
    %add3A_2255 = arith.addf %add3A_2252, %squeeze3A_2254 : f32
    %slice3A_2256 = vector.extract_strided_slice %scan3A_99#32 {offsets = [11], sizes = [1], strides = [1]} : vector<16xf32> to vector<1xf32>
    %squeeze3A_2257 = vector.extract %slice3A_2256[0] : f32 from vector<1xf32>
    %add3A_2258 = arith.addf %add3A_2255, %squeeze3A_2257 : f32
    %slice3A_2259 = vector.extract_strided_slice %scan3A_99#32 {offsets = [12], sizes = [1], strides = [1]} : vector<16xf32> to vector<1xf32>
    %squeeze3A_2260 = vector.extract %slice3A_2259[0] : f32 from vector<1xf32>
    %add3A_2261 = arith.addf %add3A_2258, %squeeze3A_2260 : f32
    %slice3A_2262 = vector.extract_strided_slice %scan3A_99#32 {offsets = [13], sizes = [1], strides = [1]} : vector<16xf32> to vector<1xf32>
    %squeeze3A_2263 = vector.extract %slice3A_2262[0] : f32 from vector<1xf32>
    %add3A_2264 = arith.addf %add3A_2261, %squeeze3A_2263 : f32
    %slice3A_2265 = vector.extract_strided_slice %scan3A_99#32 {offsets = [14], sizes = [1], strides = [1]} : vector<16xf32> to vector<1xf32>
    %squeeze3A_2266 = vector.extract %slice3A_2265[0] : f32 from vector<1xf32>
    %add3A_2267 = arith.addf %add3A_2264, %squeeze3A_2266 : f32
    %slice3A_2268 = vector.extract_strided_slice %scan3A_99#32 {offsets = [15], sizes = [1], strides = [1]} : vector<16xf32> to vector<1xf32>
    %squeeze3A_2269 = vector.extract %slice3A_2268[0] : f32 from vector<1xf32>
    %add3A_2270 = arith.addf %add3A_2267, %squeeze3A_2269 : f32
    %eq3A_2271 = arith.constant 10 : i32
    %eq3A_2272 = vector.broadcast %eq3A_2271 : i32 to vector<16xi32>
    %eq3A_2273 = arith.cmpi eq, %iota3A, %eq3A_2272 : vector<16xi32>
    %broadcast_in_dim3A_2274 = vector.broadcast %add3A_2270 : f32 to vector<16xf32>
    %select_n3A_2275 = arith.select %eq3A_2273, %broadcast_in_dim3A_2274, %broadcast_in_dim3A_3 : vector<16xi1>, vector<16xf32>
    %add3A_2276 = arith.addf %add3A_2223, %select_n3A_2275 : vector<16xf32>
    %slice3A_2277 = vector.extract_strided_slice %scan3A_99#35 {offsets = [0], sizes = [1], strides = [1]} : vector<16xf32> to vector<1xf32>
    %squeeze3A_2278 = vector.extract %slice3A_2277[0] : f32 from vector<1xf32>
    %slice3A_2279 = vector.extract_strided_slice %scan3A_99#35 {offsets = [1], sizes = [1], strides = [1]} : vector<16xf32> to vector<1xf32>
    %squeeze3A_2280 = vector.extract %slice3A_2279[0] : f32 from vector<1xf32>
    %add3A_2281 = arith.addf %squeeze3A_2278, %squeeze3A_2280 : f32
    %slice3A_2282 = vector.extract_strided_slice %scan3A_99#35 {offsets = [2], sizes = [1], strides = [1]} : vector<16xf32> to vector<1xf32>
    %squeeze3A_2283 = vector.extract %slice3A_2282[0] : f32 from vector<1xf32>
    %add3A_2284 = arith.addf %add3A_2281, %squeeze3A_2283 : f32
    %slice3A_2285 = vector.extract_strided_slice %scan3A_99#35 {offsets = [3], sizes = [1], strides = [1]} : vector<16xf32> to vector<1xf32>
    %squeeze3A_2286 = vector.extract %slice3A_2285[0] : f32 from vector<1xf32>
    %add3A_2287 = arith.addf %add3A_2284, %squeeze3A_2286 : f32
    %slice3A_2288 = vector.extract_strided_slice %scan3A_99#35 {offsets = [4], sizes = [1], strides = [1]} : vector<16xf32> to vector<1xf32>
    %squeeze3A_2289 = vector.extract %slice3A_2288[0] : f32 from vector<1xf32>
    %add3A_2290 = arith.addf %add3A_2287, %squeeze3A_2289 : f32
    %slice3A_2291 = vector.extract_strided_slice %scan3A_99#35 {offsets = [5], sizes = [1], strides = [1]} : vector<16xf32> to vector<1xf32>
    %squeeze3A_2292 = vector.extract %slice3A_2291[0] : f32 from vector<1xf32>
    %add3A_2293 = arith.addf %add3A_2290, %squeeze3A_2292 : f32
    %slice3A_2294 = vector.extract_strided_slice %scan3A_99#35 {offsets = [6], sizes = [1], strides = [1]} : vector<16xf32> to vector<1xf32>
    %squeeze3A_2295 = vector.extract %slice3A_2294[0] : f32 from vector<1xf32>
    %add3A_2296 = arith.addf %add3A_2293, %squeeze3A_2295 : f32
    %slice3A_2297 = vector.extract_strided_slice %scan3A_99#35 {offsets = [7], sizes = [1], strides = [1]} : vector<16xf32> to vector<1xf32>
    %squeeze3A_2298 = vector.extract %slice3A_2297[0] : f32 from vector<1xf32>
    %add3A_2299 = arith.addf %add3A_2296, %squeeze3A_2298 : f32
    %slice3A_2300 = vector.extract_strided_slice %scan3A_99#35 {offsets = [8], sizes = [1], strides = [1]} : vector<16xf32> to vector<1xf32>
    %squeeze3A_2301 = vector.extract %slice3A_2300[0] : f32 from vector<1xf32>
    %add3A_2302 = arith.addf %add3A_2299, %squeeze3A_2301 : f32
    %slice3A_2303 = vector.extract_strided_slice %scan3A_99#35 {offsets = [9], sizes = [1], strides = [1]} : vector<16xf32> to vector<1xf32>
    %squeeze3A_2304 = vector.extract %slice3A_2303[0] : f32 from vector<1xf32>
    %add3A_2305 = arith.addf %add3A_2302, %squeeze3A_2304 : f32
    %slice3A_2306 = vector.extract_strided_slice %scan3A_99#35 {offsets = [10], sizes = [1], strides = [1]} : vector<16xf32> to vector<1xf32>
    %squeeze3A_2307 = vector.extract %slice3A_2306[0] : f32 from vector<1xf32>
    %add3A_2308 = arith.addf %add3A_2305, %squeeze3A_2307 : f32
    %slice3A_2309 = vector.extract_strided_slice %scan3A_99#35 {offsets = [11], sizes = [1], strides = [1]} : vector<16xf32> to vector<1xf32>
    %squeeze3A_2310 = vector.extract %slice3A_2309[0] : f32 from vector<1xf32>
    %add3A_2311 = arith.addf %add3A_2308, %squeeze3A_2310 : f32
    %slice3A_2312 = vector.extract_strided_slice %scan3A_99#35 {offsets = [12], sizes = [1], strides = [1]} : vector<16xf32> to vector<1xf32>
    %squeeze3A_2313 = vector.extract %slice3A_2312[0] : f32 from vector<1xf32>
    %add3A_2314 = arith.addf %add3A_2311, %squeeze3A_2313 : f32
    %slice3A_2315 = vector.extract_strided_slice %scan3A_99#35 {offsets = [13], sizes = [1], strides = [1]} : vector<16xf32> to vector<1xf32>
    %squeeze3A_2316 = vector.extract %slice3A_2315[0] : f32 from vector<1xf32>
    %add3A_2317 = arith.addf %add3A_2314, %squeeze3A_2316 : f32
    %slice3A_2318 = vector.extract_strided_slice %scan3A_99#35 {offsets = [14], sizes = [1], strides = [1]} : vector<16xf32> to vector<1xf32>
    %squeeze3A_2319 = vector.extract %slice3A_2318[0] : f32 from vector<1xf32>
    %add3A_2320 = arith.addf %add3A_2317, %squeeze3A_2319 : f32
    %slice3A_2321 = vector.extract_strided_slice %scan3A_99#35 {offsets = [15], sizes = [1], strides = [1]} : vector<16xf32> to vector<1xf32>
    %squeeze3A_2322 = vector.extract %slice3A_2321[0] : f32 from vector<1xf32>
    %add3A_2323 = arith.addf %add3A_2320, %squeeze3A_2322 : f32
    %eq3A_2324 = arith.constant 11 : i32
    %eq3A_2325 = vector.broadcast %eq3A_2324 : i32 to vector<16xi32>
    %eq3A_2326 = arith.cmpi eq, %iota3A, %eq3A_2325 : vector<16xi32>
    %broadcast_in_dim3A_2327 = vector.broadcast %add3A_2323 : f32 to vector<16xf32>
    %select_n3A_2328 = arith.select %eq3A_2326, %broadcast_in_dim3A_2327, %broadcast_in_dim3A_3 : vector<16xi1>, vector<16xf32>
    %add3A_2329 = arith.addf %add3A_2276, %select_n3A_2328 : vector<16xf32>
    %slice3A_2330 = vector.extract_strided_slice %scan3A_99#38 {offsets = [0], sizes = [1], strides = [1]} : vector<16xf32> to vector<1xf32>
    %squeeze3A_2331 = vector.extract %slice3A_2330[0] : f32 from vector<1xf32>
    %slice3A_2332 = vector.extract_strided_slice %scan3A_99#38 {offsets = [1], sizes = [1], strides = [1]} : vector<16xf32> to vector<1xf32>
    %squeeze3A_2333 = vector.extract %slice3A_2332[0] : f32 from vector<1xf32>
    %add3A_2334 = arith.addf %squeeze3A_2331, %squeeze3A_2333 : f32
    %slice3A_2335 = vector.extract_strided_slice %scan3A_99#38 {offsets = [2], sizes = [1], strides = [1]} : vector<16xf32> to vector<1xf32>
    %squeeze3A_2336 = vector.extract %slice3A_2335[0] : f32 from vector<1xf32>
    %add3A_2337 = arith.addf %add3A_2334, %squeeze3A_2336 : f32
    %slice3A_2338 = vector.extract_strided_slice %scan3A_99#38 {offsets = [3], sizes = [1], strides = [1]} : vector<16xf32> to vector<1xf32>
    %squeeze3A_2339 = vector.extract %slice3A_2338[0] : f32 from vector<1xf32>
    %add3A_2340 = arith.addf %add3A_2337, %squeeze3A_2339 : f32
    %slice3A_2341 = vector.extract_strided_slice %scan3A_99#38 {offsets = [4], sizes = [1], strides = [1]} : vector<16xf32> to vector<1xf32>
    %squeeze3A_2342 = vector.extract %slice3A_2341[0] : f32 from vector<1xf32>
    %add3A_2343 = arith.addf %add3A_2340, %squeeze3A_2342 : f32
    %slice3A_2344 = vector.extract_strided_slice %scan3A_99#38 {offsets = [5], sizes = [1], strides = [1]} : vector<16xf32> to vector<1xf32>
    %squeeze3A_2345 = vector.extract %slice3A_2344[0] : f32 from vector<1xf32>
    %add3A_2346 = arith.addf %add3A_2343, %squeeze3A_2345 : f32
    %slice3A_2347 = vector.extract_strided_slice %scan3A_99#38 {offsets = [6], sizes = [1], strides = [1]} : vector<16xf32> to vector<1xf32>
    %squeeze3A_2348 = vector.extract %slice3A_2347[0] : f32 from vector<1xf32>
    %add3A_2349 = arith.addf %add3A_2346, %squeeze3A_2348 : f32
    %slice3A_2350 = vector.extract_strided_slice %scan3A_99#38 {offsets = [7], sizes = [1], strides = [1]} : vector<16xf32> to vector<1xf32>
    %squeeze3A_2351 = vector.extract %slice3A_2350[0] : f32 from vector<1xf32>
    %add3A_2352 = arith.addf %add3A_2349, %squeeze3A_2351 : f32
    %slice3A_2353 = vector.extract_strided_slice %scan3A_99#38 {offsets = [8], sizes = [1], strides = [1]} : vector<16xf32> to vector<1xf32>
    %squeeze3A_2354 = vector.extract %slice3A_2353[0] : f32 from vector<1xf32>
    %add3A_2355 = arith.addf %add3A_2352, %squeeze3A_2354 : f32
    %slice3A_2356 = vector.extract_strided_slice %scan3A_99#38 {offsets = [9], sizes = [1], strides = [1]} : vector<16xf32> to vector<1xf32>
    %squeeze3A_2357 = vector.extract %slice3A_2356[0] : f32 from vector<1xf32>
    %add3A_2358 = arith.addf %add3A_2355, %squeeze3A_2357 : f32
    %slice3A_2359 = vector.extract_strided_slice %scan3A_99#38 {offsets = [10], sizes = [1], strides = [1]} : vector<16xf32> to vector<1xf32>
    %squeeze3A_2360 = vector.extract %slice3A_2359[0] : f32 from vector<1xf32>
    %add3A_2361 = arith.addf %add3A_2358, %squeeze3A_2360 : f32
    %slice3A_2362 = vector.extract_strided_slice %scan3A_99#38 {offsets = [11], sizes = [1], strides = [1]} : vector<16xf32> to vector<1xf32>
    %squeeze3A_2363 = vector.extract %slice3A_2362[0] : f32 from vector<1xf32>
    %add3A_2364 = arith.addf %add3A_2361, %squeeze3A_2363 : f32
    %slice3A_2365 = vector.extract_strided_slice %scan3A_99#38 {offsets = [12], sizes = [1], strides = [1]} : vector<16xf32> to vector<1xf32>
    %squeeze3A_2366 = vector.extract %slice3A_2365[0] : f32 from vector<1xf32>
    %add3A_2367 = arith.addf %add3A_2364, %squeeze3A_2366 : f32
    %slice3A_2368 = vector.extract_strided_slice %scan3A_99#38 {offsets = [13], sizes = [1], strides = [1]} : vector<16xf32> to vector<1xf32>
    %squeeze3A_2369 = vector.extract %slice3A_2368[0] : f32 from vector<1xf32>
    %add3A_2370 = arith.addf %add3A_2367, %squeeze3A_2369 : f32
    %slice3A_2371 = vector.extract_strided_slice %scan3A_99#38 {offsets = [14], sizes = [1], strides = [1]} : vector<16xf32> to vector<1xf32>
    %squeeze3A_2372 = vector.extract %slice3A_2371[0] : f32 from vector<1xf32>
    %add3A_2373 = arith.addf %add3A_2370, %squeeze3A_2372 : f32
    %slice3A_2374 = vector.extract_strided_slice %scan3A_99#38 {offsets = [15], sizes = [1], strides = [1]} : vector<16xf32> to vector<1xf32>
    %squeeze3A_2375 = vector.extract %slice3A_2374[0] : f32 from vector<1xf32>
    %add3A_2376 = arith.addf %add3A_2373, %squeeze3A_2375 : f32
    %eq3A_2377 = arith.constant 12 : i32
    %eq3A_2378 = vector.broadcast %eq3A_2377 : i32 to vector<16xi32>
    %eq3A_2379 = arith.cmpi eq, %iota3A, %eq3A_2378 : vector<16xi32>
    %broadcast_in_dim3A_2380 = vector.broadcast %add3A_2376 : f32 to vector<16xf32>
    %select_n3A_2381 = arith.select %eq3A_2379, %broadcast_in_dim3A_2380, %broadcast_in_dim3A_3 : vector<16xi1>, vector<16xf32>
    %add3A_2382 = arith.addf %add3A_2329, %select_n3A_2381 : vector<16xf32>
    %slice3A_2383 = vector.extract_strided_slice %scan3A_99#41 {offsets = [0], sizes = [1], strides = [1]} : vector<16xf32> to vector<1xf32>
    %squeeze3A_2384 = vector.extract %slice3A_2383[0] : f32 from vector<1xf32>
    %slice3A_2385 = vector.extract_strided_slice %scan3A_99#41 {offsets = [1], sizes = [1], strides = [1]} : vector<16xf32> to vector<1xf32>
    %squeeze3A_2386 = vector.extract %slice3A_2385[0] : f32 from vector<1xf32>
    %add3A_2387 = arith.addf %squeeze3A_2384, %squeeze3A_2386 : f32
    %slice3A_2388 = vector.extract_strided_slice %scan3A_99#41 {offsets = [2], sizes = [1], strides = [1]} : vector<16xf32> to vector<1xf32>
    %squeeze3A_2389 = vector.extract %slice3A_2388[0] : f32 from vector<1xf32>
    %add3A_2390 = arith.addf %add3A_2387, %squeeze3A_2389 : f32
    %slice3A_2391 = vector.extract_strided_slice %scan3A_99#41 {offsets = [3], sizes = [1], strides = [1]} : vector<16xf32> to vector<1xf32>
    %squeeze3A_2392 = vector.extract %slice3A_2391[0] : f32 from vector<1xf32>
    %add3A_2393 = arith.addf %add3A_2390, %squeeze3A_2392 : f32
    %slice3A_2394 = vector.extract_strided_slice %scan3A_99#41 {offsets = [4], sizes = [1], strides = [1]} : vector<16xf32> to vector<1xf32>
    %squeeze3A_2395 = vector.extract %slice3A_2394[0] : f32 from vector<1xf32>
    %add3A_2396 = arith.addf %add3A_2393, %squeeze3A_2395 : f32
    %slice3A_2397 = vector.extract_strided_slice %scan3A_99#41 {offsets = [5], sizes = [1], strides = [1]} : vector<16xf32> to vector<1xf32>
    %squeeze3A_2398 = vector.extract %slice3A_2397[0] : f32 from vector<1xf32>
    %add3A_2399 = arith.addf %add3A_2396, %squeeze3A_2398 : f32
    %slice3A_2400 = vector.extract_strided_slice %scan3A_99#41 {offsets = [6], sizes = [1], strides = [1]} : vector<16xf32> to vector<1xf32>
    %squeeze3A_2401 = vector.extract %slice3A_2400[0] : f32 from vector<1xf32>
    %add3A_2402 = arith.addf %add3A_2399, %squeeze3A_2401 : f32
    %slice3A_2403 = vector.extract_strided_slice %scan3A_99#41 {offsets = [7], sizes = [1], strides = [1]} : vector<16xf32> to vector<1xf32>
    %squeeze3A_2404 = vector.extract %slice3A_2403[0] : f32 from vector<1xf32>
    %add3A_2405 = arith.addf %add3A_2402, %squeeze3A_2404 : f32
    %slice3A_2406 = vector.extract_strided_slice %scan3A_99#41 {offsets = [8], sizes = [1], strides = [1]} : vector<16xf32> to vector<1xf32>
    %squeeze3A_2407 = vector.extract %slice3A_2406[0] : f32 from vector<1xf32>
    %add3A_2408 = arith.addf %add3A_2405, %squeeze3A_2407 : f32
    %slice3A_2409 = vector.extract_strided_slice %scan3A_99#41 {offsets = [9], sizes = [1], strides = [1]} : vector<16xf32> to vector<1xf32>
    %squeeze3A_2410 = vector.extract %slice3A_2409[0] : f32 from vector<1xf32>
    %add3A_2411 = arith.addf %add3A_2408, %squeeze3A_2410 : f32
    %slice3A_2412 = vector.extract_strided_slice %scan3A_99#41 {offsets = [10], sizes = [1], strides = [1]} : vector<16xf32> to vector<1xf32>
    %squeeze3A_2413 = vector.extract %slice3A_2412[0] : f32 from vector<1xf32>
    %add3A_2414 = arith.addf %add3A_2411, %squeeze3A_2413 : f32
    %slice3A_2415 = vector.extract_strided_slice %scan3A_99#41 {offsets = [11], sizes = [1], strides = [1]} : vector<16xf32> to vector<1xf32>
    %squeeze3A_2416 = vector.extract %slice3A_2415[0] : f32 from vector<1xf32>
    %add3A_2417 = arith.addf %add3A_2414, %squeeze3A_2416 : f32
    %slice3A_2418 = vector.extract_strided_slice %scan3A_99#41 {offsets = [12], sizes = [1], strides = [1]} : vector<16xf32> to vector<1xf32>
    %squeeze3A_2419 = vector.extract %slice3A_2418[0] : f32 from vector<1xf32>
    %add3A_2420 = arith.addf %add3A_2417, %squeeze3A_2419 : f32
    %slice3A_2421 = vector.extract_strided_slice %scan3A_99#41 {offsets = [13], sizes = [1], strides = [1]} : vector<16xf32> to vector<1xf32>
    %squeeze3A_2422 = vector.extract %slice3A_2421[0] : f32 from vector<1xf32>
    %add3A_2423 = arith.addf %add3A_2420, %squeeze3A_2422 : f32
    %slice3A_2424 = vector.extract_strided_slice %scan3A_99#41 {offsets = [14], sizes = [1], strides = [1]} : vector<16xf32> to vector<1xf32>
    %squeeze3A_2425 = vector.extract %slice3A_2424[0] : f32 from vector<1xf32>
    %add3A_2426 = arith.addf %add3A_2423, %squeeze3A_2425 : f32
    %slice3A_2427 = vector.extract_strided_slice %scan3A_99#41 {offsets = [15], sizes = [1], strides = [1]} : vector<16xf32> to vector<1xf32>
    %squeeze3A_2428 = vector.extract %slice3A_2427[0] : f32 from vector<1xf32>
    %add3A_2429 = arith.addf %add3A_2426, %squeeze3A_2428 : f32
    %eq3A_2430 = arith.constant 13 : i32
    %eq3A_2431 = vector.broadcast %eq3A_2430 : i32 to vector<16xi32>
    %eq3A_2432 = arith.cmpi eq, %iota3A, %eq3A_2431 : vector<16xi32>
    %broadcast_in_dim3A_2433 = vector.broadcast %add3A_2429 : f32 to vector<16xf32>
    %select_n3A_2434 = arith.select %eq3A_2432, %broadcast_in_dim3A_2433, %broadcast_in_dim3A_3 : vector<16xi1>, vector<16xf32>
    %add3A_2435 = arith.addf %add3A_2382, %select_n3A_2434 : vector<16xf32>
    %slice3A_2436 = vector.extract_strided_slice %scan3A_99#44 {offsets = [0], sizes = [1], strides = [1]} : vector<16xf32> to vector<1xf32>
    %squeeze3A_2437 = vector.extract %slice3A_2436[0] : f32 from vector<1xf32>
    %slice3A_2438 = vector.extract_strided_slice %scan3A_99#44 {offsets = [1], sizes = [1], strides = [1]} : vector<16xf32> to vector<1xf32>
    %squeeze3A_2439 = vector.extract %slice3A_2438[0] : f32 from vector<1xf32>
    %add3A_2440 = arith.addf %squeeze3A_2437, %squeeze3A_2439 : f32
    %slice3A_2441 = vector.extract_strided_slice %scan3A_99#44 {offsets = [2], sizes = [1], strides = [1]} : vector<16xf32> to vector<1xf32>
    %squeeze3A_2442 = vector.extract %slice3A_2441[0] : f32 from vector<1xf32>
    %add3A_2443 = arith.addf %add3A_2440, %squeeze3A_2442 : f32
    %slice3A_2444 = vector.extract_strided_slice %scan3A_99#44 {offsets = [3], sizes = [1], strides = [1]} : vector<16xf32> to vector<1xf32>
    %squeeze3A_2445 = vector.extract %slice3A_2444[0] : f32 from vector<1xf32>
    %add3A_2446 = arith.addf %add3A_2443, %squeeze3A_2445 : f32
    %slice3A_2447 = vector.extract_strided_slice %scan3A_99#44 {offsets = [4], sizes = [1], strides = [1]} : vector<16xf32> to vector<1xf32>
    %squeeze3A_2448 = vector.extract %slice3A_2447[0] : f32 from vector<1xf32>
    %add3A_2449 = arith.addf %add3A_2446, %squeeze3A_2448 : f32
    %slice3A_2450 = vector.extract_strided_slice %scan3A_99#44 {offsets = [5], sizes = [1], strides = [1]} : vector<16xf32> to vector<1xf32>
    %squeeze3A_2451 = vector.extract %slice3A_2450[0] : f32 from vector<1xf32>
    %add3A_2452 = arith.addf %add3A_2449, %squeeze3A_2451 : f32
    %slice3A_2453 = vector.extract_strided_slice %scan3A_99#44 {offsets = [6], sizes = [1], strides = [1]} : vector<16xf32> to vector<1xf32>
    %squeeze3A_2454 = vector.extract %slice3A_2453[0] : f32 from vector<1xf32>
    %add3A_2455 = arith.addf %add3A_2452, %squeeze3A_2454 : f32
    %slice3A_2456 = vector.extract_strided_slice %scan3A_99#44 {offsets = [7], sizes = [1], strides = [1]} : vector<16xf32> to vector<1xf32>
    %squeeze3A_2457 = vector.extract %slice3A_2456[0] : f32 from vector<1xf32>
    %add3A_2458 = arith.addf %add3A_2455, %squeeze3A_2457 : f32
    %slice3A_2459 = vector.extract_strided_slice %scan3A_99#44 {offsets = [8], sizes = [1], strides = [1]} : vector<16xf32> to vector<1xf32>
    %squeeze3A_2460 = vector.extract %slice3A_2459[0] : f32 from vector<1xf32>
    %add3A_2461 = arith.addf %add3A_2458, %squeeze3A_2460 : f32
    %slice3A_2462 = vector.extract_strided_slice %scan3A_99#44 {offsets = [9], sizes = [1], strides = [1]} : vector<16xf32> to vector<1xf32>
    %squeeze3A_2463 = vector.extract %slice3A_2462[0] : f32 from vector<1xf32>
    %add3A_2464 = arith.addf %add3A_2461, %squeeze3A_2463 : f32
    %slice3A_2465 = vector.extract_strided_slice %scan3A_99#44 {offsets = [10], sizes = [1], strides = [1]} : vector<16xf32> to vector<1xf32>
    %squeeze3A_2466 = vector.extract %slice3A_2465[0] : f32 from vector<1xf32>
    %add3A_2467 = arith.addf %add3A_2464, %squeeze3A_2466 : f32
    %slice3A_2468 = vector.extract_strided_slice %scan3A_99#44 {offsets = [11], sizes = [1], strides = [1]} : vector<16xf32> to vector<1xf32>
    %squeeze3A_2469 = vector.extract %slice3A_2468[0] : f32 from vector<1xf32>
    %add3A_2470 = arith.addf %add3A_2467, %squeeze3A_2469 : f32
    %slice3A_2471 = vector.extract_strided_slice %scan3A_99#44 {offsets = [12], sizes = [1], strides = [1]} : vector<16xf32> to vector<1xf32>
    %squeeze3A_2472 = vector.extract %slice3A_2471[0] : f32 from vector<1xf32>
    %add3A_2473 = arith.addf %add3A_2470, %squeeze3A_2472 : f32
    %slice3A_2474 = vector.extract_strided_slice %scan3A_99#44 {offsets = [13], sizes = [1], strides = [1]} : vector<16xf32> to vector<1xf32>
    %squeeze3A_2475 = vector.extract %slice3A_2474[0] : f32 from vector<1xf32>
    %add3A_2476 = arith.addf %add3A_2473, %squeeze3A_2475 : f32
    %slice3A_2477 = vector.extract_strided_slice %scan3A_99#44 {offsets = [14], sizes = [1], strides = [1]} : vector<16xf32> to vector<1xf32>
    %squeeze3A_2478 = vector.extract %slice3A_2477[0] : f32 from vector<1xf32>
    %add3A_2479 = arith.addf %add3A_2476, %squeeze3A_2478 : f32
    %slice3A_2480 = vector.extract_strided_slice %scan3A_99#44 {offsets = [15], sizes = [1], strides = [1]} : vector<16xf32> to vector<1xf32>
    %squeeze3A_2481 = vector.extract %slice3A_2480[0] : f32 from vector<1xf32>
    %add3A_2482 = arith.addf %add3A_2479, %squeeze3A_2481 : f32
    %eq3A_2483 = arith.constant 14 : i32
    %eq3A_2484 = vector.broadcast %eq3A_2483 : i32 to vector<16xi32>
    %eq3A_2485 = arith.cmpi eq, %iota3A, %eq3A_2484 : vector<16xi32>
    %broadcast_in_dim3A_2486 = vector.broadcast %add3A_2482 : f32 to vector<16xf32>
    %select_n3A_2487 = arith.select %eq3A_2485, %broadcast_in_dim3A_2486, %broadcast_in_dim3A_3 : vector<16xi1>, vector<16xf32>
    %add3A_2488 = arith.addf %add3A_2435, %select_n3A_2487 : vector<16xf32>
    %swap3A_2489 = arith.constant 32 : index
    %swap3A_2490 = tpu.vector_load %arg7[%swap3A_2489] {strides = array<i32>} : memref<48xf32, #tpu.memory_space<vmem>>, vector<16xf32>,
    %swap3A_2491 = vector.shape_cast %swap3A_2490 : vector<16xf32> to vector<16xf32>
    %swap3A_2492 = vector.shape_cast %add3A_2488 : vector<16xf32> to vector<16xf32>
    tpu.vector_store %arg7[%swap3A_2489], %swap3A_2492 {strides = array<i32>} : memref<48xf32, #tpu.memory_space<vmem>>, vector<16xf32>,
    %mul3A_2493 = arith.constant 48 : i32
    %mul3A_2494 = arith.muli %arg1, %mul3A_2493 : i32
    "tpu.region"() ({
      %run_scoped3A = tpu.sem_alloc : memref<!tpu.dma_semaphore, #tpu.memory_space<semaphore_mem>>
      %dma_start3A = tpu.memref_slice %arg8[%mul3A_2494] : memref<768xf32, #tpu.memory_space<vmem_shared>> -> memref<48xf32, #tpu.memory_space<vmem_shared>>
      %dma_start3A_2498 = tpu.memref_slice %arg8[%mul3A_2494] : memref<768xf32, #tpu.memory_space<vmem_shared>> -> memref<48xf32, #tpu.memory_space<vmem_shared>>
      tpu.enqueue_dma source(%arg7 : memref<48xf32, #tpu.memory_space<vmem>>) target(%dma_start3A_2498 : memref<48xf32, #tpu.memory_space<vmem_shared>>) target_semaphore(%run_scoped3A : memref<!tpu.dma_semaphore, #tpu.memory_space<semaphore_mem>>)
      %dma_wait3A = tpu.memref_slice %arg8[%mul3A_2494] : memref<768xf32, #tpu.memory_space<vmem_shared>> -> memref<48xf32, #tpu.memory_space<vmem_shared>>
      %dma_wait3A_2499 = tpu.memref_slice %arg8[%mul3A_2494] : memref<768xf32, #tpu.memory_space<vmem_shared>> -> memref<48xf32, #tpu.memory_space<vmem_shared>>
      tpu.wait_dma2 semaphore(%run_scoped3A : memref<!tpu.dma_semaphore, #tpu.memory_space<semaphore_mem>>) src(%arg7 : memref<48xf32, #tpu.memory_space<vmem>>) dst(%dma_wait3A_2499 : memref<48xf32, #tpu.memory_space<vmem_shared>>)
      tpu.yield
    }) : () -> ()
    %barrier3A = arith.constant 0 : index
    tpu.barrier barrier_id(%barrier3A)
    %eq3A_2495 = arith.constant 0 : i32
    %eq3A_2496 = arith.cmpi eq, %arg1, %eq3A_2495 : i32
    %convert_element_type3A = arith.extui %eq3A_2496 : i1 to i32
    %cond3A = arith.constant 0 : i32
    %cond3A_2497 = arith.cmpi ne, %convert_element_type3A, %cond3A : i32
    scf.if %cond3A_2497 {
      "tpu.region"() ({
        %run_scoped3A = tpu.sem_alloc : memref<!tpu.dma_semaphore, #tpu.memory_space<semaphore_mem>>
        tpu.enqueue_dma source(%arg8 : memref<768xf32, #tpu.memory_space<vmem_shared>>) target(%arg9 : memref<768xf32, #tpu.memory_space<vmem>>) target_semaphore(%run_scoped3A : memref<!tpu.dma_semaphore, #tpu.memory_space<semaphore_mem>>)
        tpu.wait_dma2 semaphore(%run_scoped3A : memref<!tpu.dma_semaphore, #tpu.memory_space<semaphore_mem>>) src(%arg8 : memref<768xf32, #tpu.memory_space<vmem_shared>>) dst(%arg9 : memref<768xf32, #tpu.memory_space<vmem>>)
        tpu.yield
      }) : () -> ()
      %broadcast_in_dim3A_2498 = arith.constant 0.000000e+00 : f32
      %broadcast_in_dim3A_2499 = vector.broadcast %broadcast_in_dim3A_2498 : f32 to vector<16xf32>
      %get3A = arith.constant 0 : index
      %get3A_2500 = tpu.vector_load %arg9[%get3A] {strides = array<i32>} : memref<768xf32, #tpu.memory_space<vmem>>, vector<16xf32>,
      %get3A_2501 = vector.shape_cast %get3A_2500 : vector<16xf32> to vector<16xf32>
      %add3A_2502 = arith.addf %broadcast_in_dim3A_2499, %get3A_2501 : vector<16xf32>
      %get3A_2503 = arith.constant 16 : index
      %get3A_2504 = tpu.vector_load %arg9[%get3A_2503] {strides = array<i32>} : memref<768xf32, #tpu.memory_space<vmem>>, vector<16xf32>,
      %get3A_2505 = vector.shape_cast %get3A_2504 : vector<16xf32> to vector<16xf32>
      %add3A_2506 = arith.addf %broadcast_in_dim3A_2499, %get3A_2505 : vector<16xf32>
      %get3A_2507 = arith.constant 32 : index
      %get3A_2508 = tpu.vector_load %arg9[%get3A_2507] {strides = array<i32>} : memref<768xf32, #tpu.memory_space<vmem>>, vector<16xf32>,
      %get3A_2509 = vector.shape_cast %get3A_2508 : vector<16xf32> to vector<16xf32>
      %add3A_2510 = arith.addf %broadcast_in_dim3A_2499, %get3A_2509 : vector<16xf32>
      %get3A_2511 = arith.constant 48 : index
      %get3A_2512 = tpu.vector_load %arg9[%get3A_2511] {strides = array<i32>} : memref<768xf32, #tpu.memory_space<vmem>>, vector<16xf32>,
      %get3A_2513 = vector.shape_cast %get3A_2512 : vector<16xf32> to vector<16xf32>
      %add3A_2514 = arith.addf %add3A_2502, %get3A_2513 : vector<16xf32>
      %get3A_2515 = arith.constant 64 : index
      %get3A_2516 = tpu.vector_load %arg9[%get3A_2515] {strides = array<i32>} : memref<768xf32, #tpu.memory_space<vmem>>, vector<16xf32>,
      %get3A_2517 = vector.shape_cast %get3A_2516 : vector<16xf32> to vector<16xf32>
      %add3A_2518 = arith.addf %add3A_2506, %get3A_2517 : vector<16xf32>
      %get3A_2519 = arith.constant 80 : index
      %get3A_2520 = tpu.vector_load %arg9[%get3A_2519] {strides = array<i32>} : memref<768xf32, #tpu.memory_space<vmem>>, vector<16xf32>,
      %get3A_2521 = vector.shape_cast %get3A_2520 : vector<16xf32> to vector<16xf32>
      %add3A_2522 = arith.addf %add3A_2510, %get3A_2521 : vector<16xf32>
      %get3A_2523 = arith.constant 96 : index
      %get3A_2524 = tpu.vector_load %arg9[%get3A_2523] {strides = array<i32>} : memref<768xf32, #tpu.memory_space<vmem>>, vector<16xf32>,
      %get3A_2525 = vector.shape_cast %get3A_2524 : vector<16xf32> to vector<16xf32>
      %add3A_2526 = arith.addf %add3A_2514, %get3A_2525 : vector<16xf32>
      %get3A_2527 = arith.constant 112 : index
      %get3A_2528 = tpu.vector_load %arg9[%get3A_2527] {strides = array<i32>} : memref<768xf32, #tpu.memory_space<vmem>>, vector<16xf32>,
      %get3A_2529 = vector.shape_cast %get3A_2528 : vector<16xf32> to vector<16xf32>
      %add3A_2530 = arith.addf %add3A_2518, %get3A_2529 : vector<16xf32>
      %get3A_2531 = arith.constant 128 : index
      %get3A_2532 = tpu.vector_load %arg9[%get3A_2531] {strides = array<i32>} : memref<768xf32, #tpu.memory_space<vmem>>, vector<16xf32>,
      %get3A_2533 = vector.shape_cast %get3A_2532 : vector<16xf32> to vector<16xf32>
      %add3A_2534 = arith.addf %add3A_2522, %get3A_2533 : vector<16xf32>
      %get3A_2535 = arith.constant 144 : index
      %get3A_2536 = tpu.vector_load %arg9[%get3A_2535] {strides = array<i32>} : memref<768xf32, #tpu.memory_space<vmem>>, vector<16xf32>,
      %get3A_2537 = vector.shape_cast %get3A_2536 : vector<16xf32> to vector<16xf32>
      %add3A_2538 = arith.addf %add3A_2526, %get3A_2537 : vector<16xf32>
      %get3A_2539 = arith.constant 160 : index
      %get3A_2540 = tpu.vector_load %arg9[%get3A_2539] {strides = array<i32>} : memref<768xf32, #tpu.memory_space<vmem>>, vector<16xf32>,
      %get3A_2541 = vector.shape_cast %get3A_2540 : vector<16xf32> to vector<16xf32>
      %add3A_2542 = arith.addf %add3A_2530, %get3A_2541 : vector<16xf32>
      %get3A_2543 = arith.constant 176 : index
      %get3A_2544 = tpu.vector_load %arg9[%get3A_2543] {strides = array<i32>} : memref<768xf32, #tpu.memory_space<vmem>>, vector<16xf32>,
      %get3A_2545 = vector.shape_cast %get3A_2544 : vector<16xf32> to vector<16xf32>
      %add3A_2546 = arith.addf %add3A_2534, %get3A_2545 : vector<16xf32>
      %gt3A = arith.cmpf ogt, %add3A_2546, %broadcast_in_dim3A_2499 : vector<16xf32>
      %sub3A = arith.subf %add3A_2538, %add3A_2542 : vector<16xf32>
      %mul3A_2547 = arith.constant 1.22070313E-4 : f32
      %mul3A_2548 = vector.broadcast %mul3A_2547 : f32 to vector<16xf32>
      %mul3A_2549 = arith.mulf %sub3A, %mul3A_2548 : vector<16xf32>
      %abs3A = math.absf %mul3A_2549 : vector<16xf32>
      %select_n3A_2550 = arith.select %gt3A, %abs3A, %broadcast_in_dim3A_2499 : vector<16xi1>, vector<16xf32>
      %slice3A_2551 = vector.extract_strided_slice %select_n3A_2550 {offsets = [0], sizes = [1], strides = [1]} : vector<16xf32> to vector<1xf32>
      %squeeze3A_2552 = vector.extract %slice3A_2551[0] : f32 from vector<1xf32>
      %slice3A_2553 = vector.extract_strided_slice %select_n3A_2550 {offsets = [1], sizes = [1], strides = [1]} : vector<16xf32> to vector<1xf32>
      %squeeze3A_2554 = vector.extract %slice3A_2553[0] : f32 from vector<1xf32>
      %add3A_2555 = arith.addf %squeeze3A_2552, %squeeze3A_2554 : f32
      %slice3A_2556 = vector.extract_strided_slice %select_n3A_2550 {offsets = [2], sizes = [1], strides = [1]} : vector<16xf32> to vector<1xf32>
      %squeeze3A_2557 = vector.extract %slice3A_2556[0] : f32 from vector<1xf32>
      %add3A_2558 = arith.addf %add3A_2555, %squeeze3A_2557 : f32
      %slice3A_2559 = vector.extract_strided_slice %select_n3A_2550 {offsets = [3], sizes = [1], strides = [1]} : vector<16xf32> to vector<1xf32>
      %squeeze3A_2560 = vector.extract %slice3A_2559[0] : f32 from vector<1xf32>
      %add3A_2561 = arith.addf %add3A_2558, %squeeze3A_2560 : f32
      %slice3A_2562 = vector.extract_strided_slice %select_n3A_2550 {offsets = [4], sizes = [1], strides = [1]} : vector<16xf32> to vector<1xf32>
      %squeeze3A_2563 = vector.extract %slice3A_2562[0] : f32 from vector<1xf32>
      %add3A_2564 = arith.addf %add3A_2561, %squeeze3A_2563 : f32
      %slice3A_2565 = vector.extract_strided_slice %select_n3A_2550 {offsets = [5], sizes = [1], strides = [1]} : vector<16xf32> to vector<1xf32>
      %squeeze3A_2566 = vector.extract %slice3A_2565[0] : f32 from vector<1xf32>
      %add3A_2567 = arith.addf %add3A_2564, %squeeze3A_2566 : f32
      %slice3A_2568 = vector.extract_strided_slice %select_n3A_2550 {offsets = [6], sizes = [1], strides = [1]} : vector<16xf32> to vector<1xf32>
      %squeeze3A_2569 = vector.extract %slice3A_2568[0] : f32 from vector<1xf32>
      %add3A_2570 = arith.addf %add3A_2567, %squeeze3A_2569 : f32
      %slice3A_2571 = vector.extract_strided_slice %select_n3A_2550 {offsets = [7], sizes = [1], strides = [1]} : vector<16xf32> to vector<1xf32>
      %squeeze3A_2572 = vector.extract %slice3A_2571[0] : f32 from vector<1xf32>
      %add3A_2573 = arith.addf %add3A_2570, %squeeze3A_2572 : f32
      %slice3A_2574 = vector.extract_strided_slice %select_n3A_2550 {offsets = [8], sizes = [1], strides = [1]} : vector<16xf32> to vector<1xf32>
      %squeeze3A_2575 = vector.extract %slice3A_2574[0] : f32 from vector<1xf32>
      %add3A_2576 = arith.addf %add3A_2573, %squeeze3A_2575 : f32
      %slice3A_2577 = vector.extract_strided_slice %select_n3A_2550 {offsets = [9], sizes = [1], strides = [1]} : vector<16xf32> to vector<1xf32>
      %squeeze3A_2578 = vector.extract %slice3A_2577[0] : f32 from vector<1xf32>
      %add3A_2579 = arith.addf %add3A_2576, %squeeze3A_2578 : f32
      %slice3A_2580 = vector.extract_strided_slice %select_n3A_2550 {offsets = [10], sizes = [1], strides = [1]} : vector<16xf32> to vector<1xf32>
      %squeeze3A_2581 = vector.extract %slice3A_2580[0] : f32 from vector<1xf32>
      %add3A_2582 = arith.addf %add3A_2579, %squeeze3A_2581 : f32
      %slice3A_2583 = vector.extract_strided_slice %select_n3A_2550 {offsets = [11], sizes = [1], strides = [1]} : vector<16xf32> to vector<1xf32>
      %squeeze3A_2584 = vector.extract %slice3A_2583[0] : f32 from vector<1xf32>
      %add3A_2585 = arith.addf %add3A_2582, %squeeze3A_2584 : f32
      %slice3A_2586 = vector.extract_strided_slice %select_n3A_2550 {offsets = [12], sizes = [1], strides = [1]} : vector<16xf32> to vector<1xf32>
      %squeeze3A_2587 = vector.extract %slice3A_2586[0] : f32 from vector<1xf32>
      %add3A_2588 = arith.addf %add3A_2585, %squeeze3A_2587 : f32
      %slice3A_2589 = vector.extract_strided_slice %select_n3A_2550 {offsets = [13], sizes = [1], strides = [1]} : vector<16xf32> to vector<1xf32>
      %squeeze3A_2590 = vector.extract %slice3A_2589[0] : f32 from vector<1xf32>
      %add3A_2591 = arith.addf %add3A_2588, %squeeze3A_2590 : f32
      %slice3A_2592 = vector.extract_strided_slice %select_n3A_2550 {offsets = [14], sizes = [1], strides = [1]} : vector<16xf32> to vector<1xf32>
      %squeeze3A_2593 = vector.extract %slice3A_2592[0] : f32 from vector<1xf32>
      %add3A_2594 = arith.addf %add3A_2591, %squeeze3A_2593 : f32
      %slice3A_2595 = vector.extract_strided_slice %select_n3A_2550 {offsets = [15], sizes = [1], strides = [1]} : vector<16xf32> to vector<1xf32>
      %squeeze3A_2596 = vector.extract %slice3A_2595[0] : f32 from vector<1xf32>
      %add3A_2597 = arith.addf %add3A_2594, %squeeze3A_2596 : f32
      %broadcast_in_dim3A_2598 = vector.broadcast %add3A_2597 : f32 to vector<16xf32>
      %eq3A_2599 = arith.constant 0 : i32
      %eq3A_2600 = vector.broadcast %eq3A_2599 : i32 to vector<16xi32>
      %eq3A_2601 = arith.cmpi eq, %iota3A, %eq3A_2600 : vector<16xi32>
      %select_n3A_2602 = arith.select %eq3A_2601, %broadcast_in_dim3A_2598, %broadcast_in_dim3A_2499 : vector<16xi1>, vector<16xf32>
      %add3A_2603 = arith.addf %broadcast_in_dim3A_2499, %select_n3A_2602 : vector<16xf32>
      %get3A_2604 = arith.constant 192 : index
      %get3A_2605 = tpu.vector_load %arg9[%get3A_2604] {strides = array<i32>} : memref<768xf32, #tpu.memory_space<vmem>>, vector<16xf32>,
      %get3A_2606 = vector.shape_cast %get3A_2605 : vector<16xf32> to vector<16xf32>
      %add3A_2607 = arith.addf %broadcast_in_dim3A_2499, %get3A_2606 : vector<16xf32>
      %get3A_2608 = arith.constant 208 : index
      %get3A_2609 = tpu.vector_load %arg9[%get3A_2608] {strides = array<i32>} : memref<768xf32, #tpu.memory_space<vmem>>, vector<16xf32>,
      %get3A_2610 = vector.shape_cast %get3A_2609 : vector<16xf32> to vector<16xf32>
      %add3A_2611 = arith.addf %broadcast_in_dim3A_2499, %get3A_2610 : vector<16xf32>
      %get3A_2612 = arith.constant 224 : index
      %get3A_2613 = tpu.vector_load %arg9[%get3A_2612] {strides = array<i32>} : memref<768xf32, #tpu.memory_space<vmem>>, vector<16xf32>,
      %get3A_2614 = vector.shape_cast %get3A_2613 : vector<16xf32> to vector<16xf32>
      %add3A_2615 = arith.addf %broadcast_in_dim3A_2499, %get3A_2614 : vector<16xf32>
      %get3A_2616 = arith.constant 240 : index
      %get3A_2617 = tpu.vector_load %arg9[%get3A_2616] {strides = array<i32>} : memref<768xf32, #tpu.memory_space<vmem>>, vector<16xf32>,
      %get3A_2618 = vector.shape_cast %get3A_2617 : vector<16xf32> to vector<16xf32>
      %add3A_2619 = arith.addf %add3A_2607, %get3A_2618 : vector<16xf32>
      %get3A_2620 = arith.constant 256 : index
      %get3A_2621 = tpu.vector_load %arg9[%get3A_2620] {strides = array<i32>} : memref<768xf32, #tpu.memory_space<vmem>>, vector<16xf32>,
      %get3A_2622 = vector.shape_cast %get3A_2621 : vector<16xf32> to vector<16xf32>
      %add3A_2623 = arith.addf %add3A_2611, %get3A_2622 : vector<16xf32>
      %get3A_2624 = arith.constant 272 : index
      %get3A_2625 = tpu.vector_load %arg9[%get3A_2624] {strides = array<i32>} : memref<768xf32, #tpu.memory_space<vmem>>, vector<16xf32>,
      %get3A_2626 = vector.shape_cast %get3A_2625 : vector<16xf32> to vector<16xf32>
      %add3A_2627 = arith.addf %add3A_2615, %get3A_2626 : vector<16xf32>
      %get3A_2628 = arith.constant 288 : index
      %get3A_2629 = tpu.vector_load %arg9[%get3A_2628] {strides = array<i32>} : memref<768xf32, #tpu.memory_space<vmem>>, vector<16xf32>,
      %get3A_2630 = vector.shape_cast %get3A_2629 : vector<16xf32> to vector<16xf32>
      %add3A_2631 = arith.addf %add3A_2619, %get3A_2630 : vector<16xf32>
      %get3A_2632 = arith.constant 304 : index
      %get3A_2633 = tpu.vector_load %arg9[%get3A_2632] {strides = array<i32>} : memref<768xf32, #tpu.memory_space<vmem>>, vector<16xf32>,
      %get3A_2634 = vector.shape_cast %get3A_2633 : vector<16xf32> to vector<16xf32>
      %add3A_2635 = arith.addf %add3A_2623, %get3A_2634 : vector<16xf32>
      %get3A_2636 = arith.constant 320 : index
      %get3A_2637 = tpu.vector_load %arg9[%get3A_2636] {strides = array<i32>} : memref<768xf32, #tpu.memory_space<vmem>>, vector<16xf32>,
      %get3A_2638 = vector.shape_cast %get3A_2637 : vector<16xf32> to vector<16xf32>
      %add3A_2639 = arith.addf %add3A_2627, %get3A_2638 : vector<16xf32>
      %get3A_2640 = arith.constant 336 : index
      %get3A_2641 = tpu.vector_load %arg9[%get3A_2640] {strides = array<i32>} : memref<768xf32, #tpu.memory_space<vmem>>, vector<16xf32>,
      %get3A_2642 = vector.shape_cast %get3A_2641 : vector<16xf32> to vector<16xf32>
      %add3A_2643 = arith.addf %add3A_2631, %get3A_2642 : vector<16xf32>
      %get3A_2644 = arith.constant 352 : index
      %get3A_2645 = tpu.vector_load %arg9[%get3A_2644] {strides = array<i32>} : memref<768xf32, #tpu.memory_space<vmem>>, vector<16xf32>,
      %get3A_2646 = vector.shape_cast %get3A_2645 : vector<16xf32> to vector<16xf32>
      %add3A_2647 = arith.addf %add3A_2635, %get3A_2646 : vector<16xf32>
      %get3A_2648 = arith.constant 368 : index
      %get3A_2649 = tpu.vector_load %arg9[%get3A_2648] {strides = array<i32>} : memref<768xf32, #tpu.memory_space<vmem>>, vector<16xf32>,
      %get3A_2650 = vector.shape_cast %get3A_2649 : vector<16xf32> to vector<16xf32>
      %add3A_2651 = arith.addf %add3A_2639, %get3A_2650 : vector<16xf32>
      %gt3A_2652 = arith.cmpf ogt, %add3A_2651, %broadcast_in_dim3A_2499 : vector<16xf32>
      %sub3A_2653 = arith.subf %add3A_2643, %add3A_2647 : vector<16xf32>
      %mul3A_2654 = arith.constant 1.22070313E-4 : f32
      %mul3A_2655 = vector.broadcast %mul3A_2654 : f32 to vector<16xf32>
      %mul3A_2656 = arith.mulf %sub3A_2653, %mul3A_2655 : vector<16xf32>
      %abs3A_2657 = math.absf %mul3A_2656 : vector<16xf32>
      %select_n3A_2658 = arith.select %gt3A_2652, %abs3A_2657, %broadcast_in_dim3A_2499 : vector<16xi1>, vector<16xf32>
      %slice3A_2659 = vector.extract_strided_slice %select_n3A_2658 {offsets = [0], sizes = [1], strides = [1]} : vector<16xf32> to vector<1xf32>
      %squeeze3A_2660 = vector.extract %slice3A_2659[0] : f32 from vector<1xf32>
      %slice3A_2661 = vector.extract_strided_slice %select_n3A_2658 {offsets = [1], sizes = [1], strides = [1]} : vector<16xf32> to vector<1xf32>
      %squeeze3A_2662 = vector.extract %slice3A_2661[0] : f32 from vector<1xf32>
      %add3A_2663 = arith.addf %squeeze3A_2660, %squeeze3A_2662 : f32
      %slice3A_2664 = vector.extract_strided_slice %select_n3A_2658 {offsets = [2], sizes = [1], strides = [1]} : vector<16xf32> to vector<1xf32>
      %squeeze3A_2665 = vector.extract %slice3A_2664[0] : f32 from vector<1xf32>
      %add3A_2666 = arith.addf %add3A_2663, %squeeze3A_2665 : f32
      %slice3A_2667 = vector.extract_strided_slice %select_n3A_2658 {offsets = [3], sizes = [1], strides = [1]} : vector<16xf32> to vector<1xf32>
      %squeeze3A_2668 = vector.extract %slice3A_2667[0] : f32 from vector<1xf32>
      %add3A_2669 = arith.addf %add3A_2666, %squeeze3A_2668 : f32
      %slice3A_2670 = vector.extract_strided_slice %select_n3A_2658 {offsets = [4], sizes = [1], strides = [1]} : vector<16xf32> to vector<1xf32>
      %squeeze3A_2671 = vector.extract %slice3A_2670[0] : f32 from vector<1xf32>
      %add3A_2672 = arith.addf %add3A_2669, %squeeze3A_2671 : f32
      %slice3A_2673 = vector.extract_strided_slice %select_n3A_2658 {offsets = [5], sizes = [1], strides = [1]} : vector<16xf32> to vector<1xf32>
      %squeeze3A_2674 = vector.extract %slice3A_2673[0] : f32 from vector<1xf32>
      %add3A_2675 = arith.addf %add3A_2672, %squeeze3A_2674 : f32
      %slice3A_2676 = vector.extract_strided_slice %select_n3A_2658 {offsets = [6], sizes = [1], strides = [1]} : vector<16xf32> to vector<1xf32>
      %squeeze3A_2677 = vector.extract %slice3A_2676[0] : f32 from vector<1xf32>
      %add3A_2678 = arith.addf %add3A_2675, %squeeze3A_2677 : f32
      %slice3A_2679 = vector.extract_strided_slice %select_n3A_2658 {offsets = [7], sizes = [1], strides = [1]} : vector<16xf32> to vector<1xf32>
      %squeeze3A_2680 = vector.extract %slice3A_2679[0] : f32 from vector<1xf32>
      %add3A_2681 = arith.addf %add3A_2678, %squeeze3A_2680 : f32
      %slice3A_2682 = vector.extract_strided_slice %select_n3A_2658 {offsets = [8], sizes = [1], strides = [1]} : vector<16xf32> to vector<1xf32>
      %squeeze3A_2683 = vector.extract %slice3A_2682[0] : f32 from vector<1xf32>
      %add3A_2684 = arith.addf %add3A_2681, %squeeze3A_2683 : f32
      %slice3A_2685 = vector.extract_strided_slice %select_n3A_2658 {offsets = [9], sizes = [1], strides = [1]} : vector<16xf32> to vector<1xf32>
      %squeeze3A_2686 = vector.extract %slice3A_2685[0] : f32 from vector<1xf32>
      %add3A_2687 = arith.addf %add3A_2684, %squeeze3A_2686 : f32
      %slice3A_2688 = vector.extract_strided_slice %select_n3A_2658 {offsets = [10], sizes = [1], strides = [1]} : vector<16xf32> to vector<1xf32>
      %squeeze3A_2689 = vector.extract %slice3A_2688[0] : f32 from vector<1xf32>
      %add3A_2690 = arith.addf %add3A_2687, %squeeze3A_2689 : f32
      %slice3A_2691 = vector.extract_strided_slice %select_n3A_2658 {offsets = [11], sizes = [1], strides = [1]} : vector<16xf32> to vector<1xf32>
      %squeeze3A_2692 = vector.extract %slice3A_2691[0] : f32 from vector<1xf32>
      %add3A_2693 = arith.addf %add3A_2690, %squeeze3A_2692 : f32
      %slice3A_2694 = vector.extract_strided_slice %select_n3A_2658 {offsets = [12], sizes = [1], strides = [1]} : vector<16xf32> to vector<1xf32>
      %squeeze3A_2695 = vector.extract %slice3A_2694[0] : f32 from vector<1xf32>
      %add3A_2696 = arith.addf %add3A_2693, %squeeze3A_2695 : f32
      %slice3A_2697 = vector.extract_strided_slice %select_n3A_2658 {offsets = [13], sizes = [1], strides = [1]} : vector<16xf32> to vector<1xf32>
      %squeeze3A_2698 = vector.extract %slice3A_2697[0] : f32 from vector<1xf32>
      %add3A_2699 = arith.addf %add3A_2696, %squeeze3A_2698 : f32
      %slice3A_2700 = vector.extract_strided_slice %select_n3A_2658 {offsets = [14], sizes = [1], strides = [1]} : vector<16xf32> to vector<1xf32>
      %squeeze3A_2701 = vector.extract %slice3A_2700[0] : f32 from vector<1xf32>
      %add3A_2702 = arith.addf %add3A_2699, %squeeze3A_2701 : f32
      %slice3A_2703 = vector.extract_strided_slice %select_n3A_2658 {offsets = [15], sizes = [1], strides = [1]} : vector<16xf32> to vector<1xf32>
      %squeeze3A_2704 = vector.extract %slice3A_2703[0] : f32 from vector<1xf32>
      %add3A_2705 = arith.addf %add3A_2702, %squeeze3A_2704 : f32
      %broadcast_in_dim3A_2706 = vector.broadcast %add3A_2705 : f32 to vector<16xf32>
      %eq3A_2707 = arith.constant 1 : i32
      %eq3A_2708 = vector.broadcast %eq3A_2707 : i32 to vector<16xi32>
      %eq3A_2709 = arith.cmpi eq, %iota3A, %eq3A_2708 : vector<16xi32>
      %select_n3A_2710 = arith.select %eq3A_2709, %broadcast_in_dim3A_2706, %broadcast_in_dim3A_2499 : vector<16xi1>, vector<16xf32>
      %add3A_2711 = arith.addf %add3A_2603, %select_n3A_2710 : vector<16xf32>
      %get3A_2712 = arith.constant 384 : index
      %get3A_2713 = tpu.vector_load %arg9[%get3A_2712] {strides = array<i32>} : memref<768xf32, #tpu.memory_space<vmem>>, vector<16xf32>,
      %get3A_2714 = vector.shape_cast %get3A_2713 : vector<16xf32> to vector<16xf32>
      %add3A_2715 = arith.addf %broadcast_in_dim3A_2499, %get3A_2714 : vector<16xf32>
      %get3A_2716 = arith.constant 400 : index
      %get3A_2717 = tpu.vector_load %arg9[%get3A_2716] {strides = array<i32>} : memref<768xf32, #tpu.memory_space<vmem>>, vector<16xf32>,
      %get3A_2718 = vector.shape_cast %get3A_2717 : vector<16xf32> to vector<16xf32>
      %add3A_2719 = arith.addf %broadcast_in_dim3A_2499, %get3A_2718 : vector<16xf32>
      %get3A_2720 = arith.constant 416 : index
      %get3A_2721 = tpu.vector_load %arg9[%get3A_2720] {strides = array<i32>} : memref<768xf32, #tpu.memory_space<vmem>>, vector<16xf32>,
      %get3A_2722 = vector.shape_cast %get3A_2721 : vector<16xf32> to vector<16xf32>
      %add3A_2723 = arith.addf %broadcast_in_dim3A_2499, %get3A_2722 : vector<16xf32>
      %get3A_2724 = arith.constant 432 : index
      %get3A_2725 = tpu.vector_load %arg9[%get3A_2724] {strides = array<i32>} : memref<768xf32, #tpu.memory_space<vmem>>, vector<16xf32>,
      %get3A_2726 = vector.shape_cast %get3A_2725 : vector<16xf32> to vector<16xf32>
      %add3A_2727 = arith.addf %add3A_2715, %get3A_2726 : vector<16xf32>
      %get3A_2728 = arith.constant 448 : index
      %get3A_2729 = tpu.vector_load %arg9[%get3A_2728] {strides = array<i32>} : memref<768xf32, #tpu.memory_space<vmem>>, vector<16xf32>,
      %get3A_2730 = vector.shape_cast %get3A_2729 : vector<16xf32> to vector<16xf32>
      %add3A_2731 = arith.addf %add3A_2719, %get3A_2730 : vector<16xf32>
      %get3A_2732 = arith.constant 464 : index
      %get3A_2733 = tpu.vector_load %arg9[%get3A_2732] {strides = array<i32>} : memref<768xf32, #tpu.memory_space<vmem>>, vector<16xf32>,
      %get3A_2734 = vector.shape_cast %get3A_2733 : vector<16xf32> to vector<16xf32>
      %add3A_2735 = arith.addf %add3A_2723, %get3A_2734 : vector<16xf32>
      %get3A_2736 = arith.constant 480 : index
      %get3A_2737 = tpu.vector_load %arg9[%get3A_2736] {strides = array<i32>} : memref<768xf32, #tpu.memory_space<vmem>>, vector<16xf32>,
      %get3A_2738 = vector.shape_cast %get3A_2737 : vector<16xf32> to vector<16xf32>
      %add3A_2739 = arith.addf %add3A_2727, %get3A_2738 : vector<16xf32>
      %get3A_2740 = arith.constant 496 : index
      %get3A_2741 = tpu.vector_load %arg9[%get3A_2740] {strides = array<i32>} : memref<768xf32, #tpu.memory_space<vmem>>, vector<16xf32>,
      %get3A_2742 = vector.shape_cast %get3A_2741 : vector<16xf32> to vector<16xf32>
      %add3A_2743 = arith.addf %add3A_2731, %get3A_2742 : vector<16xf32>
      %get3A_2744 = arith.constant 512 : index
      %get3A_2745 = tpu.vector_load %arg9[%get3A_2744] {strides = array<i32>} : memref<768xf32, #tpu.memory_space<vmem>>, vector<16xf32>,
      %get3A_2746 = vector.shape_cast %get3A_2745 : vector<16xf32> to vector<16xf32>
      %add3A_2747 = arith.addf %add3A_2735, %get3A_2746 : vector<16xf32>
      %get3A_2748 = arith.constant 528 : index
      %get3A_2749 = tpu.vector_load %arg9[%get3A_2748] {strides = array<i32>} : memref<768xf32, #tpu.memory_space<vmem>>, vector<16xf32>,
      %get3A_2750 = vector.shape_cast %get3A_2749 : vector<16xf32> to vector<16xf32>
      %add3A_2751 = arith.addf %add3A_2739, %get3A_2750 : vector<16xf32>
      %get3A_2752 = arith.constant 544 : index
      %get3A_2753 = tpu.vector_load %arg9[%get3A_2752] {strides = array<i32>} : memref<768xf32, #tpu.memory_space<vmem>>, vector<16xf32>,
      %get3A_2754 = vector.shape_cast %get3A_2753 : vector<16xf32> to vector<16xf32>
      %add3A_2755 = arith.addf %add3A_2743, %get3A_2754 : vector<16xf32>
      %get3A_2756 = arith.constant 560 : index
      %get3A_2757 = tpu.vector_load %arg9[%get3A_2756] {strides = array<i32>} : memref<768xf32, #tpu.memory_space<vmem>>, vector<16xf32>,
      %get3A_2758 = vector.shape_cast %get3A_2757 : vector<16xf32> to vector<16xf32>
      %add3A_2759 = arith.addf %add3A_2747, %get3A_2758 : vector<16xf32>
      %gt3A_2760 = arith.cmpf ogt, %add3A_2759, %broadcast_in_dim3A_2499 : vector<16xf32>
      %sub3A_2761 = arith.subf %add3A_2751, %add3A_2755 : vector<16xf32>
      %mul3A_2762 = arith.constant 1.22070313E-4 : f32
      %mul3A_2763 = vector.broadcast %mul3A_2762 : f32 to vector<16xf32>
      %mul3A_2764 = arith.mulf %sub3A_2761, %mul3A_2763 : vector<16xf32>
      %abs3A_2765 = math.absf %mul3A_2764 : vector<16xf32>
      %select_n3A_2766 = arith.select %gt3A_2760, %abs3A_2765, %broadcast_in_dim3A_2499 : vector<16xi1>, vector<16xf32>
      %slice3A_2767 = vector.extract_strided_slice %select_n3A_2766 {offsets = [0], sizes = [1], strides = [1]} : vector<16xf32> to vector<1xf32>
      %squeeze3A_2768 = vector.extract %slice3A_2767[0] : f32 from vector<1xf32>
      %slice3A_2769 = vector.extract_strided_slice %select_n3A_2766 {offsets = [1], sizes = [1], strides = [1]} : vector<16xf32> to vector<1xf32>
      %squeeze3A_2770 = vector.extract %slice3A_2769[0] : f32 from vector<1xf32>
      %add3A_2771 = arith.addf %squeeze3A_2768, %squeeze3A_2770 : f32
      %slice3A_2772 = vector.extract_strided_slice %select_n3A_2766 {offsets = [2], sizes = [1], strides = [1]} : vector<16xf32> to vector<1xf32>
      %squeeze3A_2773 = vector.extract %slice3A_2772[0] : f32 from vector<1xf32>
      %add3A_2774 = arith.addf %add3A_2771, %squeeze3A_2773 : f32
      %slice3A_2775 = vector.extract_strided_slice %select_n3A_2766 {offsets = [3], sizes = [1], strides = [1]} : vector<16xf32> to vector<1xf32>
      %squeeze3A_2776 = vector.extract %slice3A_2775[0] : f32 from vector<1xf32>
      %add3A_2777 = arith.addf %add3A_2774, %squeeze3A_2776 : f32
      %slice3A_2778 = vector.extract_strided_slice %select_n3A_2766 {offsets = [4], sizes = [1], strides = [1]} : vector<16xf32> to vector<1xf32>
      %squeeze3A_2779 = vector.extract %slice3A_2778[0] : f32 from vector<1xf32>
      %add3A_2780 = arith.addf %add3A_2777, %squeeze3A_2779 : f32
      %slice3A_2781 = vector.extract_strided_slice %select_n3A_2766 {offsets = [5], sizes = [1], strides = [1]} : vector<16xf32> to vector<1xf32>
      %squeeze3A_2782 = vector.extract %slice3A_2781[0] : f32 from vector<1xf32>
      %add3A_2783 = arith.addf %add3A_2780, %squeeze3A_2782 : f32
      %slice3A_2784 = vector.extract_strided_slice %select_n3A_2766 {offsets = [6], sizes = [1], strides = [1]} : vector<16xf32> to vector<1xf32>
      %squeeze3A_2785 = vector.extract %slice3A_2784[0] : f32 from vector<1xf32>
      %add3A_2786 = arith.addf %add3A_2783, %squeeze3A_2785 : f32
      %slice3A_2787 = vector.extract_strided_slice %select_n3A_2766 {offsets = [7], sizes = [1], strides = [1]} : vector<16xf32> to vector<1xf32>
      %squeeze3A_2788 = vector.extract %slice3A_2787[0] : f32 from vector<1xf32>
      %add3A_2789 = arith.addf %add3A_2786, %squeeze3A_2788 : f32
      %slice3A_2790 = vector.extract_strided_slice %select_n3A_2766 {offsets = [8], sizes = [1], strides = [1]} : vector<16xf32> to vector<1xf32>
      %squeeze3A_2791 = vector.extract %slice3A_2790[0] : f32 from vector<1xf32>
      %add3A_2792 = arith.addf %add3A_2789, %squeeze3A_2791 : f32
      %slice3A_2793 = vector.extract_strided_slice %select_n3A_2766 {offsets = [9], sizes = [1], strides = [1]} : vector<16xf32> to vector<1xf32>
      %squeeze3A_2794 = vector.extract %slice3A_2793[0] : f32 from vector<1xf32>
      %add3A_2795 = arith.addf %add3A_2792, %squeeze3A_2794 : f32
      %slice3A_2796 = vector.extract_strided_slice %select_n3A_2766 {offsets = [10], sizes = [1], strides = [1]} : vector<16xf32> to vector<1xf32>
      %squeeze3A_2797 = vector.extract %slice3A_2796[0] : f32 from vector<1xf32>
      %add3A_2798 = arith.addf %add3A_2795, %squeeze3A_2797 : f32
      %slice3A_2799 = vector.extract_strided_slice %select_n3A_2766 {offsets = [11], sizes = [1], strides = [1]} : vector<16xf32> to vector<1xf32>
      %squeeze3A_2800 = vector.extract %slice3A_2799[0] : f32 from vector<1xf32>
      %add3A_2801 = arith.addf %add3A_2798, %squeeze3A_2800 : f32
      %slice3A_2802 = vector.extract_strided_slice %select_n3A_2766 {offsets = [12], sizes = [1], strides = [1]} : vector<16xf32> to vector<1xf32>
      %squeeze3A_2803 = vector.extract %slice3A_2802[0] : f32 from vector<1xf32>
      %add3A_2804 = arith.addf %add3A_2801, %squeeze3A_2803 : f32
      %slice3A_2805 = vector.extract_strided_slice %select_n3A_2766 {offsets = [13], sizes = [1], strides = [1]} : vector<16xf32> to vector<1xf32>
      %squeeze3A_2806 = vector.extract %slice3A_2805[0] : f32 from vector<1xf32>
      %add3A_2807 = arith.addf %add3A_2804, %squeeze3A_2806 : f32
      %slice3A_2808 = vector.extract_strided_slice %select_n3A_2766 {offsets = [14], sizes = [1], strides = [1]} : vector<16xf32> to vector<1xf32>
      %squeeze3A_2809 = vector.extract %slice3A_2808[0] : f32 from vector<1xf32>
      %add3A_2810 = arith.addf %add3A_2807, %squeeze3A_2809 : f32
      %slice3A_2811 = vector.extract_strided_slice %select_n3A_2766 {offsets = [15], sizes = [1], strides = [1]} : vector<16xf32> to vector<1xf32>
      %squeeze3A_2812 = vector.extract %slice3A_2811[0] : f32 from vector<1xf32>
      %add3A_2813 = arith.addf %add3A_2810, %squeeze3A_2812 : f32
      %broadcast_in_dim3A_2814 = vector.broadcast %add3A_2813 : f32 to vector<16xf32>
      %eq3A_2815 = arith.constant 2 : i32
      %eq3A_2816 = vector.broadcast %eq3A_2815 : i32 to vector<16xi32>
      %eq3A_2817 = arith.cmpi eq, %iota3A, %eq3A_2816 : vector<16xi32>
      %select_n3A_2818 = arith.select %eq3A_2817, %broadcast_in_dim3A_2814, %broadcast_in_dim3A_2499 : vector<16xi1>, vector<16xf32>
      %add3A_2819 = arith.addf %add3A_2711, %select_n3A_2818 : vector<16xf32>
      %get3A_2820 = arith.constant 576 : index
      %get3A_2821 = tpu.vector_load %arg9[%get3A_2820] {strides = array<i32>} : memref<768xf32, #tpu.memory_space<vmem>>, vector<16xf32>,
      %get3A_2822 = vector.shape_cast %get3A_2821 : vector<16xf32> to vector<16xf32>
      %add3A_2823 = arith.addf %broadcast_in_dim3A_2499, %get3A_2822 : vector<16xf32>
      %get3A_2824 = arith.constant 592 : index
      %get3A_2825 = tpu.vector_load %arg9[%get3A_2824] {strides = array<i32>} : memref<768xf32, #tpu.memory_space<vmem>>, vector<16xf32>,
      %get3A_2826 = vector.shape_cast %get3A_2825 : vector<16xf32> to vector<16xf32>
      %add3A_2827 = arith.addf %broadcast_in_dim3A_2499, %get3A_2826 : vector<16xf32>
      %get3A_2828 = arith.constant 608 : index
      %get3A_2829 = tpu.vector_load %arg9[%get3A_2828] {strides = array<i32>} : memref<768xf32, #tpu.memory_space<vmem>>, vector<16xf32>,
      %get3A_2830 = vector.shape_cast %get3A_2829 : vector<16xf32> to vector<16xf32>
      %add3A_2831 = arith.addf %broadcast_in_dim3A_2499, %get3A_2830 : vector<16xf32>
      %get3A_2832 = arith.constant 624 : index
      %get3A_2833 = tpu.vector_load %arg9[%get3A_2832] {strides = array<i32>} : memref<768xf32, #tpu.memory_space<vmem>>, vector<16xf32>,
      %get3A_2834 = vector.shape_cast %get3A_2833 : vector<16xf32> to vector<16xf32>
      %add3A_2835 = arith.addf %add3A_2823, %get3A_2834 : vector<16xf32>
      %get3A_2836 = arith.constant 640 : index
      %get3A_2837 = tpu.vector_load %arg9[%get3A_2836] {strides = array<i32>} : memref<768xf32, #tpu.memory_space<vmem>>, vector<16xf32>,
      %get3A_2838 = vector.shape_cast %get3A_2837 : vector<16xf32> to vector<16xf32>
      %add3A_2839 = arith.addf %add3A_2827, %get3A_2838 : vector<16xf32>
      %get3A_2840 = arith.constant 656 : index
      %get3A_2841 = tpu.vector_load %arg9[%get3A_2840] {strides = array<i32>} : memref<768xf32, #tpu.memory_space<vmem>>, vector<16xf32>,
      %get3A_2842 = vector.shape_cast %get3A_2841 : vector<16xf32> to vector<16xf32>
      %add3A_2843 = arith.addf %add3A_2831, %get3A_2842 : vector<16xf32>
      %get3A_2844 = arith.constant 672 : index
      %get3A_2845 = tpu.vector_load %arg9[%get3A_2844] {strides = array<i32>} : memref<768xf32, #tpu.memory_space<vmem>>, vector<16xf32>,
      %get3A_2846 = vector.shape_cast %get3A_2845 : vector<16xf32> to vector<16xf32>
      %add3A_2847 = arith.addf %add3A_2835, %get3A_2846 : vector<16xf32>
      %get3A_2848 = arith.constant 688 : index
      %get3A_2849 = tpu.vector_load %arg9[%get3A_2848] {strides = array<i32>} : memref<768xf32, #tpu.memory_space<vmem>>, vector<16xf32>,
      %get3A_2850 = vector.shape_cast %get3A_2849 : vector<16xf32> to vector<16xf32>
      %add3A_2851 = arith.addf %add3A_2839, %get3A_2850 : vector<16xf32>
      %get3A_2852 = arith.constant 704 : index
      %get3A_2853 = tpu.vector_load %arg9[%get3A_2852] {strides = array<i32>} : memref<768xf32, #tpu.memory_space<vmem>>, vector<16xf32>,
      %get3A_2854 = vector.shape_cast %get3A_2853 : vector<16xf32> to vector<16xf32>
      %add3A_2855 = arith.addf %add3A_2843, %get3A_2854 : vector<16xf32>
      %get3A_2856 = arith.constant 720 : index
      %get3A_2857 = tpu.vector_load %arg9[%get3A_2856] {strides = array<i32>} : memref<768xf32, #tpu.memory_space<vmem>>, vector<16xf32>,
      %get3A_2858 = vector.shape_cast %get3A_2857 : vector<16xf32> to vector<16xf32>
      %add3A_2859 = arith.addf %add3A_2847, %get3A_2858 : vector<16xf32>
      %get3A_2860 = arith.constant 736 : index
      %get3A_2861 = tpu.vector_load %arg9[%get3A_2860] {strides = array<i32>} : memref<768xf32, #tpu.memory_space<vmem>>, vector<16xf32>,
      %get3A_2862 = vector.shape_cast %get3A_2861 : vector<16xf32> to vector<16xf32>
      %add3A_2863 = arith.addf %add3A_2851, %get3A_2862 : vector<16xf32>
      %get3A_2864 = arith.constant 752 : index
      %get3A_2865 = tpu.vector_load %arg9[%get3A_2864] {strides = array<i32>} : memref<768xf32, #tpu.memory_space<vmem>>, vector<16xf32>,
      %get3A_2866 = vector.shape_cast %get3A_2865 : vector<16xf32> to vector<16xf32>
      %add3A_2867 = arith.addf %add3A_2855, %get3A_2866 : vector<16xf32>
      %gt3A_2868 = arith.cmpf ogt, %add3A_2867, %broadcast_in_dim3A_2499 : vector<16xf32>
      %sub3A_2869 = arith.subf %add3A_2859, %add3A_2863 : vector<16xf32>
      %mul3A_2870 = arith.constant 1.22070313E-4 : f32
      %mul3A_2871 = vector.broadcast %mul3A_2870 : f32 to vector<16xf32>
      %mul3A_2872 = arith.mulf %sub3A_2869, %mul3A_2871 : vector<16xf32>
      %abs3A_2873 = math.absf %mul3A_2872 : vector<16xf32>
      %select_n3A_2874 = arith.select %gt3A_2868, %abs3A_2873, %broadcast_in_dim3A_2499 : vector<16xi1>, vector<16xf32>
      %slice3A_2875 = vector.extract_strided_slice %select_n3A_2874 {offsets = [0], sizes = [1], strides = [1]} : vector<16xf32> to vector<1xf32>
      %squeeze3A_2876 = vector.extract %slice3A_2875[0] : f32 from vector<1xf32>
      %slice3A_2877 = vector.extract_strided_slice %select_n3A_2874 {offsets = [1], sizes = [1], strides = [1]} : vector<16xf32> to vector<1xf32>
      %squeeze3A_2878 = vector.extract %slice3A_2877[0] : f32 from vector<1xf32>
      %add3A_2879 = arith.addf %squeeze3A_2876, %squeeze3A_2878 : f32
      %slice3A_2880 = vector.extract_strided_slice %select_n3A_2874 {offsets = [2], sizes = [1], strides = [1]} : vector<16xf32> to vector<1xf32>
      %squeeze3A_2881 = vector.extract %slice3A_2880[0] : f32 from vector<1xf32>
      %add3A_2882 = arith.addf %add3A_2879, %squeeze3A_2881 : f32
      %slice3A_2883 = vector.extract_strided_slice %select_n3A_2874 {offsets = [3], sizes = [1], strides = [1]} : vector<16xf32> to vector<1xf32>
      %squeeze3A_2884 = vector.extract %slice3A_2883[0] : f32 from vector<1xf32>
      %add3A_2885 = arith.addf %add3A_2882, %squeeze3A_2884 : f32
      %slice3A_2886 = vector.extract_strided_slice %select_n3A_2874 {offsets = [4], sizes = [1], strides = [1]} : vector<16xf32> to vector<1xf32>
      %squeeze3A_2887 = vector.extract %slice3A_2886[0] : f32 from vector<1xf32>
      %add3A_2888 = arith.addf %add3A_2885, %squeeze3A_2887 : f32
      %slice3A_2889 = vector.extract_strided_slice %select_n3A_2874 {offsets = [5], sizes = [1], strides = [1]} : vector<16xf32> to vector<1xf32>
      %squeeze3A_2890 = vector.extract %slice3A_2889[0] : f32 from vector<1xf32>
      %add3A_2891 = arith.addf %add3A_2888, %squeeze3A_2890 : f32
      %slice3A_2892 = vector.extract_strided_slice %select_n3A_2874 {offsets = [6], sizes = [1], strides = [1]} : vector<16xf32> to vector<1xf32>
      %squeeze3A_2893 = vector.extract %slice3A_2892[0] : f32 from vector<1xf32>
      %add3A_2894 = arith.addf %add3A_2891, %squeeze3A_2893 : f32
      %slice3A_2895 = vector.extract_strided_slice %select_n3A_2874 {offsets = [7], sizes = [1], strides = [1]} : vector<16xf32> to vector<1xf32>
      %squeeze3A_2896 = vector.extract %slice3A_2895[0] : f32 from vector<1xf32>
      %add3A_2897 = arith.addf %add3A_2894, %squeeze3A_2896 : f32
      %slice3A_2898 = vector.extract_strided_slice %select_n3A_2874 {offsets = [8], sizes = [1], strides = [1]} : vector<16xf32> to vector<1xf32>
      %squeeze3A_2899 = vector.extract %slice3A_2898[0] : f32 from vector<1xf32>
      %add3A_2900 = arith.addf %add3A_2897, %squeeze3A_2899 : f32
      %slice3A_2901 = vector.extract_strided_slice %select_n3A_2874 {offsets = [9], sizes = [1], strides = [1]} : vector<16xf32> to vector<1xf32>
      %squeeze3A_2902 = vector.extract %slice3A_2901[0] : f32 from vector<1xf32>
      %add3A_2903 = arith.addf %add3A_2900, %squeeze3A_2902 : f32
      %slice3A_2904 = vector.extract_strided_slice %select_n3A_2874 {offsets = [10], sizes = [1], strides = [1]} : vector<16xf32> to vector<1xf32>
      %squeeze3A_2905 = vector.extract %slice3A_2904[0] : f32 from vector<1xf32>
      %add3A_2906 = arith.addf %add3A_2903, %squeeze3A_2905 : f32
      %slice3A_2907 = vector.extract_strided_slice %select_n3A_2874 {offsets = [11], sizes = [1], strides = [1]} : vector<16xf32> to vector<1xf32>
      %squeeze3A_2908 = vector.extract %slice3A_2907[0] : f32 from vector<1xf32>
      %add3A_2909 = arith.addf %add3A_2906, %squeeze3A_2908 : f32
      %slice3A_2910 = vector.extract_strided_slice %select_n3A_2874 {offsets = [12], sizes = [1], strides = [1]} : vector<16xf32> to vector<1xf32>
      %squeeze3A_2911 = vector.extract %slice3A_2910[0] : f32 from vector<1xf32>
      %add3A_2912 = arith.addf %add3A_2909, %squeeze3A_2911 : f32
      %slice3A_2913 = vector.extract_strided_slice %select_n3A_2874 {offsets = [13], sizes = [1], strides = [1]} : vector<16xf32> to vector<1xf32>
      %squeeze3A_2914 = vector.extract %slice3A_2913[0] : f32 from vector<1xf32>
      %add3A_2915 = arith.addf %add3A_2912, %squeeze3A_2914 : f32
      %slice3A_2916 = vector.extract_strided_slice %select_n3A_2874 {offsets = [14], sizes = [1], strides = [1]} : vector<16xf32> to vector<1xf32>
      %squeeze3A_2917 = vector.extract %slice3A_2916[0] : f32 from vector<1xf32>
      %add3A_2918 = arith.addf %add3A_2915, %squeeze3A_2917 : f32
      %slice3A_2919 = vector.extract_strided_slice %select_n3A_2874 {offsets = [15], sizes = [1], strides = [1]} : vector<16xf32> to vector<1xf32>
      %squeeze3A_2920 = vector.extract %slice3A_2919[0] : f32 from vector<1xf32>
      %add3A_2921 = arith.addf %add3A_2918, %squeeze3A_2920 : f32
      %broadcast_in_dim3A_2922 = vector.broadcast %add3A_2921 : f32 to vector<16xf32>
      %eq3A_2923 = arith.constant 3 : i32
      %eq3A_2924 = vector.broadcast %eq3A_2923 : i32 to vector<16xi32>
      %eq3A_2925 = arith.cmpi eq, %iota3A, %eq3A_2924 : vector<16xi32>
      %select_n3A_2926 = arith.select %eq3A_2925, %broadcast_in_dim3A_2922, %broadcast_in_dim3A_2499 : vector<16xi1>, vector<16xf32>
      %add3A_2927 = arith.addf %add3A_2819, %select_n3A_2926 : vector<16xf32>
      %swap3A_2928 = arith.constant 0 : index
      %swap3A_2929 = tpu.vector_load %arg7[%swap3A_2928] {strides = array<i32>} : memref<48xf32, #tpu.memory_space<vmem>>, vector<16xf32>,
      %swap3A_2930 = vector.shape_cast %swap3A_2929 : vector<16xf32> to vector<16xf32>
      %swap3A_2931 = vector.shape_cast %add3A_2927 : vector<16xf32> to vector<16xf32>
      tpu.vector_store %arg7[%swap3A_2928], %swap3A_2931 {strides = array<i32>} : memref<48xf32, #tpu.memory_space<vmem>>, vector<16xf32>,
      %mul3A_2932 = arith.constant 16 : i32
      %mul3A_2933 = arith.muli %arg0, %mul3A_2932 : i32
      "tpu.region"() ({
        %run_scoped3A = tpu.sem_alloc : memref<!tpu.dma_semaphore, #tpu.memory_space<semaphore_mem>>
        %dma_start3A = arith.constant 0 : i32
        %dma_start3A_2934 = tpu.memref_slice %arg7[%dma_start3A] : memref<48xf32, #tpu.memory_space<vmem>> -> memref<16xf32, #tpu.memory_space<vmem>>
        %dma_start3A_2935 = tpu.memref_slice %arg4[%mul3A_2933] : memref<32xf32, #tpu.memory_space<hbm>> -> memref<16xf32, #tpu.memory_space<hbm>>
        %dma_start3A_2936 = tpu.memref_slice %arg4[%mul3A_2933] : memref<32xf32, #tpu.memory_space<hbm>> -> memref<16xf32, #tpu.memory_space<hbm>>
        %dma_start3A_2937 = arith.constant 0 : i32
        %dma_start3A_2938 = tpu.memref_slice %arg7[%dma_start3A_2937] : memref<48xf32, #tpu.memory_space<vmem>> -> memref<16xf32, #tpu.memory_space<vmem>>
        tpu.enqueue_dma source(%dma_start3A_2938 : memref<16xf32, #tpu.memory_space<vmem>>) target(%dma_start3A_2936 : memref<16xf32, #tpu.memory_space<hbm>>) target_semaphore(%run_scoped3A : memref<!tpu.dma_semaphore, #tpu.memory_space<semaphore_mem>>)
        %dma_wait3A = arith.constant 0 : i32
        %dma_wait3A_2939 = tpu.memref_slice %arg7[%dma_wait3A] : memref<48xf32, #tpu.memory_space<vmem>> -> memref<16xf32, #tpu.memory_space<vmem>>
        %dma_wait3A_2940 = tpu.memref_slice %arg4[%mul3A_2933] : memref<32xf32, #tpu.memory_space<hbm>> -> memref<16xf32, #tpu.memory_space<hbm>>
        %dma_wait3A_2941 = tpu.memref_slice %arg4[%mul3A_2933] : memref<32xf32, #tpu.memory_space<hbm>> -> memref<16xf32, #tpu.memory_space<hbm>>
        %dma_wait3A_2942 = arith.constant 0 : i32
        %dma_wait3A_2943 = tpu.memref_slice %arg7[%dma_wait3A_2942] : memref<48xf32, #tpu.memory_space<vmem>> -> memref<16xf32, #tpu.memory_space<vmem>>
        tpu.wait_dma2 semaphore(%run_scoped3A : memref<!tpu.dma_semaphore, #tpu.memory_space<semaphore_mem>>) src(%dma_wait3A_2943 : memref<16xf32, #tpu.memory_space<vmem>>) dst(%dma_wait3A_2941 : memref<16xf32, #tpu.memory_space<hbm>>)
        tpu.yield
      }) : () -> ()
    } else {
    }
    return
  }
}

module attributes {stable_mosaic.version = 14 : i64} {
  func.func @_stats_tc_kernel(%arg0: i32, %arg1: i32, %arg2: memref<1x1x2048xi32, #tpu.memory_space<vmem>>, %arg3: memref<1x1000x2048xf32, #tpu.memory_space<vmem>>, %arg4: memref<2048xf32, #tpu.memory_space<vmem>>, %arg5: memref<2048xf32, #tpu.memory_space<vmem>>) attributes {dimension_semantics = [#tpu.dimension_semantics<arbitrary>, #tpu.dimension_semantics<arbitrary>], iteration_bounds = array<i64: 8, 4>, scalar_prefetch = 0 : i64, scratch_operands = 0 : i64, tpu.core_type = #tpu.core_type<tc>, window_params = [{transform_indices = @transform_0, window_bounds = array<i64: 1, 1, 2048>}, {transform_indices = @transform_1, window_bounds = array<i64: 1, 1000, 2048>}, {transform_indices = @transform_2, window_bounds = array<i64: 2048>}, {transform_indices = @transform_3, window_bounds = array<i64: 2048>}]} {
    %get3A = arith.constant 0 : index
    %get3A_0 = arith.constant 0 : index
    %get3A_1 = arith.constant 0 : index
    %get3A_2 = vector.load %arg3[%get3A, %get3A_0, %get3A_1] : memref<1x1000x2048xf32, #tpu.memory_space<vmem>>, vector<1x1000x2048xf32>
    %get3A_3 = vector.shape_cast %get3A_2 : vector<1x1000x2048xf32> to vector<1000x2048xf32>
    %reduce_max3A = arith.constant dense<0xFF800000> : vector<2048xf32>
    %reduce_max3A_4 = vector.multi_reduction <maximumf>, %get3A_3, %reduce_max3A [0] : vector<1000x2048xf32> to vector<2048xf32>
    %broadcast_in_dim3A = vector.shape_cast %reduce_max3A_4 : vector<2048xf32> to vector<1x2048xf32>
    %sub3A = vector.broadcast %broadcast_in_dim3A : vector<1x2048xf32> to vector<1000x2048xf32>
    %sub3A_5 = arith.subf %get3A_3, %sub3A : vector<1000x2048xf32>
    %exp3A = math.exp %sub3A_5 : vector<1000x2048xf32>
    %reduce_sum3A = arith.constant dense<0.000000e+00> : vector<2048xf32>
    %reduce_sum3A_6 = vector.multi_reduction <add>, %exp3A, %reduce_sum3A [0] : vector<1000x2048xf32> to vector<2048xf32>
    %broadcast_in_dim3A_7 = vector.shape_cast %reduce_sum3A_6 : vector<2048xf32> to vector<1x2048xf32>
    %div3A = arith.constant 1.000000e+00 : f32
    %div3A_8 = vector.broadcast %div3A : f32 to vector<1x2048xf32>
    %div3A_9 = arith.divf %div3A_8, %broadcast_in_dim3A_7 : vector<1x2048xf32>
    %iota3A = tpu.iota {dimensions = array<i32: 0>} : vector<1000x2048xi32>
    %eq3A = vector.broadcast %broadcast_in_dim3A : vector<1x2048xf32> to vector<1000x2048xf32>
    %eq3A_10 = arith.cmpf oeq, %get3A_3, %eq3A : vector<1000x2048xf32>
    %jit3A = arith.constant 1073741824 : i32
    %broadcast_in_dim3A_11 = vector.broadcast %jit3A : i32 to vector<1000x2048xi32>
    %select_n3A = arith.select %eq3A_10, %iota3A, %broadcast_in_dim3A_11 : vector<1000x2048xi1>, vector<1000x2048xi32>
    %reduce_min3A = arith.constant dense<2147483647> : vector<2048xi32>
    %reduce_min3A_12 = vector.multi_reduction <minsi>, %select_n3A, %reduce_min3A [0] : vector<1000x2048xi32> to vector<2048xi32>
    %broadcast_in_dim3A_13 = vector.shape_cast %reduce_min3A_12 : vector<2048xi32> to vector<1x2048xi32>
    %get3A_14 = arith.constant 0 : index
    %get3A_15 = arith.constant 0 : index
    %get3A_16 = arith.constant 0 : index
    %get3A_17 = vector.load %arg2[%get3A_14, %get3A_15, %get3A_16] : memref<1x1x2048xi32, #tpu.memory_space<vmem>>, vector<1x1x2048xi32>
    %get3A_18 = vector.shape_cast %get3A_17 : vector<1x1x2048xi32> to vector<1x2048xi32>
    %eq3A_19 = arith.cmpi eq, %broadcast_in_dim3A_13, %get3A_18 : vector<1x2048xi32>
    %convert_element_type3A = arith.extui %eq3A_19 : vector<1x2048xi1> to vector<1x2048xi32>
    %convert_element_type3A_20 = arith.sitofp %convert_element_type3A : vector<1x2048xi32> to vector<1x2048xf32>
    %reshape3A = vector.shape_cast %div3A_9 : vector<1x2048xf32> to vector<2048xf32>
    %swap3A = arith.constant 0 : index
    %swap3A_21 = vector.load %arg4[%swap3A] : memref<2048xf32, #tpu.memory_space<vmem>>, vector<2048xf32>
    tpu.vector_store %arg4[%swap3A], %reshape3A {strides = array<i32>} : memref<2048xf32, #tpu.memory_space<vmem>>, vector<2048xf32>,
    %reshape3A_22 = vector.shape_cast %convert_element_type3A_20 : vector<1x2048xf32> to vector<2048xf32>
    %swap3A_23 = arith.constant 0 : index
    %swap3A_24 = vector.load %arg5[%swap3A_23] : memref<2048xf32, #tpu.memory_space<vmem>>, vector<2048xf32>
    tpu.vector_store %arg5[%swap3A_23], %reshape3A_22 {strides = array<i32>} : memref<2048xf32, #tpu.memory_space<vmem>>, vector<2048xf32>,
    return
  }
  func.func @transform_0(%arg0: i32, %arg1: i32) -> (i32, i32, i32) {
    %c0_i32 = arith.constant 0 : i32
    %c0_i32_0 = arith.constant 0 : i32
    %c0_i32_1 = arith.constant 0 : i32
    return %arg1, %c0_i32, %c0_i32_0 : i32, i32, i32
  }
  func.func @transform_1(%arg0: i32, %arg1: i32) -> (i32, i32, i32) {
    %c0_i32 = arith.constant 0 : i32
    %c0_i32_0 = arith.constant 0 : i32
    return %arg0, %c0_i32, %arg1 : i32, i32, i32
  }
  func.func @transform_2(%arg0: i32, %arg1: i32) -> i32 {
    %mul3A = arith.constant 4 : i32
    %mul3A_0 = arith.muli %arg0, %mul3A : i32
    %add3A = arith.addi %mul3A_0, %arg1 : i32
    %c0_i32 = arith.constant 0 : i32
    return %add3A : i32
  }
  func.func @transform_3(%arg0: i32, %arg1: i32) -> i32 {
    %mul3A = arith.constant 4 : i32
    %mul3A_0 = arith.muli %arg0, %mul3A : i32
    %add3A = arith.addi %mul3A_0, %arg1 : i32
    %c0_i32 = arith.constant 0 : i32
    return %add3A : i32
  }
}

</mosaic_0001>

<sc_bundles>
// kernel: kernel.4.cloned.1.call-start
scs
__scs_entry_jumppad:
0x0: {  	(pc) =	sbr.rel $0x88, $3  }
0x1: {  	(tag) =	ssettag $0x0;
	lr =	simm.s32 $0x1  }
0x2: {  	[smem:$0x3F9F] =	sst lr;
	_ =	strace $0xD0000000  }
0x3: {  	_ = 	snop  }
0x4: {  	_ = 	snop  }
0x5: {  	_ = 	snop  }
0x6: {  	_ = 	snop  }
0x7: {  	_ = 	snop  }
__scs_overlays_trampoline_lowered:
0x8: {  	[smem:$0x3FAE] =	sst s0  }
0x9: {  	[smem:$0x3FAF] =	sst s1  }
0xa: {  	[smem:$0x3FB0] =	sst s2  }
0xb: {  	[smem:$0x3FB1] =	sst s3  }
0xc: {  	[smem:$0x3FB2] =	sst s4  }
0xd: {  	[smem:$0x3FB3] =	sst s5  }
0xe: {  	[smem:$0x3FB4] =	sst s6  }
0xf: {  	[smem:$0x3FB5] =	sst s7  }
0x10: {  	[smem:$0x3FB6] =	sst s8  }
0x11: {  	[smem:$0x3FB7] =	sst s9;
	s0 =	simm.s32 @!p0 $0x0  }
0x12: {  	s1 =	sld [smem:$0x3F9D];
	s0 =	simm.s32 @p0 $0x1  }
0x13: {  	[smem:$0x3FB8] =	sst s0;
	s0 =	simm.s32 @!p1 $0x0  }
0x14: {  	s2 =	sld [smem:$0x3F9C];
	s0 =	simm.s32 @p1 $0x1  }
0x15: {  	[smem:$0x3FB9] =	sst s0;
	s0 =	simm.s32 @!p2 $0x0  }
0x16: {  	s3 =	sld [smem:$0x3FDB];
	s0 =	simm.s32 @p2 $0x1  }
0x17: {  	s4 =	simm.s32 $0x1BF5;
	[smem:$0x3FBB] =	sst s0  }
0x18: {  	s0 =	sld [smem:$0x3F9E];
	_ =	swait.ge [sflag:s4], $0x0  }
0x19: {  	s7 =	sld [smem:$0x3F9F]  }
0x1a: {  	s8 =	sadd.s32 $0xFFFFE003, lr  }
0x1b: {  	s9 =	sadd.s32 $0xFFFFFEF7, lr;
	s5 =	simm.s32 $0xFFFFFFFF;
	p2 =	slt.u32 s8, $0xFFFFF086  }
0x1c: {  	p1 =	slt.u32 s9, $0xF7A;
	s5 =	simm.s32 @!p2 $0x0  }
0x1d: {  	s5 =	simm.s32 @p1 $0x1;
	p0 =	seq.s32 s7, s2  }
0x1e: {  	s7 =	smul.u32 @!p0 $0xF7A, s2;
	p2 =	seq.s32 @!p0 s5, $0x0  }
0x1f: {  	s9 =	smul.u32 $0xF7A, s1;
	s8 =	simm.s32 @!p0 $0x1BF5;
	p2 =	por !p2, p0  }
0x20: {  	[sflag:s8] =	ssyncset.s32 @!p0 $0xFFFFF086;
	s6 =	sadd.s32 @!p0 s3, s7;
	s7 =	simm.s32 @!p0 $0x108  }
0x21: {  	s3 =	sadd.s32 s3, s9;
	s6 =	sadd.s32 @!p0 $0x88, s6;
	s7 =	simm.s32 @p2 $0x1082  }
0x22: {  	[simem:s7], [sflag:s8] =	dma.local @!p0 [hbm:s6], $0xF7A  }
0x23: {  	s9 =	sor.u32 $0xD0000000, s2;
	s6 =	simm.s32 $0x108;
	_ =	swait.ge @!p0 [sflag:s8], $0x0  }
0x24: {  	s3 =	sadd.s32 $0x88, s3;
	s6 =	simm.s32 @!p1 $0x1082;
	[sflag:s4] =	ssyncset.s32 $0xFFFFF086  }
0x25: {  	[simem:s6], [sflag:s4] =	dma.local [hbm:s3], $0xF7A  }
0x26: {  	[smem:$0x3F9F] =	sst s1;
	(tag) =	ssettag s2;
	_ =	strace s9  }
0x27: {  	s1 =	sld [smem:$0x3FAF]  }
0x28: {  	s2 =	sld [smem:$0x3FB0]  }
0x29: {  	s4 =	sld [smem:$0x3FB2]  }
0x2a: {  	p0 =	seq.s32 s5, $0x0;
	s5 =	sld [smem:$0x3FB3]  }
0x2b: {  	s6 =	sld [smem:$0x3FB4]  }
0x2c: {  	s7 =	sld [smem:$0x3FB5]  }
0x2d: {  	s3 =	simm.s32 $0x108;
	s8 =	sld [smem:$0x3FB6]  }
0x2e: {  	s3 =	simm.s32 @!p0 $0x1082;
	s9 =	sld [smem:$0x3FB7]  }
0x2f: {  	lr =	sadd.s32 s0, s3;
	s0 =	sld [smem:$0x3FAE]  }
0x30: {  	s3 =	sld [smem:$0x3FB1]  }
0x31: {  	[smem:$0x3FBA] =	sst s10  }
0x32: {  	s10 =	sld [smem:$0x3FB8];
	_ =	sdelay $0x3  }
0x33: {  	p0 =	seq.s32 s10, $0x1;
	s10 =	sld [smem:$0x3FBA];
	_ =	sdelay $0x3  }
0x34: {  	[smem:$0x3FBA] =	sst s10  }
0x35: {  	s10 =	sld [smem:$0x3FB9];
	_ =	sdelay $0x3  }
0x36: {  	p1 =	seq.s32 s10, $0x1;
	s10 =	sld [smem:$0x3FBA];
	_ =	sdelay $0x3  }
0x37: {  	[smem:$0x3FBA] =	sst s10  }
0x38: {  	s10 =	sld [smem:$0x3FBB]  }
0x39: {  	_ = 	snop;
	(pc) =	sbr.ind lr, $3  }
0x3a: {  	_ = 	snop  }
0x3b: {  	_ = 	snop  }
0x3c: {  	p2 =	seq.s32 s10, $0x1;
	s10 =	sld [smem:$0x3FBA]  }
0x3d: {  	_ =	shalt  }
0x3e: {  	_ =	shalt  }
0x3f: {  	_ =	shalt  }
0x40: {  	_ =	shalt  }
0x41: {  	_ =	shalt  }
0x42: {  	_ =	shalt  }
0x43: {  	_ =	shalt  }
0x44: {  	_ =	shalt  }
0x45: {  	_ =	shalt  }
0x46: {  	_ =	shalt  }
0x47: {  	_ =	shalt  }
0x48: {  	_ =	shalt  }
0x49: {  	_ =	shalt  }
0x4a: {  	_ =	shalt  }
0x4b: {  	_ =	shalt  }
0x4c: {  	_ =	shalt  }
0x4d: {  	_ =	shalt  }
0x4e: {  	_ =	shalt  }
0x4f: {  	_ =	shalt  }
0x50: {  	_ =	shalt  }
0x51: {  	_ =	shalt  }
0x52: {  	_ =	shalt  }
0x53: {  	_ =	shalt  }
0x54: {  	_ =	shalt  }
0x55: {  	_ =	shalt  }
0x56: {  	_ =	shalt  }
0x57: {  	_ =	shalt  }
0x58: {  	_ =	shalt  }
0x59: {  	_ =	shalt  }
0x5a: {  	_ =	shalt  }
0x5b: {  	_ =	shalt  }
0x5c: {  	_ =	shalt  }
0x5d: {  	_ =	shalt  }
0x5e: {  	_ =	shalt  }
0x5f: {  	_ =	shalt  }
0x60: {  	_ =	shalt  }
0x61: {  	_ =	shalt  }
0x62: {  	_ =	shalt  }
0x63: {  	_ =	shalt  }
0x64: {  	_ =	shalt  }
0x65: {  	_ =	shalt  }
0x66: {  	_ =	shalt  }
0x67: {  	_ =	shalt  }
0x68: {  	_ =	shalt  }
0x69: {  	_ =	shalt  }
0x6a: {  	_ =	shalt  }
0x6b: {  	_ =	shalt  }
0x6c: {  	_ =	shalt  }
0x6d: {  	_ =	shalt  }
0x6e: {  	_ =	shalt  }
0x6f: {  	_ =	shalt  }
0x70: {  	_ =	shalt  }
0x71: {  	_ =	shalt  }
0x72: {  	_ =	shalt  }
0x73: {  	_ =	shalt  }
0x74: {  	_ =	shalt  }
0x75: {  	_ =	shalt  }
0x76: {  	_ =	shalt  }
0x77: {  	_ =	shalt  }
0x78: {  	_ =	shalt  }
0x79: {  	_ =	shalt  }
0x7a: {  	_ =	shalt  }
0x7b: {  	_ =	shalt  }
0x7c: {  	_ =	shalt  }
0x7d: {  	_ =	shalt  }
0x7e: {  	_ =	shalt  }
0x7f: {  	_ =	shalt  }
0x80: {  	_ =	shalt  }
0x81: {  	_ =	shalt  }
0x82: {  	_ =	shalt  }
0x83: {  	_ =	shalt  }
0x84: {  	_ =	shalt  }
0x85: {  	_ =	shalt  }
0x86: {  	_ =	shalt  }
0x87: {  	_ =	shalt  }
.Lfunc_end0:
.L_simem_size_0:
called_computation_lowered:
.L_overlay_start_0:
0x88: {  	s2 =	sld [smem:$0x3FD9]  }
0x89: {  	s3 =	sld [smem:$0x3FFE];
	_ =	sdelay $0x1  }
0x8a: {  	s1 =	srdreg.scid  }
0x8b: {  	s0 =	sand.u32 $0x1, s1  }
0x8c: {  	s17 =	sshll.u32 s0, $0xA;
	s2 =	sadd.s32 s3, s2  }
0x8d: {  	s2 =	sadd.s32 s2, s17  }
0x8e: {  	[smem:$0x3FC6] =	sst s2  }
0x8f: {  	_ = 	snop  }
0x90: {  	s2 =	sld [smem:$0x3FD0];
	(tm) =	ssettm $0x1  }
0x91: {  	s18 =	sld [smem:$0x3FFB];
	_ =	sdelay $0x3  }
0x92: {  	_ =	strace s18  }
0x93: {  	s3 =	sld [smem:$0x3FFC];
	_ =	sdelay $0x3  }
0x94: {  	_ =	strace s3  }
0x95: {  	s3 =	sld [smem:$0x3FFD];
	_ =	sdelay $0x3  }
0x96: {  	_ =	strace s3  }
0x97: {  	_ =	strace $0x8FFFFFFF  }
0x98: {  	s19 =	sld [smem:$0x3FDB];
	_ =	sdelay $0x1  }
0x99: {  	s4 =	simm.s32 $_scs_section_size  }
0x9a: {  	s5 =	simm.s32 $_size__tile_overlayer_lowered;
	s6 =	simm.s32 $_tile_overlayer_lowered  }
0x9b: {  	s22 =	simm.s32 $0x1BFF;
	s21 =	sshll.u32 s6, $0x1;
	s3 =	sadd.s32 s4, s19  }
0x9c: {  	s7 =	simm.s32 $0x0;
	s20 =	sshll.u32 s5, $0x1;
	s5 =	sadd.s32 s21, s3  }
0x9d: {  	[timem:s7], [sflag:s22] =	dma.local [hbm:s5], s20  }
0x9e: {  	_ =	swait.ge [sflag:s22], s20  }
0x9f: {  	s4 =	ssub.s32 $0x0, s20;
	[sflag:s22] =	ssyncset.done $0x0  }
0xa0: {  	[sflag:s22] =	ssyncadd.s32 s4;
	_ =	sdelay $0x1  }
0xa1: {  	s23 =	simm.s32 $0x1B8B  }
0xa2: {  	_ =	swait.ge [sflag:s23], $0x1  }
0xa3: {  	[sflag:s23] =	ssyncset.done $0x0  }
0xa4: {  	s25 =	simm.s32 $0x1B8E;
	s24 =	sld [smem:$0x3FFE];
	[sflag:s23] =	ssyncadd.s32 $0xFFFFFFFF  }
0xa5: {  	s26 =	simm.s32 $execute0_lowered;
	[smem:$0x3FD2] =	sst s25  }
0xa6: {  	s5 =	sshll.u32 s26, $0x1;
	_ =	strace $0x80000046;
	[dreg:$0x1] =	wrdreg $0xFFFFFFFF  }
0xa7: {  	s28 =	simm.s32 $_size_execute0_lowered;
	s3 =	sadd.s32 s3, s5;
	[dreg:$0x0] =	wrdreg $0x0  }
0xa8: {  	s5 =	sshll.u32 s28, $0x1;
	[dreg:$0x2] =	wrdreg s3  }
0xa9: {  	[dreg:$0x3] =	wrdreg s5  }
0xaa: {  	[dreg:$0x4] =	wrdreg $0xC0  }
0xab: {  	_ =	task [dreg:s7], $0x5FFFF  }
0xac: {  	[dreg:$0x1] =	wrdreg $0xFFFFFFFF  }
0xad: {  	[dreg:$0x0] =	wrdreg $0x60  }
0xae: {  	[dreg:$0x2] =	wrdreg s24  }
0xaf: {  	[dreg:$0x3] =	wrdreg s2  }
0xb0: {  	[dreg:$0x4] =	wrdreg $0x10800  }
0xb1: {  	[dreg:$0x5] =	wrdreg $0x9  }
0xb2: {  	_ =	task.clear_ibuf [dreg:s7], $0x6FFFF;
	_ =	strace $0x90000046  }
0xb3: {  	s29 =	simm.s32 $0x9;
	_ =	strace $0x80000048  }
0xb4: {  	_ =	swait.ge [sflag:s29], $0x1  }
0xb5: {  	[sflag:s29] =	ssyncadd.s32 $0xFFFFFFFF  }
0xb6: {  	_ =	strace $0x90000048  }
0xb7: {  	_ =	sfence  }
0xb8: {  	s30 =	sld [smem:$0x0];
	_ =	sdelay $0x2  }
0xb9: {  	s31 =	sshll.u32 s1, $0xD;
	s1 =	sshrl.u32 s1, $0x2  }
0xba: {  	s3 =	sand.u32 $0x4000, s31;
	s1 =	sadd.s32 s1, s30  }
0xbb: {  	s0 =	sor.u32 s3, s0;
	s1 =	sshll.u32 s1, $0x11  }
0xbc: {  	s0 =	sor.u32 s1, s0  }
0xbd: {  	s0 =	sadd.s32 $0x8F2B, s0  }
0xbe: {  	[sflag:s0] =	ssyncadd.remote.s32 $0x1  }
0xbf: {  	_ =	sfence.sel $0xFFFF  }
0xc0: {  	[dreg:$0x0] =	wrdreg $0xFFFFFFFF;
	(pc) =	sbr.abs _section_cstart, $3  }
0xc1: {  	[dreg:$0x1] =	wrdreg $0xFFFFFFFF  }
0xc2: {  	_ =	task.clear_ibuf [dreg:s7], $0x2FFFF;
	_ =	strace $0x9FFFFFFF  }
0xc3: {  	(tm) =	ssettm $0x7FFFFFFF  }
tec
execute0_lowered:
.L_overlay_start_1:
0x0: {  	(tag) =	ssettag $0x1  }
0x1: {  	s0 =	rddreg [dreg:$0x0]  }
0x2: {  	s1 =	rddreg [dreg:$0x1]  }
0x3: {  	s7 =	rddreg [dreg:$0x2]  }
0x4: {  	s2 =	srdreg.scid;
	s3 =	stileid.u32;
	s6 =	simm.s32 $0x0  }
0x5: {  	s2 =	sand.u32 $0x1, s2;
	s5 =	sshll.u32 s3, $0x8;
	[smem:$0x7FF] =	sst s6  }
0x6: {  	s26 =	smul.u32 $0xC0, s3;
	s4 =	sshll.u32 s2, $0xC;
	s24 =	ssub.s32 $0x2, s2  }
0x7: {  	_ =	strace $0x80000047;
	s2 =	sshll.u32 s2, $0x1;
	s4 =	sor.u32 s5, s4  }
0x8: {  	s25 =	sshrl.u32 s24, $0x1;
	s30 =	sadd.s32 s1, s2;
	s0 =	sadd.s32 s4, s0  }
.Ltmp0:
0x9: {  	[dreg:$0x7] =	wrdreg s30;
	s28 =	sadd.s32 $0xE00, s0;
	(pc) =	sbr.rel .LBB2_1-.Ltmp0, $4  }
0xa: {  	s4 =	ssub.s32 s24, s25;
	s0 =	sadd.s32 $0x2E00, s0;
	[dreg:$0x4] =	wrdreg s28  }
0xb: {  	s29 =	sshrl.u32 s26, $0x2;
	s31 =	smax.u32 s4, $0x1;
	[dreg:$0x5] =	wrdreg s0  }
0xc: {  	s18 =	simm.s32 $0x1;
	s0 =	sadd.s32 s29, s7;
	[dreg:$0x8] =	wrdreg s31  }
0xd: {  	v0 =	vimm.f32 $0.0e+00;
	s19 =	simm.s32 $0x0;
	p0 =	sne.s32 s3, $0x0;
	[dreg:$0x6] =	wrdreg s0  }
.LBB2_5:
0xe: {  	s19 =	sadd.s32 $0x1, s19;
	s0 =	rddreg [dreg:$0x8]  }
0xf: {  	p1 =	sne.s32 s19, s0  }
.Ltmp1:
0x10: {  	_ = 	snop;
	(pc) =	sbr.rel @!p1 .LBB2_6-.Ltmp1, $1  }
0x11: {  	_ =	sdelay $0x3  }
.LBB2_1:
0x12: {  	[dreg:$0x9] =	wrdreg s19  }
0x13: {  	s0 =	simm.s32 $0x0;
	s1 =	rddreg [dreg:$0x4]  }
0x14: {  	[tilespmem:s0], [sflag:$0x1] =	stream.linear.gather [hbm4b:s1+s0], $0x800, $0x38;
	[tilespmem:$0x13B0] =	vst v63  }
0x15: {  	_ =	swait.ge [sflag:s18], $0x800  }
0x16: {  	[sflag:s18] =	ssyncset.done $0x0  }
0x17: {  	s2 =	simm.s32 $0x800;
	s30 =	rddreg [dreg:$0x5];
	[sflag:s18] =	ssyncadd.s32 $0xFFFFF800  }
0x18: {  	[tilespmem:s2], [sflag:$0x1] =	stream.linear.gather [hbm4b:s30+s0], $0x800, $0x38;
	[tilespmem:$0x13B0] =	vst v63  }
0x19: {  	_ =	swait.ge [sflag:s18], $0x800  }
0x1a: {  	[sflag:s18] =	ssyncset.done $0x0  }
0x1b: {  	s31 =	simm.s32 $0x0;
	[sflag:s18] =	ssyncadd.s32 $0xFFFFF800  }
0x1c: {  	v39 =	vld [tilespmem:s31+$0x0];
	_ =	sdelay $0x2  }
0x1d: {  	v26 =	vimm.f32 $0.0e+00;
	v43 =	vimm.f32 $0.0e+00  }
0x1e: {  	v53 =	vimm.f32 $0.0e+00;
	v34 =	vimm.f32 $0.0e+00;
	v41 =	vimm.f32 $0.0e+00  }
0x1f: {  	vm0 =	vgt.f32 v39, $-1.000000000e+00;
	vm3 =	vle.f32 v39, $6.666667010e-02;
	vm4 =	vle.f32 v39, $1.333333400e-01  }
0x20: {  	vm1 =	vgt.f32 v39, $2.000000180e-01;
	vm2 =	vle.f32 v39, $2.666666810e-01;
	vm5 =	vgt.f32 v39, $6.666667010e-02  }
0x21: {  	vm6 =	vgt.f32 v39, $4.000000360e-01;
	vm7 =	vle.f32 v39, $4.666666980e-01;
	vm8 =	vle.f32 v39, $8.666667340e-01  }
0x22: {  	vm9 =	vle.f32 v39, $5.333333610e-01;
	vm10 =	vgt.f32 v39, $8.000000710e-01;
	vm11 =	vle.f32 v39, $3.333333430e-01  }
0x23: {  	v18 =	vld [tilespmem:s31+$0x800];
	vm6 =	vmand vm6, vm7;
	vm7 =	vmand vm1, vm2;
	vm2 =	vgt.f32 v39, $4.666666980e-01  }
0x24: {  	vm1 =	vmand vm10, vm8;
	vm8 =	vmand vm0, vm3;
	vm0 =	vgt.f32 v39, $6.666666860e-01  }
0x25: {  	vm3 =	vle.f32 v39, $7.333333490e-01;
	vm4 =	vmand vm5, vm4;
	vm5 =	vgt.f32 v39, $8.666667340e-01  }
0x26: {  	vm10 =	vgt.f32 v39, $1.333333400e-01;
	vm2 =	vmand vm2, vm9;
	vm9 =	vle.f32 v39, $1.000000000e+00  }
0x27: {  	vm0 =	vmand vm0, vm3;
	vm3 =	vgt.f32 v39, $9.333333960e-01;
	v1 =	vnsel vm6, $0x0, v39  }
0x28: {  	v2 =	vnsel vm6, $0x0, v18;
	v3 =	vsel vm6, $0x3F800000, v0;
	vm6 =	vgt.f32 v39, $2.666666810e-01  }
0x29: {  	v7 =	vnsel vm4, $0x0, v39;
	v8 =	vnsel vm4, $0x0, v18;
	v12 =	vsel vm4, $0x3F800000, v0  }
0x2a: {  	v23 =	vnsel vm1, $0x0, v39;
	v21 =	vnsel vm1, $0x0, v18;
	v24 =	vsel vm1, $0x3F800000, v0  }
0x2b: {  	v9 =	vnsel vm7, $0x0, v39;
	v36 =	vnsel vm7, $0x0, v18;
	vm14 =	vmand vm3, vm9  }
0x2c: {  	vm3 =	vle.f32 v39, $9.333333960e-01;
	vm6 =	vmand vm6, vm11;
	vm9 =	vgt.f32 v39, $5.333333610e-01  }
0x2d: {  	v11 =	vnsel vm2, $0x0, v39;
	v13 =	vnsel vm2, $0x0, v18;
	v16 =	vsel vm2, $0x3F800000, v0  }
0x2e: {  	vm11 =	vle.f32 v39, $4.000000360e-01;
	v47 =	vadd.f32 v1, v0;
	v51 =	vadd.f32 v9, v0  }
0x2f: {  	v1 =	vsel vm8, $0x3F800000, v0;
	v9 =	vadd.f32 v3, v0;
	v28 =	vadd.f32 v2, v0  }
0x30: {  	v52 =	vadd.f32 v7, v0;
	v29 =	vnsel vm0, $0x0, v18;
	v35 =	vadd.f32 v8, v0  }
0x31: {  	v21 =	vadd.f32 v21, v0;
	v40 =	vadd.f32 v23, v0;
	v7 =	vnsel vm8, $0x0, v39  }
0x32: {  	v23 =	vimm.f32 $0.0e+00;
	vm15 =	vmand vm5, vm3;
	vm3 =	vle.f32 v39, $6.000000240e-01  }
0x33: {  	v4 =	vnsel vm6, $0x0, v39;
	v5 =	vnsel vm6, $0x0, v18;
	v6 =	vsel vm6, $0x3F800000, v0  }
0x34: {  	vm5 =	vle.f32 v39, $6.666666860e-01;
	v17 =	vadd.f32 v1, v0;
	v46 =	vadd.f32 v11, v0  }
0x35: {  	vm6 =	vgt.f32 v39, $6.000000240e-01;
	v27 =	vadd.f32 v13, v0;
	v8 =	vadd.f32 v16, v0  }
0x36: {  	v1 =	vnsel vm0, $0x0, v39;
	v54 =	vadd.f32 v7, v0;
	v16 =	vadd.f32 v12, v0  }
0x37: {  	v7 =	vimm.f32 $0.0e+00;
	v12 =	vimm.f32 $0.0e+00;
	vm3 =	vmand vm9, vm3  }
0x38: {  	vm5 =	vmand vm6, vm5;
	vm9 =	vgt.f32 v39, $3.333333430e-01;
	v50 =	vadd.f32 v4, v0  }
0x39: {  	v32 =	vadd.f32 v5, v0;
	v4 =	vsel vm0, $0x3F800000, v0;
	v11 =	vadd.f32 v6, v0  }
0x3a: {  	v6 =	vnsel vm8, $0x0, v18;
	v42 =	vadd.f32 v1, v0;
	v1 =	vsel vm14, $0x3F800000, v0  }
0x3b: {  	v14 =	vnsel vm5, $0x0, v39;
	v30 =	vnsel vm5, $0x0, v18;
	v10 =	vsel vm5, $0x3F800000, v0  }
0x3c: {  	v19 =	vnsel vm3, $0x0, v39;
	v20 =	vnsel vm3, $0x0, v18;
	v22 =	vsel vm3, $0x3F800000, v0  }
0x3d: {  	vm3 =	vle.f32 v39, $2.000000180e-01;
	vm1 =	vmand vm9, vm11;
	v37 =	vadd.f32 v6, v0  }
0x3e: {  	vm11 =	vgt.f32 v39, $7.333333490e-01;
	v1 =	vadd.f32 v1, v0;
	v4 =	vadd.f32 v4, v0  }
0x3f: {  	vm6 =	vmand vm10, vm3;
	vm10 =	vle.f32 v39, $8.000000710e-01;
	v2 =	vnsel vm1, $0x0, v39  }
0x40: {  	v3 =	vnsel vm1, $0x0, v18;
	v25 =	vadd.f32 v20, v0;
	v45 =	vadd.f32 v19, v0  }
0x41: {  	v15 =	vsel vm1, $0x3F800000, v0;
	v44 =	vadd.f32 v14, v0;
	v6 =	vadd.f32 v22, v0  }
0x42: {  	v19 =	vsel vm7, $0x3F800000, v0;
	v14 =	vimm.f32 $0.0e+00;
	v20 =	vimm.f32 $0.0e+00  }
0x43: {  	v22 =	vimm.f32 $0.0e+00;
	vm4 =	vmand vm11, vm10;
	v31 =	vadd.f32 v3, v0  }
0x44: {  	v5 =	vnsel vm6, $0x0, v18;
	v49 =	vadd.f32 v2, v0;
	v2 =	vadd.f32 v24, v0  }
0x45: {  	v3 =	vnsel vm14, $0x0, v39;
	v24 =	vimm.f32 $0.0e+00;
	v33 =	vadd.f32 v5, v0  }
0x46: {  	v5 =	vsel vm6, $0x3F800000, v0;
	v48 =	vnsel vm4, $0x0, v39;
	v38 =	vadd.f32 v3, v0  }
0x47: {  	s0 =	simm.s32 $0x40;
	v3 =	vimm.f32 $0.0e+00;
	v13 =	vadd.f32 v5, v0;
	v5 =	vimm.f32 $0.0e+00  }
.LBB2_2:
0x48: {  	v14 =	vadd.f32 v19, v14  }
0x49: {  	s1 =	sshra.s32 s0, $0x2;
	v26 =	vadd.f32 v30, v26;
	v19 =	vnsel vm4, $0x0, v18;
	v55 =	vnsel vm6, $0x0, v39  }
0x4a: {  	v43 =	vadd.f32 v48, v43;
	v61 =	vsel vm4, $0x3F800000, v0;
	v7 =	vadd.f32 v10, v7;
	v30 =	vld [tilespmem:s1+$0x0]  }
0x4b: {  	v10 =	vnsel vm14, $0x0, v18;
	v24 =	vadd.f32 v29, v24;
	v12 =	vadd.f32 v15, v12  }
0x4c: {  	v29 =	vnsel vm15, $0x0, v39;
	v53 =	vadd.f32 v55, v53;
	v5 =	vadd.f32 v61, v5  }
0x4d: {  	v15 =	vnsel vm15, $0x0, v18;
	v34 =	vadd.f32 v36, v34;
	v23 =	vadd.f32 v19, v23  }
0x4e: {  	v19 =	vsel vm15, $0x3F800000, v0;
	v20 =	vadd.f32 v10, v20;
	v22 =	vadd.f32 v15, v22  }
0x4f: {  	v10 =	vimm.s32 $0x0;
	v41 =	vadd.f32 v29, v41;
	v3 =	vadd.f32 v19, v3;
	v39 =	vmovc v30  }
0x50: {  	vm12 =	vgt.f32 v30, $-1.000000000e+00;
	vm9 =	vle.f32 v30, $6.666667010e-02;
	vm15 =	vle.f32 v39, $1.333333400e-01  }
0x51: {  	vm0 =	vgt.f32 v39, $1.333333400e-01;
	vm10 =	vgt.f32 v39, $2.000000180e-01;
	vm1 =	vle.f32 v39, $2.666666810e-01  }
0x52: {  	vm14 =	vgt.f32 v39, $6.666667010e-02;
	vm2 =	vle.f32 v39, $3.333333430e-01;
	vm3 =	vle.f32 v39, $2.000000180e-01  }
0x53: {  	vm5 =	vle.f32 v39, $4.666666980e-01;
	vm4 =	vle.f32 v39, $8.000000710e-01;
	v10 =	vsel vm0, $0xFFFFFFFF, v10  }
0x54: {  	v18 =	vld [tilespmem:s1+$0x800];
	vm13 =	vle.f32 v39, $5.333333610e-01;
	vm8 =	vgt.f32 v39, $5.333333610e-01;
	[tilespmem:$0x1FFC0] =	vst v10;
	v10 =	vimm.s32 $0x0  }
0x55: {  	vm7 =	vle.f32 v39, $6.000000240e-01;
	vm9 =	vmand vm12, vm9;
	v10 =	vsel vm2, $0xFFFFFFFF, v10  }
0x56: {  	vm6 =	vgt.f32 v39, $6.000000240e-01;
	vm12 =	vgt.f32 v39, $6.666666860e-01;
	[tilespmem:$0x1FFA0] =	vst v10;
	v10 =	vimm.s32 $0x0  }
0x57: {  	vm10 =	vmand vm10, vm1;
	vm0 =	vgt.f32 v39, $4.666666980e-01;
	v10 =	vsel vm3, $0xFFFFFFFF, v10  }
0x58: {  	vm1 =	vgt.f32 v39, $9.333333960e-01;
	vm3 =	vle.f32 v39, $4.000000360e-01;
	[tilespmem:$0x1FFD0] =	vst v10;
	v10 =	vimm.s32 $0x0  }
0x59: {  	v29 =	vsel vm9, $0x3F800000, v0;
	v36 =	vnsel vm10, $0x0, v18;
	v10 =	vsel vm3, $0xFFFFFFFF, v10  }
0x5a: {  	v17 =	vadd.f32 v29, v17;
	vm3 =	vle.f32 v39, $6.666666860e-01;
	[tilespmem:$0x1FFE0] =	vst v10;
	v10 =	vimm.s32 $0x0  }
0x5b: {  	vm2 =	vle.f32 v39, $8.666667340e-01;
	v10 =	vsel vm3, $0xFFFFFFFF, v10;
	vm3 =	vgt.f32 v39, $4.000000360e-01  }
0x5c: {  	[tilespmem:$0x1FFB0] =	vst v10;
	v10 =	vimm.s32 $0x0;
	vm5 =	vmand vm3, vm5;
	vm3 =	vgt.f32 v39, $8.000000710e-01  }
0x5d: {  	v10 =	vsel vm4, $0xFFFFFFFF, v10;
	vm11 =	vmand vm3, vm2;
	vm3 =	vle.f32 v39, $1.000000000e+00  }
0x5e: {  	vm2 =	vmand vm0, vm13;
	vm4 =	vle.f32 v39, $9.333333960e-01;
	vm13 =	vgt.f32 v39, $3.333333430e-01  }
0x5f: {  	vm0 =	vle.f32 v39, $7.333333490e-01;
	v30 =	vsel vm5, $0x3F800000, v0;
	[tilespmem:$0x1FFF0] =	vst v10;
	v10 =	vnsel vm5, $0x0, v39  }
0x60: {  	v15 =	vnsel vm11, $0x0, v39;
	v19 =	vnsel vm11, $0x0, v18;
	vm12 =	vmand vm12, vm0  }
0x61: {  	vm3 =	vmand vm1, vm3;
	vm0 =	vgt.f32 v39, $2.666666810e-01;
	vm1 =	vmand vm14, vm15  }
0x62: {  	v9 =	vadd.f32 v30, v9;
	v47 =	vadd.f32 v10, v47;
	v10 =	vnsel vm10, $0x0, v39  }
0x63: {  	v63 =	vld [tilespmem:$0x1FFB0];
	v62 =	vnsel vm2, $0x0, v18;
	v51 =	vadd.f32 v10, v51;
	v10 =	vnsel vm5, $0x0, v18  }
0x64: {  	vm14 =	vmmov vm3;
	vm3 =	vgt.f32 v39, $8.666667340e-01;
	v28 =	vadd.f32 v10, v28;
	v10 =	vld [tilespmem:$0x1FFA0]  }
0x65: {  	v30 =	vnsel vm1, $0x0, v39;
	v48 =	vnsel vm1, $0x0, v18;
	v59 =	vsel vm1, $0x3F800000, v0  }
0x66: {  	v61 =	vnsel vm12, $0x0, v39;
	v27 =	vadd.f32 v62, v27;
	v21 =	vadd.f32 v19, v21  }
0x67: {  	v40 =	vadd.f32 v15, v40;
	v55 =	vsel vm14, $0x3F800000, v0;
	v57 =	vnsel vm14, $0x0, v39  }
0x68: {  	v62 =	vld [tilespmem:$0x1FFC0];
	v52 =	vadd.f32 v30, v52;
	v35 =	vadd.f32 v48, v35;
	v48 =	vnsel vm9, $0x0, v18  }
0x69: {  	v42 =	vadd.f32 v61, v42;
	vm1 =	vnez.u8 v63;
	vm5 =	vnez.u8 v10  }
0x6a: {  	v16 =	vadd.f32 v59, v16;
	vm1 =	vmand vm6, vm1;
	vm0 =	vmand vm0, vm5  }
0x6b: {  	v37 =	vadd.f32 v48, v37;
	v63 =	vnsel vm1, $0x0, v39;
	v10 =	vnsel vm0, $0x0, v39  }
0x6c: {  	v30 =	vnsel vm1, $0x0, v18;
	v50 =	vadd.f32 v10, v50;
	v10 =	vnsel vm2, $0x0, v39  }
0x6d: {  	v46 =	vadd.f32 v10, v46;
	v10 =	vsel vm1, $0x3F800000, v0;
	vm1 =	vnez.u8 v62;
	v62 =	vld [tilespmem:$0x1FFD0]  }
0x6e: {  	v1 =	vadd.f32 v55, v1;
	v44 =	vadd.f32 v63, v44;
	v63 =	vnsel vm9, $0x0, v39  }
0x6f: {  	vm15 =	vmand vm3, vm4;
	v38 =	vadd.f32 v57, v38;
	v54 =	vadd.f32 v63, v54  }
0x70: {  	v56 =	vnsel vm0, $0x0, v18;
	v58 =	vsel vm0, $0x3F800000, v0;
	vm0 =	vmand vm8, vm7  }
0x71: {  	v60 =	vnsel vm0, $0x0, v39;
	v32 =	vadd.f32 v56, v32;
	v29 =	vnsel vm0, $0x0, v18  }
0x72: {  	v56 =	vsel vm2, $0x3F800000, v0;
	v19 =	vsel vm0, $0x3F800000, v0;
	vm2 =	vnez.u8 v62;
	v62 =	vld [tilespmem:$0x1FFE0]  }
0x73: {  	v11 =	vadd.f32 v58, v11;
	vm0 =	vgt.f32 v39, $7.333333490e-01;
	v6 =	vadd.f32 v19, v6;
	v19 =	vld [tilespmem:$0x1FFF0]  }
0x74: {  	v25 =	vadd.f32 v29, v25;
	v45 =	vadd.f32 v60, v45;
	vm6 =	vmand vm1, vm2  }
0x75: {  	v60 =	vsel vm11, $0x3F800000, v0;
	v8 =	vadd.f32 v56, v8;
	v29 =	vnsel vm6, $0x0, v18  }
0x76: {  	p1 =	sne.s32 s0, $0x1FC0;
	v2 =	vadd.f32 v60, v2;
	v58 =	vsel vm6, $0x3F800000, v0;
	v33 =	vadd.f32 v29, v33  }
.Ltmp2:
0x77: {  	v29 =	vnsel vm12, $0x0, v18;
	v13 =	vadd.f32 v58, v13;
	vm11 =	vnez.u8 v62;
	(pc) =	sbr.rel @p1 .LBB2_2-.Ltmp2, $4  }
0x78: {  	vm1 =	vmand vm13, vm11;
	vm11 =	vnez.u8 v19;
	v19 =	vsel vm12, $0x3F800000, v0  }
0x79: {  	v48 =	vnsel vm1, $0x0, v39;
	v62 =	vnsel vm1, $0x0, v18;
	v15 =	vsel vm1, $0x3F800000, v0  }
0x7a: {  	vm4 =	vmand vm0, vm11;
	v4 =	vadd.f32 v19, v4;
	v19 =	vsel vm10, $0x3F800000, v0  }
0x7b: {  	s0 =	sadd.s32 $0x40, s0;
	v31 =	vadd.f32 v62, v31;
	v49 =	vadd.f32 v48, v49;
	v48 =	vnsel vm4, $0x0, v39  }
0x7c: {  	(v2sf) =	vpush v54, $0x0  }
0x7d: {  	(v2sf) =	vpush v54, $0x1  }
0x7e: {  	(v2sf) =	vpush v54, $0x2  }
0x7f: {  	(v2sf) =	vpush v54, $0x3  }
0x80: {  	(v2sf) =	vpush v54, $0x4  }
0x81: {  	(v2sf) =	vpush v54, $0x5  }
0x82: {  	(v2sf) =	vpush v54, $0x6  }
0x83: {  	(v2sf) =	vpush v54, $0x7  }
0x84: {  	(v2sf) =	vpush v54, $0x8  }
0x85: {  	(v2sf) =	vpush v54, $0x9  }
0x86: {  	(v2sf) =	vpush v54, $0xA  }
0x87: {  	(v2sf) =	vpush v54, $0xB  }
0x88: {  	(v2sf) =	vpush v54, $0xC  }
0x89: {  	(v2sf) =	vpush v54, $0xD  }
0x8a: {  	(v2sf) =	vpush v54, $0xE  }
0x8b: {  	s1 =	spop (v2sf);
	(v2sf) =	vpush v54, $0xF  }
0x8c: {  	s0 =	spop (v2sf);
	(v2sf) =	vpush v52, $0x0  }
0x8d: {  	s2 =	spop (v2sf);
	(v2sf) =	vpush v52, $0x1  }
0x8e: {  	s3 =	spop (v2sf);
	(v2sf) =	vpush v52, $0x2  }
0x8f: {  	s4 =	spop (v2sf);
	(v2sf) =	vpush v52, $0x3  }
0x90: {  	s7 =	spop (v2sf);
	(v2sf) =	vpush v52, $0x4  }
0x91: {  	s9 =	spop (v2sf);
	(v2sf) =	vpush v52, $0x5  }
0x92: {  	s11 =	spop (v2sf);
	(v2sf) =	vpush v52, $0x6  }
0x93: {  	s12 =	spop (v2sf);
	(v2sf) =	vpush v52, $0x7  }
0x94: {  	s26 =	spop (v2sf);
	(v2sf) =	vpush v52, $0x8  }
0x95: {  	s21 =	spop (v2sf);
	(v2sf) =	vpush v52, $0x9  }
0x96: {  	s16 =	spop (v2sf)  }
0x97: {  	s19 =	spop (v2sf)  }
0x98: {  	(v2sf) =	vpush v52, $0xA;
	s28 =	spop (v2sf)  }
0x99: {  	(v2sf) =	vpush v52, $0xB;
	s23 =	spop (v2sf)  }
0x9a: {  	(v2sf) =	vpush v52, $0xC;
	s29 =	spop (v2sf)  }
0x9b: {  	v62 =	vnsel vm6, $0x0, v39;
	(v2sf) =	vpush v52, $0xD;
	s5 =	spop (v2sf)  }
0x9c: {  	v53 =	vadd.f32 v62, v53;
	s0 =	sadd.f32 s0, s1;
	(v2sf) =	vpush v52, $0xE;
	s25 =	spop (v2sf)  }
0x9d: {  	(v2sf) =	vpush v52, $0xF;
	[smem:$0x6DB] =	sst s5;
	s30 =	spop (v2sf)  }
0x9e: {  	(v2sf) =	vpush v53, $0x0;
	[smem:$0x6DC] =	sst s30;
	s31 =	spop (v2sf)  }
0x9f: {  	(v2sf) =	vpush v53, $0x1;
	[smem:$0x6DD] =	sst s31;
	s6 =	spop (v2sf)  }
0xa0: {  	(v2sf) =	vpush v53, $0x2;
	[smem:$0x6DE] =	sst s6;
	s8 =	spop (v2sf)  }
0xa1: {  	(v2sf) =	vpush v53, $0x3;
	[smem:$0x6DF] =	sst s8;
	s10 =	spop (v2sf)  }
0xa2: {  	(v2sf) =	vpush v53, $0x4;
	[smem:$0x6E0] =	sst s10;
	s13 =	spop (v2sf)  }
0xa3: {  	(v2sf) =	vpush v53, $0x5;
	[smem:$0x6E1] =	sst s13;
	s14 =	spop (v2sf)  }
0xa4: {  	(v2sf) =	vpush v53, $0x6;
	[smem:$0x6E2] =	sst s14;
	s15 =	spop (v2sf)  }
0xa5: {  	(v2sf) =	vpush v53, $0x7;
	[smem:$0x6E3] =	sst s15  }
0xa6: {  	(v2sf) =	vpush v53, $0x8  }
0xa7: {  	s0 =	sadd.f32 s0, s2;
	s5 =	spop (v2sf);
	(v2sf) =	vpush v53, $0x9  }
0xa8: {  	s17 =	spop (v2sf);
	(v2sf) =	vpush v53, $0xA  }
0xa9: {  	s0 =	sadd.f32 s0, s3;
	s18 =	spop (v2sf);
	(v2sf) =	vpush v53, $0xB  }
0xaa: {  	s20 =	spop (v2sf);
	(v2sf) =	vpush v53, $0xC  }
0xab: {  	s0 =	sadd.f32 s0, s4;
	s22 =	spop (v2sf);
	(v2sf) =	vpush v53, $0xD  }
0xac: {  	s24 =	spop (v2sf);
	(v2sf) =	vpush v53, $0xE  }
0xad: {  	s0 =	sadd.f32 s0, s7;
	s6 =	spop (v2sf);
	(v2sf) =	vpush v53, $0xF  }
0xae: {  	[smem:$0x6E4] =	sst s5;
	s5 =	spop (v2sf);
	(v2sf) =	vpush v51, $0x0  }
0xaf: {  	s0 =	sadd.f32 s0, s9;
	s8 =	spop (v2sf);
	(v2sf) =	vpush v51, $0x1  }
0xb0: {  	s10 =	spop (v2sf);
	(v2sf) =	vpush v51, $0x2  }
0xb1: {  	s0 =	sadd.f32 s0, s11;
	s13 =	spop (v2sf);
	(v2sf) =	vpush v51, $0x3  }
0xb2: {  	s14 =	spop (v2sf);
	(v2sf) =	vpush v51, $0x4  }
0xb3: {  	s0 =	sadd.f32 s0, s12;
	s15 =	spop (v2sf);
	(v2sf) =	vpush v51, $0x5  }
0xb4: {  	[smem:$0x6E6] =	sst s17;
	s17 =	spop (v2sf);
	(v2sf) =	vpush v51, $0x6  }
0xb5: {  	[smem:$0x6EA] =	sst s20;
	(v2sf) =	vpush v51, $0x7;
	s20 =	spop (v2sf)  }
0xb6: {  	s0 =	sadd.f32 s0, s26;
	(v2sf) =	vpush v51, $0x8;
	s31 =	spop (v2sf)  }
0xb7: {  	[smem:$0x6E8] =	sst s18;
	(v2sf) =	vpush v51, $0x9;
	s18 =	spop (v2sf)  }
0xb8: {  	s0 =	sadd.f32 s0, s21;
	(v2sf) =	vpush v51, $0xA;
	s30 =	spop (v2sf)  }
0xb9: {  	[smem:$0x6EC] =	sst s22;
	(v2sf) =	vpush v51, $0xB;
	s22 =	spop (v2sf)  }
0xba: {  	[smem:$0x6EE] =	sst s24;
	(v2sf) =	vpush v51, $0xC;
	s24 =	spop (v2sf)  }
0xbb: {  	[smem:$0x6E7] =	sst s30;
	(v2sf) =	vpush v51, $0xD;
	s30 =	spop (v2sf)  }
0xbc: {  	[smem:$0x6E9] =	sst s22;
	(v2sf) =	vpush v51, $0xE;
	s22 =	spop (v2sf)  }
0xbd: {  	[smem:$0x6EB] =	sst s24;
	(v2sf) =	vpush v51, $0xF;
	s24 =	spop (v2sf)  }
0xbe: {  	[smem:$0x6ED] =	sst s30;
	(v2sf) =	vpush v50, $0x0;
	s30 =	spop (v2sf)  }
0xbf: {  	[smem:$0x6EF] =	sst s22;
	(v2sf) =	vpush v50, $0x1;
	s22 =	spop (v2sf)  }
0xc0: {  	[smem:$0x6F0] =	sst s24;
	(v2sf) =	vpush v50, $0x2;
	s24 =	spop (v2sf)  }
0xc1: {  	[smem:$0x6F1] =	sst s30;
	(v2sf) =	vpush v50, $0x3;
	s30 =	spop (v2sf)  }
0xc2: {  	[smem:$0x6F2] =	sst s22;
	(v2sf) =	vpush v50, $0x4;
	s22 =	spop (v2sf)  }
0xc3: {  	[smem:$0x6F3] =	sst s24;
	(v2sf) =	vpush v50, $0x5;
	s24 =	spop (v2sf)  }
0xc4: {  	[smem:$0x6F5] =	sst s30;
	(v2sf) =	vpush v50, $0x6;
	s30 =	spop (v2sf)  }
0xc5: {  	[smem:$0x6F7] =	sst s22;
	(v2sf) =	vpush v50, $0x7;
	s22 =	spop (v2sf)  }
0xc6: {  	[smem:$0x6F9] =	sst s24;
	(v2sf) =	vpush v50, $0x8;
	s24 =	spop (v2sf)  }
0xc7: {  	[smem:$0x6FB] =	sst s30;
	(v2sf) =	vpush v50, $0x9;
	s30 =	spop (v2sf)  }
0xc8: {  	[smem:$0x6FD] =	sst s22;
	(v2sf) =	vpush v50, $0xA;
	s22 =	spop (v2sf)  }
0xc9: {  	[smem:$0x6FF] =	sst s24;
	(v2sf) =	vpush v50, $0xB;
	s24 =	spop (v2sf)  }
0xca: {  	[smem:$0x701] =	sst s30;
	(v2sf) =	vpush v50, $0xC;
	s30 =	spop (v2sf)  }
0xcb: {  	[smem:$0x703] =	sst s22;
	(v2sf) =	vpush v50, $0xD;
	s22 =	spop (v2sf)  }
0xcc: {  	[smem:$0x705] =	sst s24;
	(v2sf) =	vpush v50, $0xE;
	s24 =	spop (v2sf)  }
0xcd: {  	[smem:$0x709] =	sst s22;
	(v2sf) =	vpush v50, $0xF;
	s22 =	spop (v2sf)  }
0xce: {  	[smem:$0x6E5] =	sst s18;
	(v2sf) =	vpush v49, $0x0;
	s18 =	spop (v2sf)  }
0xcf: {  	[smem:$0x70B] =	sst s24;
	(v2sf) =	vpush v49, $0x1;
	s24 =	spop (v2sf)  }
0xd0: {  	[smem:$0x707] =	sst s30;
	(v2sf) =	vpush v49, $0x2;
	s30 =	spop (v2sf)  }
0xd1: {  	[smem:$0x6F4] =	sst s30;
	(v2sf) =	vpush v49, $0x3;
	s30 =	spop (v2sf)  }
0xd2: {  	[smem:$0x6F6] =	sst s30;
	(v2sf) =	vpush v49, $0x4;
	s30 =	spop (v2sf)  }
0xd3: {  	[smem:$0x6F8] =	sst s30;
	(v2sf) =	vpush v49, $0x5;
	s30 =	spop (v2sf)  }
0xd4: {  	[smem:$0x6FA] =	sst s30;
	(v2sf) =	vpush v49, $0x6;
	s30 =	spop (v2sf)  }
0xd5: {  	[smem:$0x6FC] =	sst s30;
	(v2sf) =	vpush v49, $0x7;
	s30 =	spop (v2sf)  }
0xd6: {  	[smem:$0x6FE] =	sst s30;
	(v2sf) =	vpush v49, $0x8;
	s30 =	spop (v2sf)  }
0xd7: {  	[smem:$0x700] =	sst s30;
	s30 =	spop (v2sf)  }
0xd8: {  	(v2sf) =	vpush v49, $0x9;
	[smem:$0x702] =	sst s30;
	s30 =	spop (v2sf)  }
0xd9: {  	(v2sf) =	vpush v49, $0xA;
	[smem:$0x704] =	sst s30;
	s30 =	spop (v2sf)  }
0xda: {  	[smem:$0x706] =	sst s30;
	s30 =	spop (v2sf)  }
0xdb: {  	(v2sf) =	vpush v49, $0xB;
	[smem:$0x708] =	sst s30;
	s30 =	spop (v2sf)  }
0xdc: {  	(v2sf) =	vpush v49, $0xC;
	[smem:$0x70A] =	sst s30;
	s2 =	spop (v2sf)  }
0xdd: {  	[smem:$0x70C] =	sst s2;
	s30 =	spop (v2sf)  }
0xde: {  	[smem:$0x70D] =	sst s30;
	s2 =	spop (v2sf)  }
0xdf: {  	[smem:$0x70E] =	sst s2;
	s3 =	spop (v2sf)  }
0xe0: {  	(v2sf) =	vpush v49, $0xD;
	[smem:$0x70F] =	sst s3;
	s4 =	spop (v2sf)  }
0xe1: {  	(v2sf) =	vpush v49, $0xE;
	[smem:$0x710] =	sst s4;
	s30 =	spop (v2sf)  }
0xe2: {  	[smem:$0x711] =	sst s30;
	s2 =	spop (v2sf)  }
0xe3: {  	[smem:$0x712] =	sst s2;
	s3 =	spop (v2sf)  }
0xe4: {  	[smem:$0x714] =	sst s3;
	s4 =	spop (v2sf)  }
0xe5: {  	[smem:$0x716] =	sst s4;
	s7 =	spop (v2sf)  }
0xe6: {  	(v2sf) =	vpush v49, $0xF;
	[smem:$0x718] =	sst s7  }
0xe7: {  	s9 =	spop (v2sf);
	s7 =	sadd.f32 s0, s16  }
0xe8: {  	[smem:$0x71A] =	sst s9;
	s11 =	spop (v2sf)  }
0xe9: {  	[smem:$0x71C] =	sst s11  }
0xea: {  	s12 =	spop (v2sf);
	s1 =	sadd.f32 s7, s19  }
0xeb: {  	(v2sf) =	vpush v47, $0x0;
	[smem:$0x71E] =	sst s12;
	s30 =	spop (v2sf)  }
0xec: {  	(v2sf) =	vpush v47, $0x1;
	[smem:$0x720] =	sst s30  }
0xed: {  	(v2sf) =	vpush v47, $0x2;
	s1 =	sadd.f32 s1, s28  }
0xee: {  	(v2sf) =	vpush v47, $0x3;
	s30 =	sadd.f32 s5, s6  }
0xef: {  	(v2sf) =	vpush v47, $0x4;
	s2 =	spop (v2sf);
	s5 =	sld [smem:$0x6DC]  }
0xf0: {  	(v2sf) =	vpush v47, $0x5;
	[smem:$0x722] =	sst s2;
	s3 =	spop (v2sf)  }
0xf1: {  	(v2sf) =	vpush v47, $0x6;
	[smem:$0x724] =	sst s3  }
0xf2: {  	s1 =	sadd.f32 s1, s23  }
0xf3: {  	s23 =	sld [smem:$0x6DB]  }
0xf4: {  	s2 =	sadd.f32 s30, s8  }
0xf5: {  	s4 =	spop (v2sf);
	s8 =	sld [smem:$0x6DD]  }
0xf6: {  	(v2sf) =	vpush v47, $0x7;
	[smem:$0x726] =	sst s4  }
0xf7: {  	(v2sf) =	vpush v47, $0x8;
	s1 =	sadd.f32 s1, s29  }
0xf8: {  	s2 =	sadd.f32 s2, s10  }
0xf9: {  	(v2sf) =	vpush v47, $0x9;
	[dreg:$0xe] =	wrdreg s1  }
0xfa: {  	s21 =	spop (v2sf);
	s1 =	sadd.f32 s25, s23  }
0xfb: {  	(v2sf) =	vpush v47, $0xA;
	s0 =	spop (v2sf);
	s2 =	sadd.f32 s2, s13  }
0xfc: {  	s19 =	spop (v2sf);
	s13 =	sld [smem:$0x6DF]  }
0xfd: {  	s26 =	spop (v2sf);
	s25 =	sld [smem:$0x6E0]  }
0xfe: {  	s28 =	spop (v2sf);
	s1 =	sadd.f32 s1, s5  }
0xff: {  	(v2sf) =	vpush v47, $0xB;
	s9 =	spop (v2sf);
	s2 =	sadd.f32 s2, s14  }
0x100: {  	[smem:$0x713] =	sst s9;
	s11 =	spop (v2sf)  }
0x101: {  	[smem:$0x715] =	sst s11  }
0x102: {  	(v2sf) =	vpush v47, $0xC;
	s1 =	sadd.f32 s1, s8  }
0x103: {  	s11 =	sld [smem:$0x6DE]  }
0x104: {  	s2 =	sadd.f32 s2, s15  }
0x105: {  	s12 =	spop (v2sf);
	s15 =	sld [smem:$0x6E5]  }
0x106: {  	(v2sf) =	vpush v47, $0xD;
	[smem:$0x717] =	sst s12;
	s16 =	spop (v2sf)  }
0x107: {  	[smem:$0x719] =	sst s16  }
0x108: {  	s29 =	spop (v2sf);
	s2 =	sadd.f32 s2, s17  }
0x109: {  	(v2sf) =	vpush v47, $0xE;
	[smem:$0x71B] =	sst s29  }
0x10a: {  	s4 =	spop (v2sf);
	s1 =	sadd.f32 s1, s11  }
0x10b: {  	[smem:$0x71D] =	sst s4  }
0x10c: {  	s4 =	sld [smem:$0x6E1]  }
0x10d: {  	s2 =	sadd.f32 s2, s20  }
0x10e: {  	(v2sf) =	vpush v47, $0xF;
	s6 =	spop (v2sf);
	s20 =	sld [smem:$0x6E6]  }
0x10f: {  	(v2sf) =	vpush v46, $0x0;
	[smem:$0x71F] =	sst s6  }
0x110: {  	s1 =	sadd.f32 s1, s13  }
0x111: {  	(v2sf) =	vpush v46, $0x1;
	s7 =	spop (v2sf);
	s13 =	sld [smem:$0x6E4]  }
0x112: {  	[smem:$0x721] =	sst s7  }
0x113: {  	s7 =	sld [smem:$0x6E2]  }
0x114: {  	(v2sf) =	vpush v46, $0x2;
	s2 =	sadd.f32 s2, s31  }
0x115: {  	s9 =	spop (v2sf);
	s31 =	sld [smem:$0x6E8]  }
0x116: {  	[smem:$0x723] =	sst s9  }
0x117: {  	(v2sf) =	vpush v46, $0x3;
	s1 =	sadd.f32 s1, s25  }
0x118: {  	(v2sf) =	vpush v46, $0x4;
	s10 =	spop (v2sf);
	s25 =	sld [smem:$0x6E7]  }
0x119: {  	(v2sf) =	vpush v46, $0x5;
	[smem:$0x725] =	sst s10  }
0x11a: {  	s10 =	sld [smem:$0x6E3]  }
0x11b: {  	s2 =	sadd.f32 s2, s15  }
0x11c: {  	(v2sf) =	vpush v46, $0x6;
	s15 =	sld [smem:$0x6EF]  }
0x11d: {  	s29 =	spop (v2sf);
	s1 =	sadd.f32 s1, s4  }
0x11e: {  	(v2sf) =	vpush v46, $0x7;
	s12 =	spop (v2sf);
	s4 =	sld [smem:$0x6E9]  }
0x11f: {  	[smem:$0x727] =	sst s12  }
0x120: {  	s16 =	spop (v2sf);
	s2 =	sadd.f32 s2, s25  }
0x121: {  	[smem:$0x728] =	sst s16  }
0x122: {  	(v2sf) =	vpush v46, $0x8;
	s1 =	sadd.f32 s1, s7  }
0x123: {  	(v2sf) =	vpush v46, $0x9;
	s23 =	spop (v2sf);
	s7 =	sld [smem:$0x6EC]  }
0x124: {  	[smem:$0x729] =	sst s23  }
0x125: {  	s2 =	sadd.f32 s2, s4  }
0x126: {  	s16 =	spop (v2sf);
	s1 =	sadd.f32 s1, s10  }
0x127: {  	s30 =	spop (v2sf);
	s10 =	sld [smem:$0x6EE]  }
0x128: {  	(v2sf) =	vpush v46, $0xA;
	[smem:$0x72A] =	sst s30;
	s5 =	spop (v2sf)  }
0x129: {  	(v2sf) =	vpush v46, $0xB;
	[smem:$0x72C] =	sst s5  }
0x12a: {  	s1 =	sadd.f32 s1, s13  }
0x12b: {  	s6 =	spop (v2sf);
	s5 =	sld [smem:$0x6EA]  }
0x12c: {  	(v2sf) =	vpush v46, $0xC;
	[smem:$0x72E] =	sst s6  }
0x12d: {  	(v2sf) =	vpush v46, $0xD;
	s8 =	spop (v2sf);
	s6 =	sld [smem:$0x6EB]  }
0x12e: {  	[smem:$0x730] =	sst s8  }
0x12f: {  	s1 =	sadd.f32 s1, s20  }
0x130: {  	s8 =	sld [smem:$0x6ED]  }
0x131: {  	(v2sf) =	vpush v46, $0xE;
	s9 =	spop (v2sf);
	s20 =	sld [smem:$0x6F0]  }
0x132: {  	[smem:$0x732] =	sst s9;
	s11 =	spop (v2sf)  }
0x133: {  	(v2sf) =	vpush v46, $0xF;
	[smem:$0x734] =	sst s11  }
0x134: {  	(v2sf) =	vpush v45, $0x0;
	s1 =	sadd.f32 s1, s31  }
0x135: {  	(v2sf) =	vpush v45, $0x1;
	s2 =	sadd.f32 s2, s6  }
0x136: {  	s31 =	sadd.f32 s18, s22  }
0x137: {  	s12 =	spop (v2sf);
	s6 =	sld [smem:$0x6F2]  }
0x138: {  	[smem:$0x736] =	sst s12;
	s14 =	spop (v2sf)  }
0x139: {  	(v2sf) =	vpush v45, $0x2;
	[smem:$0x738] =	sst s14  }
0x13a: {  	(v2sf) =	vpush v45, $0x3;
	s1 =	sadd.f32 s1, s5  }
0x13b: {  	(v2sf) =	vpush v45, $0x4;
	s17 =	spop (v2sf);
	s2 =	sadd.f32 s2, s8  }
0x13c: {  	[smem:$0x73A] =	sst s17;
	s23 =	spop (v2sf)  }
0x13d: {  	(v2sf) =	vpush v45, $0x5;
	[smem:$0x73C] =	sst s23  }
0x13e: {  	s1 =	sadd.f32 s1, s7  }
0x13f: {  	s23 =	sld [smem:$0x6F1]  }
0x140: {  	s30 =	spop (v2sf);
	s1 =	sadd.f32 s1, s10  }
0x141: {  	(v2sf) =	vpush v45, $0x6;
	[smem:$0x73E] =	sst s30  }
0x142: {  	s25 =	spop (v2sf);
	[dreg:$0x14] =	wrdreg s1  }
0x143: {  	(v2sf) =	vpush v45, $0x7;
	s11 =	spop (v2sf);
	s1 =	sadd.f32 s2, s15  }
0x144: {  	s14 =	spop (v2sf);
	s2 =	sadd.f32 s31, s24  }
0x145: {  	s11 =	sadd.f32 s14, s11  }
0x146: {  	[dreg:$0x13] =	wrdreg s1  }
0x147: {  	(v2sf) =	vpush v45, $0x8;
	s1 =	sadd.f32 s23, s20  }
0x148: {  	s4 =	spop (v2sf);
	s20 =	sld [smem:$0x6F6]  }
0x149: {  	s12 =	spop (v2sf);
	s23 =	sld [smem:$0x6F7]  }
0x14a: {  	s9 =	spop (v2sf);
	s4 =	sadd.f32 s11, s4  }
0x14b: {  	(v2sf) =	vpush v45, $0x9;
	[smem:$0x72B] =	sst s9  }
0x14c: {  	s13 =	spop (v2sf);
	s9 =	sld [smem:$0x6F3]  }
0x14d: {  	[smem:$0x72D] =	sst s13  }
0x14e: {  	s1 =	sadd.f32 s1, s6  }
0x14f: {  	(v2sf) =	vpush v45, $0xA;
	s13 =	sld [smem:$0x6F4]  }
0x150: {  	s17 =	spop (v2sf);
	s4 =	sadd.f32 s4, s12  }
0x151: {  	[smem:$0x72F] =	sst s17  }
0x152: {  	(v2sf) =	vpush v45, $0xB;
	s30 =	spop (v2sf);
	s17 =	sld [smem:$0x6F5]  }
0x153: {  	[smem:$0x731] =	sst s30  }
0x154: {  	s1 =	sadd.f32 s1, s9  }
0x155: {  	(v2sf) =	vpush v45, $0xC;
	s30 =	sld [smem:$0x6F8]  }
0x156: {  	s5 =	spop (v2sf);
	s9 =	sld [smem:$0x6FB]  }
0x157: {  	[smem:$0x733] =	sst s5  }
0x158: {  	(v2sf) =	vpush v45, $0xD;
	s2 =	sadd.f32 s2, s13  }
0x159: {  	s5 =	sld [smem:$0x6F9]  }
0x15a: {  	s7 =	spop (v2sf);
	s13 =	sld [smem:$0x6FC]  }
0x15b: {  	(v2sf) =	vpush v45, $0xE;
	[smem:$0x735] =	sst s7  }
0x15c: {  	s1 =	sadd.f32 s1, s17  }
0x15d: {  	s7 =	sld [smem:$0x6FA]  }
0x15e: {  	(v2sf) =	vpush v45, $0xF;
	s8 =	spop (v2sf);
	s17 =	sld [smem:$0x6FD]  }
0x15f: {  	[smem:$0x737] =	sst s8  }
0x160: {  	s2 =	sadd.f32 s2, s20  }
0x161: {  	(v2sf) =	vpush v44, $0x0;
	s10 =	spop (v2sf);
	s20 =	sld [smem:$0x6FE]  }
0x162: {  	[smem:$0x739] =	sst s10  }
0x163: {  	s1 =	sadd.f32 s1, s23  }
0x164: {  	(v2sf) =	vpush v44, $0x1;
	s15 =	spop (v2sf);
	s23 =	sld [smem:$0x6FF]  }
0x165: {  	[smem:$0x73B] =	sst s15  }
0x166: {  	s2 =	sadd.f32 s2, s30  }
0x167: {  	(v2sf) =	vpush v44, $0x2;
	s18 =	spop (v2sf);
	s30 =	sld [smem:$0x700]  }
0x168: {  	[smem:$0x73D] =	sst s18  }
0x169: {  	s1 =	sadd.f32 s1, s5  }
0x16a: {  	(v2sf) =	vpush v44, $0x3;
	s22 =	spop (v2sf);
	s5 =	sld [smem:$0x701]  }
0x16b: {  	[smem:$0x73F] =	sst s22  }
0x16c: {  	s2 =	sadd.f32 s2, s7  }
0x16d: {  	(v2sf) =	vpush v44, $0x4;
	s24 =	spop (v2sf);
	s7 =	sld [smem:$0x702]  }
0x16e: {  	[smem:$0x740] =	sst s24  }
0x16f: {  	s1 =	sadd.f32 s1, s9  }
0x170: {  	(v2sf) =	vpush v44, $0x5;
	s31 =	spop (v2sf);
	s9 =	sld [smem:$0x703]  }
0x171: {  	[smem:$0x741] =	sst s31  }
0x172: {  	s2 =	sadd.f32 s2, s13  }
0x173: {  	(v2sf) =	vpush v44, $0x6;
	s6 =	spop (v2sf);
	s13 =	sld [smem:$0x704]  }
0x174: {  	[smem:$0x742] =	sst s6  }
0x175: {  	s1 =	sadd.f32 s1, s17  }
0x176: {  	(v2sf) =	vpush v44, $0x7;
	s8 =	spop (v2sf);
	s17 =	sld [smem:$0x705]  }
0x177: {  	[smem:$0x743] =	sst s8  }
0x178: {  	s2 =	sadd.f32 s2, s20  }
0x179: {  	(v2sf) =	vpush v44, $0x8;
	s10 =	spop (v2sf);
	s20 =	sld [smem:$0x706]  }
0x17a: {  	[smem:$0x744] =	sst s10  }
0x17b: {  	s1 =	sadd.f32 s1, s23  }
0x17c: {  	s15 =	spop (v2sf);
	s23 =	sld [smem:$0x707]  }
0x17d: {  	(v2sf) =	vpush v44, $0x9;
	[smem:$0x745] =	sst s15  }
0x17e: {  	s2 =	sadd.f32 s2, s30  }
0x17f: {  	s18 =	spop (v2sf);
	s30 =	sld [smem:$0x708]  }
0x180: {  	(v2sf) =	vpush v44, $0xA;
	[smem:$0x746] =	sst s18  }
0x181: {  	s1 =	sadd.f32 s1, s5  }
0x182: {  	s22 =	spop (v2sf);
	s5 =	sld [smem:$0x70A]  }
0x183: {  	[smem:$0x747] =	sst s22  }
0x184: {  	(v2sf) =	vpush v44, $0xB;
	s2 =	sadd.f32 s2, s7  }
0x185: {  	s24 =	spop (v2sf);
	s7 =	sld [smem:$0x70B]  }
0x186: {  	[smem:$0x748] =	sst s24  }
0x187: {  	(v2sf) =	vpush v44, $0xC;
	s1 =	sadd.f32 s1, s9  }
0x188: {  	s31 =	spop (v2sf);
	s9 =	sld [smem:$0x70D]  }
0x189: {  	[smem:$0x749] =	sst s31  }
0x18a: {  	(v2sf) =	vpush v44, $0xD;
	s2 =	sadd.f32 s2, s13  }
0x18b: {  	s31 =	sld [smem:$0x709]  }
0x18c: {  	(v2sf) =	vpush v44, $0xE;
	s6 =	spop (v2sf);
	s13 =	sadd.f32 s0, s21  }
0x18d: {  	[smem:$0x74A] =	sst s6  }
0x18e: {  	(v2sf) =	vpush v44, $0xF;
	s1 =	sadd.f32 s1, s17  }
0x18f: {  	s8 =	spop (v2sf);
	s17 =	sld [smem:$0x710]  }
0x190: {  	[smem:$0x74B] =	sst s8  }
0x191: {  	s2 =	sadd.f32 s2, s20  }
0x192: {  	s8 =	sld [smem:$0x70C]  }
0x193: {  	s10 =	spop (v2sf);
	s20 =	sld [smem:$0x712]  }
0x194: {  	[smem:$0x74C] =	sst s10  }
0x195: {  	s1 =	sadd.f32 s1, s23  }
0x196: {  	(v2sf) =	vpush v42, $0x0;
	s15 =	spop (v2sf);
	s10 =	sld [smem:$0x70E]  }
0x197: {  	(v2sf) =	vpush v42, $0x1;
	[smem:$0x74D] =	sst s15  }
0x198: {  	(v2sf) =	vpush v42, $0x2;
	s2 =	sadd.f32 s2, s30  }
0x199: {  	(v2sf) =	vpush v42, $0x3;
	s18 =	spop (v2sf);
	s15 =	sld [smem:$0x70F]  }
0x19a: {  	(v2sf) =	vpush v42, $0x4;
	[smem:$0x74E] =	sst s18  }
0x19b: {  	(v2sf) =	vpush v42, $0x5;
	s22 =	spop (v2sf);
	s1 =	sadd.f32 s1, s31  }
0x19c: {  	(v2sf) =	vpush v42, $0x6;
	[smem:$0x74F] =	sst s22  }
0x19d: {  	(v2sf) =	vpush v42, $0x7;
	s24 =	spop (v2sf);
	s2 =	sadd.f32 s2, s5  }
0x19e: {  	(v2sf) =	vpush v42, $0x8;
	[smem:$0x751] =	sst s24  }
0x19f: {  	(v2sf) =	vpush v42, $0x9;
	s1 =	sadd.f32 s1, s7  }
0x1a0: {  	(v2sf) =	vpush v42, $0xA;
	s7 =	sadd.f32 s10, s9  }
0x1a1: {  	(v2sf) =	vpush v42, $0xB;
	s24 =	sld [smem:$0x713]  }
0x1a2: {  	(v2sf) =	vpush v42, $0xC;
	[dreg:$0x18] =	wrdreg s1  }
0x1a3: {  	(v2sf) =	vpush v42, $0xD;
	s1 =	sadd.f32 s2, s8  }
0x1a4: {  	(v2sf) =	vpush v42, $0xE;
	s7 =	sadd.f32 s7, s15  }
0x1a5: {  	s6 =	spop (v2sf);
	s8 =	sadd.f32 s13, s19  }
0x1a6: {  	v43 =	vadd.f32 v48, v43;
	(v2sf) =	vpush v42, $0xF;
	s22 =	spop (v2sf);
	s19 =	sld [smem:$0x711]  }
0x1a7: {  	s3 =	spop (v2sf);
	[dreg:$0x17] =	wrdreg s1  }
0x1a8: {  	(v2sf) =	vpush v43, $0x0;
	s5 =	spop (v2sf);
	s7 =	sadd.f32 s7, s17  }
0x1a9: {  	s1 =	spop (v2sf);
	s18 =	sadd.f32 s8, s26  }
0x1aa: {  	(v2sf) =	vpush v43, $0x1;
	s17 =	sld [smem:$0x715];
	s2 =	spop (v2sf)  }
0x1ab: {  	s0 =	spop (v2sf);
	s7 =	sadd.f32 s7, s19  }
0x1ac: {  	s9 =	sadd.f32 s18, s28;
	s21 =	spop (v2sf)  }
0x1ad: {  	(v2sf) =	vpush v43, $0x2;
	s28 =	sld [smem:$0x714];
	s30 =	spop (v2sf)  }
0x1ae: {  	s7 =	sadd.f32 s7, s20;
	s10 =	spop (v2sf)  }
0x1af: {  	(v2sf) =	vpush v43, $0x3;
	s9 =	sadd.f32 s9, s24;
	s15 =	spop (v2sf)  }
0x1b0: {  	s20 =	sld [smem:$0x716];
	s8 =	spop (v2sf)  }
0x1b1: {  	(v2sf) =	vpush v43, $0x4;
	s7 =	sadd.f32 s7, s28;
	s23 =	spop (v2sf)  }
0x1b2: {  	s9 =	sadd.f32 s9, s17;
	s19 =	spop (v2sf)  }
0x1b3: {  	(v2sf) =	vpush v43, $0x5;
	s7 =	sadd.f32 s7, s20;
	s26 =	spop (v2sf)  }
0x1b4: {  	[smem:$0x750] =	sst s26  }
0x1b5: {  	(v2sf) =	vpush v43, $0x6;
	s31 =	spop (v2sf);
	s26 =	sld [smem:$0x717]  }
0x1b6: {  	(v2sf) =	vpush v43, $0x7;
	[smem:$0x752] =	sst s31  }
0x1b7: {  	(v2sf) =	vpush v43, $0x8;
	s18 =	spop (v2sf);
	s31 =	sld [smem:$0x718]  }
0x1b8: {  	(v2sf) =	vpush v43, $0x9;
	[smem:$0x753] =	sst s18  }
0x1b9: {  	(v2sf) =	vpush v43, $0xA;
	s24 =	spop (v2sf);
	s18 =	sld [smem:$0x719]  }
0x1ba: {  	(v2sf) =	vpush v43, $0xB;
	[smem:$0x754] =	sst s24  }
0x1bb: {  	(v2sf) =	vpush v43, $0xC;
	s9 =	sadd.f32 s9, s26  }
0x1bc: {  	(v2sf) =	vpush v43, $0xD;
	s28 =	spop (v2sf);
	s24 =	sld [smem:$0x71A]  }
0x1bd: {  	(v2sf) =	vpush v43, $0xE;
	[smem:$0x755] =	sst s28  }
0x1be: {  	(v2sf) =	vpush v43, $0xF;
	s7 =	sadd.f32 s7, s31;
	s17 =	spop (v2sf)  }
0x1bf: {  	(v2sf) =	vpush v40, $0x0;
	[smem:$0x756] =	sst s17  }
0x1c0: {  	(v2sf) =	vpush v40, $0x1;
	s9 =	sadd.f32 s9, s18;
	s20 =	spop (v2sf)  }
0x1c1: {  	(v2sf) =	vpush v40, $0x2;
	[smem:$0x757] =	sst s20  }
0x1c2: {  	(v2sf) =	vpush v40, $0x3;
	s7 =	sadd.f32 s7, s24;
	s26 =	spop (v2sf)  }
0x1c3: {  	(v2sf) =	vpush v40, $0x4;
	[smem:$0x758] =	sst s26  }
0x1c4: {  	s13 =	sld [smem:$0x71B];
	s28 =	spop (v2sf)  }
0x1c5: {  	[smem:$0x759] =	sst s28  }
0x1c6: {  	s31 =	sld [smem:$0x71C]  }
0x1c7: {  	s18 =	sld [smem:$0x71D]  }
0x1c8: {  	s24 =	sld [smem:$0x71E]  }
0x1c9: {  	s28 =	sld [smem:$0x71F]  }
0x1ca: {  	s17 =	spop (v2sf);
	s14 =	sld [smem:$0x729]  }
0x1cb: {  	[smem:$0x75A] =	sst s17  }
0x1cc: {  	s17 =	sld [smem:$0x720]  }
0x1cd: {  	s20 =	spop (v2sf);
	s9 =	sadd.f32 s9, s13  }
0x1ce: {  	[smem:$0x75B] =	sst s20  }
0x1cf: {  	s20 =	sld [smem:$0x721]  }
0x1d0: {  	s13 =	sld [smem:$0x72B]  }
0x1d1: {  	s26 =	spop (v2sf);
	s7 =	sadd.f32 s7, s31  }
0x1d2: {  	[smem:$0x75C] =	sst s26  }
0x1d3: {  	s26 =	sld [smem:$0x722]  }
0x1d4: {  	s31 =	spop (v2sf);
	s9 =	sadd.f32 s9, s18  }
0x1d5: {  	[smem:$0x75D] =	sst s31  }
0x1d6: {  	s31 =	sld [smem:$0x723]  }
0x1d7: {  	s18 =	spop (v2sf);
	s7 =	sadd.f32 s7, s24  }
0x1d8: {  	[smem:$0x75E] =	sst s18  }
0x1d9: {  	s18 =	sld [smem:$0x724]  }
0x1da: {  	s4 =	sadd.f32 s4, s13  }
0x1db: {  	s24 =	spop (v2sf);
	s9 =	sadd.f32 s9, s28  }
0x1dc: {  	[smem:$0x75F] =	sst s24  }
0x1dd: {  	s24 =	sld [smem:$0x725]  }
0x1de: {  	s28 =	spop (v2sf);
	s7 =	sadd.f32 s7, s17  }
0x1df: {  	[smem:$0x760] =	sst s28  }
0x1e0: {  	s17 =	spop (v2sf);
	s9 =	sadd.f32 s9, s20  }
0x1e1: {  	[smem:$0x762] =	sst s17  }
0x1e2: {  	(v2sf) =	vpush v40, $0x5;
	s7 =	sadd.f32 s7, s26  }
0x1e3: {  	(v2sf) =	vpush v40, $0x6;
	s26 =	sld [smem:$0x726]  }
0x1e4: {  	(v2sf) =	vpush v40, $0x7;
	s9 =	sadd.f32 s9, s31  }
0x1e5: {  	(v2sf) =	vpush v40, $0x8;
	s31 =	sld [smem:$0x728]  }
0x1e6: {  	(v2sf) =	vpush v40, $0x9;
	s7 =	sadd.f32 s7, s18  }
0x1e7: {  	(v2sf) =	vpush v40, $0xA;
	s9 =	sadd.f32 s9, s24  }
0x1e8: {  	(v2sf) =	vpush v40, $0xB;
	s7 =	sadd.f32 s7, s26  }
0x1e9: {  	(v2sf) =	vpush v40, $0xC;
	s28 =	sadd.f32 s9, s29  }
0x1ea: {  	(v2sf) =	vpush v40, $0xD;
	s20 =	spop (v2sf);
	s29 =	sld [smem:$0x727]  }
0x1eb: {  	[smem:$0x764] =	sst s20  }
0x1ec: {  	s18 =	spop (v2sf);
	[dreg:$0x1c] =	wrdreg s7  }
0x1ed: {  	s24 =	spop (v2sf);
	s9 =	sadd.f32 s31, s29  }
0x1ee: {  	s7 =	spop (v2sf);
	[dreg:$0x1a] =	wrdreg s28  }
0x1ef: {  	(v2sf) =	vpush v40, $0xE;
	s28 =	spop (v2sf);
	s9 =	sadd.f32 s9, s14  }
0x1f0: {  	s26 =	sld [smem:$0x72A];
	s17 =	spop (v2sf)  }
0x1f1: {  	s29 =	spop (v2sf);
	s20 =	sadd.f32 s9, s16  }
0x1f2: {  	s31 =	spop (v2sf);
	s14 =	sld [smem:$0x72C]  }
0x1f3: {  	s16 =	spop (v2sf);
	s11 =	sadd.f32 s20, s26  }
0x1f4: {  	(v2sf) =	vpush v40, $0xF;
	s9 =	spop (v2sf);
	s26 =	sld [smem:$0x72D]  }
0x1f5: {  	s20 =	spop (v2sf);
	s11 =	sadd.f32 s11, s14  }
0x1f6: {  	v63 =	vnsel vm15, $0x0, v39;
	s12 =	spop (v2sf);
	s14 =	sld [smem:$0x72E]  }
0x1f7: {  	v39 =	vadd.f32 v63, v41;
	s13 =	spop (v2sf)  }
0x1f8: {  	s4 =	sadd.f32 s4, s26;
	s26 =	spop (v2sf)  }
0x1f9: {  	(v2sf) =	vpush v39, $0x0;
	s11 =	sadd.f32 s11, s14;
	s14 =	spop (v2sf)  }
0x1fa: {  	[smem:$0x761] =	sst s14  }
0x1fb: {  	s14 =	sld [smem:$0x72F];
	_ =	sdelay $0x2  }
0x1fc: {  	(v2sf) =	vpush v39, $0x1;
	s4 =	sadd.f32 s4, s14;
	s14 =	spop (v2sf)  }
0x1fd: {  	[smem:$0x763] =	sst s14  }
0x1fe: {  	s14 =	sld [smem:$0x730];
	_ =	sdelay $0x2  }
0x1ff: {  	(v2sf) =	vpush v39, $0x2;
	s11 =	sadd.f32 s11, s14;
	s14 =	spop (v2sf)  }
0x200: {  	[smem:$0x765] =	sst s14  }
0x201: {  	s14 =	sld [smem:$0x731];
	_ =	sdelay $0x2  }
0x202: {  	(v2sf) =	vpush v39, $0x3;
	s4 =	sadd.f32 s4, s14;
	s14 =	spop (v2sf)  }
0x203: {  	[smem:$0x766] =	sst s14  }
0x204: {  	s14 =	sld [smem:$0x732];
	_ =	sdelay $0x2  }
0x205: {  	(v2sf) =	vpush v39, $0x4;
	s11 =	sadd.f32 s11, s14;
	s14 =	spop (v2sf)  }
0x206: {  	[smem:$0x767] =	sst s14  }
0x207: {  	s14 =	sld [smem:$0x733];
	_ =	sdelay $0x2  }
0x208: {  	(v2sf) =	vpush v39, $0x5;
	s4 =	sadd.f32 s4, s14;
	s14 =	spop (v2sf)  }
0x209: {  	[smem:$0x768] =	sst s14  }
0x20a: {  	s14 =	sld [smem:$0x734];
	_ =	sdelay $0x2  }
0x20b: {  	(v2sf) =	vpush v39, $0x6;
	s11 =	sadd.f32 s11, s14;
	s14 =	spop (v2sf)  }
0x20c: {  	[smem:$0x769] =	sst s14  }
0x20d: {  	s14 =	sld [smem:$0x735];
	_ =	sdelay $0x2  }
0x20e: {  	(v2sf) =	vpush v39, $0x7;
	s4 =	sadd.f32 s4, s14;
	s14 =	spop (v2sf)  }
0x20f: {  	[smem:$0x76A] =	sst s14  }
0x210: {  	s14 =	sld [smem:$0x736];
	_ =	sdelay $0x2  }
0x211: {  	(v2sf) =	vpush v39, $0x8;
	s11 =	sadd.f32 s11, s14;
	s14 =	spop (v2sf)  }
0x212: {  	[smem:$0x76B] =	sst s14  }
0x213: {  	s14 =	sld [smem:$0x737];
	_ =	sdelay $0x1  }
0x214: {  	s6 =	sadd.f32 s22, s6  }
0x215: {  	(v2sf) =	vpush v39, $0x9;
	s4 =	sadd.f32 s4, s14;
	s14 =	spop (v2sf)  }
0x216: {  	[smem:$0x76C] =	sst s14  }
0x217: {  	s14 =	sld [smem:$0x738];
	_ =	sdelay $0x1  }
0x218: {  	s3 =	sadd.f32 s6, s3  }
0x219: {  	(v2sf) =	vpush v39, $0xA;
	s11 =	sadd.f32 s11, s14;
	s14 =	spop (v2sf)  }
0x21a: {  	[smem:$0x76D] =	sst s14  }
0x21b: {  	s14 =	sld [smem:$0x739];
	_ =	sdelay $0x1  }
0x21c: {  	s3 =	sadd.f32 s3, s5  }
0x21d: {  	(v2sf) =	vpush v39, $0xB;
	s4 =	sadd.f32 s4, s14;
	s14 =	spop (v2sf)  }
0x21e: {  	[smem:$0x76E] =	sst s14  }
0x21f: {  	s14 =	sld [smem:$0x73A];
	_ =	sdelay $0x1  }
0x220: {  	s1 =	sadd.f32 s3, s1  }
0x221: {  	(v2sf) =	vpush v39, $0xC;
	s11 =	sadd.f32 s11, s14;
	s14 =	spop (v2sf)  }
0x222: {  	[smem:$0x76F] =	sst s14  }
0x223: {  	s14 =	sld [smem:$0x73B];
	_ =	sdelay $0x1  }
0x224: {  	s1 =	sadd.f32 s1, s2  }
0x225: {  	(v2sf) =	vpush v39, $0xD;
	s4 =	sadd.f32 s4, s14;
	s14 =	spop (v2sf)  }
0x226: {  	[smem:$0x770] =	sst s14  }
0x227: {  	s14 =	sld [smem:$0x73C];
	_ =	sdelay $0x1  }
0x228: {  	s0 =	sadd.f32 s1, s0  }
0x229: {  	s11 =	sadd.f32 s11, s14;
	s14 =	spop (v2sf)  }
0x22a: {  	[smem:$0x771] =	sst s14  }
0x22b: {  	(v2sf) =	vpush v39, $0xE;
	s14 =	sld [smem:$0x73D];
	_ =	sdelay $0x1  }
0x22c: {  	s0 =	sadd.f32 s0, s21  }
0x22d: {  	s4 =	sadd.f32 s4, s14;
	s14 =	spop (v2sf)  }
0x22e: {  	[smem:$0x772] =	sst s14  }
0x22f: {  	s14 =	sld [smem:$0x73E]  }
0x230: {  	s6 =	sadd.f32 s0, s30  }
0x231: {  	s22 =	sld [smem:$0x746]  }
0x232: {  	s11 =	sadd.f32 s11, s14;
	s14 =	spop (v2sf)  }
0x233: {  	[smem:$0x773] =	sst s14  }
0x234: {  	s14 =	sld [smem:$0x73F]  }
0x235: {  	s11 =	sadd.f32 s11, s25  }
0x236: {  	s25 =	sld [smem:$0x740]  }
0x237: {  	s4 =	sadd.f32 s4, s14  }
0x238: {  	[smem:$0x7CC] =	sst s11  }
0x239: {  	s14 =	spop (v2sf);
	s11 =	sld [smem:$0x741]  }
0x23a: {  	[smem:$0x774] =	sst s14  }
0x23b: {  	s14 =	sld [smem:$0x742]  }
0x23c: {  	(v2sf) =	vpush v39, $0xF;
	s4 =	sadd.f32 s4, s25  }
0x23d: {  	s25 =	sld [smem:$0x743]  }
0x23e: {  	[dreg:$0x1e] =	wrdreg s4  }
0x23f: {  	s4 =	sadd.f32 s14, s11  }
0x240: {  	s11 =	sld [smem:$0x744]  }
0x241: {  	s4 =	sadd.f32 s4, s25  }
0x242: {  	s14 =	sld [smem:$0x745]  }
0x243: {  	s4 =	sadd.f32 s4, s11  }
0x244: {  	s5 =	sld [smem:$0x749]  }
0x245: {  	(v2sf) =	vpush v38, $0x0;
	s4 =	sadd.f32 s4, s14  }
0x246: {  	(v2sf) =	vpush v38, $0x1;
	s25 =	sld [smem:$0x747]  }
0x247: {  	(v2sf) =	vpush v38, $0x2;
	s3 =	sadd.f32 s4, s22  }
0x248: {  	(v2sf) =	vpush v38, $0x3;
	s11 =	sld [smem:$0x74A]  }
0x249: {  	(v2sf) =	vpush v38, $0x4;
	s2 =	sadd.f32 s3, s25  }
0x24a: {  	(v2sf) =	vpush v38, $0x5;
	s3 =	sld [smem:$0x748]  }
0x24b: {  	(v2sf) =	vpush v38, $0x6;
	s14 =	sld [smem:$0x74B];
	s4 =	spop (v2sf)  }
0x24c: {  	(v2sf) =	vpush v38, $0x7;
	[smem:$0x776] =	sst s4  }
0x24d: {  	(v2sf) =	vpush v38, $0x8;
	s1 =	sadd.f32 s2, s3  }
0x24e: {  	(v2sf) =	vpush v38, $0x9;
	s2 =	sadd.f32 s6, s10  }
0x24f: {  	(v2sf) =	vpush v38, $0xA;
	s10 =	sld [smem:$0x74C]  }
0x250: {  	(v2sf) =	vpush v38, $0xB;
	s1 =	sadd.f32 s1, s5  }
0x251: {  	(v2sf) =	vpush v38, $0xC;
	s22 =	sadd.f32 s2, s15  }
0x252: {  	(v2sf) =	vpush v38, $0xD;
	s15 =	sld [smem:$0x74E]  }
0x253: {  	(v2sf) =	vpush v38, $0xE;
	s1 =	sadd.f32 s1, s11  }
0x254: {  	s25 =	spop (v2sf);
	s11 =	sadd.f32 s22, s8  }
0x255: {  	s30 =	spop (v2sf);
	s22 =	sld [smem:$0x74F]  }
0x256: {  	s0 =	spop (v2sf);
	s1 =	sadd.f32 s1, s14  }
0x257: {  	s21 =	spop (v2sf);
	s14 =	sld [smem:$0x74D]  }
0x258: {  	(v2sf) =	vpush v38, $0xF;
	s4 =	spop (v2sf);
	s5 =	sadd.f32 s11, s23  }
0x259: {  	s2 =	spop (v2sf);
	s1 =	sadd.f32 s1, s10  }
0x25a: {  	s6 =	spop (v2sf);
	s23 =	sld [smem:$0x750]  }
0x25b: {  	s3 =	spop (v2sf);
	s1 =	sadd.f32 s1, s14  }
0x25c: {  	s10 =	spop (v2sf);
	s5 =	sadd.f32 s5, s19  }
0x25d: {  	s11 =	spop (v2sf);
	s1 =	sadd.f32 s1, s15  }
0x25e: {  	(v2sf) =	vpush v37, $0x0;
	s19 =	sld [smem:$0x751];
	s14 =	spop (v2sf)  }
0x25f: {  	(v2sf) =	vpush v37, $0x1;
	s15 =	spop (v2sf);
	s1 =	sadd.f32 s1, s22  }
0x260: {  	s5 =	sadd.f32 s5, s23;
	s22 =	spop (v2sf)  }
0x261: {  	s23 =	spop (v2sf);
	s1 =	sadd.f32 s1, s19  }
0x262: {  	s8 =	spop (v2sf);
	s19 =	sld [smem:$0x752]  }
0x263: {  	[smem:$0x775] =	sst s8  }
0x264: {  	(v2sf) =	vpush v37, $0x2;
	s8 =	sld [smem:$0x753]  }
0x265: {  	(v2sf) =	vpush v37, $0x3;
	[smem:$0x7CF] =	sst s1  }
0x266: {  	s1 =	sadd.f32 s5, s19  }
0x267: {  	s5 =	spop (v2sf);
	s19 =	sld [smem:$0x754]  }
0x268: {  	(v2sf) =	vpush v37, $0x4;
	[smem:$0x777] =	sst s5  }
0x269: {  	s5 =	sadd.f32 s24, s18  }
0x26a: {  	(v2sf) =	vpush v37, $0x5;
	[smem:$0x7D1] =	sst s1  }
0x26b: {  	s1 =	sadd.f32 s19, s8  }
0x26c: {  	s19 =	sld [smem:$0x755]  }
0x26d: {  	(v2sf) =	vpush v37, $0x6;
	s8 =	spop (v2sf);
	s5 =	sadd.f32 s5, s7  }
0x26e: {  	[smem:$0x778] =	sst s8;
	s18 =	spop (v2sf)  }
0x26f: {  	[smem:$0x779] =	sst s18  }
0x270: {  	(v2sf) =	vpush v37, $0x7;
	s18 =	sld [smem:$0x756]  }
0x271: {  	s5 =	sadd.f32 s5, s28  }
0x272: {  	s28 =	sld [smem:$0x757]  }
0x273: {  	(v2sf) =	vpush v37, $0x8;
	s24 =	spop (v2sf);
	s1 =	sadd.f32 s1, s19  }
0x274: {  	[smem:$0x77A] =	sst s24;
	s8 =	spop (v2sf)  }
0x275: {  	(v2sf) =	vpush v37, $0x9;
	[smem:$0x77B] =	sst s8  }
0x276: {  	s5 =	sadd.f32 s5, s17  }
0x277: {  	s19 =	spop (v2sf);
	s1 =	sadd.f32 s1, s18  }
0x278: {  	[smem:$0x77C] =	sst s19  }
0x279: {  	(v2sf) =	vpush v37, $0xA;
	s24 =	spop (v2sf);
	s18 =	sld [smem:$0x758]  }
0x27a: {  	[smem:$0x77D] =	sst s24  }
0x27b: {  	(v2sf) =	vpush v37, $0xB;
	s5 =	sadd.f32 s5, s29  }
0x27c: {  	s8 =	spop (v2sf);
	s1 =	sadd.f32 s1, s28  }
0x27d: {  	[smem:$0x77E] =	sst s8  }
0x27e: {  	s28 =	sld [smem:$0x759]  }
0x27f: {  	(v2sf) =	vpush v37, $0xC;
	s17 =	spop (v2sf);
	s8 =	sld [smem:$0x75A]  }
0x280: {  	(v2sf) =	vpush v37, $0xD;
	[smem:$0x77F] =	sst s17  }
0x281: {  	s5 =	sadd.f32 s5, s31  }
0x282: {  	s19 =	spop (v2sf);
	s1 =	sadd.f32 s1, s18  }
0x283: {  	[smem:$0x780] =	sst s19  }
0x284: {  	(v2sf) =	vpush v37, $0xE;
	s24 =	spop (v2sf);
	s19 =	sld [smem:$0x75B]  }
0x285: {  	[smem:$0x781] =	sst s24  }
0x286: {  	(v2sf) =	vpush v37, $0xF;
	s5 =	sadd.f32 s5, s16  }
0x287: {  	s16 =	sld [smem:$0x75E]  }
0x288: {  	s29 =	spop (v2sf);
	s1 =	sadd.f32 s1, s28  }
0x289: {  	[smem:$0x782] =	sst s29  }
0x28a: {  	s31 =	spop (v2sf);
	s29 =	sld [smem:$0x75C]  }
0x28b: {  	[smem:$0x783] =	sst s31  }
0x28c: {  	s5 =	sadd.f32 s5, s9  }
0x28d: {  	s9 =	sld [smem:$0x75D]  }
0x28e: {  	s17 =	spop (v2sf);
	s1 =	sadd.f32 s1, s8  }
0x28f: {  	[smem:$0x784] =	sst s17;
	s18 =	spop (v2sf)  }
0x290: {  	[smem:$0x785] =	sst s18  }
0x291: {  	s31 =	sadd.f32 s5, s20  }
0x292: {  	s18 =	sld [smem:$0x75F]  }
0x293: {  	(v2sf) =	vpush v35, $0x0;
	s24 =	spop (v2sf);
	s1 =	sadd.f32 s1, s19  }
0x294: {  	(v2sf) =	vpush v35, $0x1;
	[smem:$0x786] =	sst s24  }
0x295: {  	(v2sf) =	vpush v35, $0x2;
	s28 =	spop (v2sf);
	s19 =	sld [smem:$0x760]  }
0x296: {  	(v2sf) =	vpush v35, $0x3;
	[smem:$0x788] =	sst s28  }
0x297: {  	(v2sf) =	vpush v35, $0x4;
	s7 =	sadd.f32 s31, s12  }
0x298: {  	(v2sf) =	vpush v35, $0x5;
	s1 =	sadd.f32 s1, s29  }
0x299: {  	(v2sf) =	vpush v35, $0x6;
	s7 =	sadd.f32 s7, s13  }
0x29a: {  	(v2sf) =	vpush v35, $0x7;
	s8 =	sadd.f32 s1, s9  }
0x29b: {  	(v2sf) =	vpush v35, $0x8;
	s7 =	sadd.f32 s7, s26  }
0x29c: {  	(v2sf) =	vpush v35, $0x9;
	s26 =	sld [smem:$0x761]  }
0x29d: {  	(v2sf) =	vpush v35, $0xA;
	s8 =	sadd.f32 s8, s16  }
0x29e: {  	(v2sf) =	vpush v35, $0xB;
	s31 =	sld [smem:$0x762]  }
0x29f: {  	(v2sf) =	vpush v35, $0xC;
	s8 =	sadd.f32 s8, s18  }
0x2a0: {  	(v2sf) =	vpush v35, $0xD;
	s7 =	sadd.f32 s7, s26  }
0x2a1: {  	(v2sf) =	vpush v35, $0xE;
	s18 =	sld [smem:$0x763]  }
0x2a2: {  	(v2sf) =	vpush v35, $0xF;
	s17 =	spop (v2sf);
	s26 =	sld [smem:$0x765]  }
0x2a3: {  	s5 =	spop (v2sf);
	s8 =	sadd.f32 s8, s19  }
0x2a4: {  	s1 =	spop (v2sf);
	s19 =	sld [smem:$0x764]  }
0x2a5: {  	(v2sf) =	vpush v33, $0x0;
	s29 =	spop (v2sf);
	s7 =	sadd.f32 s7, s18  }
0x2a6: {  	s24 =	spop (v2sf);
	s8 =	sadd.f32 s8, s31  }
0x2a7: {  	(v2sf) =	vpush v33, $0x1;
	s28 =	spop (v2sf);
	s18 =	sld [smem:$0x767]  }
0x2a8: {  	(v2sf) =	vpush v33, $0x2;
	s16 =	spop (v2sf);
	s8 =	sadd.f32 s8, s19  }
0x2a9: {  	s20 =	spop (v2sf);
	s7 =	sadd.f32 s7, s26  }
0x2aa: {  	(v2sf) =	vpush v33, $0x3;
	s9 =	spop (v2sf);
	[smem:$0x7D3] =	sst s8  }
0x2ab: {  	s12 =	spop (v2sf);
	s8 =	sld [smem:$0x766]  }
0x2ac: {  	s31 =	spop (v2sf)  }
0x2ad: {  	(v2sf) =	vpush v33, $0x4;
	s13 =	spop (v2sf);
	[smem:$0x7D5] =	sst s7  }
0x2ae: {  	(v2sf) =	vpush v33, $0x5;
	s19 =	spop (v2sf);
	s7 =	sadd.f32 s18, s8  }
0x2af: {  	s26 =	spop (v2sf);
	s8 =	sadd.f32 s30, s25  }
0x2b0: {  	s18 =	spop (v2sf);
	s25 =	sld [smem:$0x768]  }
0x2b1: {  	[smem:$0x787] =	sst s18;
	s30 =	spop (v2sf)  }
0x2b2: {  	[smem:$0x789] =	sst s30  }
0x2b3: {  	(v2sf) =	vpush v33, $0x6;
	s0 =	sadd.f32 s8, s0  }
0x2b4: {  	s30 =	spop (v2sf);
	s7 =	sadd.f32 s7, s25  }
0x2b5: {  	(v2sf) =	vpush v33, $0x7;
	[smem:$0x78A] =	sst s30  }
0x2b6: {  	s30 =	spop (v2sf);
	s25 =	sld [smem:$0x769]  }
0x2b7: {  	s18 =	spop (v2sf);
	s0 =	sadd.f32 s0, s21  }
0x2b8: {  	[smem:$0x78B] =	sst s18  }
0x2b9: {  	(v2sf) =	vpush v33, $0x8;
	s21 =	spop (v2sf);
	s7 =	sadd.f32 s7, s25  }
0x2ba: {  	[smem:$0x78C] =	sst s21  }
0x2bb: {  	s25 =	sld [smem:$0x76A]  }
0x2bc: {  	(v2sf) =	vpush v33, $0x9;
	s18 =	spop (v2sf);
	s0 =	sadd.f32 s0, s4  }
0x2bd: {  	[smem:$0x78D] =	sst s18;
	s21 =	spop (v2sf)  }
0x2be: {  	[smem:$0x78E] =	sst s21  }
0x2bf: {  	(v2sf) =	vpush v33, $0xA;
	s0 =	sadd.f32 s0, s2  }
0x2c0: {  	s21 =	sld [smem:$0x76C]  }
0x2c1: {  	s7 =	sadd.f32 s7, s25  }
0x2c2: {  	(v2sf) =	vpush v33, $0xB;
	s8 =	spop (v2sf);
	s25 =	sld [smem:$0x76B]  }
0x2c3: {  	[smem:$0x78F] =	sst s8  }
0x2c4: {  	s18 =	spop (v2sf);
	s8 =	sld [smem:$0x76D]  }
0x2c5: {  	[smem:$0x790] =	sst s18  }
0x2c6: {  	(v2sf) =	vpush v33, $0xC;
	s0 =	sadd.f32 s0, s6  }
0x2c7: {  	s4 =	sadd.f32 s7, s25  }
0x2c8: {  	(v2sf) =	vpush v33, $0xD;
	s25 =	spop (v2sf);
	s0 =	sadd.f32 s0, s3  }
0x2c9: {  	[smem:$0x791] =	sst s25  }
0x2ca: {  	s25 =	sld [smem:$0x76E]  }
0x2cb: {  	s7 =	spop (v2sf);
	s2 =	sadd.f32 s4, s21  }
0x2cc: {  	(v2sf) =	vpush v33, $0xE;
	[smem:$0x792] =	sst s7  }
0x2cd: {  	s0 =	sadd.f32 s0, s10  }
0x2ce: {  	s18 =	spop (v2sf);
	s7 =	sld [smem:$0x76F]  }
0x2cf: {  	(v2sf) =	vpush v33, $0xF;
	[smem:$0x793] =	sst s18  }
0x2d0: {  	s18 =	sld [smem:$0x771]  }
0x2d1: {  	s21 =	spop (v2sf);
	s2 =	sadd.f32 s2, s8  }
0x2d2: {  	v34 =	vadd.f32 v36, v34;
	[smem:$0x794] =	sst s21  }
0x2d3: {  	s0 =	sadd.f32 s0, s11  }
0x2d4: {  	(v2sf) =	vpush v34, $0x0;
	s11 =	sld [smem:$0x770]  }
0x2d5: {  	(v2sf) =	vpush v34, $0x1;
	s4 =	spop (v2sf);
	s21 =	sld [smem:$0x772]  }
0x2d6: {  	[smem:$0x795] =	sst s4  }
0x2d7: {  	s6 =	spop (v2sf);
	s2 =	sadd.f32 s2, s25  }
0x2d8: {  	(v2sf) =	vpush v34, $0x2;
	[smem:$0x796] =	sst s6  }
0x2d9: {  	s0 =	sadd.f32 s0, s14  }
0x2da: {  	s25 =	sld [smem:$0x773]  }
0x2db: {  	(v2sf) =	vpush v34, $0x3;
	s8 =	spop (v2sf);
	s6 =	sld [smem:$0x778]  }
0x2dc: {  	[smem:$0x797] =	sst s8  }
0x2dd: {  	s8 =	sld [smem:$0x775]  }
0x2de: {  	(v2sf) =	vpush v34, $0x4;
	s10 =	spop (v2sf);
	s2 =	sadd.f32 s2, s7  }
0x2df: {  	[smem:$0x799] =	sst s10  }
0x2e0: {  	s0 =	sadd.f32 s0, s15  }
0x2e1: {  	s7 =	sld [smem:$0x774]  }
0x2e2: {  	(v2sf) =	vpush v34, $0x5;
	s3 =	sadd.f32 s2, s11  }
0x2e3: {  	s10 =	spop (v2sf);
	s0 =	sadd.f32 s0, s22  }
0x2e4: {  	s2 =	spop (v2sf);
	s11 =	sld [smem:$0x776]  }
0x2e5: {  	(v2sf) =	vpush v34, $0x6;
	s2 =	sadd.f32 s2, s10  }
0x2e6: {  	s4 =	sadd.f32 s3, s18  }
0x2e7: {  	s3 =	spop (v2sf);
	s0 =	sadd.f32 s0, s23  }
0x2e8: {  	(v2sf) =	vpush v34, $0x7;
	s2 =	sadd.f32 s2, s3  }
0x2e9: {  	(v2sf) =	vpush v34, $0x8;
	s4 =	sadd.f32 s4, s21  }
0x2ea: {  	(v2sf) =	vpush v34, $0x9;
	s14 =	spop (v2sf);
	s0 =	sadd.f32 s0, s8  }
0x2eb: {  	(v2sf) =	vpush v34, $0xA;
	s2 =	sadd.f32 s2, s14  }
0x2ec: {  	(v2sf) =	vpush v34, $0xB;
	s4 =	sadd.f32 s4, s25  }
0x2ed: {  	(v2sf) =	vpush v34, $0xC;
	s18 =	spop (v2sf);
	s25 =	sld [smem:$0x777]  }
0x2ee: {  	(v2sf) =	vpush v34, $0xD;
	s2 =	sadd.f32 s2, s18  }
0x2ef: {  	(v2sf) =	vpush v34, $0xE;
	s4 =	sadd.f32 s4, s7  }
0x2f0: {  	s0 =	sadd.f32 s0, s25  }
0x2f1: {  	(v2sf) =	vpush v34, $0xF;
	s15 =	spop (v2sf);
	s25 =	sld [smem:$0x779]  }
0x2f2: {  	s2 =	sadd.f32 s2, s15  }
0x2f3: {  	s4 =	sadd.f32 s4, s11  }
0x2f4: {  	s21 =	spop (v2sf);
	[smem:$0x7D9] =	sst s0  }
0x2f5: {  	(v2sf) =	vpush v32, $0x0;
	s2 =	sadd.f32 s2, s21  }
0x2f6: {  	[smem:$0x7D7] =	sst s4  }
0x2f7: {  	s23 =	spop (v2sf);
	s0 =	sadd.f32 s25, s6  }
0x2f8: {  	(v2sf) =	vpush v32, $0x1;
	s22 =	spop (v2sf);
	s4 =	sadd.f32 s5, s17  }
0x2f9: {  	(v2sf) =	vpush v32, $0x2;
	s7 =	spop (v2sf);
	s6 =	sld [smem:$0x77A]  }
0x2fa: {  	s8 =	spop (v2sf);
	s5 =	sld [smem:$0x77B]  }
0x2fb: {  	s11 =	spop (v2sf);
	s2 =	sadd.f32 s2, s23  }
0x2fc: {  	s25 =	spop (v2sf);
	s1 =	sadd.f32 s4, s1  }
0x2fd: {  	(v2sf) =	vpush v32, $0x3;
	s17 =	spop (v2sf);
	s0 =	sadd.f32 s0, s6  }
0x2fe: {  	s6 =	spop (v2sf);
	s2 =	sadd.f32 s2, s22  }
0x2ff: {  	(v2sf) =	vpush v32, $0x4;
	[smem:$0x798] =	sst s6  }
0x300: {  	s6 =	spop (v2sf);
	s1 =	sadd.f32 s1, s29  }
0x301: {  	[smem:$0x79A] =	sst s6  }
0x302: {  	s0 =	sadd.f32 s0, s5  }
0x303: {  	(v2sf) =	vpush v32, $0x5;
	s5 =	sld [smem:$0x77C]  }
0x304: {  	s6 =	spop (v2sf);
	s2 =	sadd.f32 s2, s7  }
0x305: {  	(v2sf) =	vpush v32, $0x6;
	[smem:$0x79B] =	sst s6  }
0x306: {  	s1 =	sadd.f32 s1, s24  }
0x307: {  	s29 =	spop (v2sf);
	s2 =	sadd.f32 s2, s8  }
0x308: {  	s6 =	spop (v2sf);
	s0 =	sadd.f32 s0, s5  }
0x309: {  	[smem:$0x79C] =	sst s6  }
0x30a: {  	(v2sf) =	vpush v32, $0x7;
	s5 =	sld [smem:$0x77D]  }
0x30b: {  	s1 =	sadd.f32 s1, s28  }
0x30c: {  	(v2sf) =	vpush v32, $0x8;
	s24 =	spop (v2sf);
	s28 =	sld [smem:$0x77E]  }
0x30d: {  	[smem:$0x79D] =	sst s24  }
0x30e: {  	s6 =	spop (v2sf);
	s2 =	sadd.f32 s2, s11  }
0x30f: {  	(v2sf) =	vpush v32, $0x9;
	[smem:$0x79E] =	sst s6  }
0x310: {  	(v2sf) =	vpush v32, $0xA;
	s1 =	sadd.f32 s1, s16  }
0x311: {  	s16 =	sld [smem:$0x77F]  }
0x312: {  	s24 =	spop (v2sf);
	s0 =	sadd.f32 s0, s5  }
0x313: {  	[smem:$0x79F] =	sst s24  }
0x314: {  	(v2sf) =	vpush v32, $0xB;
	s5 =	spop (v2sf);
	s2 =	sadd.f32 s2, s25  }
0x315: {  	[smem:$0x7A0] =	sst s5  }
0x316: {  	(v2sf) =	vpush v32, $0xC;
	s1 =	sadd.f32 s1, s20  }
0x317: {  	s5 =	sld [smem:$0x780]  }
0x318: {  	s20 =	sld [smem:$0x781]  }
0x319: {  	s6 =	spop (v2sf);
	s0 =	sadd.f32 s0, s28  }
0x31a: {  	[smem:$0x7A1] =	sst s6  }
0x31b: {  	(v2sf) =	vpush v32, $0xD;
	s24 =	spop (v2sf);
	s2 =	sadd.f32 s2, s17  }
0x31c: {  	[smem:$0x7A2] =	sst s24  }
0x31d: {  	(v2sf) =	vpush v32, $0xE;
	s1 =	sadd.f32 s1, s9  }
0x31e: {  	s28 =	spop (v2sf);
	s0 =	sadd.f32 s0, s16  }
0x31f: {  	[smem:$0x7A3] =	sst s28;
	s6 =	spop (v2sf)  }
0x320: {  	[smem:$0x7A4] =	sst s6  }
0x321: {  	(v2sf) =	vpush v32, $0xF;
	s1 =	sadd.f32 s1, s12  }
0x322: {  	s12 =	sld [smem:$0x783]  }
0x323: {  	s16 =	spop (v2sf);
	s0 =	sadd.f32 s0, s5  }
0x324: {  	(v2sf) =	vpush v31, $0x0;
	[smem:$0x7A5] =	sst s16  }
0x325: {  	(v2sf) =	vpush v31, $0x1;
	s24 =	spop (v2sf);
	s5 =	sld [smem:$0x782]  }
0x326: {  	[smem:$0x7A6] =	sst s24  }
0x327: {  	s1 =	sadd.f32 s1, s31  }
0x328: {  	s24 =	sld [smem:$0x787]  }
0x329: {  	(v2sf) =	vpush v31, $0x2;
	s31 =	sld [smem:$0x789]  }
0x32a: {  	s28 =	spop (v2sf);
	s0 =	sadd.f32 s0, s20  }
0x32b: {  	[smem:$0x7A7] =	sst s28  }
0x32c: {  	(v2sf) =	vpush v31, $0x3;
	s6 =	spop (v2sf);
	s20 =	sld [smem:$0x786]  }
0x32d: {  	[smem:$0x7A8] =	sst s6  }
0x32e: {  	(v2sf) =	vpush v31, $0x4;
	s1 =	sadd.f32 s1, s13  }
0x32f: {  	s13 =	sld [smem:$0x784]  }
0x330: {  	(v2sf) =	vpush v31, $0x5;
	s9 =	spop (v2sf);
	s0 =	sadd.f32 s0, s5  }
0x331: {  	[smem:$0x7AA] =	sst s9  }
0x332: {  	s16 =	sadd.f32 s1, s19  }
0x333: {  	(v2sf) =	vpush v31, $0x6;
	s28 =	spop (v2sf);
	s19 =	sld [smem:$0x785]  }
0x334: {  	(v2sf) =	vpush v31, $0x7;
	s4 =	spop (v2sf);
	s0 =	sadd.f32 s0, s12  }
0x335: {  	(v2sf) =	vpush v31, $0x8;
	s4 =	sadd.f32 s4, s28  }
0x336: {  	(v2sf) =	vpush v31, $0x9;
	s5 =	sadd.f32 s16, s26  }
0x337: {  	(v2sf) =	vpush v31, $0xA;
	s26 =	sld [smem:$0x788]  }
0x338: {  	(v2sf) =	vpush v31, $0xB;
	s6 =	spop (v2sf);
	s0 =	sadd.f32 s0, s13  }
0x339: {  	(v2sf) =	vpush v31, $0xC;
	s4 =	sadd.f32 s4, s6  }
0x33a: {  	(v2sf) =	vpush v31, $0xD;
	s5 =	sadd.f32 s5, s24  }
0x33b: {  	(v2sf) =	vpush v31, $0xE;
	s1 =	spop (v2sf);
	s0 =	sadd.f32 s0, s19  }
0x33c: {  	(v2sf) =	vpush v31, $0xF;
	s1 =	sadd.f32 s4, s1  }
0x33d: {  	(v2sf) =	vpush v28, $0x0;
	s12 =	spop (v2sf);
	s0 =	sadd.f32 s0, s20  }
0x33e: {  	(v2sf) =	vpush v28, $0x1;
	s1 =	sadd.f32 s1, s12  }
0x33f: {  	(v2sf) =	vpush v28, $0x2;
	s9 =	spop (v2sf);
	s0 =	sadd.f32 s0, s26  }
0x340: {  	(v2sf) =	vpush v28, $0x3;
	s1 =	sadd.f32 s1, s9  }
0x341: {  	(v2sf) =	vpush v28, $0x4;
	[dreg:$0xa] =	wrdreg s0  }
0x342: {  	(v2sf) =	vpush v28, $0x5;
	s19 =	spop (v2sf);
	s0 =	sadd.f32 s5, s31  }
0x343: {  	(v2sf) =	vpush v28, $0x6;
	s20 =	spop (v2sf);
	s1 =	sadd.f32 s1, s19  }
0x344: {  	(v2sf) =	vpush v28, $0x7;
	s13 =	spop (v2sf);
	[dreg:$0xb] =	wrdreg s0  }
0x345: {  	(v2sf) =	vpush v28, $0x8;
	s0 =	spop (v2sf);
	s1 =	sadd.f32 s1, s20  }
0x346: {  	s16 =	sld [smem:$0x78A]  }
0x347: {  	s26 =	sld [smem:$0x78B]  }
0x348: {  	s25 =	sld [smem:$0x797]  }
0x349: {  	s28 =	sld [smem:$0x79D]  }
0x34a: {  	s6 =	sld [smem:$0x79F]  }
0x34b: {  	s1 =	sadd.f32 s1, s13  }
0x34c: {  	s24 =	sadd.f32 s30, s16  }
0x34d: {  	s5 =	spop (v2sf);
	s30 =	sld [smem:$0x78C]  }
0x34e: {  	s10 =	spop (v2sf);
	s0 =	sadd.f32 s1, s0  }
0x34f: {  	s16 =	sadd.f32 s24, s26;
	s24 =	spop (v2sf)  }
0x350: {  	s0 =	sadd.f32 s0, s5;
	s26 =	spop (v2sf)  }
0x351: {  	s3 =	sadd.f32 s16, s30;
	s31 =	spop (v2sf)  }
0x352: {  	[smem:$0x7A9] =	sst s31  }
0x353: {  	s30 =	spop (v2sf);
	s31 =	sld [smem:$0x78D]  }
0x354: {  	[smem:$0x7AB] =	sst s30  }
0x355: {  	s30 =	sld [smem:$0x78E]  }
0x356: {  	s16 =	spop (v2sf);
	s3 =	sadd.f32 s3, s31  }
0x357: {  	[smem:$0x7AC] =	sst s16;
	s31 =	spop (v2sf)  }
0x358: {  	s16 =	spop (v2sf);
	s3 =	sadd.f32 s3, s30  }
0x359: {  	(v2sf) =	vpush v28, $0x9;
	[smem:$0x7AD] =	sst s16  }
0x35a: {  	(v2sf) =	vpush v28, $0xA;
	s18 =	spop (v2sf);
	s30 =	sld [smem:$0x78F]  }
0x35b: {  	[smem:$0x7AE] =	sst s18  }
0x35c: {  	s15 =	spop (v2sf);
	s18 =	sld [smem:$0x790]  }
0x35d: {  	(v2sf) =	vpush v28, $0xB;
	[smem:$0x7AF] =	sst s15  }
0x35e: {  	s15 =	sld [smem:$0x791]  }
0x35f: {  	(v2sf) =	vpush v28, $0xC;
	s16 =	spop (v2sf);
	s3 =	sadd.f32 s3, s30  }
0x360: {  	[smem:$0x7B0] =	sst s16;
	s21 =	spop (v2sf)  }
0x361: {  	[smem:$0x7B1] =	sst s21  }
0x362: {  	(v2sf) =	vpush v28, $0xD;
	s21 =	sld [smem:$0x792]  }
0x363: {  	(v2sf) =	vpush v28, $0xE;
	s30 =	spop (v2sf);
	s3 =	sadd.f32 s3, s18  }
0x364: {  	[smem:$0x7B2] =	sst s30  }
0x365: {  	s16 =	spop (v2sf);
	s30 =	sld [smem:$0x793]  }
0x366: {  	(v2sf) =	vpush v28, $0xF;
	[smem:$0x7B3] =	sst s16  }
0x367: {  	s16 =	sld [smem:$0x794]  }
0x368: {  	s18 =	spop (v2sf);
	s3 =	sadd.f32 s3, s15  }
0x369: {  	[smem:$0x7B4] =	sst s18;
	s22 =	spop (v2sf)  }
0x36a: {  	[smem:$0x7B5] =	sst s22  }
0x36b: {  	s22 =	sld [smem:$0x795]  }
0x36c: {  	s23 =	spop (v2sf);
	s3 =	sadd.f32 s3, s21  }
0x36d: {  	[smem:$0x7B6] =	sst s23  }
0x36e: {  	s14 =	spop (v2sf);
	s23 =	sld [smem:$0x796]  }
0x36f: {  	[smem:$0x7B7] =	sst s14  }
0x370: {  	(v2sf) =	vpush v27, $0x0;
	s14 =	sld [smem:$0x798]  }
0x371: {  	(v2sf) =	vpush v27, $0x1;
	s15 =	spop (v2sf);
	s3 =	sadd.f32 s3, s30  }
0x372: {  	(v2sf) =	vpush v27, $0x2;
	[smem:$0x7B8] =	sst s15;
	s18 =	spop (v2sf)  }
0x373: {  	(v2sf) =	vpush v27, $0x3;
	[smem:$0x7B9] =	sst s18  }
0x374: {  	(v2sf) =	vpush v27, $0x4;
	s18 =	sld [smem:$0x79A]  }
0x375: {  	(v2sf) =	vpush v27, $0x5;
	s21 =	spop (v2sf);
	s3 =	sadd.f32 s3, s16  }
0x376: {  	(v2sf) =	vpush v27, $0x6;
	[smem:$0x7BA] =	sst s21  }
0x377: {  	(v2sf) =	vpush v27, $0x7;
	s2 =	sadd.f32 s2, s14  }
0x378: {  	(v2sf) =	vpush v27, $0x8;
	s16 =	sld [smem:$0x799]  }
0x379: {  	(v2sf) =	vpush v27, $0x9;
	s7 =	sadd.f32 s3, s22  }
0x37a: {  	(v2sf) =	vpush v27, $0xA;
	s2 =	sadd.f32 s2, s18  }
0x37b: {  	(v2sf) =	vpush v27, $0xB;
	s22 =	sld [smem:$0x79B]  }
0x37c: {  	(v2sf) =	vpush v27, $0xC;
	s8 =	sadd.f32 s7, s23  }
0x37d: {  	(v2sf) =	vpush v27, $0xD;
	[dreg:$0xd] =	wrdreg s2  }
0x37e: {  	(v2sf) =	vpush v27, $0xE;
	s23 =	sld [smem:$0x79C]  }
0x37f: {  	(v2sf) =	vpush v27, $0xF;
	s15 =	spop (v2sf);
	s2 =	sadd.f32 s29, s22  }
0x380: {  	(v2sf) =	vpush v25, $0x0;
	s3 =	spop (v2sf);
	s29 =	sld [smem:$0x79E]  }
0x381: {  	(v2sf) =	vpush v25, $0x1;
	s30 =	spop (v2sf);
	s2 =	sadd.f32 s2, s23  }
0x382: {  	(v2sf) =	vpush v25, $0x2;
	s7 =	spop (v2sf);
	s8 =	sadd.f32 s8, s25  }
0x383: {  	s21 =	spop (v2sf);
	s2 =	sadd.f32 s2, s28  }
0x384: {  	(v2sf) =	vpush v25, $0x3;
	s17 =	spop (v2sf);
	s8 =	sadd.f32 s8, s16  }
0x385: {  	(v2sf) =	vpush v25, $0x4;
	s11 =	spop (v2sf);
	s2 =	sadd.f32 s2, s29  }
0x386: {  	(v2sf) =	vpush v25, $0x5;
	s25 =	spop (v2sf);
	[dreg:$0xc] =	wrdreg s8  }
0x387: {  	(v2sf) =	vpush v25, $0x6;
	s8 =	spop (v2sf);
	s2 =	sadd.f32 s2, s6  }
0x388: {  	s14 =	spop (v2sf);
	s6 =	sld [smem:$0x7A0]  }
0x389: {  	s0 =	sadd.f32 s0, s10;
	(v2sf) =	vpush v25, $0x7;
	s16 =	spop (v2sf)  }
0x38a: {  	s10 =	sld [smem:$0x7A7];
	s18 =	spop (v2sf)  }
0x38b: {  	(v2sf) =	vpush v25, $0x8;
	s22 =	spop (v2sf);
	s2 =	sadd.f32 s2, s6  }
0x38c: {  	s23 =	spop (v2sf);
	s6 =	sld [smem:$0x7A1]  }
0x38d: {  	s0 =	sadd.f32 s0, s24;
	(v2sf) =	vpush v25, $0x9;
	s28 =	spop (v2sf)  }
0x38e: {  	s24 =	sld [smem:$0x7AA];
	s29 =	spop (v2sf)  }
0x38f: {  	(v2sf) =	vpush v25, $0xA;
	s12 =	spop (v2sf);
	s2 =	sadd.f32 s2, s6  }
0x390: {  	s9 =	spop (v2sf);
	s6 =	sld [smem:$0x7A2]  }
0x391: {  	(v2sf) =	vpush v25, $0xB;
	[smem:$0x7BB] =	sst s12;
	s12 =	spop (v2sf)  }
0x392: {  	[smem:$0x7BC] =	sst s12  }
0x393: {  	(v2sf) =	vpush v25, $0xC;
	s19 =	spop (v2sf);
	s2 =	sadd.f32 s2, s6  }
0x394: {  	s12 =	spop (v2sf);
	s6 =	sld [smem:$0x7A3]  }
0x395: {  	[smem:$0x7BD] =	sst s12;
	s20 =	spop (v2sf)  }
0x396: {  	[smem:$0x7BE] =	sst s20;
	s12 =	spop (v2sf)  }
0x397: {  	(v2sf) =	vpush v25, $0xD;
	[smem:$0x7BF] =	sst s12  }
0x398: {  	s20 =	spop (v2sf);
	s2 =	sadd.f32 s2, s6  }
0x399: {  	[smem:$0x7C0] =	sst s20  }
0x39a: {  	(v2sf) =	vpush v25, $0xE;
	s12 =	spop (v2sf);
	s20 =	sld [smem:$0x7A4]  }
0x39b: {  	(v2sf) =	vpush v25, $0xF;
	[smem:$0x7C1] =	sst s12  }
0x39c: {  	s13 =	spop (v2sf);
	s12 =	sld [smem:$0x7A5]  }
0x39d: {  	v26 =	vadd.f32 v30, v26;
	[smem:$0x7C2] =	sst s13  }
0x39e: {  	s4 =	spop (v2sf);
	s1 =	sadd.f32 s2, s20  }
0x39f: {  	(v2sf) =	vpush v26, $0x0;
	[smem:$0x7C3] =	sst s4  }
0x3a0: {  	(v2sf) =	vpush v26, $0x1;
	s6 =	spop (v2sf);
	s4 =	sld [smem:$0x7A6]  }
0x3a1: {  	[smem:$0x7C4] =	sst s6  }
0x3a2: {  	s13 =	spop (v2sf);
	s1 =	sadd.f32 s1, s12  }
0x3a3: {  	[smem:$0x7C5] =	sst s13  }
0x3a4: {  	s12 =	sadd.f32 s0, s26  }
0x3a5: {  	(v2sf) =	vpush v26, $0x2;
	s13 =	sld [smem:$0x7A8]  }
0x3a6: {  	s20 =	spop (v2sf);
	s26 =	sld [smem:$0x7AB]  }
0x3a7: {  	[smem:$0x7C6] =	sst s20  }
0x3a8: {  	s20 =	sld [smem:$0x7A9]  }
0x3a9: {  	(v2sf) =	vpush v26, $0x3;
	s5 =	spop (v2sf);
	s1 =	sadd.f32 s1, s4  }
0x3aa: {  	[smem:$0x7C7] =	sst s5;
	s6 =	spop (v2sf)  }
0x3ab: {  	[smem:$0x7C8] =	sst s6  }
0x3ac: {  	s1 =	sadd.f32 s1, s10  }
0x3ad: {  	s6 =	sadd.f32 s12, s20  }
0x3ae: {  	(v2sf) =	vpush v26, $0x4;
	s2 =	spop (v2sf);
	s12 =	sld [smem:$0x7AC]  }
0x3af: {  	s0 =	spop (v2sf);
	s20 =	sadd.f32 s3, s15  }
0x3b0: {  	s0 =	sadd.f32 s0, s2  }
0x3b1: {  	s5 =	sadd.f32 s1, s13  }
0x3b2: {  	(v2sf) =	vpush v26, $0x5;
	s6 =	sadd.f32 s6, s26  }
0x3b3: {  	s26 =	sld [smem:$0x7AE]  }
0x3b4: {  	s1 =	spop (v2sf);
	s13 =	sadd.f32 s31, s12  }
0x3b5: {  	(v2sf) =	vpush v26, $0x6;
	s0 =	sadd.f32 s0, s1  }
0x3b6: {  	(v2sf) =	vpush v26, $0x7;
	s5 =	sadd.f32 s5, s24  }
0x3b7: {  	(v2sf) =	vpush v26, $0x8;
	[dreg:$0x10] =	wrdreg s6  }
0x3b8: {  	(v2sf) =	vpush v26, $0x9;
	s4 =	spop (v2sf);
	s24 =	sld [smem:$0x7AD]  }
0x3b9: {  	(v2sf) =	vpush v26, $0xA;
	s0 =	sadd.f32 s0, s4  }
0x3ba: {  	(v2sf) =	vpush v26, $0xB;
	[dreg:$0xf] =	wrdreg s5  }
0x3bb: {  	(v2sf) =	vpush v26, $0xC;
	s12 =	sadd.f32 s13, s24  }
0x3bc: {  	(v2sf) =	vpush v26, $0xD;
	s13 =	sadd.f32 s20, s30  }
0x3bd: {  	(v2sf) =	vpush v26, $0xE;
	s5 =	spop (v2sf);
	s20 =	sld [smem:$0x7AF]  }
0x3be: {  	(v2sf) =	vpush v26, $0xF;
	s0 =	sadd.f32 s0, s5  }
0x3bf: {  	s5 =	sld [smem:$0x7BF]  }
0x3c0: {  	s12 =	sadd.f32 s12, s26  }
0x3c1: {  	s6 =	spop (v2sf);
	s13 =	sadd.f32 s13, s7  }
0x3c2: {  	s0 =	sadd.f32 s0, s6  }
0x3c3: {  	v24 =	vadd.f32 v29, v24;
	s15 =	sadd.f32 s12, s20  }
0x3c4: {  	s10 =	spop (v2sf);
	s13 =	sadd.f32 s13, s21  }
0x3c5: {  	(v2sf) =	vpush v24, $0x0;
	s3 =	spop (v2sf);
	s21 =	sld [smem:$0x7B0]  }
0x3c6: {  	s31 =	spop (v2sf);
	s0 =	sadd.f32 s0, s10  }
0x3c7: {  	s30 =	spop (v2sf);
	s13 =	sadd.f32 s13, s17  }
0x3c8: {  	s24 =	spop (v2sf);
	s0 =	sadd.f32 s0, s3  }
0x3c9: {  	s7 =	spop (v2sf);
	s15 =	sadd.f32 s15, s21  }
0x3ca: {  	s26 =	spop (v2sf);
	s11 =	sadd.f32 s13, s11  }
0x3cb: {  	s12 =	spop (v2sf);
	s0 =	sadd.f32 s0, s31  }
0x3cc: {  	s21 =	spop (v2sf);
	s11 =	sadd.f32 s11, s25  }
0x3cd: {  	(v2sf) =	vpush v24, $0x1;
	s20 =	spop (v2sf);
	s0 =	sadd.f32 s0, s30  }
0x3ce: {  	(v2sf) =	vpush v24, $0x2;
	[smem:$0x7C9] =	sst s20  }
0x3cf: {  	s20 =	sld [smem:$0x7B1]  }
0x3d0: {  	(v2sf) =	vpush v24, $0x3;
	s8 =	sadd.f32 s11, s8  }
0x3d1: {  	s0 =	sadd.f32 s0, s24  }
0x3d2: {  	s15 =	sadd.f32 s15, s20  }
0x3d3: {  	(v2sf) =	vpush v24, $0x4;
	s8 =	sadd.f32 s8, s14  }
0x3d4: {  	s20 =	spop (v2sf);
	s0 =	sadd.f32 s0, s7  }
0x3d5: {  	[smem:$0x7CA] =	sst s20  }
0x3d6: {  	s20 =	sld [smem:$0x7B2]  }
0x3d7: {  	s8 =	sadd.f32 s8, s16  }
0x3d8: {  	(v2sf) =	vpush v24, $0x5;
	s16 =	sld [smem:$0x7B6]  }
0x3d9: {  	s0 =	sadd.f32 s0, s26  }
0x3da: {  	(v2sf) =	vpush v24, $0x6;
	s13 =	sadd.f32 s15, s20  }
0x3db: {  	s8 =	sadd.f32 s8, s18  }
0x3dc: {  	s17 =	spop (v2sf);
	s18 =	sld [smem:$0x7B8]  }
0x3dd: {  	s20 =	spop (v2sf);
	s0 =	sadd.f32 s0, s12  }
0x3de: {  	(v2sf) =	vpush v24, $0x7;
	[smem:$0x7CB] =	sst s20  }
0x3df: {  	(v2sf) =	vpush v24, $0x8;
	s25 =	spop (v2sf);
	s20 =	sld [smem:$0x7B3]  }
0x3e0: {  	[smem:$0x7CD] =	sst s25  }
0x3e1: {  	s8 =	sadd.f32 s8, s22  }
0x3e2: {  	s25 =	spop (v2sf);
	s0 =	sadd.f32 s0, s21  }
0x3e3: {  	[smem:$0x7CE] =	sst s25  }
0x3e4: {  	(v2sf) =	vpush v24, $0x9;
	s25 =	sld [smem:$0x7B4]  }
0x3e5: {  	(v2sf) =	vpush v24, $0xA;
	s13 =	sadd.f32 s13, s20  }
0x3e6: {  	s8 =	sadd.f32 s8, s23  }
0x3e7: {  	s20 =	spop (v2sf);
	s23 =	sld [smem:$0x7B9]  }
0x3e8: {  	[smem:$0x7D0] =	sst s20  }
0x3e9: {  	(v2sf) =	vpush v24, $0xB;
	s15 =	spop (v2sf);
	s11 =	sadd.f32 s13, s25  }
0x3ea: {  	[smem:$0x7D2] =	sst s15  }
0x3eb: {  	s25 =	sld [smem:$0x7B5]  }
0x3ec: {  	(v2sf) =	vpush v24, $0xC;
	s8 =	sadd.f32 s8, s28  }
0x3ed: {  	s20 =	spop (v2sf);
	s28 =	sld [smem:$0x7BB]  }
0x3ee: {  	v40 =	vnsel vm4, $0x0, v18;
	(v2sf) =	vpush v24, $0xD;
	[smem:$0x7D4] =	sst s20;
	s14 =	spop (v2sf)  }
0x3ef: {  	v23 =	vadd.f32 v40, v23;
	(v2sf) =	vpush v24, $0xE;
	[smem:$0x7D6] =	sst s14  }
0x3f0: {  	(v2sf) =	vpush v24, $0xF;
	s14 =	sld [smem:$0x7B7]  }
0x3f1: {  	(v2sf) =	vpush v23, $0x0;
	s8 =	sadd.f32 s8, s29  }
0x3f2: {  	(v2sf) =	vpush v23, $0x1;
	s29 =	sld [smem:$0x7BC]  }
0x3f3: {  	(v2sf) =	vpush v23, $0x2;
	s15 =	spop (v2sf);
	s11 =	sadd.f32 s11, s25  }
0x3f4: {  	(v2sf) =	vpush v23, $0x3;
	[smem:$0x7D8] =	sst s15;
	s20 =	spop (v2sf)  }
0x3f5: {  	(v2sf) =	vpush v23, $0x4;
	[smem:$0x7DA] =	sst s20  }
0x3f6: {  	(v2sf) =	vpush v23, $0x5;
	[dreg:$0x11] =	wrdreg s8  }
0x3f7: {  	(v2sf) =	vpush v23, $0x6;
	s8 =	sadd.f32 s9, s28  }
0x3f8: {  	(v2sf) =	vpush v23, $0x7;
	s25 =	spop (v2sf);
	s11 =	sadd.f32 s11, s16  }
0x3f9: {  	(v2sf) =	vpush v23, $0x8;
	[smem:$0x7DB] =	sst s25  }
0x3fa: {  	(v2sf) =	vpush v23, $0x9;
	s25 =	sld [smem:$0x7BA]  }
0x3fb: {  	(v2sf) =	vpush v23, $0xA;
	s15 =	spop (v2sf);
	s11 =	sadd.f32 s11, s14  }
0x3fc: {  	(v2sf) =	vpush v23, $0xB;
	[smem:$0x7DD] =	sst s15  }
0x3fd: {  	s16 =	spop (v2sf);
	s11 =	sadd.f32 s11, s18  }
0x3fe: {  	(v2sf) =	vpush v23, $0xC;
	s2 =	sadd.f32 s8, s29;
	s20 =	spop (v2sf)  }
0x3ff: {  	s22 =	spop (v2sf);
	s11 =	sadd.f32 s11, s23  }
0x400: {  	(v2sf) =	vpush v23, $0xD;
	s8 =	sld [smem:$0x7BD];
	s14 =	spop (v2sf)  }
0x401: {  	s15 =	spop (v2sf);
	s11 =	sadd.f32 s11, s25  }
0x402: {  	(v2sf) =	vpush v23, $0xE;
	[smem:$0x7E3] =	sst s22;
	s22 =	spop (v2sf)  }
0x403: {  	[dreg:$0x12] =	wrdreg s11;
	s11 =	spop (v2sf)  }
0x404: {  	[smem:$0x7DF] =	sst s16;
	s18 =	spop (v2sf)  }
0x405: {  	s2 =	sadd.f32 s2, s19;
	s25 =	spop (v2sf)  }
0x406: {  	(v2sf) =	vpush v23, $0xF;
	s23 =	sld [smem:$0x7BE];
	s16 =	spop (v2sf)  }
0x407: {  	s1 =	sadd.f32 s2, s8;
	s29 =	spop (v2sf)  }
0x408: {  	s21 =	sld [smem:$0x7CD];
	(v2sf) =	vpush v21, $0x0;
	s13 =	spop (v2sf)  }
0x409: {  	s1 =	sadd.f32 s1, s23;
	s19 =	spop (v2sf)  }
0x40a: {  	[smem:$0x7E1] =	sst s20;
	s20 =	spop (v2sf)  }
0x40b: {  	s1 =	sadd.f32 s1, s5;
	s9 =	spop (v2sf)  }
0x40c: {  	(v2sf) =	vpush v21, $0x1;
	[smem:$0x7DC] =	sst s9  }
0x40d: {  	s28 =	spop (v2sf);
	s9 =	sld [smem:$0x7C0]  }
0x40e: {  	(v2sf) =	vpush v21, $0x2;
	[smem:$0x7DE] =	sst s28  }
0x40f: {  	s4 =	spop (v2sf);
	s28 =	sld [smem:$0x7C1]  }
0x410: {  	(v2sf) =	vpush v21, $0x3;
	[smem:$0x7E0] =	sst s4  }
0x411: {  	(v2sf) =	vpush v21, $0x4;
	s6 =	spop (v2sf);
	s4 =	sld [smem:$0x7C2]  }
0x412: {  	[smem:$0x7E2] =	sst s6  }
0x413: {  	s1 =	sadd.f32 s1, s9  }
0x414: {  	(v2sf) =	vpush v21, $0x5;
	s6 =	sld [smem:$0x7C3]  }
0x415: {  	(v2sf) =	vpush v21, $0x6;
	s8 =	spop (v2sf);
	s9 =	rddreg [dreg:$0xe]  }
0x416: {  	[smem:$0x7E4] =	sst s8  }
0x417: {  	(v2sf) =	vpush v21, $0x7;
	s10 =	spop (v2sf);
	v42 =	vmov s9;
	s9 =	sld [smem:$0x7C6]  }
0x418: {  	(v2sf) =	vpush v21, $0x8;
	[smem:$0x7E5] =	sst s10  }
0x419: {  	s1 =	sadd.f32 s1, s28  }
0x41a: {  	s10 =	sld [smem:$0x7C4]  }
0x41b: {  	s23 =	spop (v2sf);
	s28 =	rddreg [dreg:$0x14]  }
0x41c: {  	[smem:$0x7E6] =	sst s23  }
0x41d: {  	(v2sf) =	vpush v21, $0x9;
	s3 =	spop (v2sf);
	v43 =	vmov s28;
	s28 =	rddreg [dreg:$0x17]  }
0x41e: {  	(v2sf) =	vpush v21, $0xA;
	[smem:$0x7E7] =	sst s3  }
0x41f: {  	s31 =	spop (v2sf);
	s1 =	sadd.f32 s1, s4  }
0x420: {  	s4 =	sld [smem:$0x7C5];
	s5 =	spop (v2sf)  }
0x421: {  	[smem:$0x7E8] =	sst s5  }
0x422: {  	s1 =	sadd.f32 s1, s6  }
0x423: {  	(v2sf) =	vpush v21, $0xB;
	s30 =	spop (v2sf);
	s6 =	rddreg [dreg:$0x13]  }
0x424: {  	s8 =	spop (v2sf);
	v44 =	vmov s6;
	s6 =	sld [smem:$0x7C9]  }
0x425: {  	(v2sf) =	vpush v21, $0xC;
	[smem:$0x7E9] =	sst s8  }
0x426: {  	s24 =	spop (v2sf);
	s1 =	sadd.f32 s1, s10  }
0x427: {  	s8 =	rddreg [dreg:$0x18];
	s23 =	spop (v2sf)  }
0x428: {  	[smem:$0x7EA] =	sst s23  }
0x429: {  	s1 =	sadd.f32 s1, s4  }
0x42a: {  	(v2sf) =	vpush v21, $0xD;
	s23 =	sld [smem:$0x7C7]  }
0x42b: {  	(v2sf) =	vpush v21, $0xE;
	s4 =	sld [smem:$0x7C8]  }
0x42c: {  	s3 =	spop (v2sf);
	s0 =	sadd.f32 s0, s6  }
0x42d: {  	[smem:$0x7EB] =	sst s3;
	s5 =	spop (v2sf)  }
0x42e: {  	[smem:$0x7EC] =	sst s5  }
0x42f: {  	s1 =	sadd.f32 s1, s9  }
0x430: {  	s5 =	rddreg [dreg:$0x1c]  }
0x431: {  	(v2sf) =	vpush v21, $0xF;
	[dreg:$0x15] =	wrdreg s0  }
0x432: {  	s7 =	spop (v2sf);
	s9 =	rddreg [dreg:$0x1a]  }
0x433: {  	[smem:$0x7ED] =	sst s7  }
0x434: {  	v41 =	vnsel vm15, $0x0, v18;
	s10 =	spop (v2sf);
	s7 =	sld [smem:$0x7CA]  }
0x435: {  	v22 =	vadd.f32 v41, v22;
	[smem:$0x7EE] =	sst s10  }
0x436: {  	s1 =	sadd.f32 s1, s23  }
0x437: {  	(v2sf) =	vpush v22, $0x0;
	s10 =	sadd.f32 s15, s14  }
0x438: {  	(v2sf) =	vpush v22, $0x1;
	s14 =	sld [smem:$0x7CB]  }
0x439: {  	s12 =	spop (v2sf);
	s15 =	sld [smem:$0x7CC]  }
0x43a: {  	[smem:$0x7EF] =	sst s12;
	s26 =	spop (v2sf)  }
0x43b: {  	[smem:$0x7F0] =	sst s26  }
0x43c: {  	s1 =	sadd.f32 s1, s4  }
0x43d: {  	(v2sf) =	vpush v22, $0x2;
	v45 =	vmov s8;
	s8 =	sadd.f32 s17, s7  }
0x43e: {  	s17 =	sadd.f32 s10, s22  }
0x43f: {  	s22 =	rddreg [dreg:$0x1e]  }
0x440: {  	s3 =	spop (v2sf);
	s26 =	sld [smem:$0x7CE]  }
0x441: {  	[smem:$0x7F1] =	sst s3  }
0x442: {  	v54 =	vmov s15;
	s15 =	sld [smem:$0x7D0]  }
0x443: {  	v56 =	vmov s22;
	s22 =	sld [smem:$0x7D2]  }
0x444: {  	(v2sf) =	vpush v22, $0x3;
	[dreg:$0x16] =	wrdreg s1  }
0x445: {  	v50 =	vmov s5;
	s5 =	sadd.f32 s8, s14  }
0x446: {  	s12 =	spop (v2sf);
	s23 =	sadd.f32 s17, s11  }
0x447: {  	s4 =	spop (v2sf);
	s14 =	sld [smem:$0x7CF]  }
0x448: {  	s4 =	sadd.f32 s4, s12  }
0x449: {  	s7 =	sadd.f32 s5, s21  }
0x44a: {  	(v2sf) =	vpush v22, $0x4;
	s11 =	sadd.f32 s23, s18  }
0x44b: {  	s18 =	sld [smem:$0x7D1]  }
0x44c: {  	s3 =	spop (v2sf);
	s23 =	sld [smem:$0x7D3]  }
0x44d: {  	s3 =	sadd.f32 s4, s3  }
0x44e: {  	(v2sf) =	vpush v22, $0x5;
	s4 =	sld [smem:$0x7E9]  }
0x44f: {  	v48 =	vmov s28;
	s28 =	sadd.f32 s7, s26  }
0x450: {  	s21 =	sadd.f32 s11, s25  }
0x451: {  	(v2sf) =	vpush v22, $0x6;
	s25 =	sld [smem:$0x7D4]  }
0x452: {  	(v2sf) =	vpush v22, $0x7;
	s26 =	sld [smem:$0x7D5]  }
0x453: {  	vm0 =	vcmask $0x300;
	(v2sf) =	vpush v22, $0x8;
	s0 =	spop (v2sf);
	v62 =	vmov s23;
	s23 =	sld [smem:$0x7D9]  }
0x454: {  	v21 =	vnsel vm0, $0x0, v42;
	(v2sf) =	vpush v22, $0x9;
	s0 =	sadd.f32 s3, s0  }
0x455: {  	vm1 =	vcmask $0x704;
	v21 =	vadd.f32 $0.0e+00, v21;
	(v2sf) =	vpush v22, $0xA;
	s17 =	sadd.f32 s28, s15  }
0x456: {  	vm2 =	vcmask $0xB08;
	v23 =	vnsel vm1, $0x0, v43;
	(v2sf) =	vpush v22, $0xB;
	s15 =	sadd.f32 s21, s16  }
0x457: {  	v46 =	vnsel vm14, $0x0, v18;
	v21 =	vadd.f32 v23, v21;
	(v2sf) =	vpush v22, $0xC;
	s28 =	sld [smem:$0x7D6]  }
0x458: {  	v18 =	vadd.f32 v46, v20;
	v24 =	vnsel vm2, $0x0, v44;
	(v2sf) =	vpush v22, $0xD;
	s21 =	sld [smem:$0x7D8]  }
0x459: {  	v21 =	vadd.f32 v24, v21;
	(v2sf) =	vpush v22, $0xE;
	s1 =	spop (v2sf);
	v24 =	vmov s26;
	s26 =	sld [smem:$0x7DA]  }
0x45a: {  	(v2sf) =	vpush v22, $0xF;
	s0 =	sadd.f32 s0, s1  }
0x45b: {  	(v2sf) =	vpush v18, $0x0;
	v58 =	vmov s14;
	s14 =	sadd.f32 s17, s22  }
0x45c: {  	(v2sf) =	vpush v18, $0x1;
	s15 =	sadd.f32 s15, s29  }
0x45d: {  	(v2sf) =	vpush v18, $0x2;
	s2 =	spop (v2sf);
	s29 =	sld [smem:$0x7D7]  }
0x45e: {  	(v2sf) =	vpush v18, $0x3;
	s0 =	sadd.f32 s0, s2  }
0x45f: {  	(v2sf) =	vpush v18, $0x4;
	s16 =	sadd.f32 s14, s25  }
0x460: {  	(v2sf) =	vpush v18, $0x5;
	s5 =	spop (v2sf);
	s13 =	sadd.f32 s15, s13  }
0x461: {  	(v2sf) =	vpush v18, $0x6;
	s6 =	spop (v2sf);
	v26 =	vmov s29;
	s29 =	sld [smem:$0x7DC]  }
0x462: {  	(v2sf) =	vpush v18, $0x7;
	s7 =	spop (v2sf);
	s0 =	sadd.f32 s0, s5  }
0x463: {  	v52 =	vmov s9;
	(v2sf) =	vpush v18, $0x8;
	s9 =	spop (v2sf);
	s17 =	sadd.f32 s16, s28  }
0x464: {  	s8 =	spop (v2sf);
	s19 =	sadd.f32 s13, s19  }
0x465: {  	s10 =	spop (v2sf);
	s28 =	sld [smem:$0x7DB]  }
0x466: {  	s11 =	spop (v2sf);
	s0 =	sadd.f32 s0, s6  }
0x467: {  	v60 =	vmov s18;
	s18 =	spop (v2sf);
	s15 =	sadd.f32 s17, s21  }
0x468: {  	s25 =	spop (v2sf);
	s19 =	sadd.f32 s19, s20  }
0x469: {  	s14 =	spop (v2sf);
	s20 =	sld [smem:$0x7E6]  }
0x46a: {  	s22 =	spop (v2sf);
	s0 =	sadd.f32 s0, s7  }
0x46b: {  	s16 =	spop (v2sf);
	s15 =	sadd.f32 s15, s26  }
0x46c: {  	s19 =	sadd.f32 s19, s29;
	s17 =	spop (v2sf)  }
0x46d: {  	s29 =	sld [smem:$0x7DD];
	s13 =	spop (v2sf)  }
0x46e: {  	v28 =	vmov s23;
	s15 =	sadd.f32 s15, s28;
	s23 =	spop (v2sf)  }
0x46f: {  	s0 =	sadd.f32 s0, s9;
	s26 =	spop (v2sf)  }
0x470: {  	s15 =	sadd.f32 s15, s29;
	s28 =	spop (v2sf)  }
0x471: {  	s29 =	sld [smem:$0x7DE];
	s21 =	spop (v2sf)  }
0x472: {  	[smem:$0x7F2] =	sst s21;
	s21 =	spop (v2sf)  }
0x473: {  	[smem:$0x7F3] =	sst s21  }
0x474: {  	s21 =	sld [smem:$0x7DF]  }
0x475: {  	s19 =	sadd.f32 s19, s29  }
0x476: {  	s29 =	sld [smem:$0x7E0]  }
0x477: {  	s15 =	sadd.f32 s15, s21  }
0x478: {  	s21 =	sld [smem:$0x7E1]  }
0x479: {  	s19 =	sadd.f32 s19, s29  }
0x47a: {  	s29 =	sld [smem:$0x7E2]  }
0x47b: {  	s15 =	sadd.f32 s15, s21  }
0x47c: {  	s21 =	sld [smem:$0x7E3]  }
0x47d: {  	s19 =	sadd.f32 s19, s29  }
0x47e: {  	s29 =	sld [smem:$0x7E4]  }
0x47f: {  	s15 =	sadd.f32 s15, s21  }
0x480: {  	s16 =	sadd.f32 s16, s22  }
0x481: {  	(v2sf) =	vpush v18, $0x9;
	[dreg:$0x1b] =	wrdreg s15  }
0x482: {  	(v2sf) =	vpush v18, $0xA;
	s15 =	sadd.f32 s19, s29  }
0x483: {  	(v2sf) =	vpush v18, $0xB;
	s19 =	sld [smem:$0x7E5]  }
0x484: {  	(v2sf) =	vpush v18, $0xC;
	s21 =	sld [smem:$0x7E7]  }
0x485: {  	vm3 =	vcmask $0xF0C;
	(v2sf) =	vpush v18, $0xD;
	[dreg:$0x19] =	wrdreg s15  }
0x486: {  	v47 =	vnsel vm3, $0x0, v45;
	(v2sf) =	vpush v18, $0xE;
	s15 =	sadd.f32 s20, s19  }
0x487: {  	vm5 =	vcmask $0x1310;
	v20 =	vadd.f32 v47, v21;
	s0 =	sadd.f32 s0, s8;
	(v2sf) =	vpush v18, $0xF  }
0x488: {  	v49 =	vnsel vm5, $0x0, v48;
	s12 =	sadd.f32 s15, s21  }
0x489: {  	vm6 =	vcmask $0x1714;
	v20 =	vadd.f32 v49, v20;
	(v2sf) =	vpush v17, $0x0;
	s0 =	sadd.f32 s0, s10  }
0x48a: {  	v51 =	vnsel vm6, $0x0, v50;
	(v2sf) =	vpush v17, $0x1;
	s29 =	sadd.f32 s12, s31  }
0x48b: {  	vm7 =	vcmask $0x1B18;
	v20 =	vadd.f32 v51, v20;
	s31 =	sld [smem:$0x7E8]  }
0x48c: {  	v53 =	vnsel vm7, $0x0, v52;
	s16 =	sadd.f32 s16, s17;
	(v2sf) =	vpush v17, $0x2  }
0x48d: {  	vm8 =	vcmask $0x1F1C;
	v20 =	vadd.f32 v53, v20;
	s10 =	sadd.f32 s0, s11;
	(v2sf) =	vpush v17, $0x3  }
0x48e: {  	v55 =	vnsel vm8, $0x0, v54;
	(v2sf) =	vpush v17, $0x4;
	s3 =	sadd.f32 s29, s31  }
0x48f: {  	vm9 =	vcmask $0x2320;
	v20 =	vadd.f32 v55, v20;
	(v2sf) =	vpush v17, $0x5;
	s12 =	sld [smem:$0x7EA]  }
0x490: {  	v57 =	vnsel vm9, $0x0, v56;
	(v2sf) =	vpush v17, $0x6;
	s20 =	spop (v2sf);
	s3 =	sadd.f32 s3, s30  }
0x491: {  	vm10 =	vcmask $0x2724;
	v20 =	vadd.f32 v57, v20;
	(v2sf) =	vpush v17, $0x7;
	s19 =	spop (v2sf);
	s31 =	sld [smem:$0x7EB]  }
0x492: {  	v59 =	vnsel vm10, $0x0, v58;
	(v2sf) =	vpush v17, $0x8;
	s15 =	spop (v2sf);
	s1 =	sadd.f32 s3, s4  }
0x493: {  	vm11 =	vcmask $0x2B28;
	v20 =	vadd.f32 v59, v20;
	(v2sf) =	vpush v17, $0x9;
	s21 =	spop (v2sf);
	s3 =	sld [smem:$0x7EC]  }
0x494: {  	v61 =	vnsel vm11, $0x0, v60;
	(v2sf) =	vpush v17, $0xA;
	s1 =	sadd.f32 s1, s24;
	s24 =	spop (v2sf)  }
0x495: {  	vm12 =	vcmask $0x2F2C;
	v20 =	vadd.f32 v61, v20;
	(v2sf) =	vpush v17, $0xB;
	s4 =	sld [smem:$0x7ED];
	s29 =	spop (v2sf)  }
0x496: {  	v63 =	vnsel vm12, $0x0, v62;
	(v2sf) =	vpush v17, $0xC;
	s1 =	sadd.f32 s1, s12;
	s30 =	spop (v2sf)  }
0x497: {  	vm13 =	vcmask $0x3330;
	v20 =	vadd.f32 v63, v20;
	(v2sf) =	vpush v17, $0xD;
	[dreg:$0x1d] =	wrdreg s30  }
0x498: {  	v25 =	vnsel vm13, $0x0, v24;
	(v2sf) =	vpush v17, $0xE;
	s5 =	spop (v2sf);
	s1 =	sadd.f32 s1, s31  }
0x499: {  	vm14 =	vcmask $0x3734;
	v20 =	vadd.f32 v25, v20;
	(v2sf) =	vpush v17, $0xF;
	s6 =	spop (v2sf);
	s31 =	sadd.f32 s10, s18  }
0x49a: {  	v27 =	vnsel vm14, $0x0, v26;
	(v2sf) =	vpush v16, $0x0;
	s6 =	sadd.f32 s6, s5  }
0x49b: {  	vm0 =	vcmask $0x3B38;
	v20 =	vadd.f32 v27, v20;
	(v2sf) =	vpush v16, $0x1;
	s1 =	sadd.f32 s1, s3  }
0x49c: {  	v29 =	vnsel vm0, $0x0, v28;
	s7 =	spop (v2sf);
	(v2sf) =	vpush v16, $0x2;
	s25 =	sadd.f32 s31, s25  }
0x49d: {  	v20 =	vadd.f32 v29, v20;
	s9 =	spop (v2sf);
	(v2sf) =	vpush v16, $0x3;
	s6 =	sadd.f32 s6, s7  }
0x49e: {  	s8 =	spop (v2sf);
	(v2sf) =	vpush v16, $0x4;
	s1 =	sadd.f32 s1, s4  }
0x49f: {  	[tilespmem:$0x1000] =	vst v20;
	s2 =	spop (v2sf);
	(v2sf) =	vpush v16, $0x5;
	s14 =	sadd.f32 s25, s14  }
0x4a0: {  	s3 =	spop (v2sf);
	s6 =	sadd.f32 s6, s9  }
0x4a1: {  	s12 =	sld [smem:$0x7EE]  }
0x4a2: {  	s30 =	sld [smem:$0x7EF]  }
0x4a3: {  	s31 =	sld [smem:$0x7F1]  }
0x4a4: {  	s8 =	sadd.f32 s6, s8  }
0x4a5: {  	s1 =	sadd.f32 s1, s12  }
0x4a6: {  	s2 =	sadd.f32 s8, s2  }
0x4a7: {  	s11 =	sadd.f32 s1, s30  }
0x4a8: {  	s30 =	sld [smem:$0x7F0]  }
0x4a9: {  	s2 =	sadd.f32 s2, s3  }
0x4aa: {  	s4 =	spop (v2sf);
	[dreg:$0x1f] =	wrdreg s14  }
0x4ab: {  	s0 =	spop (v2sf);
	s2 =	sadd.f32 s2, s4  }
0x4ac: {  	s1 =	spop (v2sf);
	s18 =	sadd.f32 s11, s30  }
0x4ad: {  	s10 =	spop (v2sf);
	s2 =	sadd.f32 s2, s0  }
0x4ae: {  	(v2sf) =	vpush v16, $0x6;
	s11 =	spop (v2sf);
	s18 =	sadd.f32 s18, s31  }
0x4af: {  	(v2sf) =	vpush v16, $0x7;
	s12 =	spop (v2sf);
	s1 =	sadd.f32 s2, s1  }
0x4b0: {  	(v2sf) =	vpush v16, $0x8;
	s30 =	spop (v2sf);
	[smem:$0x7FC] =	sst s18  }
0x4b1: {  	(v2sf) =	vpush v16, $0x9;
	s25 =	spop (v2sf);
	s18 =	sadd.f32 s16, s13  }
0x4b2: {  	(v2sf) =	vpush v16, $0xA;
	s14 =	spop (v2sf);
	s1 =	sadd.f32 s1, s10  }
0x4b3: {  	(v2sf) =	vpush v16, $0xB;
	s22 =	spop (v2sf);
	s7 =	sadd.f32 s18, s23  }
0x4b4: {  	(v2sf) =	vpush v16, $0xC;
	s5 =	spop (v2sf);
	s1 =	sadd.f32 s1, s11  }
0x4b5: {  	(v2sf) =	vpush v16, $0xD;
	s5 =	sadd.f32 s5, s22  }
0x4b6: {  	s26 =	sadd.f32 s7, s26  }
0x4b7: {  	s7 =	sld [smem:$0x7F2]  }
0x4b8: {  	s31 =	spop (v2sf);
	s1 =	sadd.f32 s1, s12  }
0x4b9: {  	(v2sf) =	vpush v16, $0xE;
	s5 =	sadd.f32 s5, s31  }
0x4ba: {  	s17 =	spop (v2sf);
	s28 =	sadd.f32 s26, s28  }
0x4bb: {  	s16 =	spop (v2sf);
	s5 =	sadd.f32 s5, s17  }
0x4bc: {  	(v2sf) =	vpush v16, $0xF;
	s13 =	spop (v2sf);
	s3 =	sadd.f32 s28, s7  }
0x4bd: {  	(v2sf) =	vpush v13, $0x0;
	s6 =	spop (v2sf);
	s7 =	sld [smem:$0x7F3]  }
0x4be: {  	(v2sf) =	vpush v13, $0x1;
	s1 =	sadd.f32 s1, s30;
	s9 =	spop (v2sf)  }
0x4bf: {  	s8 =	spop (v2sf);
	s5 =	sadd.f32 s5, s16  }
0x4c0: {  	(v2sf) =	vpush v13, $0x2;
	s18 =	spop (v2sf);
	s3 =	sadd.f32 s3, s7  }
0x4c1: {  	(v2sf) =	vpush v13, $0x3;
	s26 =	spop (v2sf);
	s13 =	sadd.f32 s5, s13  }
0x4c2: {  	(v2sf) =	vpush v13, $0x4;
	s28 =	spop (v2sf);
	s3 =	sadd.f32 s3, s20  }
0x4c3: {  	(v2sf) =	vpush v13, $0x5;
	s23 =	spop (v2sf);
	s6 =	sadd.f32 s13, s6  }
0x4c4: {  	(v2sf) =	vpush v13, $0x6;
	[smem:$0x7F4] =	sst s23;
	s23 =	spop (v2sf)  }
0x4c5: {  	(v2sf) =	vpush v13, $0x7;
	[smem:$0x7F5] =	sst s23  }
0x4c6: {  	(v2sf) =	vpush v13, $0x8;
	s4 =	sadd.f32 s3, s19  }
0x4c7: {  	(v2sf) =	vpush v13, $0x9;
	s6 =	sadd.f32 s6, s9  }
0x4c8: {  	(v2sf) =	vpush v13, $0xA;
	s7 =	spop (v2sf);
	s2 =	sadd.f32 s4, s15  }
0x4c9: {  	(v2sf) =	vpush v13, $0xB;
	[smem:$0x7F6] =	sst s7  }
0x4ca: {  	(v2sf) =	vpush v13, $0xC;
	s2 =	sadd.f32 s2, s21  }
0x4cb: {  	(v2sf) =	vpush v13, $0xD;
	s23 =	spop (v2sf);
	s9 =	sld [smem:$0x7F5]  }
0x4cc: {  	v14 =	vadd.f32 v19, v14;
	(v2sf) =	vpush v13, $0xE;
	s20 =	spop (v2sf);
	s2 =	sadd.f32 s2, s24  }
0x4cd: {  	(v2sf) =	vpush v13, $0xF;
	s19 =	spop (v2sf);
	s24 =	sadd.f32 s1, s25  }
0x4ce: {  	(v2sf) =	vpush v14, $0x0;
	s25 =	sadd.f32 s19, s20  }
0x4cf: {  	[smem:$0x7F7] =	sst s23;
	(v2sf) =	vpush v14, $0x1;
	s10 =	spop (v2sf)  }
0x4d0: {  	(v2sf) =	vpush v14, $0x2;
	s15 =	spop (v2sf);
	s10 =	sadd.f32 s25, s10  }
0x4d1: {  	s6 =	sadd.f32 s6, s8;
	(v2sf) =	vpush v14, $0x3;
	s7 =	spop (v2sf)  }
0x4d2: {  	(v2sf) =	vpush v14, $0x4;
	s0 =	spop (v2sf);
	s10 =	sadd.f32 s10, s15  }
0x4d3: {  	(v2sf) =	vpush v14, $0x5;
	s12 =	spop (v2sf);
	s2 =	sadd.f32 s2, s29  }
0x4d4: {  	(v2sf) =	vpush v14, $0x6;
	s21 =	spop (v2sf);
	s10 =	sadd.f32 s10, s7  }
0x4d5: {  	(v2sf) =	vpush v14, $0x7;
	s23 =	spop (v2sf);
	[smem:$0x7FD] =	sst s2  }
0x4d6: {  	(v2sf) =	vpush v14, $0x8;
	s2 =	spop (v2sf);
	s0 =	sadd.f32 s10, s0  }
0x4d7: {  	s3 =	sadd.f32 s24, s14;
	(v2sf) =	vpush v14, $0x9;
	s30 =	spop (v2sf)  }
0x4d8: {  	(v2sf) =	vpush v14, $0xA;
	s1 =	spop (v2sf);
	s0 =	sadd.f32 s0, s12  }
0x4d9: {  	[smem:$0x7F8] =	sst s3;
	(v2sf) =	vpush v14, $0xB;
	s4 =	spop (v2sf)  }
0x4da: {  	(v2sf) =	vpush v14, $0xC;
	s3 =	spop (v2sf);
	s0 =	sadd.f32 s0, s21  }
0x4db: {  	s6 =	sadd.f32 s6, s18;
	(v2sf) =	vpush v14, $0xD;
	s22 =	spop (v2sf)  }
0x4dc: {  	(v2sf) =	vpush v14, $0xE;
	s20 =	spop (v2sf);
	s0 =	sadd.f32 s0, s23  }
0x4dd: {  	s6 =	sadd.f32 s6, s26;
	(v2sf) =	vpush v14, $0xF;
	s24 =	spop (v2sf)  }
0x4de: {  	(v2sf) =	vpush v11, $0x0;
	s29 =	spop (v2sf);
	s0 =	sadd.f32 s0, s2  }
0x4df: {  	s28 =	sadd.f32 s6, s28;
	(v2sf) =	vpush v11, $0x1;
	s25 =	spop (v2sf)  }
0x4e0: {  	(v2sf) =	vpush v11, $0x2;
	s31 =	spop (v2sf);
	s0 =	sadd.f32 s0, s30  }
0x4e1: {  	(v2sf) =	vpush v11, $0x3;
	s7 =	spop (v2sf);
	s30 =	sld [smem:$0x7F4]  }
0x4e2: {  	s23 =	sld [smem:$0x7F6];
	(v2sf) =	vpush v11, $0x4;
	s19 =	spop (v2sf)  }
0x4e3: {  	(v2sf) =	vpush v11, $0x5;
	s17 =	spop (v2sf);
	s0 =	sadd.f32 s0, s1  }
0x4e4: {  	(v2sf) =	vpush v11, $0x6;
	s16 =	spop (v2sf);
	s2 =	sadd.f32 s28, s30  }
0x4e5: {  	(v2sf) =	vpush v11, $0x7;
	s15 =	spop (v2sf);
	s28 =	sld [smem:$0x7F7]  }
0x4e6: {  	(v2sf) =	vpush v11, $0x8;
	s14 =	spop (v2sf);
	s0 =	sadd.f32 s0, s4  }
0x4e7: {  	(v2sf) =	vpush v11, $0x9;
	s13 =	spop (v2sf);
	s2 =	sadd.f32 s2, s9  }
0x4e8: {  	(v2sf) =	vpush v11, $0xA;
	s12 =	spop (v2sf);
	s9 =	sadd.f32 s29, s24  }
0x4e9: {  	(v2sf) =	vpush v11, $0xB;
	s11 =	spop (v2sf);
	s0 =	sadd.f32 s0, s3  }
0x4ea: {  	(v2sf) =	vpush v11, $0xC;
	s10 =	spop (v2sf);
	s2 =	sadd.f32 s2, s23  }
0x4eb: {  	(v2sf) =	vpush v11, $0xD;
	s8 =	spop (v2sf);
	s0 =	sadd.f32 s0, s22  }
0x4ec: {  	v12 =	vadd.f32 v15, v12;
	(v2sf) =	vpush v11, $0xE;
	s22 =	sadd.f32 s9, s25;
	s6 =	spop (v2sf)  }
0x4ed: {  	(v2sf) =	vpush v11, $0xF;
	s2 =	sadd.f32 s2, s28;
	s18 =	spop (v2sf)  }
0x4ee: {  	(v2sf) =	vpush v12, $0x0;
	s0 =	sadd.f32 s0, s20;
	s21 =	spop (v2sf)  }
0x4ef: {  	s22 =	sadd.f32 s22, s31;
	(v2sf) =	vpush v12, $0x1;
	s1 =	spop (v2sf)  }
0x4f0: {  	[smem:$0x7F9] =	sst s2;
	(v2sf) =	vpush v12, $0x2;
	s26 =	spop (v2sf)  }
0x4f1: {  	[smem:$0x7FA] =	sst s0;
	(v2sf) =	vpush v12, $0x3;
	s4 =	spop (v2sf)  }
0x4f2: {  	s21 =	sadd.f32 s21, s18;
	(v2sf) =	vpush v12, $0x4;
	s30 =	spop (v2sf)  }
0x4f3: {  	s7 =	sadd.f32 s22, s7;
	(v2sf) =	vpush v12, $0x5;
	s3 =	spop (v2sf)  }
0x4f4: {  	s1 =	sadd.f32 s21, s1;
	(v2sf) =	vpush v12, $0x6;
	s2 =	spop (v2sf)  }
0x4f5: {  	s7 =	sadd.f32 s7, s19;
	(v2sf) =	vpush v12, $0x7;
	s5 =	spop (v2sf)  }
0x4f6: {  	s1 =	sadd.f32 s1, s26;
	(v2sf) =	vpush v12, $0x8;
	s29 =	spop (v2sf)  }
0x4f7: {  	s19 =	sadd.f32 s7, s17;
	(v2sf) =	vpush v12, $0x9;
	s20 =	spop (v2sf)  }
0x4f8: {  	s1 =	sadd.f32 s1, s4;
	(v2sf) =	vpush v12, $0xA;
	s23 =	spop (v2sf)  }
0x4f9: {  	s4 =	sadd.f32 s19, s16;
	(v2sf) =	vpush v12, $0xB;
	s0 =	spop (v2sf)  }
0x4fa: {  	s30 =	sadd.f32 s1, s30;
	(v2sf) =	vpush v12, $0xC;
	s18 =	spop (v2sf)  }
0x4fb: {  	s4 =	sadd.f32 s4, s15;
	(v2sf) =	vpush v12, $0xD;
	s31 =	spop (v2sf)  }
0x4fc: {  	s3 =	sadd.f32 s30, s3;
	(v2sf) =	vpush v12, $0xE;
	s21 =	spop (v2sf)  }
0x4fd: {  	s9 =	sadd.f32 s4, s14;
	(v2sf) =	vpush v12, $0xF;
	s25 =	spop (v2sf)  }
0x4fe: {  	s2 =	sadd.f32 s3, s2;
	(v2sf) =	vpush v9, $0x0;
	s28 =	spop (v2sf)  }
0x4ff: {  	s3 =	sadd.f32 s9, s13;
	(v2sf) =	vpush v9, $0x1;
	s26 =	spop (v2sf)  }
0x500: {  	s2 =	sadd.f32 s2, s5;
	(v2sf) =	vpush v9, $0x2;
	s24 =	spop (v2sf)  }
0x501: {  	s30 =	sadd.f32 s3, s12;
	(v2sf) =	vpush v9, $0x3;
	s22 =	spop (v2sf)  }
0x502: {  	s2 =	sadd.f32 s2, s29;
	(v2sf) =	vpush v9, $0x4;
	s1 =	spop (v2sf)  }
0x503: {  	s7 =	sadd.f32 s30, s11;
	(v2sf) =	vpush v9, $0x5;
	s19 =	spop (v2sf)  }
0x504: {  	s2 =	sadd.f32 s2, s20;
	(v2sf) =	vpush v9, $0x6;
	s17 =	spop (v2sf)  }
0x505: {  	s7 =	sadd.f32 s7, s10;
	(v2sf) =	vpush v9, $0x7;
	s16 =	spop (v2sf)  }
0x506: {  	s3 =	sadd.f32 s2, s23;
	(v2sf) =	vpush v9, $0x8;
	s15 =	spop (v2sf)  }
0x507: {  	s7 =	sadd.f32 s7, s8;
	(v2sf) =	vpush v9, $0x9;
	s14 =	spop (v2sf)  }
0x508: {  	s0 =	sadd.f32 s3, s0;
	(v2sf) =	vpush v9, $0xA;
	s13 =	spop (v2sf)  }
0x509: {  	s11 =	sadd.f32 s7, s6;
	(v2sf) =	vpush v9, $0xB;
	s5 =	spop (v2sf)  }
0x50a: {  	s0 =	sadd.f32 s0, s18;
	(v2sf) =	vpush v9, $0xC;
	s4 =	spop (v2sf)  }
0x50b: {  	s3 =	sadd.f32 s28, s25;
	(v2sf) =	vpush v9, $0xD;
	s9 =	spop (v2sf)  }
0x50c: {  	s0 =	sadd.f32 s0, s31;
	(v2sf) =	vpush v9, $0xE;
	s29 =	spop (v2sf)  }
0x50d: {  	s18 =	sadd.f32 s3, s26;
	(v2sf) =	vpush v9, $0xF;
	s12 =	spop (v2sf)  }
0x50e: {  	s0 =	sadd.f32 s0, s21;
	(v2sf) =	vpush v8, $0x0;
	s20 =	spop (v2sf)  }
0x50f: {  	s21 =	sadd.f32 s18, s24;
	(v2sf) =	vpush v8, $0x1;
	s30 =	spop (v2sf)  }
0x510: {  	[smem:$0x7FB] =	sst s0;
	(v2sf) =	vpush v8, $0x2;
	s23 =	spop (v2sf)  }
0x511: {  	s10 =	sadd.f32 s20, s12;
	(v2sf) =	vpush v8, $0x3;
	s2 =	spop (v2sf)  }
0x512: {  	s12 =	sadd.f32 s21, s22;
	(v2sf) =	vpush v8, $0x4;
	s6 =	spop (v2sf)  }
0x513: {  	s10 =	sadd.f32 s10, s30;
	(v2sf) =	vpush v8, $0x5;
	s7 =	spop (v2sf)  }
0x514: {  	s1 =	sadd.f32 s12, s1;
	(v2sf) =	vpush v8, $0x6;
	s25 =	spop (v2sf)  }
0x515: {  	s8 =	sadd.f32 s10, s23;
	(v2sf) =	vpush v8, $0x7;
	s0 =	spop (v2sf)  }
0x516: {  	s1 =	sadd.f32 s1, s19;
	(v2sf) =	vpush v8, $0x8;
	s26 =	spop (v2sf)  }
0x517: {  	s8 =	sadd.f32 s8, s2;
	(v2sf) =	vpush v8, $0x9;
	s28 =	spop (v2sf)  }
0x518: {  	s1 =	sadd.f32 s1, s17;
	(v2sf) =	vpush v8, $0xA;
	s24 =	spop (v2sf)  }
0x519: {  	s6 =	sadd.f32 s8, s6;
	(v2sf) =	vpush v8, $0xB;
	s30 =	spop (v2sf)  }
0x51a: {  	s1 =	sadd.f32 s1, s16;
	(v2sf) =	vpush v8, $0xC;
	s31 =	spop (v2sf)  }
0x51b: {  	s6 =	sadd.f32 s6, s7;
	(v2sf) =	vpush v8, $0xD;
	s21 =	spop (v2sf)  }
0x51c: {  	s1 =	sadd.f32 s1, s15;
	(v2sf) =	vpush v8, $0xE;
	s18 =	spop (v2sf)  }
0x51d: {  	s6 =	sadd.f32 s6, s25;
	(v2sf) =	vpush v8, $0xF;
	s23 =	spop (v2sf)  }
0x51e: {  	s1 =	sadd.f32 s1, s14;
	(v2sf) =	vpush v6, $0x0;
	s2 =	spop (v2sf)  }
0x51f: {  	s0 =	sadd.f32 s6, s0;
	(v2sf) =	vpush v6, $0x1;
	s3 =	spop (v2sf)  }
0x520: {  	s1 =	sadd.f32 s1, s13;
	(v2sf) =	vpush v6, $0x2;
	s22 =	spop (v2sf)  }
0x521: {  	s0 =	sadd.f32 s0, s26;
	(v2sf) =	vpush v6, $0x3;
	s20 =	spop (v2sf)  }
0x522: {  	s1 =	sadd.f32 s1, s5;
	(v2sf) =	vpush v6, $0x4;
	s19 =	spop (v2sf)  }
0x523: {  	s0 =	sadd.f32 s0, s28;
	(v2sf) =	vpush v6, $0x5;
	s17 =	spop (v2sf)  }
0x524: {  	s2 =	sadd.f32 s2, s23;
	(v2sf) =	vpush v6, $0x6;
	s16 =	spop (v2sf)  }
0x525: {  	s0 =	sadd.f32 s0, s24;
	(v2sf) =	vpush v6, $0x7;
	s15 =	spop (v2sf)  }
0x526: {  	s1 =	sadd.f32 s1, s4;
	(v2sf) =	vpush v6, $0x8;
	s14 =	spop (v2sf)  }
0x527: {  	s0 =	sadd.f32 s0, s30;
	(v2sf) =	vpush v6, $0x9;
	s12 =	spop (v2sf)  }
0x528: {  	s28 =	sadd.f32 s2, s3;
	(v2sf) =	vpush v6, $0xA;
	s10 =	spop (v2sf)  }
0x529: {  	s0 =	sadd.f32 s0, s31;
	(v2sf) =	vpush v6, $0xB;
	s8 =	spop (v2sf)  }
0x52a: {  	s1 =	sadd.f32 s1, s9;
	(v2sf) =	vpush v6, $0xC;
	s7 =	spop (v2sf)  }
0x52b: {  	s0 =	sadd.f32 s0, s21;
	(v2sf) =	vpush v6, $0xD;
	s5 =	spop (v2sf)  }
0x52c: {  	v7 =	vadd.f32 v10, v7;
	s31 =	sadd.f32 s1, s29;
	(v2sf) =	vpush v6, $0xE;
	s4 =	spop (v2sf)  }
0x52d: {  	s30 =	sadd.f32 s0, s18;
	(v2sf) =	vpush v6, $0xF;
	s6 =	spop (v2sf)  }
0x52e: {  	s0 =	sadd.f32 s28, s22;
	(v2sf) =	vpush v7, $0x0;
	s9 =	spop (v2sf)  }
0x52f: {  	(v2sf) =	vpush v7, $0x1;
	s13 =	spop (v2sf);
	s29 =	sadd.f32 s9, s6  }
0x530: {  	s0 =	sadd.f32 s0, s20;
	(v2sf) =	vpush v7, $0x2;
	s1 =	spop (v2sf)  }
0x531: {  	(v2sf) =	vpush v7, $0x3;
	s24 =	spop (v2sf);
	s3 =	sadd.f32 s29, s13  }
0x532: {  	s0 =	sadd.f32 s0, s19;
	(v2sf) =	vpush v7, $0x4;
	s25 =	spop (v2sf)  }
0x533: {  	(v2sf) =	vpush v7, $0x5;
	s26 =	spop (v2sf);
	s1 =	sadd.f32 s3, s1  }
0x534: {  	s17 =	sadd.f32 s0, s17;
	(v2sf) =	vpush v7, $0x6;
	s2 =	spop (v2sf)  }
0x535: {  	(v2sf) =	vpush v7, $0x7;
	s6 =	spop (v2sf);
	s1 =	sadd.f32 s1, s24  }
0x536: {  	s16 =	sadd.f32 s17, s16;
	(v2sf) =	vpush v7, $0x8;
	s9 =	spop (v2sf)  }
0x537: {  	(v2sf) =	vpush v7, $0x9;
	s13 =	spop (v2sf);
	s1 =	sadd.f32 s1, s25  }
0x538: {  	s15 =	sadd.f32 s16, s15;
	(v2sf) =	vpush v7, $0xA;
	s20 =	spop (v2sf)  }
0x539: {  	(v2sf) =	vpush v7, $0xB;
	s3 =	spop (v2sf);
	s1 =	sadd.f32 s1, s26  }
0x53a: {  	s29 =	sadd.f32 s15, s14;
	(v2sf) =	vpush v7, $0xC;
	s22 =	spop (v2sf)  }
0x53b: {  	(v2sf) =	vpush v7, $0xD;
	s21 =	spop (v2sf);
	s1 =	sadd.f32 s1, s2  }
0x53c: {  	(v2sf) =	vpush v7, $0xE;
	s2 =	sadd.f32 s29, s12;
	s0 =	spop (v2sf)  }
0x53d: {  	(v2sf) =	vpush v7, $0xF;
	s24 =	spop (v2sf);
	s1 =	sadd.f32 s1, s6  }
0x53e: {  	(v2sf) =	vpush v4, $0x0;
	s2 =	sadd.f32 s2, s10;
	s28 =	spop (v2sf)  }
0x53f: {  	(v2sf) =	vpush v4, $0x1;
	s25 =	spop (v2sf);
	s1 =	sadd.f32 s1, s9  }
0x540: {  	s2 =	sadd.f32 s2, s8;
	s26 =	spop (v2sf)  }
0x541: {  	(v2sf) =	vpush v4, $0x2;
	s19 =	spop (v2sf);
	s1 =	sadd.f32 s1, s13  }
0x542: {  	s28 =	sadd.f32 s28, s24;
	(v2sf) =	vpush v4, $0x3;
	s18 =	spop (v2sf)  }
0x543: {  	(v2sf) =	vpush v4, $0x4;
	s17 =	spop (v2sf);
	s1 =	sadd.f32 s1, s20  }
0x544: {  	s2 =	sadd.f32 s2, s7;
	(v2sf) =	vpush v4, $0x5;
	s16 =	spop (v2sf)  }
0x545: {  	(v2sf) =	vpush v4, $0x6;
	s15 =	spop (v2sf);
	s1 =	sadd.f32 s1, s3  }
0x546: {  	s23 =	sadd.f32 s28, s25;
	(v2sf) =	vpush v4, $0x7;
	s14 =	spop (v2sf)  }
0x547: {  	(v2sf) =	vpush v4, $0x8;
	s13 =	spop (v2sf);
	s1 =	sadd.f32 s1, s22  }
0x548: {  	s5 =	sadd.f32 s2, s5;
	(v2sf) =	vpush v4, $0x9;
	s12 =	spop (v2sf)  }
0x549: {  	(v2sf) =	vpush v4, $0xA;
	s10 =	spop (v2sf);
	s1 =	sadd.f32 s1, s21  }
0x54a: {  	s3 =	sadd.f32 s5, s4;
	(v2sf) =	vpush v4, $0xB;
	s8 =	spop (v2sf)  }
0x54b: {  	(v2sf) =	vpush v4, $0xC;
	s7 =	spop (v2sf);
	s4 =	sadd.f32 s1, s0  }
0x54c: {  	v30 =	vsel vm4, $0x3F800000, v0;
	(v2sf) =	vpush v4, $0xD;
	s1 =	sadd.f32 s23, s26;
	s2 =	spop (v2sf)  }
0x54d: {  	v5 =	vadd.f32 v30, v5;
	v47 =	vmov s30;
	s30 =	rddreg [dreg:$0x11];
	(v2sf) =	vpush v4, $0xE;
	s6 =	spop (v2sf)  }
0x54e: {  	(v2sf) =	vpush v4, $0xF;
	s1 =	sadd.f32 s1, s19;
	s9 =	spop (v2sf)  }
0x54f: {  	(v2sf) =	vpush v5, $0x0;
	s5 =	sadd.f32 s9, s6  }
0x550: {  	(v2sf) =	vpush v5, $0x1;
	s21 =	spop (v2sf);
	s1 =	sadd.f32 s1, s18  }
0x551: {  	(v2sf) =	vpush v5, $0x2;
	s29 =	spop (v2sf);
	s5 =	sadd.f32 s5, s21  }
0x552: {  	(v2sf) =	vpush v5, $0x3;
	s22 =	spop (v2sf);
	s1 =	sadd.f32 s1, s17  }
0x553: {  	(v2sf) =	vpush v5, $0x4;
	s24 =	spop (v2sf);
	s5 =	sadd.f32 s5, s29  }
0x554: {  	(v2sf) =	vpush v5, $0x5;
	s25 =	spop (v2sf);
	s1 =	sadd.f32 s1, s16  }
0x555: {  	(v2sf) =	vpush v5, $0x6;
	s26 =	spop (v2sf);
	s0 =	sadd.f32 s5, s22  }
0x556: {  	(v2sf) =	vpush v5, $0x7;
	s28 =	spop (v2sf);
	s1 =	sadd.f32 s1, s15  }
0x557: {  	(v2sf) =	vpush v5, $0x8;
	s19 =	spop (v2sf);
	s0 =	sadd.f32 s0, s24  }
0x558: {  	(v2sf) =	vpush v5, $0x9;
	s21 =	spop (v2sf);
	s1 =	sadd.f32 s1, s14  }
0x559: {  	(v2sf) =	vpush v5, $0xA;
	s18 =	spop (v2sf);
	s0 =	sadd.f32 s0, s25  }
0x55a: {  	(v2sf) =	vpush v5, $0xB;
	s23 =	spop (v2sf);
	s1 =	sadd.f32 s1, s13  }
0x55b: {  	(v2sf) =	vpush v5, $0xC;
	s29 =	spop (v2sf);
	s0 =	sadd.f32 s0, s26  }
0x55c: {  	(v2sf) =	vpush v5, $0xD;
	s20 =	spop (v2sf);
	s1 =	sadd.f32 s1, s12  }
0x55d: {  	(v2sf) =	vpush v5, $0xE;
	s24 =	spop (v2sf);
	s0 =	sadd.f32 s0, s28  }
0x55e: {  	(v2sf) =	vpush v5, $0xF;
	s6 =	spop (v2sf);
	s1 =	sadd.f32 s1, s10  }
0x55f: {  	(v2sf) =	vpush v2, $0x0;
	s25 =	spop (v2sf);
	s19 =	sadd.f32 s0, s19  }
0x560: {  	(v2sf) =	vpush v2, $0x1;
	s22 =	spop (v2sf);
	s1 =	sadd.f32 s1, s8  }
0x561: {  	s6 =	sadd.f32 s25, s6;
	s26 =	spop (v2sf)  }
0x562: {  	(v2sf) =	vpush v2, $0x2;
	s9 =	spop (v2sf);
	s21 =	sadd.f32 s19, s21  }
0x563: {  	(v2sf) =	vpush v2, $0x3;
	s1 =	sadd.f32 s1, s7;
	s28 =	spop (v2sf)  }
0x564: {  	(v2sf) =	vpush v2, $0x4;
	s6 =	sadd.f32 s6, s22;
	s0 =	spop (v2sf)  }
0x565: {  	(v2sf) =	vpush v2, $0x5;
	s12 =	sadd.f32 s21, s18;
	s17 =	spop (v2sf)  }
0x566: {  	(v2sf) =	vpush v2, $0x6;
	s6 =	sadd.f32 s6, s26;
	s16 =	spop (v2sf)  }
0x567: {  	(v2sf) =	vpush v2, $0x7;
	s5 =	sadd.f32 s12, s23;
	s15 =	spop (v2sf)  }
0x568: {  	(v2sf) =	vpush v2, $0x8;
	s12 =	sadd.f32 s1, s2;
	s13 =	spop (v2sf)  }
0x569: {  	s6 =	sadd.f32 s6, s9;
	(v2sf) =	vpush v2, $0x9;
	s10 =	spop (v2sf)  }
0x56a: {  	(v2sf) =	vpush v2, $0xA;
	s29 =	sadd.f32 s5, s29;
	s8 =	spop (v2sf)  }
0x56b: {  	s6 =	sadd.f32 s6, s28;
	(v2sf) =	vpush v2, $0xB;
	s7 =	spop (v2sf)  }
0x56c: {  	(v2sf) =	vpush v2, $0xC;
	s18 =	sadd.f32 s29, s20;
	s5 =	spop (v2sf)  }
0x56d: {  	v31 =	vsel vm15, $0x3F800000, v0;
	s0 =	sadd.f32 s6, s0;
	(v2sf) =	vpush v2, $0xD;
	s2 =	spop (v2sf)  }
0x56e: {  	v3 =	vadd.f32 v31, v3;
	(v2sf) =	vpush v2, $0xE;
	s14 =	sadd.f32 s18, s24;
	s19 =	spop (v2sf)  }
0x56f: {  	s0 =	sadd.f32 s0, s17;
	(v2sf) =	vpush v2, $0xF;
	s20 =	spop (v2sf)  }
0x570: {  	(v2sf) =	vpush v3, $0x0;
	s18 =	sadd.f32 s20, s19  }
0x571: {  	s0 =	sadd.f32 s0, s16;
	(v2sf) =	vpush v3, $0x1;
	s21 =	spop (v2sf)  }
0x572: {  	s22 =	spop (v2sf);
	s1 =	sadd.f32 s18, s21  }
0x573: {  	s0 =	sadd.f32 s0, s15;
	s23 =	spop (v2sf)  }
0x574: {  	s24 =	spop (v2sf);
	s1 =	sadd.f32 s1, s22  }
0x575: {  	s0 =	sadd.f32 s0, s13;
	s25 =	spop (v2sf)  }
0x576: {  	(v2sf) =	vpush v3, $0x2;
	s26 =	spop (v2sf);
	s1 =	sadd.f32 s1, s23  }
0x577: {  	s0 =	sadd.f32 s0, s10;
	s22 =	spop (v2sf)  }
0x578: {  	s29 =	spop (v2sf);
	s1 =	sadd.f32 s1, s24  }
0x579: {  	s0 =	sadd.f32 s0, s8;
	s19 =	spop (v2sf)  }
0x57a: {  	(v2sf) =	vpush v3, $0x3;
	s6 =	spop (v2sf);
	s1 =	sadd.f32 s1, s25  }
0x57b: {  	s0 =	sadd.f32 s0, s7;
	s21 =	spop (v2sf)  }
0x57c: {  	(v2sf) =	vpush v3, $0x4;
	s23 =	spop (v2sf);
	s1 =	sadd.f32 s1, s26  }
0x57d: {  	s0 =	sadd.f32 s0, s5;
	s24 =	spop (v2sf)  }
0x57e: {  	(v2sf) =	vpush v3, $0x5;
	s25 =	spop (v2sf);
	s1 =	sadd.f32 s1, s22  }
0x57f: {  	(v2sf) =	vpush v3, $0x6;
	s7 =	sadd.f32 s0, s2;
	s9 =	spop (v2sf)  }
0x580: {  	(v2sf) =	vpush v3, $0x7;
	s26 =	spop (v2sf);
	s1 =	sadd.f32 s1, s29  }
0x581: {  	(v2sf) =	vpush v3, $0x8;
	s9 =	sadd.f32 s26, s9  }
0x582: {  	(v2sf) =	vpush v3, $0x9;
	s26 =	rddreg [dreg:$0xc]  }
0x583: {  	(v2sf) =	vpush v3, $0xA;
	s1 =	sadd.f32 s1, s19  }
0x584: {  	(v2sf) =	vpush v3, $0xB;
	v32 =	vmov s26;
	s26 =	sld [smem:$0x7F9]  }
0x585: {  	(v2sf) =	vpush v3, $0xC;
	s20 =	spop (v2sf);
	s1 =	sadd.f32 s1, s6  }
0x586: {  	(v2sf) =	vpush v3, $0xD;
	s6 =	sadd.f32 s9, s20  }
0x587: {  	(v2sf) =	vpush v3, $0xE;
	s20 =	rddreg [dreg:$0xd]  }
0x588: {  	(v2sf) =	vpush v3, $0xF;
	v33 =	vmov s20;
	s20 =	rddreg [dreg:$0x19]  }
0x589: {  	(v2sf) =	vpush v1, $0x0;
	s28 =	spop (v2sf);
	s1 =	sadd.f32 s1, s21  }
0x58a: {  	(v2sf) =	vpush v1, $0x1;
	s6 =	sadd.f32 s6, s28  }
0x58b: {  	s22 =	spop (v2sf);
	s1 =	sadd.f32 s1, s23  }
0x58c: {  	s6 =	sadd.f32 s6, s22  }
0x58d: {  	s29 =	spop (v2sf);
	s1 =	sadd.f32 s1, s24  }
0x58e: {  	(v2sf) =	vpush v1, $0x2;
	s10 =	spop (v2sf);
	s24 =	rddreg [dreg:$0xa]  }
0x58f: {  	s18 =	spop (v2sf);
	s6 =	sadd.f32 s6, s29  }
0x590: {  	(v2sf) =	vpush v1, $0x3;
	s19 =	spop (v2sf);
	v2 =	vmov s24;
	s24 =	rddreg [dreg:$0x10]  }
0x591: {  	s17 =	spop (v2sf);
	s5 =	sadd.f32 s1, s25  }
0x592: {  	(v2sf) =	vpush v1, $0x4;
	s16 =	spop (v2sf);
	s25 =	rddreg [dreg:$0xb]  }
0x593: {  	s15 =	spop (v2sf);
	s6 =	sadd.f32 s6, s10  }
0x594: {  	(v2sf) =	vpush v1, $0x5;
	s13 =	spop (v2sf);
	v35 =	vmov s24;
	s24 =	sld [smem:$0x7FB]  }
0x595: {  	s2 =	spop (v2sf);
	s10 =	rddreg [dreg:$0x16]  }
0x596: {  	(v2sf) =	vpush v1, $0x6;
	s0 =	spop (v2sf);
	v3 =	vmov s25;
	s25 =	sld [smem:$0x7F8]  }
0x597: {  	s8 =	spop (v2sf);
	s6 =	sadd.f32 s6, s18  }
0x598: {  	(v2sf) =	vpush v1, $0x7;
	s21 =	spop (v2sf);
	s18 =	rddreg [dreg:$0x1b]  }
0x599: {  	s23 =	spop (v2sf);
	v42 =	vmov s24;
	s24 =	rddreg [dreg:$0x1f]  }
0x59a: {  	(v2sf) =	vpush v1, $0x8;
	s1 =	sadd.f32 s23, s21  }
0x59b: {  	s21 =	rddreg [dreg:$0xf]  }
0x59c: {  	(v2sf) =	vpush v1, $0x9;
	s6 =	sadd.f32 s6, s19  }
0x59d: {  	vm15 =	vcmask $0x300;
	s23 =	spop (v2sf);
	v34 =	vmov s21;
	s21 =	sld [smem:$0x7FA]  }
0x59e: {  	v2 =	vnsel vm15, $0x0, v2;
	(v2sf) =	vpush v1, $0xA;
	s1 =	sadd.f32 s1, s23  }
0x59f: {  	v4 =	vnsel vm2, $0x0, v32;
	v37 =	vmov s26;
	v2 =	vadd.f32 $0.0e+00, v2;
	s28 =	spop (v2sf);
	s6 =	sadd.f32 s6, s17  }
0x5a0: {  	(v2sf) =	vpush v1, $0xB;
	v3 =	vnsel vm1, $0x0, v3;
	v36 =	vmov s25;
	s1 =	sadd.f32 s1, s28  }
0x5a1: {  	v39 =	vnsel vm1, $0x0, v37;
	v2 =	vadd.f32 v3, v2;
	v3 =	vnsel vm15, $0x0, v36;
	s22 =	spop (v2sf);
	s28 =	rddreg [dreg:$0x12]  }
0x5a2: {  	(v2sf) =	vpush v1, $0xC;
	v3 =	vadd.f32 v39, v3;
	v38 =	vmov s21;
	s1 =	sadd.f32 s1, s22  }
0x5a3: {  	v40 =	vmov s11;
	v2 =	vadd.f32 v4, v2;
	s6 =	sadd.f32 s6, s16;
	v41 =	vnsel vm2, $0x0, v38;
	s23 =	spop (v2sf)  }
0x5a4: {  	v5 =	vnsel vm3, $0x0, v33;
	v3 =	vadd.f32 v41, v3;
	(v2sf) =	vpush v1, $0xD;
	s1 =	sadd.f32 s1, s23  }
0x5a5: {  	v43 =	vnsel vm3, $0x0, v40;
	v2 =	vadd.f32 v5, v2;
	s16 =	rddreg [dreg:$0x15];
	s25 =	spop (v2sf)  }
0x5a6: {  	v6 =	vnsel vm5, $0x0, v34;
	(v2sf) =	vpush v1, $0xE;
	v3 =	vadd.f32 v43, v3;
	s1 =	sadd.f32 s1, s25  }
0x5a7: {  	v44 =	vmov s31;
	v4 =	vnsel vm5, $0x0, v42;
	v2 =	vadd.f32 v6, v2;
	s11 =	sadd.f32 s6, s15;
	s26 =	spop (v2sf)  }
0x5a8: {  	v45 =	vnsel vm6, $0x0, v35;
	(v2sf) =	vpush v1, $0xF;
	v3 =	vadd.f32 v4, v3;
	s1 =	sadd.f32 s1, s26  }
0x5a9: {  	v46 =	vnsel vm6, $0x0, v44;
	s22 =	sld [smem:$0x7FC];
	v2 =	vadd.f32 v45, v2;
	v1 =	vmov s28;
	s29 =	spop (v2sf)  }
0x5aa: {  	v48 =	vmov s30;
	v1 =	vnsel vm7, $0x0, v1;
	v3 =	vadd.f32 v46, v3;
	s1 =	sadd.f32 s1, s29  }
0x5ab: {  	v49 =	vmov s3;
	s3 =	sadd.f32 s11, s13;
	s31 =	spop (v2sf);
	v1 =	vadd.f32 v1, v2;
	v2 =	vnsel vm7, $0x0, v47  }
0x5ac: {  	v4 =	vnsel vm8, $0x0, v48;
	v2 =	vadd.f32 v2, v3;
	s1 =	sadd.f32 s1, s31  }
0x5ad: {  	v50 =	vnsel vm8, $0x0, v49;
	s2 =	sadd.f32 s3, s2;
	s15 =	spop (v2sf);
	v1 =	vadd.f32 v4, v1;
	v3 =	vmov s10  }
0x5ae: {  	v51 =	vmov s4;
	v3 =	vnsel vm9, $0x0, v3;
	v2 =	vadd.f32 v50, v2;
	s1 =	sadd.f32 s1, s15  }
0x5af: {  	v52 =	vmov s16;
	s25 =	rddreg [dreg:$0x1d];
	s17 =	spop (v2sf);
	v1 =	vadd.f32 v3, v1;
	v3 =	vnsel vm9, $0x0, v51  }
0x5b0: {  	v53 =	vmov s12;
	v4 =	vnsel vm10, $0x0, v52;
	v2 =	vadd.f32 v3, v2;
	s1 =	sadd.f32 s1, s17  }
0x5b1: {  	v54 =	vnsel vm10, $0x0, v53;
	s0 =	sadd.f32 s2, s0;
	s19 =	spop (v2sf);
	v3 =	vmov s18;
	v1 =	vadd.f32 v4, v1  }
0x5b2: {  	v55 =	vmov s14;
	v3 =	vnsel vm11, $0x0, v3;
	v2 =	vadd.f32 v54, v2;
	s1 =	sadd.f32 s1, s19  }
0x5b3: {  	v56 =	vmov s20;
	s26 =	sld [smem:$0x7FD];
	v1 =	vadd.f32 v3, v1;
	v3 =	vnsel vm11, $0x0, v55;
	s21 =	spop (v2sf)  }
0x5b4: {  	v57 =	vmov s7;
	v4 =	vnsel vm12, $0x0, v56;
	v2 =	vadd.f32 v3, v2;
	s1 =	sadd.f32 s1, s21  }
0x5b5: {  	v58 =	vnsel vm12, $0x0, v57;
	s0 =	sadd.f32 s0, s8;
	v3 =	vmov s22;
	s23 =	spop (v2sf);
	v1 =	vadd.f32 v4, v1  }
0x5b6: {  	v59 =	vmov s5;
	v3 =	vnsel vm13, $0x0, v3;
	v2 =	vadd.f32 v58, v2;
	s1 =	sadd.f32 s1, s23  }
0x5b7: {  	v60 =	vmov s24;
	s2 =	sadd.f32 s26, s25;
	s28 =	spop (v2sf);
	v1 =	vadd.f32 v3, v1;
	v3 =	vnsel vm13, $0x0, v59  }
0x5b8: {  	v61 =	vmov s0;
	v4 =	vnsel vm14, $0x0, v60;
	v2 =	vadd.f32 v3, v2;
	s29 =	sadd.f32 s1, s28  }
0x5b9: {  	v62 =	vnsel vm14, $0x0, v61;
	v1 =	vadd.f32 v4, v1;
	v3 =	vmov s2  }
0x5ba: {  	v3 =	vnsel vm0, $0x0, v3;
	v2 =	vadd.f32 v62, v2;
	v63 =	vmov s29  }
0x5bb: {  	v1 =	vadd.f32 v3, v1;
	v3 =	vnsel vm0, $0x0, v63  }
0x5bc: {  	v2 =	vadd.f32 v3, v2  }
0x5bd: {  	[tilespmem:$0x1010] =	vst v1  }
0x5be: {  	s30 =	rddreg [dreg:$0x6];
	s31 =	simm.s32 $0x1000;
	s18 =	simm.s32 $0x1;
	[tilespmem:$0x1020] =	vst v2  }
0x5bf: {  	[spmem:s30] =	stream.linear.scatter [tilespmem:s31], [sflag:$0x1], $0x30, $0x38;
	[tilespmem:$0x13B0] =	vst v63  }
.Ltmp3:
0x5c0: {  	_ =	swait.ge [sflag:s18], $0x30;
	(pc) =	sbr.rel @p0 .LBB2_5-.Ltmp3, $4  }
0x5c1: {  	[sflag:s18] =	ssyncset.done $0x0  }
0x5c2: {  	[sflag:s18] =	ssyncadd.s32 $0xFFFFFFD0  }
0x5c3: {  	[bflag:$0x0] =	sbarrier.arrive $0xFFFF  }
0x5c4: {  	s19 =	rddreg [dreg:$0x9]  }
0x5c5: {  	s0 =	rddreg [dreg:$0x2];
	s1 =	simm.s32 $0x10B0  }
0x5c6: {  	[tilespmem:s1], [sflag:$0x1] =	stream.linear.gather [spmem:s0], $0x300, $0x38;
	[tilespmem:$0x13B0] =	vst v63  }
0x5c7: {  	_ =	swait.ge [sflag:s18], $0x300  }
0x5c8: {  	[sflag:s18] =	ssyncset.done $0x0  }
0x5c9: {  	[sflag:s18] =	ssyncadd.s32 $0xFFFFFD00  }
0x5ca: {  	v1 =	vld [tilespmem:$0x10B0]  }
0x5cb: {  	v2 =	vld [tilespmem:$0x10C0]  }
0x5cc: {  	v3 =	vld [tilespmem:$0x10D0]  }
0x5cd: {  	v4 =	vld [tilespmem:$0x10E0]  }
0x5ce: {  	v5 =	vld [tilespmem:$0x10F0]  }
0x5cf: {  	v6 =	vld [tilespmem:$0x1100]  }
0x5d0: {  	v7 =	vld [tilespmem:$0x1110]  }
0x5d1: {  	v8 =	vld [tilespmem:$0x1120]  }
0x5d2: {  	v9 =	vld [tilespmem:$0x1140];
	v1 =	vadd.f32 $0.0e+00, v1;
	v2 =	vadd.f32 $0.0e+00, v2  }
0x5d3: {  	v10 =	vld [tilespmem:$0x1150]  }
0x5d4: {  	v31 =	vld [tilespmem:$0x1130];
	v1 =	vadd.f32 v4, v1;
	v2 =	vadd.f32 v5, v2  }
0x5d5: {  	v3 =	vadd.f32 $0.0e+00, v3  }
0x5d6: {  	v32 =	vld [tilespmem:$0x1160];
	v1 =	vadd.f32 v7, v1;
	v2 =	vadd.f32 v8, v2  }
0x5d7: {  	v3 =	vadd.f32 v6, v3  }
0x5d8: {  	v1 =	vadd.f32 v9, v1;
	v2 =	vadd.f32 v10, v2  }
0x5d9: {  	v33 =	vld [tilespmem:$0x1190];
	v3 =	vadd.f32 v31, v3  }
0x5da: {  	v1 =	vsub.f32 v1, v2  }
0x5db: {  	v36 =	vld [tilespmem:$0x11C0];
	v2 =	vadd.f32 v32, v3  }
0x5dc: {  	v3 =	vld [tilespmem:$0x1170];
	v1 =	vmul.f32 $1.220703130e-04, v1  }
0x5dd: {  	vm0 =	vgt.f32 v2, $0.0e+00;
	v2 =	vld [tilespmem:$0x1180]  }
0x5de: {  	v34 =	vld [tilespmem:$0x11A0];
	v4 =	vadd.f32 $0.0e+00, v33;
	v1 =	vand.u32 $0x7FFFFFFF, v1  }
0x5df: {  	v35 =	vld [tilespmem:$0x11B0];
	v1 =	vnsel vm0, $0x0, v1  }
0x5e0: {  	v37 =	vld [tilespmem:$0x11D0];
	v4 =	vadd.f32 v36, v4;
	(v2sf) =	vpush v1, $0x0  }
0x5e1: {  	v38 =	vld [tilespmem:$0x11E0];
	v3 =	vadd.f32 $0.0e+00, v3;
	(v2sf) =	vpush v1, $0x1  }
0x5e2: {  	v39 =	vld [tilespmem:$0x1200];
	v2 =	vadd.f32 $0.0e+00, v2;
	(v2sf) =	vpush v1, $0x2  }
0x5e3: {  	v40 =	vld [tilespmem:$0x1210];
	v3 =	vadd.f32 v34, v3;
	(v2sf) =	vpush v1, $0x3  }
0x5e4: {  	v41 =	vld [tilespmem:$0x11F0];
	v2 =	vadd.f32 v35, v2;
	(v2sf) =	vpush v1, $0x4  }
0x5e5: {  	v3 =	vadd.f32 v37, v3;
	(v2sf) =	vpush v1, $0x5  }
0x5e6: {  	v42 =	vld [tilespmem:$0x1220];
	v2 =	vadd.f32 v38, v2;
	(v2sf) =	vpush v1, $0x6  }
0x5e7: {  	v3 =	vadd.f32 v39, v3;
	(v2sf) =	vpush v1, $0x7  }
0x5e8: {  	v43 =	vld [tilespmem:$0x1230];
	v2 =	vadd.f32 v40, v2;
	(v2sf) =	vpush v1, $0x8  }
0x5e9: {  	v4 =	vadd.f32 v41, v4;
	(v2sf) =	vpush v1, $0x9  }
0x5ea: {  	v44 =	vld [tilespmem:$0x1260];
	v2 =	vsub.f32 v3, v2;
	(v2sf) =	vpush v1, $0xA  }
0x5eb: {  	v3 =	vadd.f32 v42, v4;
	(v2sf) =	vpush v1, $0xB  }
0x5ec: {  	v47 =	vld [tilespmem:$0x1290];
	v2 =	vmul.f32 $1.220703130e-04, v2;
	(v2sf) =	vpush v1, $0xC  }
0x5ed: {  	v4 =	vadd.f32 $0.0e+00, v43;
	vm9 =	vgt.f32 v3, $0.0e+00;
	v3 =	vld [tilespmem:$0x1240];
	(v2sf) =	vpush v1, $0xD  }
0x5ee: {  	v49 =	vld [tilespmem:$0x12C0];
	v2 =	vand.u32 $0x7FFFFFFF, v2;
	(v2sf) =	vpush v1, $0xE  }
0x5ef: {  	v45 =	vld [tilespmem:$0x1270];
	v4 =	vadd.f32 v44, v4;
	(v2sf) =	vpush v1, $0xF;
	v1 =	vnsel vm9, $0x0, v2;
	s13 =	spop (v2sf)  }
0x5f0: {  	v2 =	vld [tilespmem:$0x1250];
	(v2sf) =	vpush v1, $0x0;
	s14 =	spop (v2sf)  }
0x5f1: {  	v48 =	vld [tilespmem:$0x12A0];
	v4 =	vadd.f32 v47, v4;
	(v2sf) =	vpush v1, $0x1;
	s15 =	spop (v2sf)  }
0x5f2: {  	v46 =	vld [tilespmem:$0x1280];
	v3 =	vadd.f32 $0.0e+00, v3;
	(v2sf) =	vpush v1, $0x2;
	s12 =	spop (v2sf)  }
0x5f3: {  	v50 =	vld [tilespmem:$0x12D0];
	v4 =	vadd.f32 v49, v4;
	(v2sf) =	vpush v1, $0x3;
	s11 =	spop (v2sf)  }
0x5f4: {  	v51 =	vld [tilespmem:$0x12B0];
	v3 =	vadd.f32 v45, v3;
	(v2sf) =	vpush v1, $0x4;
	s10 =	spop (v2sf)  }
0x5f5: {  	v2 =	vadd.f32 $0.0e+00, v2;
	(v2sf) =	vpush v1, $0x5;
	s9 =	spop (v2sf)  }
0x5f6: {  	v3 =	vadd.f32 v48, v3;
	(v2sf) =	vpush v1, $0x6;
	s8 =	spop (v2sf)  }
0x5f7: {  	v52 =	vld [tilespmem:$0x12E0];
	v2 =	vadd.f32 v46, v2;
	(v2sf) =	vpush v1, $0x7;
	s7 =	spop (v2sf)  }
0x5f8: {  	v3 =	vadd.f32 v50, v3;
	(v2sf) =	vpush v1, $0x8;
	s6 =	spop (v2sf)  }
0x5f9: {  	v2 =	vadd.f32 v51, v2;
	(v2sf) =	vpush v1, $0x9;
	s5 =	spop (v2sf)  }
0x5fa: {  	v54 =	vld [tilespmem:$0x1300];
	v3 =	vsub.f32 v4, v3;
	(v2sf) =	vpush v1, $0xA;
	s4 =	spop (v2sf)  }
0x5fb: {  	v55 =	vld [tilespmem:$0x1310];
	(v2sf) =	vpush v1, $0xB;
	s2 =	spop (v2sf)  }
0x5fc: {  	v53 =	vld [tilespmem:$0x12F0];
	v2 =	vadd.f32 v52, v2;
	v3 =	vmul.f32 $1.220703130e-04, v3;
	(v2sf) =	vpush v1, $0xC;
	s3 =	spop (v2sf)  }
0x5fd: {  	v56 =	vld [tilespmem:$0x1340];
	(v2sf) =	vpush v1, $0xD;
	s0 =	spop (v2sf)  }
0x5fe: {  	vm10 =	vgt.f32 v2, $0.0e+00;
	v2 =	vand.u32 $0x7FFFFFFF, v3;
	v3 =	vld [tilespmem:$0x1320];
	(v2sf) =	vpush v1, $0xE;
	s1 =	spop (v2sf)  }
0x5ff: {  	v5 =	vadd.f32 $0.0e+00, v54;
	(v2sf) =	vpush v1, $0xF;
	v1 =	vnsel vm10, $0x0, v2;
	v2 =	vld [tilespmem:$0x1330];
	s16 =	spop (v2sf)  }
0x600: {  	v57 =	vld [tilespmem:$0x1350];
	v6 =	vadd.f32 $0.0e+00, v55;
	s13 =	sadd.f32 s14, s13;
	(v2sf) =	vpush v1, $0x0;
	s23 =	spop (v2sf)  }
0x601: {  	v58 =	vld [tilespmem:$0x1360];
	v4 =	vadd.f32 $0.0e+00, v53;
	(v2sf) =	vpush v1, $0x1;
	s17 =	spop (v2sf)  }
0x602: {  	v59 =	vld [tilespmem:$0x1380];
	v6 =	vadd.f32 v56, v6;
	s13 =	sadd.f32 s13, s15;
	(v2sf) =	vpush v1, $0x2;
	s24 =	spop (v2sf)  }
0x603: {  	v60 =	vld [tilespmem:$0x1390];
	v3 =	vadd.f32 v3, v4;
	s14 =	sadd.f32 s23, s16;
	s25 =	spop (v2sf);
	(v2sf) =	vpush v1, $0x3  }
0x604: {  	v61 =	vld [tilespmem:$0x1370];
	s12 =	sadd.f32 s13, s12;
	v2 =	vadd.f32 v2, v5;
	s26 =	spop (v2sf);
	(v2sf) =	vpush v1, $0x4  }
0x605: {  	v3 =	vadd.f32 v57, v3;
	s14 =	sadd.f32 s14, s17;
	s28 =	spop (v2sf);
	(v2sf) =	vpush v1, $0x5  }
0x606: {  	s11 =	sadd.f32 s12, s11;
	v2 =	vadd.f32 v58, v2;
	s29 =	spop (v2sf);
	(v2sf) =	vpush v1, $0x6  }
0x607: {  	v62 =	vld [tilespmem:$0x13A0];
	s14 =	sadd.f32 s14, s24;
	v3 =	vadd.f32 v59, v3;
	s30 =	spop (v2sf);
	(v2sf) =	vpush v1, $0x7  }
0x608: {  	s10 =	sadd.f32 s11, s10;
	v2 =	vadd.f32 v60, v2;
	s31 =	spop (v2sf);
	(v2sf) =	vpush v1, $0x8  }
0x609: {  	v63 =	vadd.f32 v61, v6;
	s14 =	sadd.f32 s14, s25;
	s20 =	spop (v2sf);
	(v2sf) =	vpush v1, $0x9  }
0x60a: {  	s9 =	sadd.f32 s10, s9;
	s21 =	spop (v2sf);
	(v2sf) =	vpush v1, $0xA;
	v2 =	vsub.f32 v3, v2  }
0x60b: {  	s13 =	sadd.f32 s14, s26;
	s22 =	spop (v2sf);
	(v2sf) =	vpush v1, $0xB  }
0x60c: {  	s8 =	sadd.f32 s9, s8;
	v3 =	vadd.f32 v62, v63;
	s23 =	spop (v2sf);
	(v2sf) =	vpush v1, $0xC;
	v2 =	vmul.f32 $1.220703130e-04, v2  }
0x60d: {  	s13 =	sadd.f32 s13, s28;
	s24 =	spop (v2sf);
	(v2sf) =	vpush v1, $0xD  }
0x60e: {  	s7 =	sadd.f32 s8, s7;
	vm11 =	vgt.f32 v3, $0.0e+00;
	s8 =	spop (v2sf);
	(v2sf) =	vpush v1, $0xE;
	v2 =	vand.u32 $0x7FFFFFFF, v2  }
0x60f: {  	s12 =	sadd.f32 s13, s29;
	s25 =	spop (v2sf);
	(v2sf) =	vpush v1, $0xF;
	v1 =	vnsel vm11, $0x0, v2  }
0x610: {  	s6 =	sadd.f32 s7, s6;
	s26 =	spop (v2sf);
	(v2sf) =	vpush v1, $0x0  }
0x611: {  	s12 =	sadd.f32 s12, s30;
	s28 =	spop (v2sf);
	(v2sf) =	vpush v1, $0x1  }
0x612: {  	s5 =	sadd.f32 s6, s5;
	s29 =	spop (v2sf)  }
0x613: {  	s11 =	sadd.f32 s12, s31;
	(v2sf) =	vpush v1, $0x2;
	s30 =	spop (v2sf)  }
0x614: {  	s4 =	sadd.f32 s5, s4;
	s31 =	spop (v2sf)  }
0x615: {  	s11 =	sadd.f32 s11, s20;
	(v2sf) =	vpush v1, $0x3;
	s16 =	spop (v2sf)  }
0x616: {  	s2 =	sadd.f32 s4, s2;
	s4 =	spop (v2sf)  }
0x617: {  	(v2sf) =	vpush v1, $0x4;
	s10 =	sadd.f32 s11, s21;
	s11 =	spop (v2sf)  }
0x618: {  	s2 =	sadd.f32 s2, s3;
	s3 =	spop (v2sf)  }
0x619: {  	(v2sf) =	vpush v1, $0x5;
	s10 =	sadd.f32 s10, s22;
	s20 =	spop (v2sf)  }
0x61a: {  	s0 =	sadd.f32 s2, s0;
	s21 =	spop (v2sf)  }
0x61b: {  	(v2sf) =	vpush v1, $0x6;
	s9 =	sadd.f32 s10, s23;
	s22 =	spop (v2sf)  }
0x61c: {  	s7 =	sadd.f32 s26, s25;
	s23 =	spop (v2sf)  }
0x61d: {  	(v2sf) =	vpush v1, $0x7;
	s9 =	sadd.f32 s9, s24;
	s24 =	spop (v2sf)  }
0x61e: {  	s0 =	sadd.f32 s0, s1;
	s25 =	spop (v2sf)  }
0x61f: {  	s7 =	sadd.f32 s7, s28;
	(v2sf) =	vpush v1, $0x8;
	s26 =	spop (v2sf)  }
0x620: {  	s8 =	sadd.f32 s9, s8;
	s28 =	spop (v2sf)  }
0x621: {  	(v2sf) =	vpush v1, $0x9;
	s9 =	sadd.f32 s28, s26  }
0x622: {  	s6 =	sadd.f32 s7, s29;
	s29 =	spop (v2sf)  }
0x623: {  	(v2sf) =	vpush v1, $0xA;
	s7 =	sadd.f32 s9, s29  }
0x624: {  	s6 =	sadd.f32 s6, s30;
	s30 =	spop (v2sf)  }
0x625: {  	(v2sf) =	vpush v1, $0xB;
	s7 =	sadd.f32 s7, s30  }
0x626: {  	s5 =	sadd.f32 s6, s31;
	s31 =	spop (v2sf)  }
0x627: {  	(v2sf) =	vpush v1, $0xC;
	s6 =	sadd.f32 s7, s31  }
0x628: {  	s5 =	sadd.f32 s5, s16;
	s9 =	spop (v2sf)  }
0x629: {  	(v2sf) =	vpush v1, $0xD;
	s6 =	sadd.f32 s6, s9  }
0x62a: {  	s4 =	sadd.f32 s5, s4;
	s12 =	spop (v2sf)  }
0x62b: {  	(v2sf) =	vpush v1, $0xE;
	s5 =	sadd.f32 s6, s12  }
0x62c: {  	s4 =	sadd.f32 s4, s11;
	s15 =	spop (v2sf)  }
0x62d: {  	(v2sf) =	vpush v1, $0xF;
	s5 =	sadd.f32 s5, s15  }
0x62e: {  	s3 =	sadd.f32 s4, s3;
	s16 =	spop (v2sf)  }
0x62f: {  	s4 =	sadd.f32 s5, s16  }
0x630: {  	s3 =	sadd.f32 s3, s20;
	s20 =	spop (v2sf)  }
0x631: {  	s4 =	sadd.f32 s4, s20  }
0x632: {  	s2 =	sadd.f32 s3, s21;
	s21 =	spop (v2sf)  }
0x633: {  	s3 =	sadd.f32 s4, s21  }
0x634: {  	s2 =	sadd.f32 s2, s22;
	s22 =	spop (v2sf)  }
0x635: {  	s3 =	sadd.f32 s3, s22  }
0x636: {  	s1 =	sadd.f32 s2, s23;
	s23 =	spop (v2sf)  }
0x637: {  	s2 =	sadd.f32 s3, s23  }
0x638: {  	s1 =	sadd.f32 s1, s24;
	s24 =	spop (v2sf)  }
0x639: {  	s2 =	sadd.f32 s2, s24  }
0x63a: {  	vm12 =	vcmask $0x300;
	s1 =	sadd.f32 s1, s25;
	s25 =	spop (v2sf)  }
0x63b: {  	vm13 =	vcmask $0x704;
	v2 =	vmov s8;
	v1 =	vmov s0;
	s26 =	sadd.f32 s2, s25  }
0x63c: {  	v2 =	vnsel vm13, $0x0, v2;
	v1 =	vnsel vm12, $0x0, v1;
	s28 =	spop (v2sf)  }
0x63d: {  	vm14 =	vcmask $0xB08;
	v1 =	vadd.f32 v2, v1;
	v3 =	vmov s1;
	s0 =	sadd.f32 s26, s28  }
0x63e: {  	v2 =	vnsel vm14, $0x0, v3  }
0x63f: {  	vm15 =	vcmask $0xF0C;
	v1 =	vadd.f32 v2, v1;
	v2 =	vmov s0  }
0x640: {  	v2 =	vnsel vm15, $0x0, v2  }
0x641: {  	v1 =	vadd.f32 v2, v1  }
0x642: {  	s29 =	simm.s32 $0x0  }
.Ltmp4:
0x643: {  	s30 =	rddreg [dreg:$0x7];
	s31 =	simm.s32 $0x1000;
	[tilespmem:$0x1000] =	vst v1;
	(pc) =	sbr.rel .LBB2_5-.Ltmp4, $4  }
0x644: {  	[hbm4b:s30+s29] =	stream.linear.scatter [tilespmem:s31], [sflag:$0x1], $0x10, $0x38;
	[tilespmem:$0x13B0] =	vst v63  }
0x645: {  	_ =	swait.ge [sflag:s18], $0x10  }
0x646: {  	[sflag:s18] =	ssyncset.done $0x0  }
0x647: {  	[sflag:s18] =	ssyncadd.s32 $0xFFFFFFF0  }
.LBB2_6:
0x648: {  	_ =	sfence.sel $0x180000  }
0x649: {  	[bflag:$0x0] =	sbarrier.arrive $0xFFFF  }
0x64a: {  	_ =	strace $0x90000047  }
0x64b: {  	[bflag:$0x2] =	sbarrier.arrive $0xFFFF  }
0x64c: {  	s0 =	rddreg [dreg:$0x3]  }
0x64d: {  	s0 =	sadd.s32 @!p0 $0x100000, s0  }
0x64e: {  	[sflag:s0] =	ssyncadd.tile.s32 @!p0 $0x1;
	_ =	shalt  }
.Lfunc_end2:
_tile_overlayer_lowered:
.L_overlay_start_2:
0x64f: {  	(tag) =	ssettag $0x2  }
0x650: {  	s0 =	rddreg [dreg:$0x0];
	s2 =	stileid.u32  }
0x651: {  	s1 =	rddreg [dreg:$0x1];
	p0 =	sne.s32 s2, $0x0  }
0x652: {  	s3 =	rddreg [dreg:$0x2];
	[bflag:$0x3] =	sbarrier.arrive $0xFFFF;
	s2 =	simm.s32 @!p0 $0x1C01  }
0x653: {  	[timem:s3], [sflag:s2] =	dma.local @!p0 [hbm:s0], s1  }
0x654: {  	s0 =	simm.s32 @!p0 $0x1  }
0x655: {  	_ =	swait.ge @!p0 [sflag:s0], s1  }
0x656: {  	s1 =	ssub.s32 @!p0 $0x0, s1;
	[sflag:s0] =	ssyncset.done @!p0 $0x0  }
0x657: {  	[sflag:s0] =	ssyncadd.s32 @!p0 s1  }
0x658: {  	[bflag:$0x3] =	sbarrier.arrive $0xFFFF  }
0x659: {  	_ =	shalt  }

</sc_bundles>
